<compile_context>
chip_gen: v7x
topology: tpu7x:2x2x1
jax: 0.10.2.dev20260603
libtpu: 0.0.44.dev20260713+nightly
codegen_flags: <defaults>
</compile_context>

<pallas_src>
import functools

import numpy as np
import jax
import jax.numpy as jnp
from jax import lax
from jax.experimental import pallas as pl
from jax.experimental.pallas import tpu as pltpu
from jax.experimental.pallas import tpu_sc as plsc

N = 50000
E = 800000
H = 64
HH = 32
NLAYERS = 4
ALPHA = 0.1
THETA = 0.5
G = 32

R = 5000
NB = N // R

NSC = 2
NSUB = 16
CH = 128
SB = 8
CTO = 49
CT = SB * CTO
EPT = CT * CH
E_PAD = EPT * NSUB
ACC_R = 51200
ZR = ACC_R // NSUB
OPT = 3128

def _dot(a, b):
    return jnp.dot(a, b, preferred_element_type=jnp.float32)




def _lin0_body(pos_ref, w_ref, b_ref, o_ref):
    c = pl.program_id(1)
    x = _dot(pos_ref[...], w_ref[...])
    x = jnp.maximum(x + b_ref[...], 0.0)
    o_ref[...] = jnp.where(c == 0, x[:, :HH], x[:, HH:])


def _lin0(pos, w, b):
    return pl.pallas_call(
        _lin0_body,
        grid=(NB, NSC),
        in_specs=[
            pl.BlockSpec((R, 3), lambda rb, c: (rb, 0)),
            pl.BlockSpec((3, H), lambda rb, c: (0, 0)),
            pl.BlockSpec((1, H), lambda rb, c: (0, 0)),
        ],
        out_specs=pl.BlockSpec((R, HH), lambda rb, c: (c * NB + rb, 0)),
        out_shape=jax.ShapeDtypeStruct((2 * N, HH), jnp.float32),
    )(pos, w, b.reshape(1, H))


def _segsum_body(x2, srcI, dstI, zs, out, sidx, didx,
                 buf0, buf1, buf2, buf3, acc,
                 sg0, sg1, sg2, sg3, ss0, ss1, ss2, ss3):
    c = lax.axis_index("c")
    s = lax.axis_index("s")
    pltpu.sync_copy(zs, acc.at[pl.ds(s * ZR, ZR)])
    plsc.subcore_barrier()

    bufs = (buf0, buf1, buf2, buf3)
    gsems = (sg0, sg1, sg2, sg3)
    ssems = (ss0, ss1, ss2, ss3)

    def outer(g, carry):
        pltpu.sync_copy(srcI.at[c, s, pl.ds(g * SB, SB)], sidx)
        pltpu.sync_copy(dstI.at[s, pl.ds(g * SB, SB)], didx)
        gd = {w: pltpu.async_copy(x2.at[sidx.at[w]], bufs[w], gsems[w])
              for w in range(3)}
        sd = {}
        for w in range(SB):
            b = w % 4
            gd[w].wait()
            if w >= 1:
                sd[w - 1].wait()
            sd[w] = pltpu.async_copy(bufs[b], acc.at[didx.at[w]],
                                     ssems[b], add=True)
            nxt = w + 3
            if nxt < SB:
                gd[nxt] = pltpu.async_copy(x2.at[sidx.at[nxt]],
                                           bufs[nxt % 4], gsems[nxt % 4])
        sd[SB - 1].wait()
        return carry

    lax.fori_loop(0, CTO, outer, 0)
    plsc.subcore_barrier()
    base = jnp.minimum(s * OPT, N - OPT)
    pltpu.sync_copy(acc.at[pl.ds(base, OPT)],
                    out.at[pl.ds(c * N + base, OPT)])


def _segsum(x2, srcI, dstI, zs):
    mesh = plsc.VectorSubcoreMesh(core_axis_name="c", subcore_axis_name="s")
    return pl.kernel(
        _segsum_body,
        out_type=jax.ShapeDtypeStruct((2 * N, HH), jnp.float32),
        mesh=mesh,
        scratch_types=[
            pltpu.VMEM((SB, CH), jnp.int32),
            pltpu.VMEM((SB, CH), jnp.int32),
            pltpu.VMEM((CH, HH), jnp.float32),
            pltpu.VMEM((CH, HH), jnp.float32),
            pltpu.VMEM((CH, HH), jnp.float32),
            pltpu.VMEM((CH, HH), jnp.float32),
            pltpu.VMEM_SHARED((ACC_R, HH), jnp.float32),
        ] + [pltpu.SemaphoreType.DMA] * 8,
        compiler_params=pltpu.CompilerParams(use_tc_tiling_on_sc=False),
    )(x2, srcI, dstI, zs)


def _dense_body(beta, alo, ahi, xlo, xhi, w_ref, o_ref):
    c = pl.program_id(1)
    s_lo = (1.0 - ALPHA) * alo[...] + ALPHA * xlo[...]
    s_hi = (1.0 - ALPHA) * ahi[...] + ALPHA * xhi[...]
    s = jnp.concatenate([s_lo, s_hi], axis=1)
    w = w_ref[...]
    wh = jnp.where(c == 0, w[:, :HH], w[:, HH:])
    sh = jnp.where(c == 0, s_lo, s_hi)
    t = (1.0 - beta) * sh + beta * _dot(s, wh)
    o_ref[...] = jnp.maximum(t, 0.0)


def _dense(agg2, x02, w, beta):
    body = functools.partial(_dense_body, beta)
    return pl.pallas_call(
        body,
        grid=(NB, NSC),
        in_specs=[
            pl.BlockSpec((R, HH), lambda rb, c: (rb, 0)),
            pl.BlockSpec((R, HH), lambda rb, c: (NB + rb, 0)),
            pl.BlockSpec((R, HH), lambda rb, c: (rb, 0)),
            pl.BlockSpec((R, HH), lambda rb, c: (NB + rb, 0)),
            pl.BlockSpec((H, H), lambda rb, c: (0, 0)),
        ],
        out_specs=pl.BlockSpec((R, HH), lambda rb, c: (c * NB + rb, 0)),
        out_shape=jax.ShapeDtypeStruct((2 * N, HH), jnp.float32),
    )(agg2, agg2, x02, x02, w)


def _final_body(xlo, xhi, w_ref, b_ref, batch_ref, gr_ref, m1w, m1b, g1, c1,
                m2w, m2b, g2, c2, m3w, m3b, o_ref, pooled):
    rb = pl.program_id(0)
    x = jnp.concatenate([xlo[...], xhi[...]], axis=1)
    y = _dot(x, w_ref[...]) + b_ref[...]
    bid = batch_ref[0]
    gi = lax.broadcasted_iota(jnp.int32, (1, G), 1)
    mask = bid == gi
    neg = jnp.float32(-jnp.inf)

    @pl.when(rb == 0)
    def _():
        pooled[...] = jnp.full((G, H), neg, jnp.float32)

    gmin = gr_ref[0, 0, 0]
    gmax = gr_ref[0, 0, 1]
    for g in range(G):
        @pl.when((gmin <= g) & (g <= gmax))
        def _():
            mg = mask[:, g:g + 1]
            bm = jnp.max(jnp.where(mg, y, neg), axis=0, keepdims=True)
            pooled[g:g + 1, :] = jnp.maximum(pooled[g:g + 1, :], bm)

    @pl.when(rb == 0)
    def _():
        o_ref[...] = jnp.zeros_like(o_ref)

    @pl.when(rb == NB - 1)
    def _():
        p = pooled[...]

        def bn(v, gg, bb):
            m = jnp.mean(v, axis=0, keepdims=True)
            var = jnp.mean((v - m) ** 2, axis=0, keepdims=True)
            return (v - m) / jnp.sqrt(var + 1e-5) * gg[...] + bb[...]

        h1 = jnp.maximum(bn(_dot(p, m1w[...])
                            + m1b[...], g1, c1), 0.0)
        h2 = jnp.maximum(bn(_dot(h1, m2w[...])
                            + m2b[...], g2, c2), 0.0)
        o = _dot(h2, m3w[...]) + m3b[...]
        mx = jnp.max(o, axis=1, keepdims=True)
        lse = jnp.log(jnp.sum(jnp.exp(o - mx), axis=1, keepdims=True)) + mx
        o_ref[...] = o - lse


def _final(x2, batch3, granges, lin1_W, lin1_b, m1w, m1b, g1, c1,
           m2w, m2b, g2, c2, m3w, m3b):
    full = lambda a, b: pl.BlockSpec((a, b), lambda rb: (0, 0))
    return pl.pallas_call(
        _final_body,
        grid=(NB,),
        in_specs=[
            pl.BlockSpec((R, HH), lambda rb: (rb, 0)),
            pl.BlockSpec((R, HH), lambda rb: (NB + rb, 0)),
            full(H, H),
            full(1, H),
            pl.BlockSpec((1, R, 1), lambda rb: (rb, 0, 0)),
            pl.BlockSpec((1, 1, 2), lambda rb: (rb, 0, 0)),
            full(H, H), full(1, H), full(1, H), full(1, H),
            full(H, H), full(1, H), full(1, H), full(1, H),
            full(H, 10), full(1, 10),
        ],
        out_specs=pl.BlockSpec((G, 10), lambda rb: (0, 0)),
        out_shape=jax.ShapeDtypeStruct((G, 10), jnp.float32),
        scratch_shapes=[pltpu.VMEM((G, H), jnp.float32)],
    )(x2, x2, lin1_W, lin1_b.reshape(1, H), batch3, granges,
      m1w, m1b.reshape(1, H), g1.reshape(1, H), c1.reshape(1, H),
      m2w, m2b.reshape(1, H), g2.reshape(1, H), c2.reshape(1, H),
      m3w, m3b.reshape(1, 10))


def kernel(pos, edge_index, batch, lin0_W, lin0_b, conv_W, lin1_W, lin1_b,
           mlp1_W, mlp1_b, bn1_g, bn1_b, mlp2_W, mlp2_b, bn2_g, bn2_b,
           mlp3_W, mlp3_b):
    src = edge_index[0]
    dst = edge_index[1]
    pad = E_PAD - E
    srcp = jnp.concatenate([src, jnp.zeros((pad,), jnp.int32)])
    dstp = jnp.concatenate([dst, jnp.full((pad,), N, jnp.int32)])
    dstp, srcp = lax.sort((dstp, srcp), num_keys=1, is_stable=True)
    srcI = jnp.stack([srcp, srcp + N]).reshape(NSC, NSUB, CT, CH)
    dstI = dstp.reshape(NSUB, CT, CH)
    zs = jnp.zeros((ZR, HH), jnp.float32)
    batch3 = batch.reshape(NB, R, 1)
    granges = jnp.stack([batch[::R], batch[R - 1::R]], axis=1).reshape(NB, 1, 2)

    x02 = _lin0(pos, lin0_W, lin0_b)
    x2 = x02
    for layer in range(NLAYERS):
        beta = float(np.log(THETA / (layer + 1) + 1.0))
        agg2 = _segsum(x2, srcI, dstI, zs)
        x2 = _dense(agg2, x02, conv_W[layer], beta)
    return _final(x2, batch3, granges, lin1_W, lin1_b, mlp1_W, mlp1_b,
                  bn1_g, bn1_b, mlp2_W, mlp2_b, bn2_g, bn2_b, mlp3_W, mlp3_b)

# --- scband reference (transcript-rebuilt; emitter-appended) ---
"""Pipeline reference for scband-net-35768487641765 (READ-ONLY COPY).

The authoritative reference and input builder live on the scoring server;
editing this copy changes nothing except your own understanding.
"""

import jax, jax.numpy as jnp
import numpy as np

N = 50000
E = 800000
H = 64
L = 4
ALPHA = 0.1
THETA = 0.5
G = 32


def _bn(x, g, b, eps=1e-5):
    m = x.mean(axis=0)
    v = x.var(axis=0)
    return (x - m) / jnp.sqrt(v + eps) * g + b


def setup_inputs(seed: int = 0) -> dict:
    key = jax.random.key(seed)
    ks = jax.random.split(key, 24)
    inp = {}
    inp["pos"] = jax.random.normal(ks[0], (N, 3), dtype=jnp.float32)
    inp["edge_index"] = jax.random.randint(ks[1], (2, E), 0, N, dtype=jnp.int32)
    inp["batch"] = jnp.sort(jax.random.randint(ks[2], (N,), 0, G, dtype=jnp.int32))
    inp["lin0_W"] = jax.random.normal(ks[3], (3, H), dtype=jnp.float32) * (1.0 / np.sqrt(3))
    inp["lin0_b"] = jnp.zeros((H,), dtype=jnp.float32)
    inp["conv_W"] = jax.random.normal(ks[4], (L, H, H), dtype=jnp.float32) * (1.0 / np.sqrt(H))
    inp["lin1_W"] = jax.random.normal(ks[5], (H, H), dtype=jnp.float32) * (1.0 / np.sqrt(H))
    inp["lin1_b"] = jnp.zeros((H,), dtype=jnp.float32)
    inp["mlp1_W"] = jax.random.normal(ks[6], (H, H), dtype=jnp.float32) * (1.0 / np.sqrt(H))
    inp["mlp1_b"] = jnp.zeros((H,), dtype=jnp.float32)
    inp["bn1_g"] = jnp.ones((H,), dtype=jnp.float32)
    inp["bn1_b"] = jnp.zeros((H,), dtype=jnp.float32)
    inp["mlp2_W"] = jax.random.normal(ks[7], (H, H), dtype=jnp.float32) * (1.0 / np.sqrt(H))
    inp["mlp2_b"] = jnp.zeros((H,), dtype=jnp.float32)
    inp["bn2_g"] = jnp.ones((H,), dtype=jnp.float32)
    inp["bn2_b"] = jnp.zeros((H,), dtype=jnp.float32)
    inp["mlp3_W"] = jax.random.normal(ks[8], (H, 10), dtype=jnp.float32) * (1.0 / np.sqrt(H))
    inp["mlp3_b"] = jnp.zeros((10,), dtype=jnp.float32)
    return inp


def reference(pos, edge_index, batch, lin0_W, lin0_b, conv_W, lin1_W, lin1_b,
              mlp1_W, mlp1_b, bn1_g, bn1_b, mlp2_W, mlp2_b, bn2_g, bn2_b,
              mlp3_W, mlp3_b):
    # dropout p=0.0 -> identity
    x = jax.nn.relu(pos @ lin0_W + lin0_b)
    x0 = x
    src = edge_index[0]
    dst = edge_index[1]
    for layer in range(L):
        # GCN2Conv (normalize=False, shared_weights=True):
        # agg = sum_{j in N(i)} x_j ; x <- (1-alpha)*agg ; x0s = alpha*x0
        # beta = log(theta/(layer+1) + 1)
        # out = (1-beta)*(x + x0s) + beta*((x + x0s) @ W)
        agg = jax.ops.segment_sum(x[src], dst, num_segments=N)
        h = (1.0 - ALPHA) * agg
        x0s = ALPHA * x0
        beta = float(np.log(THETA / (layer + 1) + 1.0))
        s = h + x0s
        x = (1.0 - beta) * s + beta * (s @ conv_W[layer])
        x = jax.nn.relu(x)
    x = x @ lin1_W + lin1_b
    pooled = jax.ops.segment_max(x, batch, num_segments=G)
    h1 = jax.nn.relu(_bn(pooled @ mlp1_W + mlp1_b, bn1_g, bn1_b))
    h2 = jax.nn.relu(_bn(h1 @ mlp2_W + mlp2_b, bn2_g, bn2_b))
    out = h2 @ mlp3_W + mlp3_b
    return jax.nn.log_softmax(out, axis=-1)

if __name__ == "__main__":
    import jax
    _d = setup_inputs()
    print(jax.jit(kernel)(*tuple(_d.values())))

</pallas_src>

<mosaic_0001>
#map = affine_map<(d0, d1) -> (0, 0)>
#map1 = affine_map<(d0, d1) -> (0, 0, 0, 0)>
#map2 = affine_map<(d0, d1) -> (0, 0, 0)>
module attributes {stable_mosaic.version = 14 : i64} {
  func.func @_segsum_body(%arg0: i32, %arg1: i32, %arg2: memref<100000x32xf32, #tpu.memory_space<hbm>>, %arg3: memref<2x16x392x128xi32, #tpu.memory_space<hbm>>, %arg4: memref<16x392x128xi32, #tpu.memory_space<hbm>>, %arg5: memref<3200x32xf32, #tpu.memory_space<hbm>>, %arg6: memref<100000x32xf32, #tpu.memory_space<hbm>>, %arg7: memref<8x128xi32, #tpu.memory_space<vmem>>, %arg8: memref<8x128xi32, #tpu.memory_space<vmem>>, %arg9: memref<128x32xf32, #tpu.memory_space<vmem>>, %arg10: memref<128x32xf32, #tpu.memory_space<vmem>>, %arg11: memref<128x32xf32, #tpu.memory_space<vmem>>, %arg12: memref<128x32xf32, #tpu.memory_space<vmem>>, %arg13: memref<51200x32xf32, #tpu.memory_space<vmem_shared>>, %arg14: memref<!tpu.dma_semaphore, #tpu.memory_space<semaphore_mem>>, %arg15: memref<!tpu.dma_semaphore, #tpu.memory_space<semaphore_mem>>, %arg16: memref<!tpu.dma_semaphore, #tpu.memory_space<semaphore_mem>>, %arg17: memref<!tpu.dma_semaphore, #tpu.memory_space<semaphore_mem>>, %arg18: memref<!tpu.dma_semaphore, #tpu.memory_space<semaphore_mem>>, %arg19: memref<!tpu.dma_semaphore, #tpu.memory_space<semaphore_mem>>, %arg20: memref<!tpu.dma_semaphore, #tpu.memory_space<semaphore_mem>>, %arg21: memref<!tpu.dma_semaphore, #tpu.memory_space<semaphore_mem>>) attributes {dimension_semantics = [#tpu.dimension_semantics<core_parallel>, #tpu.dimension_semantics<subcore_parallel>], iteration_bounds = array<i64: 2, 16>, scalar_prefetch = 0 : i64, scratch_operands = 15 : i64, tpu.core_type = #tpu.core_type<sc_vector_subcore>, window_params = [{transform_indices = #map}, {transform_indices = #map1}, {transform_indices = #map2}, {transform_indices = #map}, {transform_indices = #map}]} {
    %mul3A = arith.constant 3200 : i32
    %mul3A_0 = arith.muli %arg1, %mul3A : i32
    "tpu.region"() ({
      %run_scoped3A = tpu.sem_alloc : memref<!tpu.dma_semaphore, #tpu.memory_space<semaphore_mem>>
      %dma_start3A = arith.constant 0 : i32
      %dma_start3A_12 = tpu.memref_slice %arg13[%mul3A_0, %dma_start3A] : memref<51200x32xf32, #tpu.memory_space<vmem_shared>> -> memref<3200x32xf32, #tpu.memory_space<vmem_shared>>
      tpu.enqueue_dma source(%arg5 : memref<3200x32xf32, #tpu.memory_space<hbm>>) target(%dma_start3A_12 : memref<3200x32xf32, #tpu.memory_space<vmem_shared>>) target_semaphore(%run_scoped3A : memref<!tpu.dma_semaphore, #tpu.memory_space<semaphore_mem>>)
      %dma_wait3A = arith.constant 0 : i32
      %dma_wait3A_13 = tpu.memref_slice %arg13[%mul3A_0, %dma_wait3A] : memref<51200x32xf32, #tpu.memory_space<vmem_shared>> -> memref<3200x32xf32, #tpu.memory_space<vmem_shared>>
      tpu.wait_dma2 semaphore(%run_scoped3A : memref<!tpu.dma_semaphore, #tpu.memory_space<semaphore_mem>>) src(%arg5 : memref<3200x32xf32, #tpu.memory_space<hbm>>) dst(%dma_wait3A_13 : memref<3200x32xf32, #tpu.memory_space<vmem_shared>>)
      tpu.yield
    }) : () -> ()
    %barrier3A = arith.constant 0 : index
    tpu.barrier barrier_id(%barrier3A)
    %scan3A = arith.constant 0 : i32
    %scan3A_1 = arith.constant 0 : i32
    %scan3A_2 = arith.constant 49 : i32
    %scan3A_3 = arith.addi %scan3A_1, %scan3A_2 : i32
    %scan3A_4 = arith.constant 1 : i32
    scf.for %scan3A_12 = %scan3A_1 to %scan3A_3 step %scan3A_4  : i32 {
      %mul3A_13 = arith.constant 8 : i32
      %mul3A_14 = arith.muli %scan3A_12, %mul3A_13 : i32
      "tpu.region"() ({
        %run_scoped3A = tpu.sem_alloc : memref<!tpu.dma_semaphore, #tpu.memory_space<semaphore_mem>>
        %dma_start3A_239 = arith.constant 0 : i32
        %dma_start3A_240 = tpu.memref_slice %arg3[%arg0, %arg1, %mul3A_14, %dma_start3A_239] : memref<2x16x392x128xi32, #tpu.memory_space<hbm>> -> memref<1x1x8x128xi32, #tpu.memory_space<hbm>>
        %dma_start3A_241 = tpu.memref_squeeze %dma_start3A_240 : memref<1x1x8x128xi32, #tpu.memory_space<hbm>> -> memref<8x128xi32, #tpu.memory_space<hbm>>
        %dma_start3A_242 = arith.constant 0 : i32
        %dma_start3A_243 = tpu.memref_slice %arg3[%arg0, %arg1, %mul3A_14, %dma_start3A_242] : memref<2x16x392x128xi32, #tpu.memory_space<hbm>> -> memref<1x1x8x128xi32, #tpu.memory_space<hbm>>
        %dma_start3A_244 = tpu.memref_squeeze %dma_start3A_243 : memref<1x1x8x128xi32, #tpu.memory_space<hbm>> -> memref<8x128xi32, #tpu.memory_space<hbm>>
        tpu.enqueue_dma source(%dma_start3A_244 : memref<8x128xi32, #tpu.memory_space<hbm>>) target(%arg7 : memref<8x128xi32, #tpu.memory_space<vmem>>) target_semaphore(%run_scoped3A : memref<!tpu.dma_semaphore, #tpu.memory_space<semaphore_mem>>)
        %dma_wait3A_245 = arith.constant 0 : i32
        %dma_wait3A_246 = tpu.memref_slice %arg3[%arg0, %arg1, %mul3A_14, %dma_wait3A_245] : memref<2x16x392x128xi32, #tpu.memory_space<hbm>> -> memref<1x1x8x128xi32, #tpu.memory_space<hbm>>
        %dma_wait3A_247 = tpu.memref_squeeze %dma_wait3A_246 : memref<1x1x8x128xi32, #tpu.memory_space<hbm>> -> memref<8x128xi32, #tpu.memory_space<hbm>>
        %dma_wait3A_248 = arith.constant 0 : i32
        %dma_wait3A_249 = tpu.memref_slice %arg3[%arg0, %arg1, %mul3A_14, %dma_wait3A_248] : memref<2x16x392x128xi32, #tpu.memory_space<hbm>> -> memref<1x1x8x128xi32, #tpu.memory_space<hbm>>
        %dma_wait3A_250 = tpu.memref_squeeze %dma_wait3A_249 : memref<1x1x8x128xi32, #tpu.memory_space<hbm>> -> memref<8x128xi32, #tpu.memory_space<hbm>>
        tpu.wait_dma2 semaphore(%run_scoped3A : memref<!tpu.dma_semaphore, #tpu.memory_space<semaphore_mem>>) src(%dma_wait3A_250 : memref<8x128xi32, #tpu.memory_space<hbm>>) dst(%arg7 : memref<8x128xi32, #tpu.memory_space<vmem>>)
        tpu.yield
      }) : () -> ()
      %mul3A_15 = arith.constant 8 : i32
      %mul3A_16 = arith.muli %scan3A_12, %mul3A_15 : i32
      "tpu.region"() ({
        %run_scoped3A = tpu.sem_alloc : memref<!tpu.dma_semaphore, #tpu.memory_space<semaphore_mem>>
        %dma_start3A_239 = arith.constant 0 : i32
        %dma_start3A_240 = tpu.memref_slice %arg4[%arg1, %mul3A_16, %dma_start3A_239] : memref<16x392x128xi32, #tpu.memory_space<hbm>> -> memref<1x8x128xi32, #tpu.memory_space<hbm>>
        %dma_start3A_241 = tpu.memref_squeeze %dma_start3A_240 : memref<1x8x128xi32, #tpu.memory_space<hbm>> -> memref<8x128xi32, #tpu.memory_space<hbm>>
        %dma_start3A_242 = arith.constant 0 : i32
        %dma_start3A_243 = tpu.memref_slice %arg4[%arg1, %mul3A_16, %dma_start3A_242] : memref<16x392x128xi32, #tpu.memory_space<hbm>> -> memref<1x8x128xi32, #tpu.memory_space<hbm>>
        %dma_start3A_244 = tpu.memref_squeeze %dma_start3A_243 : memref<1x8x128xi32, #tpu.memory_space<hbm>> -> memref<8x128xi32, #tpu.memory_space<hbm>>
        tpu.enqueue_dma source(%dma_start3A_244 : memref<8x128xi32, #tpu.memory_space<hbm>>) target(%arg8 : memref<8x128xi32, #tpu.memory_space<vmem>>) target_semaphore(%run_scoped3A : memref<!tpu.dma_semaphore, #tpu.memory_space<semaphore_mem>>)
        %dma_wait3A_245 = arith.constant 0 : i32
        %dma_wait3A_246 = tpu.memref_slice %arg4[%arg1, %mul3A_16, %dma_wait3A_245] : memref<16x392x128xi32, #tpu.memory_space<hbm>> -> memref<1x8x128xi32, #tpu.memory_space<hbm>>
        %dma_wait3A_247 = tpu.memref_squeeze %dma_wait3A_246 : memref<1x8x128xi32, #tpu.memory_space<hbm>> -> memref<8x128xi32, #tpu.memory_space<hbm>>
        %dma_wait3A_248 = arith.constant 0 : i32
        %dma_wait3A_249 = tpu.memref_slice %arg4[%arg1, %mul3A_16, %dma_wait3A_248] : memref<16x392x128xi32, #tpu.memory_space<hbm>> -> memref<1x8x128xi32, #tpu.memory_space<hbm>>
        %dma_wait3A_250 = tpu.memref_squeeze %dma_wait3A_249 : memref<1x8x128xi32, #tpu.memory_space<hbm>> -> memref<8x128xi32, #tpu.memory_space<hbm>>
        tpu.wait_dma2 semaphore(%run_scoped3A : memref<!tpu.dma_semaphore, #tpu.memory_space<semaphore_mem>>) src(%dma_wait3A_250 : memref<8x128xi32, #tpu.memory_space<hbm>>) dst(%arg8 : memref<8x128xi32, #tpu.memory_space<vmem>>)
        tpu.yield
      }) : () -> ()
      %dma_start3A = arith.constant 0 : i32
      %dma_start3A_17 = arith.constant 0 : i32
      %dma_start3A_18 = tpu.memref_slice %arg7[%dma_start3A, %dma_start3A_17] : memref<8x128xi32, #tpu.memory_space<vmem>> -> memref<1x128xi32, #tpu.memory_space<vmem>>
      %dma_start3A_19 = tpu.memref_squeeze %dma_start3A_18 : memref<1x128xi32, #tpu.memory_space<vmem>> -> memref<128xi32, #tpu.memory_space<vmem>>
      %dma_start3A_20 = arith.constant 0 : i32
      %dma_start3A_21 = arith.constant 0 : i32
      %dma_start3A_22 = tpu.memref_slice %arg2[%dma_start3A_20, %dma_start3A_21] : memref<100000x32xf32, #tpu.memory_space<hbm>> -> memref<100000x32xf32, #tpu.memory_space<hbm>>
      tpu.enqueue_indirect_dma source(%dma_start3A_22 : memref<100000x32xf32, #tpu.memory_space<hbm>>) target(%arg9 : memref<128x32xf32, #tpu.memory_space<vmem>>) offsets(%dma_start3A_19 : memref<128xi32, #tpu.memory_space<vmem>>) semaphore(%arg14 : memref<!tpu.dma_semaphore, #tpu.memory_space<semaphore_mem>>)
      %dma_start3A_23 = arith.constant 1 : i32
      %dma_start3A_24 = arith.constant 0 : i32
      %dma_start3A_25 = tpu.memref_slice %arg7[%dma_start3A_23, %dma_start3A_24] : memref<8x128xi32, #tpu.memory_space<vmem>> -> memref<1x128xi32, #tpu.memory_space<vmem>>
      %dma_start3A_26 = tpu.memref_squeeze %dma_start3A_25 : memref<1x128xi32, #tpu.memory_space<vmem>> -> memref<128xi32, #tpu.memory_space<vmem>>
      %dma_start3A_27 = arith.constant 0 : i32
      %dma_start3A_28 = arith.constant 0 : i32
      %dma_start3A_29 = tpu.memref_slice %arg2[%dma_start3A_27, %dma_start3A_28] : memref<100000x32xf32, #tpu.memory_space<hbm>> -> memref<100000x32xf32, #tpu.memory_space<hbm>>
      tpu.enqueue_indirect_dma source(%dma_start3A_29 : memref<100000x32xf32, #tpu.memory_space<hbm>>) target(%arg10 : memref<128x32xf32, #tpu.memory_space<vmem>>) offsets(%dma_start3A_26 : memref<128xi32, #tpu.memory_space<vmem>>) semaphore(%arg15 : memref<!tpu.dma_semaphore, #tpu.memory_space<semaphore_mem>>)
      %dma_start3A_30 = arith.constant 2 : i32
      %dma_start3A_31 = arith.constant 0 : i32
      %dma_start3A_32 = tpu.memref_slice %arg7[%dma_start3A_30, %dma_start3A_31] : memref<8x128xi32, #tpu.memory_space<vmem>> -> memref<1x128xi32, #tpu.memory_space<vmem>>
      %dma_start3A_33 = tpu.memref_squeeze %dma_start3A_32 : memref<1x128xi32, #tpu.memory_space<vmem>> -> memref<128xi32, #tpu.memory_space<vmem>>
      %dma_start3A_34 = arith.constant 0 : i32
      %dma_start3A_35 = arith.constant 0 : i32
      %dma_start3A_36 = tpu.memref_slice %arg2[%dma_start3A_34, %dma_start3A_35] : memref<100000x32xf32, #tpu.memory_space<hbm>> -> memref<100000x32xf32, #tpu.memory_space<hbm>>
      tpu.enqueue_indirect_dma source(%dma_start3A_36 : memref<100000x32xf32, #tpu.memory_space<hbm>>) target(%arg11 : memref<128x32xf32, #tpu.memory_space<vmem>>) offsets(%dma_start3A_33 : memref<128xi32, #tpu.memory_space<vmem>>) semaphore(%arg16 : memref<!tpu.dma_semaphore, #tpu.memory_space<semaphore_mem>>)
      %dma_wait3A = arith.constant 0 : i32
      %dma_wait3A_37 = arith.constant 0 : i32
      %dma_wait3A_38 = tpu.memref_slice %arg7[%dma_wait3A, %dma_wait3A_37] : memref<8x128xi32, #tpu.memory_space<vmem>> -> memref<1x128xi32, #tpu.memory_space<vmem>>
      %dma_wait3A_39 = tpu.memref_squeeze %dma_wait3A_38 : memref<1x128xi32, #tpu.memory_space<vmem>> -> memref<128xi32, #tpu.memory_space<vmem>>
      %dma_wait3A_40 = arith.constant 0 : i32
      %dma_wait3A_41 = arith.constant 0 : i32
      %dma_wait3A_42 = tpu.memref_slice %arg2[%dma_wait3A_40, %dma_wait3A_41] : memref<100000x32xf32, #tpu.memory_space<hbm>> -> memref<100000x32xf32, #tpu.memory_space<hbm>>
      tpu.wait_indirect_dma semaphore(%arg14 : memref<!tpu.dma_semaphore, #tpu.memory_space<semaphore_mem>>) src(%dma_wait3A_42 : memref<100000x32xf32, #tpu.memory_space<hbm>>) dst(%arg9 : memref<128x32xf32, #tpu.memory_space<vmem>>)
      %dma_start3A_43 = arith.constant 0 : i32
      %dma_start3A_44 = arith.constant 0 : i32
      %dma_start3A_45 = tpu.memref_slice %arg8[%dma_start3A_43, %dma_start3A_44] : memref<8x128xi32, #tpu.memory_space<vmem>> -> memref<1x128xi32, #tpu.memory_space<vmem>>
      %dma_start3A_46 = tpu.memref_squeeze %dma_start3A_45 : memref<1x128xi32, #tpu.memory_space<vmem>> -> memref<128xi32, #tpu.memory_space<vmem>>
      %dma_start3A_47 = arith.constant 0 : i32
      %dma_start3A_48 = arith.constant 0 : i32
      %dma_start3A_49 = tpu.memref_slice %arg13[%dma_start3A_47, %dma_start3A_48] : memref<51200x32xf32, #tpu.memory_space<vmem_shared>> -> memref<51200x32xf32, #tpu.memory_space<vmem_shared>>
      tpu.enqueue_indirect_dma source(%arg9 : memref<128x32xf32, #tpu.memory_space<vmem>>) target(%dma_start3A_49 : memref<51200x32xf32, #tpu.memory_space<vmem_shared>>) offsets(%dma_start3A_46 : memref<128xi32, #tpu.memory_space<vmem>>) semaphore(%arg18 : memref<!tpu.dma_semaphore, #tpu.memory_space<semaphore_mem>>) {add = true}
      %dma_start3A_50 = arith.constant 3 : i32
      %dma_start3A_51 = arith.constant 0 : i32
      %dma_start3A_52 = tpu.memref_slice %arg7[%dma_start3A_50, %dma_start3A_51] : memref<8x128xi32, #tpu.memory_space<vmem>> -> memref<1x128xi32, #tpu.memory_space<vmem>>
      %dma_start3A_53 = tpu.memref_squeeze %dma_start3A_52 : memref<1x128xi32, #tpu.memory_space<vmem>> -> memref<128xi32, #tpu.memory_space<vmem>>
      %dma_start3A_54 = arith.constant 0 : i32
      %dma_start3A_55 = arith.constant 0 : i32
      %dma_start3A_56 = tpu.memref_slice %arg2[%dma_start3A_54, %dma_start3A_55] : memref<100000x32xf32, #tpu.memory_space<hbm>> -> memref<100000x32xf32, #tpu.memory_space<hbm>>
      tpu.enqueue_indirect_dma source(%dma_start3A_56 : memref<100000x32xf32, #tpu.memory_space<hbm>>) target(%arg12 : memref<128x32xf32, #tpu.memory_space<vmem>>) offsets(%dma_start3A_53 : memref<128xi32, #tpu.memory_space<vmem>>) semaphore(%arg17 : memref<!tpu.dma_semaphore, #tpu.memory_space<semaphore_mem>>)
      %dma_wait3A_57 = arith.constant 1 : i32
      %dma_wait3A_58 = arith.constant 0 : i32
      %dma_wait3A_59 = tpu.memref_slice %arg7[%dma_wait3A_57, %dma_wait3A_58] : memref<8x128xi32, #tpu.memory_space<vmem>> -> memref<1x128xi32, #tpu.memory_space<vmem>>
      %dma_wait3A_60 = tpu.memref_squeeze %dma_wait3A_59 : memref<1x128xi32, #tpu.memory_space<vmem>> -> memref<128xi32, #tpu.memory_space<vmem>>
      %dma_wait3A_61 = arith.constant 0 : i32
      %dma_wait3A_62 = arith.constant 0 : i32
      %dma_wait3A_63 = tpu.memref_slice %arg2[%dma_wait3A_61, %dma_wait3A_62] : memref<100000x32xf32, #tpu.memory_space<hbm>> -> memref<100000x32xf32, #tpu.memory_space<hbm>>
      tpu.wait_indirect_dma semaphore(%arg15 : memref<!tpu.dma_semaphore, #tpu.memory_space<semaphore_mem>>) src(%dma_wait3A_63 : memref<100000x32xf32, #tpu.memory_space<hbm>>) dst(%arg10 : memref<128x32xf32, #tpu.memory_space<vmem>>)
      %dma_wait3A_64 = arith.constant 0 : i32
      %dma_wait3A_65 = arith.constant 0 : i32
      %dma_wait3A_66 = tpu.memref_slice %arg8[%dma_wait3A_64, %dma_wait3A_65] : memref<8x128xi32, #tpu.memory_space<vmem>> -> memref<1x128xi32, #tpu.memory_space<vmem>>
      %dma_wait3A_67 = tpu.memref_squeeze %dma_wait3A_66 : memref<1x128xi32, #tpu.memory_space<vmem>> -> memref<128xi32, #tpu.memory_space<vmem>>
      %dma_wait3A_68 = arith.constant 0 : i32
      %dma_wait3A_69 = arith.constant 0 : i32
      %dma_wait3A_70 = tpu.memref_slice %arg13[%dma_wait3A_68, %dma_wait3A_69] : memref<51200x32xf32, #tpu.memory_space<vmem_shared>> -> memref<51200x32xf32, #tpu.memory_space<vmem_shared>>
      tpu.wait_indirect_dma semaphore(%arg18 : memref<!tpu.dma_semaphore, #tpu.memory_space<semaphore_mem>>) src(%arg9 : memref<128x32xf32, #tpu.memory_space<vmem>>) dst(%dma_wait3A_70 : memref<51200x32xf32, #tpu.memory_space<vmem_shared>>)
      %dma_start3A_71 = arith.constant 1 : i32
      %dma_start3A_72 = arith.constant 0 : i32
      %dma_start3A_73 = tpu.memref_slice %arg8[%dma_start3A_71, %dma_start3A_72] : memref<8x128xi32, #tpu.memory_space<vmem>> -> memref<1x128xi32, #tpu.memory_space<vmem>>
      %dma_start3A_74 = tpu.memref_squeeze %dma_start3A_73 : memref<1x128xi32, #tpu.memory_space<vmem>> -> memref<128xi32, #tpu.memory_space<vmem>>
      %dma_start3A_75 = arith.constant 0 : i32
      %dma_start3A_76 = arith.constant 0 : i32
      %dma_start3A_77 = tpu.memref_slice %arg13[%dma_start3A_75, %dma_start3A_76] : memref<51200x32xf32, #tpu.memory_space<vmem_shared>> -> memref<51200x32xf32, #tpu.memory_space<vmem_shared>>
      tpu.enqueue_indirect_dma source(%arg10 : memref<128x32xf32, #tpu.memory_space<vmem>>) target(%dma_start3A_77 : memref<51200x32xf32, #tpu.memory_space<vmem_shared>>) offsets(%dma_start3A_74 : memref<128xi32, #tpu.memory_space<vmem>>) semaphore(%arg19 : memref<!tpu.dma_semaphore, #tpu.memory_space<semaphore_mem>>) {add = true}
      %dma_start3A_78 = arith.constant 4 : i32
      %dma_start3A_79 = arith.constant 0 : i32
      %dma_start3A_80 = tpu.memref_slice %arg7[%dma_start3A_78, %dma_start3A_79] : memref<8x128xi32, #tpu.memory_space<vmem>> -> memref<1x128xi32, #tpu.memory_space<vmem>>
      %dma_start3A_81 = tpu.memref_squeeze %dma_start3A_80 : memref<1x128xi32, #tpu.memory_space<vmem>> -> memref<128xi32, #tpu.memory_space<vmem>>
      %dma_start3A_82 = arith.constant 0 : i32
      %dma_start3A_83 = arith.constant 0 : i32
      %dma_start3A_84 = tpu.memref_slice %arg2[%dma_start3A_82, %dma_start3A_83] : memref<100000x32xf32, #tpu.memory_space<hbm>> -> memref<100000x32xf32, #tpu.memory_space<hbm>>
      tpu.enqueue_indirect_dma source(%dma_start3A_84 : memref<100000x32xf32, #tpu.memory_space<hbm>>) target(%arg9 : memref<128x32xf32, #tpu.memory_space<vmem>>) offsets(%dma_start3A_81 : memref<128xi32, #tpu.memory_space<vmem>>) semaphore(%arg14 : memref<!tpu.dma_semaphore, #tpu.memory_space<semaphore_mem>>)
      %dma_wait3A_85 = arith.constant 2 : i32
      %dma_wait3A_86 = arith.constant 0 : i32
      %dma_wait3A_87 = tpu.memref_slice %arg7[%dma_wait3A_85, %dma_wait3A_86] : memref<8x128xi32, #tpu.memory_space<vmem>> -> memref<1x128xi32, #tpu.memory_space<vmem>>
      %dma_wait3A_88 = tpu.memref_squeeze %dma_wait3A_87 : memref<1x128xi32, #tpu.memory_space<vmem>> -> memref<128xi32, #tpu.memory_space<vmem>>
      %dma_wait3A_89 = arith.constant 0 : i32
      %dma_wait3A_90 = arith.constant 0 : i32
      %dma_wait3A_91 = tpu.memref_slice %arg2[%dma_wait3A_89, %dma_wait3A_90] : memref<100000x32xf32, #tpu.memory_space<hbm>> -> memref<100000x32xf32, #tpu.memory_space<hbm>>
      tpu.wait_indirect_dma semaphore(%arg16 : memref<!tpu.dma_semaphore, #tpu.memory_space<semaphore_mem>>) src(%dma_wait3A_91 : memref<100000x32xf32, #tpu.memory_space<hbm>>) dst(%arg11 : memref<128x32xf32, #tpu.memory_space<vmem>>)
      %dma_wait3A_92 = arith.constant 1 : i32
      %dma_wait3A_93 = arith.constant 0 : i32
      %dma_wait3A_94 = tpu.memref_slice %arg8[%dma_wait3A_92, %dma_wait3A_93] : memref<8x128xi32, #tpu.memory_space<vmem>> -> memref<1x128xi32, #tpu.memory_space<vmem>>
      %dma_wait3A_95 = tpu.memref_squeeze %dma_wait3A_94 : memref<1x128xi32, #tpu.memory_space<vmem>> -> memref<128xi32, #tpu.memory_space<vmem>>
      %dma_wait3A_96 = arith.constant 0 : i32
      %dma_wait3A_97 = arith.constant 0 : i32
      %dma_wait3A_98 = tpu.memref_slice %arg13[%dma_wait3A_96, %dma_wait3A_97] : memref<51200x32xf32, #tpu.memory_space<vmem_shared>> -> memref<51200x32xf32, #tpu.memory_space<vmem_shared>>
      tpu.wait_indirect_dma semaphore(%arg19 : memref<!tpu.dma_semaphore, #tpu.memory_space<semaphore_mem>>) src(%arg10 : memref<128x32xf32, #tpu.memory_space<vmem>>) dst(%dma_wait3A_98 : memref<51200x32xf32, #tpu.memory_space<vmem_shared>>)
      %dma_start3A_99 = arith.constant 2 : i32
      %dma_start3A_100 = arith.constant 0 : i32
      %dma_start3A_101 = tpu.memref_slice %arg8[%dma_start3A_99, %dma_start3A_100] : memref<8x128xi32, #tpu.memory_space<vmem>> -> memref<1x128xi32, #tpu.memory_space<vmem>>
      %dma_start3A_102 = tpu.memref_squeeze %dma_start3A_101 : memref<1x128xi32, #tpu.memory_space<vmem>> -> memref<128xi32, #tpu.memory_space<vmem>>
      %dma_start3A_103 = arith.constant 0 : i32
      %dma_start3A_104 = arith.constant 0 : i32
      %dma_start3A_105 = tpu.memref_slice %arg13[%dma_start3A_103, %dma_start3A_104] : memref<51200x32xf32, #tpu.memory_space<vmem_shared>> -> memref<51200x32xf32, #tpu.memory_space<vmem_shared>>
      tpu.enqueue_indirect_dma source(%arg11 : memref<128x32xf32, #tpu.memory_space<vmem>>) target(%dma_start3A_105 : memref<51200x32xf32, #tpu.memory_space<vmem_shared>>) offsets(%dma_start3A_102 : memref<128xi32, #tpu.memory_space<vmem>>) semaphore(%arg20 : memref<!tpu.dma_semaphore, #tpu.memory_space<semaphore_mem>>) {add = true}
      %dma_start3A_106 = arith.constant 5 : i32
      %dma_start3A_107 = arith.constant 0 : i32
      %dma_start3A_108 = tpu.memref_slice %arg7[%dma_start3A_106, %dma_start3A_107] : memref<8x128xi32, #tpu.memory_space<vmem>> -> memref<1x128xi32, #tpu.memory_space<vmem>>
      %dma_start3A_109 = tpu.memref_squeeze %dma_start3A_108 : memref<1x128xi32, #tpu.memory_space<vmem>> -> memref<128xi32, #tpu.memory_space<vmem>>
      %dma_start3A_110 = arith.constant 0 : i32
      %dma_start3A_111 = arith.constant 0 : i32
      %dma_start3A_112 = tpu.memref_slice %arg2[%dma_start3A_110, %dma_start3A_111] : memref<100000x32xf32, #tpu.memory_space<hbm>> -> memref<100000x32xf32, #tpu.memory_space<hbm>>
      tpu.enqueue_indirect_dma source(%dma_start3A_112 : memref<100000x32xf32, #tpu.memory_space<hbm>>) target(%arg10 : memref<128x32xf32, #tpu.memory_space<vmem>>) offsets(%dma_start3A_109 : memref<128xi32, #tpu.memory_space<vmem>>) semaphore(%arg15 : memref<!tpu.dma_semaphore, #tpu.memory_space<semaphore_mem>>)
      %dma_wait3A_113 = arith.constant 3 : i32
      %dma_wait3A_114 = arith.constant 0 : i32
      %dma_wait3A_115 = tpu.memref_slice %arg7[%dma_wait3A_113, %dma_wait3A_114] : memref<8x128xi32, #tpu.memory_space<vmem>> -> memref<1x128xi32, #tpu.memory_space<vmem>>
      %dma_wait3A_116 = tpu.memref_squeeze %dma_wait3A_115 : memref<1x128xi32, #tpu.memory_space<vmem>> -> memref<128xi32, #tpu.memory_space<vmem>>
      %dma_wait3A_117 = arith.constant 0 : i32
      %dma_wait3A_118 = arith.constant 0 : i32
      %dma_wait3A_119 = tpu.memref_slice %arg2[%dma_wait3A_117, %dma_wait3A_118] : memref<100000x32xf32, #tpu.memory_space<hbm>> -> memref<100000x32xf32, #tpu.memory_space<hbm>>
      tpu.wait_indirect_dma semaphore(%arg17 : memref<!tpu.dma_semaphore, #tpu.memory_space<semaphore_mem>>) src(%dma_wait3A_119 : memref<100000x32xf32, #tpu.memory_space<hbm>>) dst(%arg12 : memref<128x32xf32, #tpu.memory_space<vmem>>)
      %dma_wait3A_120 = arith.constant 2 : i32
      %dma_wait3A_121 = arith.constant 0 : i32
      %dma_wait3A_122 = tpu.memref_slice %arg8[%dma_wait3A_120, %dma_wait3A_121] : memref<8x128xi32, #tpu.memory_space<vmem>> -> memref<1x128xi32, #tpu.memory_space<vmem>>
      %dma_wait3A_123 = tpu.memref_squeeze %dma_wait3A_122 : memref<1x128xi32, #tpu.memory_space<vmem>> -> memref<128xi32, #tpu.memory_space<vmem>>
      %dma_wait3A_124 = arith.constant 0 : i32
      %dma_wait3A_125 = arith.constant 0 : i32
      %dma_wait3A_126 = tpu.memref_slice %arg13[%dma_wait3A_124, %dma_wait3A_125] : memref<51200x32xf32, #tpu.memory_space<vmem_shared>> -> memref<51200x32xf32, #tpu.memory_space<vmem_shared>>
      tpu.wait_indirect_dma semaphore(%arg20 : memref<!tpu.dma_semaphore, #tpu.memory_space<semaphore_mem>>) src(%arg11 : memref<128x32xf32, #tpu.memory_space<vmem>>) dst(%dma_wait3A_126 : memref<51200x32xf32, #tpu.memory_space<vmem_shared>>)
      %dma_start3A_127 = arith.constant 3 : i32
      %dma_start3A_128 = arith.constant 0 : i32
      %dma_start3A_129 = tpu.memref_slice %arg8[%dma_start3A_127, %dma_start3A_128] : memref<8x128xi32, #tpu.memory_space<vmem>> -> memref<1x128xi32, #tpu.memory_space<vmem>>
      %dma_start3A_130 = tpu.memref_squeeze %dma_start3A_129 : memref<1x128xi32, #tpu.memory_space<vmem>> -> memref<128xi32, #tpu.memory_space<vmem>>
      %dma_start3A_131 = arith.constant 0 : i32
      %dma_start3A_132 = arith.constant 0 : i32
      %dma_start3A_133 = tpu.memref_slice %arg13[%dma_start3A_131, %dma_start3A_132] : memref<51200x32xf32, #tpu.memory_space<vmem_shared>> -> memref<51200x32xf32, #tpu.memory_space<vmem_shared>>
      tpu.enqueue_indirect_dma source(%arg12 : memref<128x32xf32, #tpu.memory_space<vmem>>) target(%dma_start3A_133 : memref<51200x32xf32, #tpu.memory_space<vmem_shared>>) offsets(%dma_start3A_130 : memref<128xi32, #tpu.memory_space<vmem>>) semaphore(%arg21 : memref<!tpu.dma_semaphore, #tpu.memory_space<semaphore_mem>>) {add = true}
      %dma_start3A_134 = arith.constant 6 : i32
      %dma_start3A_135 = arith.constant 0 : i32
      %dma_start3A_136 = tpu.memref_slice %arg7[%dma_start3A_134, %dma_start3A_135] : memref<8x128xi32, #tpu.memory_space<vmem>> -> memref<1x128xi32, #tpu.memory_space<vmem>>
      %dma_start3A_137 = tpu.memref_squeeze %dma_start3A_136 : memref<1x128xi32, #tpu.memory_space<vmem>> -> memref<128xi32, #tpu.memory_space<vmem>>
      %dma_start3A_138 = arith.constant 0 : i32
      %dma_start3A_139 = arith.constant 0 : i32
      %dma_start3A_140 = tpu.memref_slice %arg2[%dma_start3A_138, %dma_start3A_139] : memref<100000x32xf32, #tpu.memory_space<hbm>> -> memref<100000x32xf32, #tpu.memory_space<hbm>>
      tpu.enqueue_indirect_dma source(%dma_start3A_140 : memref<100000x32xf32, #tpu.memory_space<hbm>>) target(%arg11 : memref<128x32xf32, #tpu.memory_space<vmem>>) offsets(%dma_start3A_137 : memref<128xi32, #tpu.memory_space<vmem>>) semaphore(%arg16 : memref<!tpu.dma_semaphore, #tpu.memory_space<semaphore_mem>>)
      %dma_wait3A_141 = arith.constant 4 : i32
      %dma_wait3A_142 = arith.constant 0 : i32
      %dma_wait3A_143 = tpu.memref_slice %arg7[%dma_wait3A_141, %dma_wait3A_142] : memref<8x128xi32, #tpu.memory_space<vmem>> -> memref<1x128xi32, #tpu.memory_space<vmem>>
      %dma_wait3A_144 = tpu.memref_squeeze %dma_wait3A_143 : memref<1x128xi32, #tpu.memory_space<vmem>> -> memref<128xi32, #tpu.memory_space<vmem>>
      %dma_wait3A_145 = arith.constant 0 : i32
      %dma_wait3A_146 = arith.constant 0 : i32
      %dma_wait3A_147 = tpu.memref_slice %arg2[%dma_wait3A_145, %dma_wait3A_146] : memref<100000x32xf32, #tpu.memory_space<hbm>> -> memref<100000x32xf32, #tpu.memory_space<hbm>>
      tpu.wait_indirect_dma semaphore(%arg14 : memref<!tpu.dma_semaphore, #tpu.memory_space<semaphore_mem>>) src(%dma_wait3A_147 : memref<100000x32xf32, #tpu.memory_space<hbm>>) dst(%arg9 : memref<128x32xf32, #tpu.memory_space<vmem>>)
      %dma_wait3A_148 = arith.constant 3 : i32
      %dma_wait3A_149 = arith.constant 0 : i32
      %dma_wait3A_150 = tpu.memref_slice %arg8[%dma_wait3A_148, %dma_wait3A_149] : memref<8x128xi32, #tpu.memory_space<vmem>> -> memref<1x128xi32, #tpu.memory_space<vmem>>
      %dma_wait3A_151 = tpu.memref_squeeze %dma_wait3A_150 : memref<1x128xi32, #tpu.memory_space<vmem>> -> memref<128xi32, #tpu.memory_space<vmem>>
      %dma_wait3A_152 = arith.constant 0 : i32
      %dma_wait3A_153 = arith.constant 0 : i32
      %dma_wait3A_154 = tpu.memref_slice %arg13[%dma_wait3A_152, %dma_wait3A_153] : memref<51200x32xf32, #tpu.memory_space<vmem_shared>> -> memref<51200x32xf32, #tpu.memory_space<vmem_shared>>
      tpu.wait_indirect_dma semaphore(%arg21 : memref<!tpu.dma_semaphore, #tpu.memory_space<semaphore_mem>>) src(%arg12 : memref<128x32xf32, #tpu.memory_space<vmem>>) dst(%dma_wait3A_154 : memref<51200x32xf32, #tpu.memory_space<vmem_shared>>)
      %dma_start3A_155 = arith.constant 4 : i32
      %dma_start3A_156 = arith.constant 0 : i32
      %dma_start3A_157 = tpu.memref_slice %arg8[%dma_start3A_155, %dma_start3A_156] : memref<8x128xi32, #tpu.memory_space<vmem>> -> memref<1x128xi32, #tpu.memory_space<vmem>>
      %dma_start3A_158 = tpu.memref_squeeze %dma_start3A_157 : memref<1x128xi32, #tpu.memory_space<vmem>> -> memref<128xi32, #tpu.memory_space<vmem>>
      %dma_start3A_159 = arith.constant 0 : i32
      %dma_start3A_160 = arith.constant 0 : i32
      %dma_start3A_161 = tpu.memref_slice %arg13[%dma_start3A_159, %dma_start3A_160] : memref<51200x32xf32, #tpu.memory_space<vmem_shared>> -> memref<51200x32xf32, #tpu.memory_space<vmem_shared>>
      tpu.enqueue_indirect_dma source(%arg9 : memref<128x32xf32, #tpu.memory_space<vmem>>) target(%dma_start3A_161 : memref<51200x32xf32, #tpu.memory_space<vmem_shared>>) offsets(%dma_start3A_158 : memref<128xi32, #tpu.memory_space<vmem>>) semaphore(%arg18 : memref<!tpu.dma_semaphore, #tpu.memory_space<semaphore_mem>>) {add = true}
      %dma_start3A_162 = arith.constant 7 : i32
      %dma_start3A_163 = arith.constant 0 : i32
      %dma_start3A_164 = tpu.memref_slice %arg7[%dma_start3A_162, %dma_start3A_163] : memref<8x128xi32, #tpu.memory_space<vmem>> -> memref<1x128xi32, #tpu.memory_space<vmem>>
      %dma_start3A_165 = tpu.memref_squeeze %dma_start3A_164 : memref<1x128xi32, #tpu.memory_space<vmem>> -> memref<128xi32, #tpu.memory_space<vmem>>
      %dma_start3A_166 = arith.constant 0 : i32
      %dma_start3A_167 = arith.constant 0 : i32
      %dma_start3A_168 = tpu.memref_slice %arg2[%dma_start3A_166, %dma_start3A_167] : memref<100000x32xf32, #tpu.memory_space<hbm>> -> memref<100000x32xf32, #tpu.memory_space<hbm>>
      tpu.enqueue_indirect_dma source(%dma_start3A_168 : memref<100000x32xf32, #tpu.memory_space<hbm>>) target(%arg12 : memref<128x32xf32, #tpu.memory_space<vmem>>) offsets(%dma_start3A_165 : memref<128xi32, #tpu.memory_space<vmem>>) semaphore(%arg17 : memref<!tpu.dma_semaphore, #tpu.memory_space<semaphore_mem>>)
      %dma_wait3A_169 = arith.constant 5 : i32
      %dma_wait3A_170 = arith.constant 0 : i32
      %dma_wait3A_171 = tpu.memref_slice %arg7[%dma_wait3A_169, %dma_wait3A_170] : memref<8x128xi32, #tpu.memory_space<vmem>> -> memref<1x128xi32, #tpu.memory_space<vmem>>
      %dma_wait3A_172 = tpu.memref_squeeze %dma_wait3A_171 : memref<1x128xi32, #tpu.memory_space<vmem>> -> memref<128xi32, #tpu.memory_space<vmem>>
      %dma_wait3A_173 = arith.constant 0 : i32
      %dma_wait3A_174 = arith.constant 0 : i32
      %dma_wait3A_175 = tpu.memref_slice %arg2[%dma_wait3A_173, %dma_wait3A_174] : memref<100000x32xf32, #tpu.memory_space<hbm>> -> memref<100000x32xf32, #tpu.memory_space<hbm>>
      tpu.wait_indirect_dma semaphore(%arg15 : memref<!tpu.dma_semaphore, #tpu.memory_space<semaphore_mem>>) src(%dma_wait3A_175 : memref<100000x32xf32, #tpu.memory_space<hbm>>) dst(%arg10 : memref<128x32xf32, #tpu.memory_space<vmem>>)
      %dma_wait3A_176 = arith.constant 4 : i32
      %dma_wait3A_177 = arith.constant 0 : i32
      %dma_wait3A_178 = tpu.memref_slice %arg8[%dma_wait3A_176, %dma_wait3A_177] : memref<8x128xi32, #tpu.memory_space<vmem>> -> memref<1x128xi32, #tpu.memory_space<vmem>>
      %dma_wait3A_179 = tpu.memref_squeeze %dma_wait3A_178 : memref<1x128xi32, #tpu.memory_space<vmem>> -> memref<128xi32, #tpu.memory_space<vmem>>
      %dma_wait3A_180 = arith.constant 0 : i32
      %dma_wait3A_181 = arith.constant 0 : i32
      %dma_wait3A_182 = tpu.memref_slice %arg13[%dma_wait3A_180, %dma_wait3A_181] : memref<51200x32xf32, #tpu.memory_space<vmem_shared>> -> memref<51200x32xf32, #tpu.memory_space<vmem_shared>>
      tpu.wait_indirect_dma semaphore(%arg18 : memref<!tpu.dma_semaphore, #tpu.memory_space<semaphore_mem>>) src(%arg9 : memref<128x32xf32, #tpu.memory_space<vmem>>) dst(%dma_wait3A_182 : memref<51200x32xf32, #tpu.memory_space<vmem_shared>>)
      %dma_start3A_183 = arith.constant 5 : i32
      %dma_start3A_184 = arith.constant 0 : i32
      %dma_start3A_185 = tpu.memref_slice %arg8[%dma_start3A_183, %dma_start3A_184] : memref<8x128xi32, #tpu.memory_space<vmem>> -> memref<1x128xi32, #tpu.memory_space<vmem>>
      %dma_start3A_186 = tpu.memref_squeeze %dma_start3A_185 : memref<1x128xi32, #tpu.memory_space<vmem>> -> memref<128xi32, #tpu.memory_space<vmem>>
      %dma_start3A_187 = arith.constant 0 : i32
      %dma_start3A_188 = arith.constant 0 : i32
      %dma_start3A_189 = tpu.memref_slice %arg13[%dma_start3A_187, %dma_start3A_188] : memref<51200x32xf32, #tpu.memory_space<vmem_shared>> -> memref<51200x32xf32, #tpu.memory_space<vmem_shared>>
      tpu.enqueue_indirect_dma source(%arg10 : memref<128x32xf32, #tpu.memory_space<vmem>>) target(%dma_start3A_189 : memref<51200x32xf32, #tpu.memory_space<vmem_shared>>) offsets(%dma_start3A_186 : memref<128xi32, #tpu.memory_space<vmem>>) semaphore(%arg19 : memref<!tpu.dma_semaphore, #tpu.memory_space<semaphore_mem>>) {add = true}
      %dma_wait3A_190 = arith.constant 6 : i32
      %dma_wait3A_191 = arith.constant 0 : i32
      %dma_wait3A_192 = tpu.memref_slice %arg7[%dma_wait3A_190, %dma_wait3A_191] : memref<8x128xi32, #tpu.memory_space<vmem>> -> memref<1x128xi32, #tpu.memory_space<vmem>>
      %dma_wait3A_193 = tpu.memref_squeeze %dma_wait3A_192 : memref<1x128xi32, #tpu.memory_space<vmem>> -> memref<128xi32, #tpu.memory_space<vmem>>
      %dma_wait3A_194 = arith.constant 0 : i32
      %dma_wait3A_195 = arith.constant 0 : i32
      %dma_wait3A_196 = tpu.memref_slice %arg2[%dma_wait3A_194, %dma_wait3A_195] : memref<100000x32xf32, #tpu.memory_space<hbm>> -> memref<100000x32xf32, #tpu.memory_space<hbm>>
      tpu.wait_indirect_dma semaphore(%arg16 : memref<!tpu.dma_semaphore, #tpu.memory_space<semaphore_mem>>) src(%dma_wait3A_196 : memref<100000x32xf32, #tpu.memory_space<hbm>>) dst(%arg11 : memref<128x32xf32, #tpu.memory_space<vmem>>)
      %dma_wait3A_197 = arith.constant 5 : i32
      %dma_wait3A_198 = arith.constant 0 : i32
      %dma_wait3A_199 = tpu.memref_slice %arg8[%dma_wait3A_197, %dma_wait3A_198] : memref<8x128xi32, #tpu.memory_space<vmem>> -> memref<1x128xi32, #tpu.memory_space<vmem>>
      %dma_wait3A_200 = tpu.memref_squeeze %dma_wait3A_199 : memref<1x128xi32, #tpu.memory_space<vmem>> -> memref<128xi32, #tpu.memory_space<vmem>>
      %dma_wait3A_201 = arith.constant 0 : i32
      %dma_wait3A_202 = arith.constant 0 : i32
      %dma_wait3A_203 = tpu.memref_slice %arg13[%dma_wait3A_201, %dma_wait3A_202] : memref<51200x32xf32, #tpu.memory_space<vmem_shared>> -> memref<51200x32xf32, #tpu.memory_space<vmem_shared>>
      tpu.wait_indirect_dma semaphore(%arg19 : memref<!tpu.dma_semaphore, #tpu.memory_space<semaphore_mem>>) src(%arg10 : memref<128x32xf32, #tpu.memory_space<vmem>>) dst(%dma_wait3A_203 : memref<51200x32xf32, #tpu.memory_space<vmem_shared>>)
      %dma_start3A_204 = arith.constant 6 : i32
      %dma_start3A_205 = arith.constant 0 : i32
      %dma_start3A_206 = tpu.memref_slice %arg8[%dma_start3A_204, %dma_start3A_205] : memref<8x128xi32, #tpu.memory_space<vmem>> -> memref<1x128xi32, #tpu.memory_space<vmem>>
      %dma_start3A_207 = tpu.memref_squeeze %dma_start3A_206 : memref<1x128xi32, #tpu.memory_space<vmem>> -> memref<128xi32, #tpu.memory_space<vmem>>
      %dma_start3A_208 = arith.constant 0 : i32
      %dma_start3A_209 = arith.constant 0 : i32
      %dma_start3A_210 = tpu.memref_slice %arg13[%dma_start3A_208, %dma_start3A_209] : memref<51200x32xf32, #tpu.memory_space<vmem_shared>> -> memref<51200x32xf32, #tpu.memory_space<vmem_shared>>
      tpu.enqueue_indirect_dma source(%arg11 : memref<128x32xf32, #tpu.memory_space<vmem>>) target(%dma_start3A_210 : memref<51200x32xf32, #tpu.memory_space<vmem_shared>>) offsets(%dma_start3A_207 : memref<128xi32, #tpu.memory_space<vmem>>) semaphore(%arg20 : memref<!tpu.dma_semaphore, #tpu.memory_space<semaphore_mem>>) {add = true}
      %dma_wait3A_211 = arith.constant 7 : i32
      %dma_wait3A_212 = arith.constant 0 : i32
      %dma_wait3A_213 = tpu.memref_slice %arg7[%dma_wait3A_211, %dma_wait3A_212] : memref<8x128xi32, #tpu.memory_space<vmem>> -> memref<1x128xi32, #tpu.memory_space<vmem>>
      %dma_wait3A_214 = tpu.memref_squeeze %dma_wait3A_213 : memref<1x128xi32, #tpu.memory_space<vmem>> -> memref<128xi32, #tpu.memory_space<vmem>>
      %dma_wait3A_215 = arith.constant 0 : i32
      %dma_wait3A_216 = arith.constant 0 : i32
      %dma_wait3A_217 = tpu.memref_slice %arg2[%dma_wait3A_215, %dma_wait3A_216] : memref<100000x32xf32, #tpu.memory_space<hbm>> -> memref<100000x32xf32, #tpu.memory_space<hbm>>
      tpu.wait_indirect_dma semaphore(%arg17 : memref<!tpu.dma_semaphore, #tpu.memory_space<semaphore_mem>>) src(%dma_wait3A_217 : memref<100000x32xf32, #tpu.memory_space<hbm>>) dst(%arg12 : memref<128x32xf32, #tpu.memory_space<vmem>>)
      %dma_wait3A_218 = arith.constant 6 : i32
      %dma_wait3A_219 = arith.constant 0 : i32
      %dma_wait3A_220 = tpu.memref_slice %arg8[%dma_wait3A_218, %dma_wait3A_219] : memref<8x128xi32, #tpu.memory_space<vmem>> -> memref<1x128xi32, #tpu.memory_space<vmem>>
      %dma_wait3A_221 = tpu.memref_squeeze %dma_wait3A_220 : memref<1x128xi32, #tpu.memory_space<vmem>> -> memref<128xi32, #tpu.memory_space<vmem>>
      %dma_wait3A_222 = arith.constant 0 : i32
      %dma_wait3A_223 = arith.constant 0 : i32
      %dma_wait3A_224 = tpu.memref_slice %arg13[%dma_wait3A_222, %dma_wait3A_223] : memref<51200x32xf32, #tpu.memory_space<vmem_shared>> -> memref<51200x32xf32, #tpu.memory_space<vmem_shared>>
      tpu.wait_indirect_dma semaphore(%arg20 : memref<!tpu.dma_semaphore, #tpu.memory_space<semaphore_mem>>) src(%arg11 : memref<128x32xf32, #tpu.memory_space<vmem>>) dst(%dma_wait3A_224 : memref<51200x32xf32, #tpu.memory_space<vmem_shared>>)
      %dma_start3A_225 = arith.constant 7 : i32
      %dma_start3A_226 = arith.constant 0 : i32
      %dma_start3A_227 = tpu.memref_slice %arg8[%dma_start3A_225, %dma_start3A_226] : memref<8x128xi32, #tpu.memory_space<vmem>> -> memref<1x128xi32, #tpu.memory_space<vmem>>
      %dma_start3A_228 = tpu.memref_squeeze %dma_start3A_227 : memref<1x128xi32, #tpu.memory_space<vmem>> -> memref<128xi32, #tpu.memory_space<vmem>>
      %dma_start3A_229 = arith.constant 0 : i32
      %dma_start3A_230 = arith.constant 0 : i32
      %dma_start3A_231 = tpu.memref_slice %arg13[%dma_start3A_229, %dma_start3A_230] : memref<51200x32xf32, #tpu.memory_space<vmem_shared>> -> memref<51200x32xf32, #tpu.memory_space<vmem_shared>>
      tpu.enqueue_indirect_dma source(%arg12 : memref<128x32xf32, #tpu.memory_space<vmem>>) target(%dma_start3A_231 : memref<51200x32xf32, #tpu.memory_space<vmem_shared>>) offsets(%dma_start3A_228 : memref<128xi32, #tpu.memory_space<vmem>>) semaphore(%arg21 : memref<!tpu.dma_semaphore, #tpu.memory_space<semaphore_mem>>) {add = true}
      %dma_wait3A_232 = arith.constant 7 : i32
      %dma_wait3A_233 = arith.constant 0 : i32
      %dma_wait3A_234 = tpu.memref_slice %arg8[%dma_wait3A_232, %dma_wait3A_233] : memref<8x128xi32, #tpu.memory_space<vmem>> -> memref<1x128xi32, #tpu.memory_space<vmem>>
      %dma_wait3A_235 = tpu.memref_squeeze %dma_wait3A_234 : memref<1x128xi32, #tpu.memory_space<vmem>> -> memref<128xi32, #tpu.memory_space<vmem>>
      %dma_wait3A_236 = arith.constant 0 : i32
      %dma_wait3A_237 = arith.constant 0 : i32
      %dma_wait3A_238 = tpu.memref_slice %arg13[%dma_wait3A_236, %dma_wait3A_237] : memref<51200x32xf32, #tpu.memory_space<vmem_shared>> -> memref<51200x32xf32, #tpu.memory_space<vmem_shared>>
      tpu.wait_indirect_dma semaphore(%arg21 : memref<!tpu.dma_semaphore, #tpu.memory_space<semaphore_mem>>) src(%arg12 : memref<128x32xf32, #tpu.memory_space<vmem>>) dst(%dma_wait3A_238 : memref<51200x32xf32, #tpu.memory_space<vmem_shared>>)
    }
    %scan3A_5 = arith.constant 49 : i32
    %barrier3A_6 = arith.constant 0 : index
    tpu.barrier barrier_id(%barrier3A_6)
    %mul3A_7 = arith.constant 3128 : i32
    %mul3A_8 = arith.muli %arg1, %mul3A_7 : i32
    %min3A = arith.constant 46872 : i32
    %min3A_9 = arith.minsi %mul3A_8, %min3A : i32
    %mul3A_10 = arith.constant 50000 : i32
    %mul3A_11 = arith.muli %arg0, %mul3A_10 : i32
    %add3A = arith.addi %mul3A_11, %min3A_9 : i32
    "tpu.region"() ({
      %run_scoped3A = tpu.sem_alloc : memref<!tpu.dma_semaphore, #tpu.memory_space<semaphore_mem>>
      %dma_start3A = arith.constant 0 : i32
      %dma_start3A_12 = tpu.memref_slice %arg6[%add3A, %dma_start3A] : memref<100000x32xf32, #tpu.memory_space<hbm>> -> memref<3128x32xf32, #tpu.memory_space<hbm>>
      %dma_start3A_13 = arith.constant 0 : i32
      %dma_start3A_14 = tpu.memref_slice %arg13[%min3A_9, %dma_start3A_13] : memref<51200x32xf32, #tpu.memory_space<vmem_shared>> -> memref<3128x32xf32, #tpu.memory_space<vmem_shared>>
      tpu.enqueue_dma source(%dma_start3A_14 : memref<3128x32xf32, #tpu.memory_space<vmem_shared>>) target(%dma_start3A_12 : memref<3128x32xf32, #tpu.memory_space<hbm>>) target_semaphore(%run_scoped3A : memref<!tpu.dma_semaphore, #tpu.memory_space<semaphore_mem>>)
      %dma_wait3A = arith.constant 0 : i32
      %dma_wait3A_15 = tpu.memref_slice %arg6[%add3A, %dma_wait3A] : memref<100000x32xf32, #tpu.memory_space<hbm>> -> memref<3128x32xf32, #tpu.memory_space<hbm>>
      %dma_wait3A_16 = arith.constant 0 : i32
      %dma_wait3A_17 = tpu.memref_slice %arg13[%min3A_9, %dma_wait3A_16] : memref<51200x32xf32, #tpu.memory_space<vmem_shared>> -> memref<3128x32xf32, #tpu.memory_space<vmem_shared>>
      tpu.wait_dma2 semaphore(%run_scoped3A : memref<!tpu.dma_semaphore, #tpu.memory_space<semaphore_mem>>) src(%dma_wait3A_17 : memref<3128x32xf32, #tpu.memory_space<vmem_shared>>) dst(%dma_wait3A_15 : memref<3128x32xf32, #tpu.memory_space<hbm>>)
      tpu.yield
    }) : () -> ()
    return
  }
}

#map = affine_map<(d0, d1) -> (0, 0)>
#map1 = affine_map<(d0, d1) -> (0, 0, 0, 0)>
#map2 = affine_map<(d0, d1) -> (0, 0, 0)>
module attributes {stable_mosaic.version = 14 : i64} {
  func.func @_segsum_body(%arg0: i32, %arg1: i32, %arg2: memref<100000x32xf32, #tpu.memory_space<hbm>>, %arg3: memref<2x16x392x128xi32, #tpu.memory_space<hbm>>, %arg4: memref<16x392x128xi32, #tpu.memory_space<hbm>>, %arg5: memref<3200x32xf32, #tpu.memory_space<hbm>>, %arg6: memref<100000x32xf32, #tpu.memory_space<hbm>>, %arg7: memref<8x128xi32, #tpu.memory_space<vmem>>, %arg8: memref<8x128xi32, #tpu.memory_space<vmem>>, %arg9: memref<128x32xf32, #tpu.memory_space<vmem>>, %arg10: memref<128x32xf32, #tpu.memory_space<vmem>>, %arg11: memref<128x32xf32, #tpu.memory_space<vmem>>, %arg12: memref<128x32xf32, #tpu.memory_space<vmem>>, %arg13: memref<51200x32xf32, #tpu.memory_space<vmem_shared>>, %arg14: memref<!tpu.dma_semaphore, #tpu.memory_space<semaphore_mem>>, %arg15: memref<!tpu.dma_semaphore, #tpu.memory_space<semaphore_mem>>, %arg16: memref<!tpu.dma_semaphore, #tpu.memory_space<semaphore_mem>>, %arg17: memref<!tpu.dma_semaphore, #tpu.memory_space<semaphore_mem>>, %arg18: memref<!tpu.dma_semaphore, #tpu.memory_space<semaphore_mem>>, %arg19: memref<!tpu.dma_semaphore, #tpu.memory_space<semaphore_mem>>, %arg20: memref<!tpu.dma_semaphore, #tpu.memory_space<semaphore_mem>>, %arg21: memref<!tpu.dma_semaphore, #tpu.memory_space<semaphore_mem>>) attributes {dimension_semantics = [#tpu.dimension_semantics<core_parallel>, #tpu.dimension_semantics<subcore_parallel>], iteration_bounds = array<i64: 2, 16>, scalar_prefetch = 0 : i64, scratch_operands = 15 : i64, tpu.core_type = #tpu.core_type<sc_vector_subcore>, window_params = [{transform_indices = #map}, {transform_indices = #map1}, {transform_indices = #map2}, {transform_indices = #map}, {transform_indices = #map}]} {
    %mul3A = arith.constant 3200 : i32
    %mul3A_0 = arith.muli %arg1, %mul3A : i32
    "tpu.region"() ({
      %run_scoped3A = tpu.sem_alloc : memref<!tpu.dma_semaphore, #tpu.memory_space<semaphore_mem>>
      %dma_start3A = arith.constant 0 : i32
      %dma_start3A_12 = tpu.memref_slice %arg13[%mul3A_0, %dma_start3A] : memref<51200x32xf32, #tpu.memory_space<vmem_shared>> -> memref<3200x32xf32, #tpu.memory_space<vmem_shared>>
      tpu.enqueue_dma source(%arg5 : memref<3200x32xf32, #tpu.memory_space<hbm>>) target(%dma_start3A_12 : memref<3200x32xf32, #tpu.memory_space<vmem_shared>>) target_semaphore(%run_scoped3A : memref<!tpu.dma_semaphore, #tpu.memory_space<semaphore_mem>>)
      %dma_wait3A = arith.constant 0 : i32
      %dma_wait3A_13 = tpu.memref_slice %arg13[%mul3A_0, %dma_wait3A] : memref<51200x32xf32, #tpu.memory_space<vmem_shared>> -> memref<3200x32xf32, #tpu.memory_space<vmem_shared>>
      tpu.wait_dma2 semaphore(%run_scoped3A : memref<!tpu.dma_semaphore, #tpu.memory_space<semaphore_mem>>) src(%arg5 : memref<3200x32xf32, #tpu.memory_space<hbm>>) dst(%dma_wait3A_13 : memref<3200x32xf32, #tpu.memory_space<vmem_shared>>)
      tpu.yield
    }) : () -> ()
    %barrier3A = arith.constant 0 : index
    tpu.barrier barrier_id(%barrier3A)
    %scan3A = arith.constant 0 : i32
    %scan3A_1 = arith.constant 0 : i32
    %scan3A_2 = arith.constant 49 : i32
    %scan3A_3 = arith.addi %scan3A_1, %scan3A_2 : i32
    %scan3A_4 = arith.constant 1 : i32
    scf.for %scan3A_12 = %scan3A_1 to %scan3A_3 step %scan3A_4  : i32 {
      %mul3A_13 = arith.constant 8 : i32
      %mul3A_14 = arith.muli %scan3A_12, %mul3A_13 : i32
      "tpu.region"() ({
        %run_scoped3A = tpu.sem_alloc : memref<!tpu.dma_semaphore, #tpu.memory_space<semaphore_mem>>
        %dma_start3A_239 = arith.constant 0 : i32
        %dma_start3A_240 = tpu.memref_slice %arg3[%arg0, %arg1, %mul3A_14, %dma_start3A_239] : memref<2x16x392x128xi32, #tpu.memory_space<hbm>> -> memref<1x1x8x128xi32, #tpu.memory_space<hbm>>
        %dma_start3A_241 = tpu.memref_squeeze %dma_start3A_240 : memref<1x1x8x128xi32, #tpu.memory_space<hbm>> -> memref<8x128xi32, #tpu.memory_space<hbm>>
        %dma_start3A_242 = arith.constant 0 : i32
        %dma_start3A_243 = tpu.memref_slice %arg3[%arg0, %arg1, %mul3A_14, %dma_start3A_242] : memref<2x16x392x128xi32, #tpu.memory_space<hbm>> -> memref<1x1x8x128xi32, #tpu.memory_space<hbm>>
        %dma_start3A_244 = tpu.memref_squeeze %dma_start3A_243 : memref<1x1x8x128xi32, #tpu.memory_space<hbm>> -> memref<8x128xi32, #tpu.memory_space<hbm>>
        tpu.enqueue_dma source(%dma_start3A_244 : memref<8x128xi32, #tpu.memory_space<hbm>>) target(%arg7 : memref<8x128xi32, #tpu.memory_space<vmem>>) target_semaphore(%run_scoped3A : memref<!tpu.dma_semaphore, #tpu.memory_space<semaphore_mem>>)
        %dma_wait3A_245 = arith.constant 0 : i32
        %dma_wait3A_246 = tpu.memref_slice %arg3[%arg0, %arg1, %mul3A_14, %dma_wait3A_245] : memref<2x16x392x128xi32, #tpu.memory_space<hbm>> -> memref<1x1x8x128xi32, #tpu.memory_space<hbm>>
        %dma_wait3A_247 = tpu.memref_squeeze %dma_wait3A_246 : memref<1x1x8x128xi32, #tpu.memory_space<hbm>> -> memref<8x128xi32, #tpu.memory_space<hbm>>
        %dma_wait3A_248 = arith.constant 0 : i32
        %dma_wait3A_249 = tpu.memref_slice %arg3[%arg0, %arg1, %mul3A_14, %dma_wait3A_248] : memref<2x16x392x128xi32, #tpu.memory_space<hbm>> -> memref<1x1x8x128xi32, #tpu.memory_space<hbm>>
        %dma_wait3A_250 = tpu.memref_squeeze %dma_wait3A_249 : memref<1x1x8x128xi32, #tpu.memory_space<hbm>> -> memref<8x128xi32, #tpu.memory_space<hbm>>
        tpu.wait_dma2 semaphore(%run_scoped3A : memref<!tpu.dma_semaphore, #tpu.memory_space<semaphore_mem>>) src(%dma_wait3A_250 : memref<8x128xi32, #tpu.memory_space<hbm>>) dst(%arg7 : memref<8x128xi32, #tpu.memory_space<vmem>>)
        tpu.yield
      }) : () -> ()
      %mul3A_15 = arith.constant 8 : i32
      %mul3A_16 = arith.muli %scan3A_12, %mul3A_15 : i32
      "tpu.region"() ({
        %run_scoped3A = tpu.sem_alloc : memref<!tpu.dma_semaphore, #tpu.memory_space<semaphore_mem>>
        %dma_start3A_239 = arith.constant 0 : i32
        %dma_start3A_240 = tpu.memref_slice %arg4[%arg1, %mul3A_16, %dma_start3A_239] : memref<16x392x128xi32, #tpu.memory_space<hbm>> -> memref<1x8x128xi32, #tpu.memory_space<hbm>>
        %dma_start3A_241 = tpu.memref_squeeze %dma_start3A_240 : memref<1x8x128xi32, #tpu.memory_space<hbm>> -> memref<8x128xi32, #tpu.memory_space<hbm>>
        %dma_start3A_242 = arith.constant 0 : i32
        %dma_start3A_243 = tpu.memref_slice %arg4[%arg1, %mul3A_16, %dma_start3A_242] : memref<16x392x128xi32, #tpu.memory_space<hbm>> -> memref<1x8x128xi32, #tpu.memory_space<hbm>>
        %dma_start3A_244 = tpu.memref_squeeze %dma_start3A_243 : memref<1x8x128xi32, #tpu.memory_space<hbm>> -> memref<8x128xi32, #tpu.memory_space<hbm>>
        tpu.enqueue_dma source(%dma_start3A_244 : memref<8x128xi32, #tpu.memory_space<hbm>>) target(%arg8 : memref<8x128xi32, #tpu.memory_space<vmem>>) target_semaphore(%run_scoped3A : memref<!tpu.dma_semaphore, #tpu.memory_space<semaphore_mem>>)
        %dma_wait3A_245 = arith.constant 0 : i32
        %dma_wait3A_246 = tpu.memref_slice %arg4[%arg1, %mul3A_16, %dma_wait3A_245] : memref<16x392x128xi32, #tpu.memory_space<hbm>> -> memref<1x8x128xi32, #tpu.memory_space<hbm>>
        %dma_wait3A_247 = tpu.memref_squeeze %dma_wait3A_246 : memref<1x8x128xi32, #tpu.memory_space<hbm>> -> memref<8x128xi32, #tpu.memory_space<hbm>>
        %dma_wait3A_248 = arith.constant 0 : i32
        %dma_wait3A_249 = tpu.memref_slice %arg4[%arg1, %mul3A_16, %dma_wait3A_248] : memref<16x392x128xi32, #tpu.memory_space<hbm>> -> memref<1x8x128xi32, #tpu.memory_space<hbm>>
        %dma_wait3A_250 = tpu.memref_squeeze %dma_wait3A_249 : memref<1x8x128xi32, #tpu.memory_space<hbm>> -> memref<8x128xi32, #tpu.memory_space<hbm>>
        tpu.wait_dma2 semaphore(%run_scoped3A : memref<!tpu.dma_semaphore, #tpu.memory_space<semaphore_mem>>) src(%dma_wait3A_250 : memref<8x128xi32, #tpu.memory_space<hbm>>) dst(%arg8 : memref<8x128xi32, #tpu.memory_space<vmem>>)
        tpu.yield
      }) : () -> ()
      %dma_start3A = arith.constant 0 : i32
      %dma_start3A_17 = arith.constant 0 : i32
      %dma_start3A_18 = tpu.memref_slice %arg7[%dma_start3A, %dma_start3A_17] : memref<8x128xi32, #tpu.memory_space<vmem>> -> memref<1x128xi32, #tpu.memory_space<vmem>>
      %dma_start3A_19 = tpu.memref_squeeze %dma_start3A_18 : memref<1x128xi32, #tpu.memory_space<vmem>> -> memref<128xi32, #tpu.memory_space<vmem>>
      %dma_start3A_20 = arith.constant 0 : i32
      %dma_start3A_21 = arith.constant 0 : i32
      %dma_start3A_22 = tpu.memref_slice %arg2[%dma_start3A_20, %dma_start3A_21] : memref<100000x32xf32, #tpu.memory_space<hbm>> -> memref<100000x32xf32, #tpu.memory_space<hbm>>
      tpu.enqueue_indirect_dma source(%dma_start3A_22 : memref<100000x32xf32, #tpu.memory_space<hbm>>) target(%arg9 : memref<128x32xf32, #tpu.memory_space<vmem>>) offsets(%dma_start3A_19 : memref<128xi32, #tpu.memory_space<vmem>>) semaphore(%arg14 : memref<!tpu.dma_semaphore, #tpu.memory_space<semaphore_mem>>)
      %dma_start3A_23 = arith.constant 1 : i32
      %dma_start3A_24 = arith.constant 0 : i32
      %dma_start3A_25 = tpu.memref_slice %arg7[%dma_start3A_23, %dma_start3A_24] : memref<8x128xi32, #tpu.memory_space<vmem>> -> memref<1x128xi32, #tpu.memory_space<vmem>>
      %dma_start3A_26 = tpu.memref_squeeze %dma_start3A_25 : memref<1x128xi32, #tpu.memory_space<vmem>> -> memref<128xi32, #tpu.memory_space<vmem>>
      %dma_start3A_27 = arith.constant 0 : i32
      %dma_start3A_28 = arith.constant 0 : i32
      %dma_start3A_29 = tpu.memref_slice %arg2[%dma_start3A_27, %dma_start3A_28] : memref<100000x32xf32, #tpu.memory_space<hbm>> -> memref<100000x32xf32, #tpu.memory_space<hbm>>
      tpu.enqueue_indirect_dma source(%dma_start3A_29 : memref<100000x32xf32, #tpu.memory_space<hbm>>) target(%arg10 : memref<128x32xf32, #tpu.memory_space<vmem>>) offsets(%dma_start3A_26 : memref<128xi32, #tpu.memory_space<vmem>>) semaphore(%arg15 : memref<!tpu.dma_semaphore, #tpu.memory_space<semaphore_mem>>)
      %dma_start3A_30 = arith.constant 2 : i32
      %dma_start3A_31 = arith.constant 0 : i32
      %dma_start3A_32 = tpu.memref_slice %arg7[%dma_start3A_30, %dma_start3A_31] : memref<8x128xi32, #tpu.memory_space<vmem>> -> memref<1x128xi32, #tpu.memory_space<vmem>>
      %dma_start3A_33 = tpu.memref_squeeze %dma_start3A_32 : memref<1x128xi32, #tpu.memory_space<vmem>> -> memref<128xi32, #tpu.memory_space<vmem>>
      %dma_start3A_34 = arith.constant 0 : i32
      %dma_start3A_35 = arith.constant 0 : i32
      %dma_start3A_36 = tpu.memref_slice %arg2[%dma_start3A_34, %dma_start3A_35] : memref<100000x32xf32, #tpu.memory_space<hbm>> -> memref<100000x32xf32, #tpu.memory_space<hbm>>
      tpu.enqueue_indirect_dma source(%dma_start3A_36 : memref<100000x32xf32, #tpu.memory_space<hbm>>) target(%arg11 : memref<128x32xf32, #tpu.memory_space<vmem>>) offsets(%dma_start3A_33 : memref<128xi32, #tpu.memory_space<vmem>>) semaphore(%arg16 : memref<!tpu.dma_semaphore, #tpu.memory_space<semaphore_mem>>)
      %dma_wait3A = arith.constant 0 : i32
      %dma_wait3A_37 = arith.constant 0 : i32
      %dma_wait3A_38 = tpu.memref_slice %arg7[%dma_wait3A, %dma_wait3A_37] : memref<8x128xi32, #tpu.memory_space<vmem>> -> memref<1x128xi32, #tpu.memory_space<vmem>>
      %dma_wait3A_39 = tpu.memref_squeeze %dma_wait3A_38 : memref<1x128xi32, #tpu.memory_space<vmem>> -> memref<128xi32, #tpu.memory_space<vmem>>
      %dma_wait3A_40 = arith.constant 0 : i32
      %dma_wait3A_41 = arith.constant 0 : i32
      %dma_wait3A_42 = tpu.memref_slice %arg2[%dma_wait3A_40, %dma_wait3A_41] : memref<100000x32xf32, #tpu.memory_space<hbm>> -> memref<100000x32xf32, #tpu.memory_space<hbm>>
      tpu.wait_indirect_dma semaphore(%arg14 : memref<!tpu.dma_semaphore, #tpu.memory_space<semaphore_mem>>) src(%dma_wait3A_42 : memref<100000x32xf32, #tpu.memory_space<hbm>>) dst(%arg9 : memref<128x32xf32, #tpu.memory_space<vmem>>)
      %dma_start3A_43 = arith.constant 0 : i32
      %dma_start3A_44 = arith.constant 0 : i32
      %dma_start3A_45 = tpu.memref_slice %arg8[%dma_start3A_43, %dma_start3A_44] : memref<8x128xi32, #tpu.memory_space<vmem>> -> memref<1x128xi32, #tpu.memory_space<vmem>>
      %dma_start3A_46 = tpu.memref_squeeze %dma_start3A_45 : memref<1x128xi32, #tpu.memory_space<vmem>> -> memref<128xi32, #tpu.memory_space<vmem>>
      %dma_start3A_47 = arith.constant 0 : i32
      %dma_start3A_48 = arith.constant 0 : i32
      %dma_start3A_49 = tpu.memref_slice %arg13[%dma_start3A_47, %dma_start3A_48] : memref<51200x32xf32, #tpu.memory_space<vmem_shared>> -> memref<51200x32xf32, #tpu.memory_space<vmem_shared>>
      tpu.enqueue_indirect_dma source(%arg9 : memref<128x32xf32, #tpu.memory_space<vmem>>) target(%dma_start3A_49 : memref<51200x32xf32, #tpu.memory_space<vmem_shared>>) offsets(%dma_start3A_46 : memref<128xi32, #tpu.memory_space<vmem>>) semaphore(%arg18 : memref<!tpu.dma_semaphore, #tpu.memory_space<semaphore_mem>>) {add = true}
      %dma_start3A_50 = arith.constant 3 : i32
      %dma_start3A_51 = arith.constant 0 : i32
      %dma_start3A_52 = tpu.memref_slice %arg7[%dma_start3A_50, %dma_start3A_51] : memref<8x128xi32, #tpu.memory_space<vmem>> -> memref<1x128xi32, #tpu.memory_space<vmem>>
      %dma_start3A_53 = tpu.memref_squeeze %dma_start3A_52 : memref<1x128xi32, #tpu.memory_space<vmem>> -> memref<128xi32, #tpu.memory_space<vmem>>
      %dma_start3A_54 = arith.constant 0 : i32
      %dma_start3A_55 = arith.constant 0 : i32
      %dma_start3A_56 = tpu.memref_slice %arg2[%dma_start3A_54, %dma_start3A_55] : memref<100000x32xf32, #tpu.memory_space<hbm>> -> memref<100000x32xf32, #tpu.memory_space<hbm>>
      tpu.enqueue_indirect_dma source(%dma_start3A_56 : memref<100000x32xf32, #tpu.memory_space<hbm>>) target(%arg12 : memref<128x32xf32, #tpu.memory_space<vmem>>) offsets(%dma_start3A_53 : memref<128xi32, #tpu.memory_space<vmem>>) semaphore(%arg17 : memref<!tpu.dma_semaphore, #tpu.memory_space<semaphore_mem>>)
      %dma_wait3A_57 = arith.constant 1 : i32
      %dma_wait3A_58 = arith.constant 0 : i32
      %dma_wait3A_59 = tpu.memref_slice %arg7[%dma_wait3A_57, %dma_wait3A_58] : memref<8x128xi32, #tpu.memory_space<vmem>> -> memref<1x128xi32, #tpu.memory_space<vmem>>
      %dma_wait3A_60 = tpu.memref_squeeze %dma_wait3A_59 : memref<1x128xi32, #tpu.memory_space<vmem>> -> memref<128xi32, #tpu.memory_space<vmem>>
      %dma_wait3A_61 = arith.constant 0 : i32
      %dma_wait3A_62 = arith.constant 0 : i32
      %dma_wait3A_63 = tpu.memref_slice %arg2[%dma_wait3A_61, %dma_wait3A_62] : memref<100000x32xf32, #tpu.memory_space<hbm>> -> memref<100000x32xf32, #tpu.memory_space<hbm>>
      tpu.wait_indirect_dma semaphore(%arg15 : memref<!tpu.dma_semaphore, #tpu.memory_space<semaphore_mem>>) src(%dma_wait3A_63 : memref<100000x32xf32, #tpu.memory_space<hbm>>) dst(%arg10 : memref<128x32xf32, #tpu.memory_space<vmem>>)
      %dma_wait3A_64 = arith.constant 0 : i32
      %dma_wait3A_65 = arith.constant 0 : i32
      %dma_wait3A_66 = tpu.memref_slice %arg8[%dma_wait3A_64, %dma_wait3A_65] : memref<8x128xi32, #tpu.memory_space<vmem>> -> memref<1x128xi32, #tpu.memory_space<vmem>>
      %dma_wait3A_67 = tpu.memref_squeeze %dma_wait3A_66 : memref<1x128xi32, #tpu.memory_space<vmem>> -> memref<128xi32, #tpu.memory_space<vmem>>
      %dma_wait3A_68 = arith.constant 0 : i32
      %dma_wait3A_69 = arith.constant 0 : i32
      %dma_wait3A_70 = tpu.memref_slice %arg13[%dma_wait3A_68, %dma_wait3A_69] : memref<51200x32xf32, #tpu.memory_space<vmem_shared>> -> memref<51200x32xf32, #tpu.memory_space<vmem_shared>>
      tpu.wait_indirect_dma semaphore(%arg18 : memref<!tpu.dma_semaphore, #tpu.memory_space<semaphore_mem>>) src(%arg9 : memref<128x32xf32, #tpu.memory_space<vmem>>) dst(%dma_wait3A_70 : memref<51200x32xf32, #tpu.memory_space<vmem_shared>>)
      %dma_start3A_71 = arith.constant 1 : i32
      %dma_start3A_72 = arith.constant 0 : i32
      %dma_start3A_73 = tpu.memref_slice %arg8[%dma_start3A_71, %dma_start3A_72] : memref<8x128xi32, #tpu.memory_space<vmem>> -> memref<1x128xi32, #tpu.memory_space<vmem>>
      %dma_start3A_74 = tpu.memref_squeeze %dma_start3A_73 : memref<1x128xi32, #tpu.memory_space<vmem>> -> memref<128xi32, #tpu.memory_space<vmem>>
      %dma_start3A_75 = arith.constant 0 : i32
      %dma_start3A_76 = arith.constant 0 : i32
      %dma_start3A_77 = tpu.memref_slice %arg13[%dma_start3A_75, %dma_start3A_76] : memref<51200x32xf32, #tpu.memory_space<vmem_shared>> -> memref<51200x32xf32, #tpu.memory_space<vmem_shared>>
      tpu.enqueue_indirect_dma source(%arg10 : memref<128x32xf32, #tpu.memory_space<vmem>>) target(%dma_start3A_77 : memref<51200x32xf32, #tpu.memory_space<vmem_shared>>) offsets(%dma_start3A_74 : memref<128xi32, #tpu.memory_space<vmem>>) semaphore(%arg19 : memref<!tpu.dma_semaphore, #tpu.memory_space<semaphore_mem>>) {add = true}
      %dma_start3A_78 = arith.constant 4 : i32
      %dma_start3A_79 = arith.constant 0 : i32
      %dma_start3A_80 = tpu.memref_slice %arg7[%dma_start3A_78, %dma_start3A_79] : memref<8x128xi32, #tpu.memory_space<vmem>> -> memref<1x128xi32, #tpu.memory_space<vmem>>
      %dma_start3A_81 = tpu.memref_squeeze %dma_start3A_80 : memref<1x128xi32, #tpu.memory_space<vmem>> -> memref<128xi32, #tpu.memory_space<vmem>>
      %dma_start3A_82 = arith.constant 0 : i32
      %dma_start3A_83 = arith.constant 0 : i32
      %dma_start3A_84 = tpu.memref_slice %arg2[%dma_start3A_82, %dma_start3A_83] : memref<100000x32xf32, #tpu.memory_space<hbm>> -> memref<100000x32xf32, #tpu.memory_space<hbm>>
      tpu.enqueue_indirect_dma source(%dma_start3A_84 : memref<100000x32xf32, #tpu.memory_space<hbm>>) target(%arg9 : memref<128x32xf32, #tpu.memory_space<vmem>>) offsets(%dma_start3A_81 : memref<128xi32, #tpu.memory_space<vmem>>) semaphore(%arg14 : memref<!tpu.dma_semaphore, #tpu.memory_space<semaphore_mem>>)
      %dma_wait3A_85 = arith.constant 2 : i32
      %dma_wait3A_86 = arith.constant 0 : i32
      %dma_wait3A_87 = tpu.memref_slice %arg7[%dma_wait3A_85, %dma_wait3A_86] : memref<8x128xi32, #tpu.memory_space<vmem>> -> memref<1x128xi32, #tpu.memory_space<vmem>>
      %dma_wait3A_88 = tpu.memref_squeeze %dma_wait3A_87 : memref<1x128xi32, #tpu.memory_space<vmem>> -> memref<128xi32, #tpu.memory_space<vmem>>
      %dma_wait3A_89 = arith.constant 0 : i32
      %dma_wait3A_90 = arith.constant 0 : i32
      %dma_wait3A_91 = tpu.memref_slice %arg2[%dma_wait3A_89, %dma_wait3A_90] : memref<100000x32xf32, #tpu.memory_space<hbm>> -> memref<100000x32xf32, #tpu.memory_space<hbm>>
      tpu.wait_indirect_dma semaphore(%arg16 : memref<!tpu.dma_semaphore, #tpu.memory_space<semaphore_mem>>) src(%dma_wait3A_91 : memref<100000x32xf32, #tpu.memory_space<hbm>>) dst(%arg11 : memref<128x32xf32, #tpu.memory_space<vmem>>)
      %dma_wait3A_92 = arith.constant 1 : i32
      %dma_wait3A_93 = arith.constant 0 : i32
      %dma_wait3A_94 = tpu.memref_slice %arg8[%dma_wait3A_92, %dma_wait3A_93] : memref<8x128xi32, #tpu.memory_space<vmem>> -> memref<1x128xi32, #tpu.memory_space<vmem>>
      %dma_wait3A_95 = tpu.memref_squeeze %dma_wait3A_94 : memref<1x128xi32, #tpu.memory_space<vmem>> -> memref<128xi32, #tpu.memory_space<vmem>>
      %dma_wait3A_96 = arith.constant 0 : i32
      %dma_wait3A_97 = arith.constant 0 : i32
      %dma_wait3A_98 = tpu.memref_slice %arg13[%dma_wait3A_96, %dma_wait3A_97] : memref<51200x32xf32, #tpu.memory_space<vmem_shared>> -> memref<51200x32xf32, #tpu.memory_space<vmem_shared>>
      tpu.wait_indirect_dma semaphore(%arg19 : memref<!tpu.dma_semaphore, #tpu.memory_space<semaphore_mem>>) src(%arg10 : memref<128x32xf32, #tpu.memory_space<vmem>>) dst(%dma_wait3A_98 : memref<51200x32xf32, #tpu.memory_space<vmem_shared>>)
      %dma_start3A_99 = arith.constant 2 : i32
      %dma_start3A_100 = arith.constant 0 : i32
      %dma_start3A_101 = tpu.memref_slice %arg8[%dma_start3A_99, %dma_start3A_100] : memref<8x128xi32, #tpu.memory_space<vmem>> -> memref<1x128xi32, #tpu.memory_space<vmem>>
      %dma_start3A_102 = tpu.memref_squeeze %dma_start3A_101 : memref<1x128xi32, #tpu.memory_space<vmem>> -> memref<128xi32, #tpu.memory_space<vmem>>
      %dma_start3A_103 = arith.constant 0 : i32
      %dma_start3A_104 = arith.constant 0 : i32
      %dma_start3A_105 = tpu.memref_slice %arg13[%dma_start3A_103, %dma_start3A_104] : memref<51200x32xf32, #tpu.memory_space<vmem_shared>> -> memref<51200x32xf32, #tpu.memory_space<vmem_shared>>
      tpu.enqueue_indirect_dma source(%arg11 : memref<128x32xf32, #tpu.memory_space<vmem>>) target(%dma_start3A_105 : memref<51200x32xf32, #tpu.memory_space<vmem_shared>>) offsets(%dma_start3A_102 : memref<128xi32, #tpu.memory_space<vmem>>) semaphore(%arg20 : memref<!tpu.dma_semaphore, #tpu.memory_space<semaphore_mem>>) {add = true}
      %dma_start3A_106 = arith.constant 5 : i32
      %dma_start3A_107 = arith.constant 0 : i32
      %dma_start3A_108 = tpu.memref_slice %arg7[%dma_start3A_106, %dma_start3A_107] : memref<8x128xi32, #tpu.memory_space<vmem>> -> memref<1x128xi32, #tpu.memory_space<vmem>>
      %dma_start3A_109 = tpu.memref_squeeze %dma_start3A_108 : memref<1x128xi32, #tpu.memory_space<vmem>> -> memref<128xi32, #tpu.memory_space<vmem>>
      %dma_start3A_110 = arith.constant 0 : i32
      %dma_start3A_111 = arith.constant 0 : i32
      %dma_start3A_112 = tpu.memref_slice %arg2[%dma_start3A_110, %dma_start3A_111] : memref<100000x32xf32, #tpu.memory_space<hbm>> -> memref<100000x32xf32, #tpu.memory_space<hbm>>
      tpu.enqueue_indirect_dma source(%dma_start3A_112 : memref<100000x32xf32, #tpu.memory_space<hbm>>) target(%arg10 : memref<128x32xf32, #tpu.memory_space<vmem>>) offsets(%dma_start3A_109 : memref<128xi32, #tpu.memory_space<vmem>>) semaphore(%arg15 : memref<!tpu.dma_semaphore, #tpu.memory_space<semaphore_mem>>)
      %dma_wait3A_113 = arith.constant 3 : i32
      %dma_wait3A_114 = arith.constant 0 : i32
      %dma_wait3A_115 = tpu.memref_slice %arg7[%dma_wait3A_113, %dma_wait3A_114] : memref<8x128xi32, #tpu.memory_space<vmem>> -> memref<1x128xi32, #tpu.memory_space<vmem>>
      %dma_wait3A_116 = tpu.memref_squeeze %dma_wait3A_115 : memref<1x128xi32, #tpu.memory_space<vmem>> -> memref<128xi32, #tpu.memory_space<vmem>>
      %dma_wait3A_117 = arith.constant 0 : i32
      %dma_wait3A_118 = arith.constant 0 : i32
      %dma_wait3A_119 = tpu.memref_slice %arg2[%dma_wait3A_117, %dma_wait3A_118] : memref<100000x32xf32, #tpu.memory_space<hbm>> -> memref<100000x32xf32, #tpu.memory_space<hbm>>
      tpu.wait_indirect_dma semaphore(%arg17 : memref<!tpu.dma_semaphore, #tpu.memory_space<semaphore_mem>>) src(%dma_wait3A_119 : memref<100000x32xf32, #tpu.memory_space<hbm>>) dst(%arg12 : memref<128x32xf32, #tpu.memory_space<vmem>>)
      %dma_wait3A_120 = arith.constant 2 : i32
      %dma_wait3A_121 = arith.constant 0 : i32
      %dma_wait3A_122 = tpu.memref_slice %arg8[%dma_wait3A_120, %dma_wait3A_121] : memref<8x128xi32, #tpu.memory_space<vmem>> -> memref<1x128xi32, #tpu.memory_space<vmem>>
      %dma_wait3A_123 = tpu.memref_squeeze %dma_wait3A_122 : memref<1x128xi32, #tpu.memory_space<vmem>> -> memref<128xi32, #tpu.memory_space<vmem>>
      %dma_wait3A_124 = arith.constant 0 : i32
      %dma_wait3A_125 = arith.constant 0 : i32
      %dma_wait3A_126 = tpu.memref_slice %arg13[%dma_wait3A_124, %dma_wait3A_125] : memref<51200x32xf32, #tpu.memory_space<vmem_shared>> -> memref<51200x32xf32, #tpu.memory_space<vmem_shared>>
      tpu.wait_indirect_dma semaphore(%arg20 : memref<!tpu.dma_semaphore, #tpu.memory_space<semaphore_mem>>) src(%arg11 : memref<128x32xf32, #tpu.memory_space<vmem>>) dst(%dma_wait3A_126 : memref<51200x32xf32, #tpu.memory_space<vmem_shared>>)
      %dma_start3A_127 = arith.constant 3 : i32
      %dma_start3A_128 = arith.constant 0 : i32
      %dma_start3A_129 = tpu.memref_slice %arg8[%dma_start3A_127, %dma_start3A_128] : memref<8x128xi32, #tpu.memory_space<vmem>> -> memref<1x128xi32, #tpu.memory_space<vmem>>
      %dma_start3A_130 = tpu.memref_squeeze %dma_start3A_129 : memref<1x128xi32, #tpu.memory_space<vmem>> -> memref<128xi32, #tpu.memory_space<vmem>>
      %dma_start3A_131 = arith.constant 0 : i32
      %dma_start3A_132 = arith.constant 0 : i32
      %dma_start3A_133 = tpu.memref_slice %arg13[%dma_start3A_131, %dma_start3A_132] : memref<51200x32xf32, #tpu.memory_space<vmem_shared>> -> memref<51200x32xf32, #tpu.memory_space<vmem_shared>>
      tpu.enqueue_indirect_dma source(%arg12 : memref<128x32xf32, #tpu.memory_space<vmem>>) target(%dma_start3A_133 : memref<51200x32xf32, #tpu.memory_space<vmem_shared>>) offsets(%dma_start3A_130 : memref<128xi32, #tpu.memory_space<vmem>>) semaphore(%arg21 : memref<!tpu.dma_semaphore, #tpu.memory_space<semaphore_mem>>) {add = true}
      %dma_start3A_134 = arith.constant 6 : i32
      %dma_start3A_135 = arith.constant 0 : i32
      %dma_start3A_136 = tpu.memref_slice %arg7[%dma_start3A_134, %dma_start3A_135] : memref<8x128xi32, #tpu.memory_space<vmem>> -> memref<1x128xi32, #tpu.memory_space<vmem>>
      %dma_start3A_137 = tpu.memref_squeeze %dma_start3A_136 : memref<1x128xi32, #tpu.memory_space<vmem>> -> memref<128xi32, #tpu.memory_space<vmem>>
      %dma_start3A_138 = arith.constant 0 : i32
      %dma_start3A_139 = arith.constant 0 : i32
      %dma_start3A_140 = tpu.memref_slice %arg2[%dma_start3A_138, %dma_start3A_139] : memref<100000x32xf32, #tpu.memory_space<hbm>> -> memref<100000x32xf32, #tpu.memory_space<hbm>>
      tpu.enqueue_indirect_dma source(%dma_start3A_140 : memref<100000x32xf32, #tpu.memory_space<hbm>>) target(%arg11 : memref<128x32xf32, #tpu.memory_space<vmem>>) offsets(%dma_start3A_137 : memref<128xi32, #tpu.memory_space<vmem>>) semaphore(%arg16 : memref<!tpu.dma_semaphore, #tpu.memory_space<semaphore_mem>>)
      %dma_wait3A_141 = arith.constant 4 : i32
      %dma_wait3A_142 = arith.constant 0 : i32
      %dma_wait3A_143 = tpu.memref_slice %arg7[%dma_wait3A_141, %dma_wait3A_142] : memref<8x128xi32, #tpu.memory_space<vmem>> -> memref<1x128xi32, #tpu.memory_space<vmem>>
      %dma_wait3A_144 = tpu.memref_squeeze %dma_wait3A_143 : memref<1x128xi32, #tpu.memory_space<vmem>> -> memref<128xi32, #tpu.memory_space<vmem>>
      %dma_wait3A_145 = arith.constant 0 : i32
      %dma_wait3A_146 = arith.constant 0 : i32
      %dma_wait3A_147 = tpu.memref_slice %arg2[%dma_wait3A_145, %dma_wait3A_146] : memref<100000x32xf32, #tpu.memory_space<hbm>> -> memref<100000x32xf32, #tpu.memory_space<hbm>>
      tpu.wait_indirect_dma semaphore(%arg14 : memref<!tpu.dma_semaphore, #tpu.memory_space<semaphore_mem>>) src(%dma_wait3A_147 : memref<100000x32xf32, #tpu.memory_space<hbm>>) dst(%arg9 : memref<128x32xf32, #tpu.memory_space<vmem>>)
      %dma_wait3A_148 = arith.constant 3 : i32
      %dma_wait3A_149 = arith.constant 0 : i32
      %dma_wait3A_150 = tpu.memref_slice %arg8[%dma_wait3A_148, %dma_wait3A_149] : memref<8x128xi32, #tpu.memory_space<vmem>> -> memref<1x128xi32, #tpu.memory_space<vmem>>
      %dma_wait3A_151 = tpu.memref_squeeze %dma_wait3A_150 : memref<1x128xi32, #tpu.memory_space<vmem>> -> memref<128xi32, #tpu.memory_space<vmem>>
      %dma_wait3A_152 = arith.constant 0 : i32
      %dma_wait3A_153 = arith.constant 0 : i32
      %dma_wait3A_154 = tpu.memref_slice %arg13[%dma_wait3A_152, %dma_wait3A_153] : memref<51200x32xf32, #tpu.memory_space<vmem_shared>> -> memref<51200x32xf32, #tpu.memory_space<vmem_shared>>
      tpu.wait_indirect_dma semaphore(%arg21 : memref<!tpu.dma_semaphore, #tpu.memory_space<semaphore_mem>>) src(%arg12 : memref<128x32xf32, #tpu.memory_space<vmem>>) dst(%dma_wait3A_154 : memref<51200x32xf32, #tpu.memory_space<vmem_shared>>)
      %dma_start3A_155 = arith.constant 4 : i32
      %dma_start3A_156 = arith.constant 0 : i32
      %dma_start3A_157 = tpu.memref_slice %arg8[%dma_start3A_155, %dma_start3A_156] : memref<8x128xi32, #tpu.memory_space<vmem>> -> memref<1x128xi32, #tpu.memory_space<vmem>>
      %dma_start3A_158 = tpu.memref_squeeze %dma_start3A_157 : memref<1x128xi32, #tpu.memory_space<vmem>> -> memref<128xi32, #tpu.memory_space<vmem>>
      %dma_start3A_159 = arith.constant 0 : i32
      %dma_start3A_160 = arith.constant 0 : i32
      %dma_start3A_161 = tpu.memref_slice %arg13[%dma_start3A_159, %dma_start3A_160] : memref<51200x32xf32, #tpu.memory_space<vmem_shared>> -> memref<51200x32xf32, #tpu.memory_space<vmem_shared>>
      tpu.enqueue_indirect_dma source(%arg9 : memref<128x32xf32, #tpu.memory_space<vmem>>) target(%dma_start3A_161 : memref<51200x32xf32, #tpu.memory_space<vmem_shared>>) offsets(%dma_start3A_158 : memref<128xi32, #tpu.memory_space<vmem>>) semaphore(%arg18 : memref<!tpu.dma_semaphore, #tpu.memory_space<semaphore_mem>>) {add = true}
      %dma_start3A_162 = arith.constant 7 : i32
      %dma_start3A_163 = arith.constant 0 : i32
      %dma_start3A_164 = tpu.memref_slice %arg7[%dma_start3A_162, %dma_start3A_163] : memref<8x128xi32, #tpu.memory_space<vmem>> -> memref<1x128xi32, #tpu.memory_space<vmem>>
      %dma_start3A_165 = tpu.memref_squeeze %dma_start3A_164 : memref<1x128xi32, #tpu.memory_space<vmem>> -> memref<128xi32, #tpu.memory_space<vmem>>
      %dma_start3A_166 = arith.constant 0 : i32
      %dma_start3A_167 = arith.constant 0 : i32
      %dma_start3A_168 = tpu.memref_slice %arg2[%dma_start3A_166, %dma_start3A_167] : memref<100000x32xf32, #tpu.memory_space<hbm>> -> memref<100000x32xf32, #tpu.memory_space<hbm>>
      tpu.enqueue_indirect_dma source(%dma_start3A_168 : memref<100000x32xf32, #tpu.memory_space<hbm>>) target(%arg12 : memref<128x32xf32, #tpu.memory_space<vmem>>) offsets(%dma_start3A_165 : memref<128xi32, #tpu.memory_space<vmem>>) semaphore(%arg17 : memref<!tpu.dma_semaphore, #tpu.memory_space<semaphore_mem>>)
      %dma_wait3A_169 = arith.constant 5 : i32
      %dma_wait3A_170 = arith.constant 0 : i32
      %dma_wait3A_171 = tpu.memref_slice %arg7[%dma_wait3A_169, %dma_wait3A_170] : memref<8x128xi32, #tpu.memory_space<vmem>> -> memref<1x128xi32, #tpu.memory_space<vmem>>
      %dma_wait3A_172 = tpu.memref_squeeze %dma_wait3A_171 : memref<1x128xi32, #tpu.memory_space<vmem>> -> memref<128xi32, #tpu.memory_space<vmem>>
      %dma_wait3A_173 = arith.constant 0 : i32
      %dma_wait3A_174 = arith.constant 0 : i32
      %dma_wait3A_175 = tpu.memref_slice %arg2[%dma_wait3A_173, %dma_wait3A_174] : memref<100000x32xf32, #tpu.memory_space<hbm>> -> memref<100000x32xf32, #tpu.memory_space<hbm>>
      tpu.wait_indirect_dma semaphore(%arg15 : memref<!tpu.dma_semaphore, #tpu.memory_space<semaphore_mem>>) src(%dma_wait3A_175 : memref<100000x32xf32, #tpu.memory_space<hbm>>) dst(%arg10 : memref<128x32xf32, #tpu.memory_space<vmem>>)
      %dma_wait3A_176 = arith.constant 4 : i32
      %dma_wait3A_177 = arith.constant 0 : i32
      %dma_wait3A_178 = tpu.memref_slice %arg8[%dma_wait3A_176, %dma_wait3A_177] : memref<8x128xi32, #tpu.memory_space<vmem>> -> memref<1x128xi32, #tpu.memory_space<vmem>>
      %dma_wait3A_179 = tpu.memref_squeeze %dma_wait3A_178 : memref<1x128xi32, #tpu.memory_space<vmem>> -> memref<128xi32, #tpu.memory_space<vmem>>
      %dma_wait3A_180 = arith.constant 0 : i32
      %dma_wait3A_181 = arith.constant 0 : i32
      %dma_wait3A_182 = tpu.memref_slice %arg13[%dma_wait3A_180, %dma_wait3A_181] : memref<51200x32xf32, #tpu.memory_space<vmem_shared>> -> memref<51200x32xf32, #tpu.memory_space<vmem_shared>>
      tpu.wait_indirect_dma semaphore(%arg18 : memref<!tpu.dma_semaphore, #tpu.memory_space<semaphore_mem>>) src(%arg9 : memref<128x32xf32, #tpu.memory_space<vmem>>) dst(%dma_wait3A_182 : memref<51200x32xf32, #tpu.memory_space<vmem_shared>>)
      %dma_start3A_183 = arith.constant 5 : i32
      %dma_start3A_184 = arith.constant 0 : i32
      %dma_start3A_185 = tpu.memref_slice %arg8[%dma_start3A_183, %dma_start3A_184] : memref<8x128xi32, #tpu.memory_space<vmem>> -> memref<1x128xi32, #tpu.memory_space<vmem>>
      %dma_start3A_186 = tpu.memref_squeeze %dma_start3A_185 : memref<1x128xi32, #tpu.memory_space<vmem>> -> memref<128xi32, #tpu.memory_space<vmem>>
      %dma_start3A_187 = arith.constant 0 : i32
      %dma_start3A_188 = arith.constant 0 : i32
      %dma_start3A_189 = tpu.memref_slice %arg13[%dma_start3A_187, %dma_start3A_188] : memref<51200x32xf32, #tpu.memory_space<vmem_shared>> -> memref<51200x32xf32, #tpu.memory_space<vmem_shared>>
      tpu.enqueue_indirect_dma source(%arg10 : memref<128x32xf32, #tpu.memory_space<vmem>>) target(%dma_start3A_189 : memref<51200x32xf32, #tpu.memory_space<vmem_shared>>) offsets(%dma_start3A_186 : memref<128xi32, #tpu.memory_space<vmem>>) semaphore(%arg19 : memref<!tpu.dma_semaphore, #tpu.memory_space<semaphore_mem>>) {add = true}
      %dma_wait3A_190 = arith.constant 6 : i32
      %dma_wait3A_191 = arith.constant 0 : i32
      %dma_wait3A_192 = tpu.memref_slice %arg7[%dma_wait3A_190, %dma_wait3A_191] : memref<8x128xi32, #tpu.memory_space<vmem>> -> memref<1x128xi32, #tpu.memory_space<vmem>>
      %dma_wait3A_193 = tpu.memref_squeeze %dma_wait3A_192 : memref<1x128xi32, #tpu.memory_space<vmem>> -> memref<128xi32, #tpu.memory_space<vmem>>
      %dma_wait3A_194 = arith.constant 0 : i32
      %dma_wait3A_195 = arith.constant 0 : i32
      %dma_wait3A_196 = tpu.memref_slice %arg2[%dma_wait3A_194, %dma_wait3A_195] : memref<100000x32xf32, #tpu.memory_space<hbm>> -> memref<100000x32xf32, #tpu.memory_space<hbm>>
      tpu.wait_indirect_dma semaphore(%arg16 : memref<!tpu.dma_semaphore, #tpu.memory_space<semaphore_mem>>) src(%dma_wait3A_196 : memref<100000x32xf32, #tpu.memory_space<hbm>>) dst(%arg11 : memref<128x32xf32, #tpu.memory_space<vmem>>)
      %dma_wait3A_197 = arith.constant 5 : i32
      %dma_wait3A_198 = arith.constant 0 : i32
      %dma_wait3A_199 = tpu.memref_slice %arg8[%dma_wait3A_197, %dma_wait3A_198] : memref<8x128xi32, #tpu.memory_space<vmem>> -> memref<1x128xi32, #tpu.memory_space<vmem>>
      %dma_wait3A_200 = tpu.memref_squeeze %dma_wait3A_199 : memref<1x128xi32, #tpu.memory_space<vmem>> -> memref<128xi32, #tpu.memory_space<vmem>>
      %dma_wait3A_201 = arith.constant 0 : i32
      %dma_wait3A_202 = arith.constant 0 : i32
      %dma_wait3A_203 = tpu.memref_slice %arg13[%dma_wait3A_201, %dma_wait3A_202] : memref<51200x32xf32, #tpu.memory_space<vmem_shared>> -> memref<51200x32xf32, #tpu.memory_space<vmem_shared>>
      tpu.wait_indirect_dma semaphore(%arg19 : memref<!tpu.dma_semaphore, #tpu.memory_space<semaphore_mem>>) src(%arg10 : memref<128x32xf32, #tpu.memory_space<vmem>>) dst(%dma_wait3A_203 : memref<51200x32xf32, #tpu.memory_space<vmem_shared>>)
      %dma_start3A_204 = arith.constant 6 : i32
      %dma_start3A_205 = arith.constant 0 : i32
      %dma_start3A_206 = tpu.memref_slice %arg8[%dma_start3A_204, %dma_start3A_205] : memref<8x128xi32, #tpu.memory_space<vmem>> -> memref<1x128xi32, #tpu.memory_space<vmem>>
      %dma_start3A_207 = tpu.memref_squeeze %dma_start3A_206 : memref<1x128xi32, #tpu.memory_space<vmem>> -> memref<128xi32, #tpu.memory_space<vmem>>
      %dma_start3A_208 = arith.constant 0 : i32
      %dma_start3A_209 = arith.constant 0 : i32
      %dma_start3A_210 = tpu.memref_slice %arg13[%dma_start3A_208, %dma_start3A_209] : memref<51200x32xf32, #tpu.memory_space<vmem_shared>> -> memref<51200x32xf32, #tpu.memory_space<vmem_shared>>
      tpu.enqueue_indirect_dma source(%arg11 : memref<128x32xf32, #tpu.memory_space<vmem>>) target(%dma_start3A_210 : memref<51200x32xf32, #tpu.memory_space<vmem_shared>>) offsets(%dma_start3A_207 : memref<128xi32, #tpu.memory_space<vmem>>) semaphore(%arg20 : memref<!tpu.dma_semaphore, #tpu.memory_space<semaphore_mem>>) {add = true}
      %dma_wait3A_211 = arith.constant 7 : i32
      %dma_wait3A_212 = arith.constant 0 : i32
      %dma_wait3A_213 = tpu.memref_slice %arg7[%dma_wait3A_211, %dma_wait3A_212] : memref<8x128xi32, #tpu.memory_space<vmem>> -> memref<1x128xi32, #tpu.memory_space<vmem>>
      %dma_wait3A_214 = tpu.memref_squeeze %dma_wait3A_213 : memref<1x128xi32, #tpu.memory_space<vmem>> -> memref<128xi32, #tpu.memory_space<vmem>>
      %dma_wait3A_215 = arith.constant 0 : i32
      %dma_wait3A_216 = arith.constant 0 : i32
      %dma_wait3A_217 = tpu.memref_slice %arg2[%dma_wait3A_215, %dma_wait3A_216] : memref<100000x32xf32, #tpu.memory_space<hbm>> -> memref<100000x32xf32, #tpu.memory_space<hbm>>
      tpu.wait_indirect_dma semaphore(%arg17 : memref<!tpu.dma_semaphore, #tpu.memory_space<semaphore_mem>>) src(%dma_wait3A_217 : memref<100000x32xf32, #tpu.memory_space<hbm>>) dst(%arg12 : memref<128x32xf32, #tpu.memory_space<vmem>>)
      %dma_wait3A_218 = arith.constant 6 : i32
      %dma_wait3A_219 = arith.constant 0 : i32
      %dma_wait3A_220 = tpu.memref_slice %arg8[%dma_wait3A_218, %dma_wait3A_219] : memref<8x128xi32, #tpu.memory_space<vmem>> -> memref<1x128xi32, #tpu.memory_space<vmem>>
      %dma_wait3A_221 = tpu.memref_squeeze %dma_wait3A_220 : memref<1x128xi32, #tpu.memory_space<vmem>> -> memref<128xi32, #tpu.memory_space<vmem>>
      %dma_wait3A_222 = arith.constant 0 : i32
      %dma_wait3A_223 = arith.constant 0 : i32
      %dma_wait3A_224 = tpu.memref_slice %arg13[%dma_wait3A_222, %dma_wait3A_223] : memref<51200x32xf32, #tpu.memory_space<vmem_shared>> -> memref<51200x32xf32, #tpu.memory_space<vmem_shared>>
      tpu.wait_indirect_dma semaphore(%arg20 : memref<!tpu.dma_semaphore, #tpu.memory_space<semaphore_mem>>) src(%arg11 : memref<128x32xf32, #tpu.memory_space<vmem>>) dst(%dma_wait3A_224 : memref<51200x32xf32, #tpu.memory_space<vmem_shared>>)
      %dma_start3A_225 = arith.constant 7 : i32
      %dma_start3A_226 = arith.constant 0 : i32
      %dma_start3A_227 = tpu.memref_slice %arg8[%dma_start3A_225, %dma_start3A_226] : memref<8x128xi32, #tpu.memory_space<vmem>> -> memref<1x128xi32, #tpu.memory_space<vmem>>
      %dma_start3A_228 = tpu.memref_squeeze %dma_start3A_227 : memref<1x128xi32, #tpu.memory_space<vmem>> -> memref<128xi32, #tpu.memory_space<vmem>>
      %dma_start3A_229 = arith.constant 0 : i32
      %dma_start3A_230 = arith.constant 0 : i32
      %dma_start3A_231 = tpu.memref_slice %arg13[%dma_start3A_229, %dma_start3A_230] : memref<51200x32xf32, #tpu.memory_space<vmem_shared>> -> memref<51200x32xf32, #tpu.memory_space<vmem_shared>>
      tpu.enqueue_indirect_dma source(%arg12 : memref<128x32xf32, #tpu.memory_space<vmem>>) target(%dma_start3A_231 : memref<51200x32xf32, #tpu.memory_space<vmem_shared>>) offsets(%dma_start3A_228 : memref<128xi32, #tpu.memory_space<vmem>>) semaphore(%arg21 : memref<!tpu.dma_semaphore, #tpu.memory_space<semaphore_mem>>) {add = true}
      %dma_wait3A_232 = arith.constant 7 : i32
      %dma_wait3A_233 = arith.constant 0 : i32
      %dma_wait3A_234 = tpu.memref_slice %arg8[%dma_wait3A_232, %dma_wait3A_233] : memref<8x128xi32, #tpu.memory_space<vmem>> -> memref<1x128xi32, #tpu.memory_space<vmem>>
      %dma_wait3A_235 = tpu.memref_squeeze %dma_wait3A_234 : memref<1x128xi32, #tpu.memory_space<vmem>> -> memref<128xi32, #tpu.memory_space<vmem>>
      %dma_wait3A_236 = arith.constant 0 : i32
      %dma_wait3A_237 = arith.constant 0 : i32
      %dma_wait3A_238 = tpu.memref_slice %arg13[%dma_wait3A_236, %dma_wait3A_237] : memref<51200x32xf32, #tpu.memory_space<vmem_shared>> -> memref<51200x32xf32, #tpu.memory_space<vmem_shared>>
      tpu.wait_indirect_dma semaphore(%arg21 : memref<!tpu.dma_semaphore, #tpu.memory_space<semaphore_mem>>) src(%arg12 : memref<128x32xf32, #tpu.memory_space<vmem>>) dst(%dma_wait3A_238 : memref<51200x32xf32, #tpu.memory_space<vmem_shared>>)
    }
    %scan3A_5 = arith.constant 49 : i32
    %barrier3A_6 = arith.constant 0 : index
    tpu.barrier barrier_id(%barrier3A_6)
    %mul3A_7 = arith.constant 3128 : i32
    %mul3A_8 = arith.muli %arg1, %mul3A_7 : i32
    %min3A = arith.constant 46872 : i32
    %min3A_9 = arith.minsi %mul3A_8, %min3A : i32
    %mul3A_10 = arith.constant 50000 : i32
    %mul3A_11 = arith.muli %arg0, %mul3A_10 : i32
    %add3A = arith.addi %mul3A_11, %min3A_9 : i32
    "tpu.region"() ({
      %run_scoped3A = tpu.sem_alloc : memref<!tpu.dma_semaphore, #tpu.memory_space<semaphore_mem>>
      %dma_start3A = arith.constant 0 : i32
      %dma_start3A_12 = tpu.memref_slice %arg6[%add3A, %dma_start3A] : memref<100000x32xf32, #tpu.memory_space<hbm>> -> memref<3128x32xf32, #tpu.memory_space<hbm>>
      %dma_start3A_13 = arith.constant 0 : i32
      %dma_start3A_14 = tpu.memref_slice %arg13[%min3A_9, %dma_start3A_13] : memref<51200x32xf32, #tpu.memory_space<vmem_shared>> -> memref<3128x32xf32, #tpu.memory_space<vmem_shared>>
      tpu.enqueue_dma source(%dma_start3A_14 : memref<3128x32xf32, #tpu.memory_space<vmem_shared>>) target(%dma_start3A_12 : memref<3128x32xf32, #tpu.memory_space<hbm>>) target_semaphore(%run_scoped3A : memref<!tpu.dma_semaphore, #tpu.memory_space<semaphore_mem>>)
      %dma_wait3A = arith.constant 0 : i32
      %dma_wait3A_15 = tpu.memref_slice %arg6[%add3A, %dma_wait3A] : memref<100000x32xf32, #tpu.memory_space<hbm>> -> memref<3128x32xf32, #tpu.memory_space<hbm>>
      %dma_wait3A_16 = arith.constant 0 : i32
      %dma_wait3A_17 = tpu.memref_slice %arg13[%min3A_9, %dma_wait3A_16] : memref<51200x32xf32, #tpu.memory_space<vmem_shared>> -> memref<3128x32xf32, #tpu.memory_space<vmem_shared>>
      tpu.wait_dma2 semaphore(%run_scoped3A : memref<!tpu.dma_semaphore, #tpu.memory_space<semaphore_mem>>) src(%dma_wait3A_17 : memref<3128x32xf32, #tpu.memory_space<vmem_shared>>) dst(%dma_wait3A_15 : memref<3128x32xf32, #tpu.memory_space<hbm>>)
      tpu.yield
    }) : () -> ()
    return
  }
}

#map = affine_map<(d0, d1) -> (0, 0)>
#map1 = affine_map<(d0, d1) -> (0, 0, 0, 0)>
#map2 = affine_map<(d0, d1) -> (0, 0, 0)>
module attributes {stable_mosaic.version = 14 : i64} {
  func.func @_segsum_body(%arg0: i32, %arg1: i32, %arg2: memref<100000x32xf32, #tpu.memory_space<hbm>>, %arg3: memref<2x16x392x128xi32, #tpu.memory_space<hbm>>, %arg4: memref<16x392x128xi32, #tpu.memory_space<hbm>>, %arg5: memref<3200x32xf32, #tpu.memory_space<hbm>>, %arg6: memref<100000x32xf32, #tpu.memory_space<hbm>>, %arg7: memref<8x128xi32, #tpu.memory_space<vmem>>, %arg8: memref<8x128xi32, #tpu.memory_space<vmem>>, %arg9: memref<128x32xf32, #tpu.memory_space<vmem>>, %arg10: memref<128x32xf32, #tpu.memory_space<vmem>>, %arg11: memref<128x32xf32, #tpu.memory_space<vmem>>, %arg12: memref<128x32xf32, #tpu.memory_space<vmem>>, %arg13: memref<51200x32xf32, #tpu.memory_space<vmem_shared>>, %arg14: memref<!tpu.dma_semaphore, #tpu.memory_space<semaphore_mem>>, %arg15: memref<!tpu.dma_semaphore, #tpu.memory_space<semaphore_mem>>, %arg16: memref<!tpu.dma_semaphore, #tpu.memory_space<semaphore_mem>>, %arg17: memref<!tpu.dma_semaphore, #tpu.memory_space<semaphore_mem>>, %arg18: memref<!tpu.dma_semaphore, #tpu.memory_space<semaphore_mem>>, %arg19: memref<!tpu.dma_semaphore, #tpu.memory_space<semaphore_mem>>, %arg20: memref<!tpu.dma_semaphore, #tpu.memory_space<semaphore_mem>>, %arg21: memref<!tpu.dma_semaphore, #tpu.memory_space<semaphore_mem>>) attributes {dimension_semantics = [#tpu.dimension_semantics<core_parallel>, #tpu.dimension_semantics<subcore_parallel>], iteration_bounds = array<i64: 2, 16>, scalar_prefetch = 0 : i64, scratch_operands = 15 : i64, tpu.core_type = #tpu.core_type<sc_vector_subcore>, window_params = [{transform_indices = #map}, {transform_indices = #map1}, {transform_indices = #map2}, {transform_indices = #map}, {transform_indices = #map}]} {
    %mul3A = arith.constant 3200 : i32
    %mul3A_0 = arith.muli %arg1, %mul3A : i32
    "tpu.region"() ({
      %run_scoped3A = tpu.sem_alloc : memref<!tpu.dma_semaphore, #tpu.memory_space<semaphore_mem>>
      %dma_start3A = arith.constant 0 : i32
      %dma_start3A_12 = tpu.memref_slice %arg13[%mul3A_0, %dma_start3A] : memref<51200x32xf32, #tpu.memory_space<vmem_shared>> -> memref<3200x32xf32, #tpu.memory_space<vmem_shared>>
      tpu.enqueue_dma source(%arg5 : memref<3200x32xf32, #tpu.memory_space<hbm>>) target(%dma_start3A_12 : memref<3200x32xf32, #tpu.memory_space<vmem_shared>>) target_semaphore(%run_scoped3A : memref<!tpu.dma_semaphore, #tpu.memory_space<semaphore_mem>>)
      %dma_wait3A = arith.constant 0 : i32
      %dma_wait3A_13 = tpu.memref_slice %arg13[%mul3A_0, %dma_wait3A] : memref<51200x32xf32, #tpu.memory_space<vmem_shared>> -> memref<3200x32xf32, #tpu.memory_space<vmem_shared>>
      tpu.wait_dma2 semaphore(%run_scoped3A : memref<!tpu.dma_semaphore, #tpu.memory_space<semaphore_mem>>) src(%arg5 : memref<3200x32xf32, #tpu.memory_space<hbm>>) dst(%dma_wait3A_13 : memref<3200x32xf32, #tpu.memory_space<vmem_shared>>)
      tpu.yield
    }) : () -> ()
    %barrier3A = arith.constant 0 : index
    tpu.barrier barrier_id(%barrier3A)
    %scan3A = arith.constant 0 : i32
    %scan3A_1 = arith.constant 0 : i32
    %scan3A_2 = arith.constant 49 : i32
    %scan3A_3 = arith.addi %scan3A_1, %scan3A_2 : i32
    %scan3A_4 = arith.constant 1 : i32
    scf.for %scan3A_12 = %scan3A_1 to %scan3A_3 step %scan3A_4  : i32 {
      %mul3A_13 = arith.constant 8 : i32
      %mul3A_14 = arith.muli %scan3A_12, %mul3A_13 : i32
      "tpu.region"() ({
        %run_scoped3A = tpu.sem_alloc : memref<!tpu.dma_semaphore, #tpu.memory_space<semaphore_mem>>
        %dma_start3A_239 = arith.constant 0 : i32
        %dma_start3A_240 = tpu.memref_slice %arg3[%arg0, %arg1, %mul3A_14, %dma_start3A_239] : memref<2x16x392x128xi32, #tpu.memory_space<hbm>> -> memref<1x1x8x128xi32, #tpu.memory_space<hbm>>
        %dma_start3A_241 = tpu.memref_squeeze %dma_start3A_240 : memref<1x1x8x128xi32, #tpu.memory_space<hbm>> -> memref<8x128xi32, #tpu.memory_space<hbm>>
        %dma_start3A_242 = arith.constant 0 : i32
        %dma_start3A_243 = tpu.memref_slice %arg3[%arg0, %arg1, %mul3A_14, %dma_start3A_242] : memref<2x16x392x128xi32, #tpu.memory_space<hbm>> -> memref<1x1x8x128xi32, #tpu.memory_space<hbm>>
        %dma_start3A_244 = tpu.memref_squeeze %dma_start3A_243 : memref<1x1x8x128xi32, #tpu.memory_space<hbm>> -> memref<8x128xi32, #tpu.memory_space<hbm>>
        tpu.enqueue_dma source(%dma_start3A_244 : memref<8x128xi32, #tpu.memory_space<hbm>>) target(%arg7 : memref<8x128xi32, #tpu.memory_space<vmem>>) target_semaphore(%run_scoped3A : memref<!tpu.dma_semaphore, #tpu.memory_space<semaphore_mem>>)
        %dma_wait3A_245 = arith.constant 0 : i32
        %dma_wait3A_246 = tpu.memref_slice %arg3[%arg0, %arg1, %mul3A_14, %dma_wait3A_245] : memref<2x16x392x128xi32, #tpu.memory_space<hbm>> -> memref<1x1x8x128xi32, #tpu.memory_space<hbm>>
        %dma_wait3A_247 = tpu.memref_squeeze %dma_wait3A_246 : memref<1x1x8x128xi32, #tpu.memory_space<hbm>> -> memref<8x128xi32, #tpu.memory_space<hbm>>
        %dma_wait3A_248 = arith.constant 0 : i32
        %dma_wait3A_249 = tpu.memref_slice %arg3[%arg0, %arg1, %mul3A_14, %dma_wait3A_248] : memref<2x16x392x128xi32, #tpu.memory_space<hbm>> -> memref<1x1x8x128xi32, #tpu.memory_space<hbm>>
        %dma_wait3A_250 = tpu.memref_squeeze %dma_wait3A_249 : memref<1x1x8x128xi32, #tpu.memory_space<hbm>> -> memref<8x128xi32, #tpu.memory_space<hbm>>
        tpu.wait_dma2 semaphore(%run_scoped3A : memref<!tpu.dma_semaphore, #tpu.memory_space<semaphore_mem>>) src(%dma_wait3A_250 : memref<8x128xi32, #tpu.memory_space<hbm>>) dst(%arg7 : memref<8x128xi32, #tpu.memory_space<vmem>>)
        tpu.yield
      }) : () -> ()
      %mul3A_15 = arith.constant 8 : i32
      %mul3A_16 = arith.muli %scan3A_12, %mul3A_15 : i32
      "tpu.region"() ({
        %run_scoped3A = tpu.sem_alloc : memref<!tpu.dma_semaphore, #tpu.memory_space<semaphore_mem>>
        %dma_start3A_239 = arith.constant 0 : i32
        %dma_start3A_240 = tpu.memref_slice %arg4[%arg1, %mul3A_16, %dma_start3A_239] : memref<16x392x128xi32, #tpu.memory_space<hbm>> -> memref<1x8x128xi32, #tpu.memory_space<hbm>>
        %dma_start3A_241 = tpu.memref_squeeze %dma_start3A_240 : memref<1x8x128xi32, #tpu.memory_space<hbm>> -> memref<8x128xi32, #tpu.memory_space<hbm>>
        %dma_start3A_242 = arith.constant 0 : i32
        %dma_start3A_243 = tpu.memref_slice %arg4[%arg1, %mul3A_16, %dma_start3A_242] : memref<16x392x128xi32, #tpu.memory_space<hbm>> -> memref<1x8x128xi32, #tpu.memory_space<hbm>>
        %dma_start3A_244 = tpu.memref_squeeze %dma_start3A_243 : memref<1x8x128xi32, #tpu.memory_space<hbm>> -> memref<8x128xi32, #tpu.memory_space<hbm>>
        tpu.enqueue_dma source(%dma_start3A_244 : memref<8x128xi32, #tpu.memory_space<hbm>>) target(%arg8 : memref<8x128xi32, #tpu.memory_space<vmem>>) target_semaphore(%run_scoped3A : memref<!tpu.dma_semaphore, #tpu.memory_space<semaphore_mem>>)
        %dma_wait3A_245 = arith.constant 0 : i32
        %dma_wait3A_246 = tpu.memref_slice %arg4[%arg1, %mul3A_16, %dma_wait3A_245] : memref<16x392x128xi32, #tpu.memory_space<hbm>> -> memref<1x8x128xi32, #tpu.memory_space<hbm>>
        %dma_wait3A_247 = tpu.memref_squeeze %dma_wait3A_246 : memref<1x8x128xi32, #tpu.memory_space<hbm>> -> memref<8x128xi32, #tpu.memory_space<hbm>>
        %dma_wait3A_248 = arith.constant 0 : i32
        %dma_wait3A_249 = tpu.memref_slice %arg4[%arg1, %mul3A_16, %dma_wait3A_248] : memref<16x392x128xi32, #tpu.memory_space<hbm>> -> memref<1x8x128xi32, #tpu.memory_space<hbm>>
        %dma_wait3A_250 = tpu.memref_squeeze %dma_wait3A_249 : memref<1x8x128xi32, #tpu.memory_space<hbm>> -> memref<8x128xi32, #tpu.memory_space<hbm>>
        tpu.wait_dma2 semaphore(%run_scoped3A : memref<!tpu.dma_semaphore, #tpu.memory_space<semaphore_mem>>) src(%dma_wait3A_250 : memref<8x128xi32, #tpu.memory_space<hbm>>) dst(%arg8 : memref<8x128xi32, #tpu.memory_space<vmem>>)
        tpu.yield
      }) : () -> ()
      %dma_start3A = arith.constant 0 : i32
      %dma_start3A_17 = arith.constant 0 : i32
      %dma_start3A_18 = tpu.memref_slice %arg7[%dma_start3A, %dma_start3A_17] : memref<8x128xi32, #tpu.memory_space<vmem>> -> memref<1x128xi32, #tpu.memory_space<vmem>>
      %dma_start3A_19 = tpu.memref_squeeze %dma_start3A_18 : memref<1x128xi32, #tpu.memory_space<vmem>> -> memref<128xi32, #tpu.memory_space<vmem>>
      %dma_start3A_20 = arith.constant 0 : i32
      %dma_start3A_21 = arith.constant 0 : i32
      %dma_start3A_22 = tpu.memref_slice %arg2[%dma_start3A_20, %dma_start3A_21] : memref<100000x32xf32, #tpu.memory_space<hbm>> -> memref<100000x32xf32, #tpu.memory_space<hbm>>
      tpu.enqueue_indirect_dma source(%dma_start3A_22 : memref<100000x32xf32, #tpu.memory_space<hbm>>) target(%arg9 : memref<128x32xf32, #tpu.memory_space<vmem>>) offsets(%dma_start3A_19 : memref<128xi32, #tpu.memory_space<vmem>>) semaphore(%arg14 : memref<!tpu.dma_semaphore, #tpu.memory_space<semaphore_mem>>)
      %dma_start3A_23 = arith.constant 1 : i32
      %dma_start3A_24 = arith.constant 0 : i32
      %dma_start3A_25 = tpu.memref_slice %arg7[%dma_start3A_23, %dma_start3A_24] : memref<8x128xi32, #tpu.memory_space<vmem>> -> memref<1x128xi32, #tpu.memory_space<vmem>>
      %dma_start3A_26 = tpu.memref_squeeze %dma_start3A_25 : memref<1x128xi32, #tpu.memory_space<vmem>> -> memref<128xi32, #tpu.memory_space<vmem>>
      %dma_start3A_27 = arith.constant 0 : i32
      %dma_start3A_28 = arith.constant 0 : i32
      %dma_start3A_29 = tpu.memref_slice %arg2[%dma_start3A_27, %dma_start3A_28] : memref<100000x32xf32, #tpu.memory_space<hbm>> -> memref<100000x32xf32, #tpu.memory_space<hbm>>
      tpu.enqueue_indirect_dma source(%dma_start3A_29 : memref<100000x32xf32, #tpu.memory_space<hbm>>) target(%arg10 : memref<128x32xf32, #tpu.memory_space<vmem>>) offsets(%dma_start3A_26 : memref<128xi32, #tpu.memory_space<vmem>>) semaphore(%arg15 : memref<!tpu.dma_semaphore, #tpu.memory_space<semaphore_mem>>)
      %dma_start3A_30 = arith.constant 2 : i32
      %dma_start3A_31 = arith.constant 0 : i32
      %dma_start3A_32 = tpu.memref_slice %arg7[%dma_start3A_30, %dma_start3A_31] : memref<8x128xi32, #tpu.memory_space<vmem>> -> memref<1x128xi32, #tpu.memory_space<vmem>>
      %dma_start3A_33 = tpu.memref_squeeze %dma_start3A_32 : memref<1x128xi32, #tpu.memory_space<vmem>> -> memref<128xi32, #tpu.memory_space<vmem>>
      %dma_start3A_34 = arith.constant 0 : i32
      %dma_start3A_35 = arith.constant 0 : i32
      %dma_start3A_36 = tpu.memref_slice %arg2[%dma_start3A_34, %dma_start3A_35] : memref<100000x32xf32, #tpu.memory_space<hbm>> -> memref<100000x32xf32, #tpu.memory_space<hbm>>
      tpu.enqueue_indirect_dma source(%dma_start3A_36 : memref<100000x32xf32, #tpu.memory_space<hbm>>) target(%arg11 : memref<128x32xf32, #tpu.memory_space<vmem>>) offsets(%dma_start3A_33 : memref<128xi32, #tpu.memory_space<vmem>>) semaphore(%arg16 : memref<!tpu.dma_semaphore, #tpu.memory_space<semaphore_mem>>)
      %dma_wait3A = arith.constant 0 : i32
      %dma_wait3A_37 = arith.constant 0 : i32
      %dma_wait3A_38 = tpu.memref_slice %arg7[%dma_wait3A, %dma_wait3A_37] : memref<8x128xi32, #tpu.memory_space<vmem>> -> memref<1x128xi32, #tpu.memory_space<vmem>>
      %dma_wait3A_39 = tpu.memref_squeeze %dma_wait3A_38 : memref<1x128xi32, #tpu.memory_space<vmem>> -> memref<128xi32, #tpu.memory_space<vmem>>
      %dma_wait3A_40 = arith.constant 0 : i32
      %dma_wait3A_41 = arith.constant 0 : i32
      %dma_wait3A_42 = tpu.memref_slice %arg2[%dma_wait3A_40, %dma_wait3A_41] : memref<100000x32xf32, #tpu.memory_space<hbm>> -> memref<100000x32xf32, #tpu.memory_space<hbm>>
      tpu.wait_indirect_dma semaphore(%arg14 : memref<!tpu.dma_semaphore, #tpu.memory_space<semaphore_mem>>) src(%dma_wait3A_42 : memref<100000x32xf32, #tpu.memory_space<hbm>>) dst(%arg9 : memref<128x32xf32, #tpu.memory_space<vmem>>)
      %dma_start3A_43 = arith.constant 0 : i32
      %dma_start3A_44 = arith.constant 0 : i32
      %dma_start3A_45 = tpu.memref_slice %arg8[%dma_start3A_43, %dma_start3A_44] : memref<8x128xi32, #tpu.memory_space<vmem>> -> memref<1x128xi32, #tpu.memory_space<vmem>>
      %dma_start3A_46 = tpu.memref_squeeze %dma_start3A_45 : memref<1x128xi32, #tpu.memory_space<vmem>> -> memref<128xi32, #tpu.memory_space<vmem>>
      %dma_start3A_47 = arith.constant 0 : i32
      %dma_start3A_48 = arith.constant 0 : i32
      %dma_start3A_49 = tpu.memref_slice %arg13[%dma_start3A_47, %dma_start3A_48] : memref<51200x32xf32, #tpu.memory_space<vmem_shared>> -> memref<51200x32xf32, #tpu.memory_space<vmem_shared>>
      tpu.enqueue_indirect_dma source(%arg9 : memref<128x32xf32, #tpu.memory_space<vmem>>) target(%dma_start3A_49 : memref<51200x32xf32, #tpu.memory_space<vmem_shared>>) offsets(%dma_start3A_46 : memref<128xi32, #tpu.memory_space<vmem>>) semaphore(%arg18 : memref<!tpu.dma_semaphore, #tpu.memory_space<semaphore_mem>>) {add = true}
      %dma_start3A_50 = arith.constant 3 : i32
      %dma_start3A_51 = arith.constant 0 : i32
      %dma_start3A_52 = tpu.memref_slice %arg7[%dma_start3A_50, %dma_start3A_51] : memref<8x128xi32, #tpu.memory_space<vmem>> -> memref<1x128xi32, #tpu.memory_space<vmem>>
      %dma_start3A_53 = tpu.memref_squeeze %dma_start3A_52 : memref<1x128xi32, #tpu.memory_space<vmem>> -> memref<128xi32, #tpu.memory_space<vmem>>
      %dma_start3A_54 = arith.constant 0 : i32
      %dma_start3A_55 = arith.constant 0 : i32
      %dma_start3A_56 = tpu.memref_slice %arg2[%dma_start3A_54, %dma_start3A_55] : memref<100000x32xf32, #tpu.memory_space<hbm>> -> memref<100000x32xf32, #tpu.memory_space<hbm>>
      tpu.enqueue_indirect_dma source(%dma_start3A_56 : memref<100000x32xf32, #tpu.memory_space<hbm>>) target(%arg12 : memref<128x32xf32, #tpu.memory_space<vmem>>) offsets(%dma_start3A_53 : memref<128xi32, #tpu.memory_space<vmem>>) semaphore(%arg17 : memref<!tpu.dma_semaphore, #tpu.memory_space<semaphore_mem>>)
      %dma_wait3A_57 = arith.constant 1 : i32
      %dma_wait3A_58 = arith.constant 0 : i32
      %dma_wait3A_59 = tpu.memref_slice %arg7[%dma_wait3A_57, %dma_wait3A_58] : memref<8x128xi32, #tpu.memory_space<vmem>> -> memref<1x128xi32, #tpu.memory_space<vmem>>
      %dma_wait3A_60 = tpu.memref_squeeze %dma_wait3A_59 : memref<1x128xi32, #tpu.memory_space<vmem>> -> memref<128xi32, #tpu.memory_space<vmem>>
      %dma_wait3A_61 = arith.constant 0 : i32
      %dma_wait3A_62 = arith.constant 0 : i32
      %dma_wait3A_63 = tpu.memref_slice %arg2[%dma_wait3A_61, %dma_wait3A_62] : memref<100000x32xf32, #tpu.memory_space<hbm>> -> memref<100000x32xf32, #tpu.memory_space<hbm>>
      tpu.wait_indirect_dma semaphore(%arg15 : memref<!tpu.dma_semaphore, #tpu.memory_space<semaphore_mem>>) src(%dma_wait3A_63 : memref<100000x32xf32, #tpu.memory_space<hbm>>) dst(%arg10 : memref<128x32xf32, #tpu.memory_space<vmem>>)
      %dma_wait3A_64 = arith.constant 0 : i32
      %dma_wait3A_65 = arith.constant 0 : i32
      %dma_wait3A_66 = tpu.memref_slice %arg8[%dma_wait3A_64, %dma_wait3A_65] : memref<8x128xi32, #tpu.memory_space<vmem>> -> memref<1x128xi32, #tpu.memory_space<vmem>>
      %dma_wait3A_67 = tpu.memref_squeeze %dma_wait3A_66 : memref<1x128xi32, #tpu.memory_space<vmem>> -> memref<128xi32, #tpu.memory_space<vmem>>
      %dma_wait3A_68 = arith.constant 0 : i32
      %dma_wait3A_69 = arith.constant 0 : i32
      %dma_wait3A_70 = tpu.memref_slice %arg13[%dma_wait3A_68, %dma_wait3A_69] : memref<51200x32xf32, #tpu.memory_space<vmem_shared>> -> memref<51200x32xf32, #tpu.memory_space<vmem_shared>>
      tpu.wait_indirect_dma semaphore(%arg18 : memref<!tpu.dma_semaphore, #tpu.memory_space<semaphore_mem>>) src(%arg9 : memref<128x32xf32, #tpu.memory_space<vmem>>) dst(%dma_wait3A_70 : memref<51200x32xf32, #tpu.memory_space<vmem_shared>>)
      %dma_start3A_71 = arith.constant 1 : i32
      %dma_start3A_72 = arith.constant 0 : i32
      %dma_start3A_73 = tpu.memref_slice %arg8[%dma_start3A_71, %dma_start3A_72] : memref<8x128xi32, #tpu.memory_space<vmem>> -> memref<1x128xi32, #tpu.memory_space<vmem>>
      %dma_start3A_74 = tpu.memref_squeeze %dma_start3A_73 : memref<1x128xi32, #tpu.memory_space<vmem>> -> memref<128xi32, #tpu.memory_space<vmem>>
      %dma_start3A_75 = arith.constant 0 : i32
      %dma_start3A_76 = arith.constant 0 : i32
      %dma_start3A_77 = tpu.memref_slice %arg13[%dma_start3A_75, %dma_start3A_76] : memref<51200x32xf32, #tpu.memory_space<vmem_shared>> -> memref<51200x32xf32, #tpu.memory_space<vmem_shared>>
      tpu.enqueue_indirect_dma source(%arg10 : memref<128x32xf32, #tpu.memory_space<vmem>>) target(%dma_start3A_77 : memref<51200x32xf32, #tpu.memory_space<vmem_shared>>) offsets(%dma_start3A_74 : memref<128xi32, #tpu.memory_space<vmem>>) semaphore(%arg19 : memref<!tpu.dma_semaphore, #tpu.memory_space<semaphore_mem>>) {add = true}
      %dma_start3A_78 = arith.constant 4 : i32
      %dma_start3A_79 = arith.constant 0 : i32
      %dma_start3A_80 = tpu.memref_slice %arg7[%dma_start3A_78, %dma_start3A_79] : memref<8x128xi32, #tpu.memory_space<vmem>> -> memref<1x128xi32, #tpu.memory_space<vmem>>
      %dma_start3A_81 = tpu.memref_squeeze %dma_start3A_80 : memref<1x128xi32, #tpu.memory_space<vmem>> -> memref<128xi32, #tpu.memory_space<vmem>>
      %dma_start3A_82 = arith.constant 0 : i32
      %dma_start3A_83 = arith.constant 0 : i32
      %dma_start3A_84 = tpu.memref_slice %arg2[%dma_start3A_82, %dma_start3A_83] : memref<100000x32xf32, #tpu.memory_space<hbm>> -> memref<100000x32xf32, #tpu.memory_space<hbm>>
      tpu.enqueue_indirect_dma source(%dma_start3A_84 : memref<100000x32xf32, #tpu.memory_space<hbm>>) target(%arg9 : memref<128x32xf32, #tpu.memory_space<vmem>>) offsets(%dma_start3A_81 : memref<128xi32, #tpu.memory_space<vmem>>) semaphore(%arg14 : memref<!tpu.dma_semaphore, #tpu.memory_space<semaphore_mem>>)
      %dma_wait3A_85 = arith.constant 2 : i32
      %dma_wait3A_86 = arith.constant 0 : i32
      %dma_wait3A_87 = tpu.memref_slice %arg7[%dma_wait3A_85, %dma_wait3A_86] : memref<8x128xi32, #tpu.memory_space<vmem>> -> memref<1x128xi32, #tpu.memory_space<vmem>>
      %dma_wait3A_88 = tpu.memref_squeeze %dma_wait3A_87 : memref<1x128xi32, #tpu.memory_space<vmem>> -> memref<128xi32, #tpu.memory_space<vmem>>
      %dma_wait3A_89 = arith.constant 0 : i32
      %dma_wait3A_90 = arith.constant 0 : i32
      %dma_wait3A_91 = tpu.memref_slice %arg2[%dma_wait3A_89, %dma_wait3A_90] : memref<100000x32xf32, #tpu.memory_space<hbm>> -> memref<100000x32xf32, #tpu.memory_space<hbm>>
      tpu.wait_indirect_dma semaphore(%arg16 : memref<!tpu.dma_semaphore, #tpu.memory_space<semaphore_mem>>) src(%dma_wait3A_91 : memref<100000x32xf32, #tpu.memory_space<hbm>>) dst(%arg11 : memref<128x32xf32, #tpu.memory_space<vmem>>)
      %dma_wait3A_92 = arith.constant 1 : i32
      %dma_wait3A_93 = arith.constant 0 : i32
      %dma_wait3A_94 = tpu.memref_slice %arg8[%dma_wait3A_92, %dma_wait3A_93] : memref<8x128xi32, #tpu.memory_space<vmem>> -> memref<1x128xi32, #tpu.memory_space<vmem>>
      %dma_wait3A_95 = tpu.memref_squeeze %dma_wait3A_94 : memref<1x128xi32, #tpu.memory_space<vmem>> -> memref<128xi32, #tpu.memory_space<vmem>>
      %dma_wait3A_96 = arith.constant 0 : i32
      %dma_wait3A_97 = arith.constant 0 : i32
      %dma_wait3A_98 = tpu.memref_slice %arg13[%dma_wait3A_96, %dma_wait3A_97] : memref<51200x32xf32, #tpu.memory_space<vmem_shared>> -> memref<51200x32xf32, #tpu.memory_space<vmem_shared>>
      tpu.wait_indirect_dma semaphore(%arg19 : memref<!tpu.dma_semaphore, #tpu.memory_space<semaphore_mem>>) src(%arg10 : memref<128x32xf32, #tpu.memory_space<vmem>>) dst(%dma_wait3A_98 : memref<51200x32xf32, #tpu.memory_space<vmem_shared>>)
      %dma_start3A_99 = arith.constant 2 : i32
      %dma_start3A_100 = arith.constant 0 : i32
      %dma_start3A_101 = tpu.memref_slice %arg8[%dma_start3A_99, %dma_start3A_100] : memref<8x128xi32, #tpu.memory_space<vmem>> -> memref<1x128xi32, #tpu.memory_space<vmem>>
      %dma_start3A_102 = tpu.memref_squeeze %dma_start3A_101 : memref<1x128xi32, #tpu.memory_space<vmem>> -> memref<128xi32, #tpu.memory_space<vmem>>
      %dma_start3A_103 = arith.constant 0 : i32
      %dma_start3A_104 = arith.constant 0 : i32
      %dma_start3A_105 = tpu.memref_slice %arg13[%dma_start3A_103, %dma_start3A_104] : memref<51200x32xf32, #tpu.memory_space<vmem_shared>> -> memref<51200x32xf32, #tpu.memory_space<vmem_shared>>
      tpu.enqueue_indirect_dma source(%arg11 : memref<128x32xf32, #tpu.memory_space<vmem>>) target(%dma_start3A_105 : memref<51200x32xf32, #tpu.memory_space<vmem_shared>>) offsets(%dma_start3A_102 : memref<128xi32, #tpu.memory_space<vmem>>) semaphore(%arg20 : memref<!tpu.dma_semaphore, #tpu.memory_space<semaphore_mem>>) {add = true}
      %dma_start3A_106 = arith.constant 5 : i32
      %dma_start3A_107 = arith.constant 0 : i32
      %dma_start3A_108 = tpu.memref_slice %arg7[%dma_start3A_106, %dma_start3A_107] : memref<8x128xi32, #tpu.memory_space<vmem>> -> memref<1x128xi32, #tpu.memory_space<vmem>>
      %dma_start3A_109 = tpu.memref_squeeze %dma_start3A_108 : memref<1x128xi32, #tpu.memory_space<vmem>> -> memref<128xi32, #tpu.memory_space<vmem>>
      %dma_start3A_110 = arith.constant 0 : i32
      %dma_start3A_111 = arith.constant 0 : i32
      %dma_start3A_112 = tpu.memref_slice %arg2[%dma_start3A_110, %dma_start3A_111] : memref<100000x32xf32, #tpu.memory_space<hbm>> -> memref<100000x32xf32, #tpu.memory_space<hbm>>
      tpu.enqueue_indirect_dma source(%dma_start3A_112 : memref<100000x32xf32, #tpu.memory_space<hbm>>) target(%arg10 : memref<128x32xf32, #tpu.memory_space<vmem>>) offsets(%dma_start3A_109 : memref<128xi32, #tpu.memory_space<vmem>>) semaphore(%arg15 : memref<!tpu.dma_semaphore, #tpu.memory_space<semaphore_mem>>)
      %dma_wait3A_113 = arith.constant 3 : i32
      %dma_wait3A_114 = arith.constant 0 : i32
      %dma_wait3A_115 = tpu.memref_slice %arg7[%dma_wait3A_113, %dma_wait3A_114] : memref<8x128xi32, #tpu.memory_space<vmem>> -> memref<1x128xi32, #tpu.memory_space<vmem>>
      %dma_wait3A_116 = tpu.memref_squeeze %dma_wait3A_115 : memref<1x128xi32, #tpu.memory_space<vmem>> -> memref<128xi32, #tpu.memory_space<vmem>>
      %dma_wait3A_117 = arith.constant 0 : i32
      %dma_wait3A_118 = arith.constant 0 : i32
      %dma_wait3A_119 = tpu.memref_slice %arg2[%dma_wait3A_117, %dma_wait3A_118] : memref<100000x32xf32, #tpu.memory_space<hbm>> -> memref<100000x32xf32, #tpu.memory_space<hbm>>
      tpu.wait_indirect_dma semaphore(%arg17 : memref<!tpu.dma_semaphore, #tpu.memory_space<semaphore_mem>>) src(%dma_wait3A_119 : memref<100000x32xf32, #tpu.memory_space<hbm>>) dst(%arg12 : memref<128x32xf32, #tpu.memory_space<vmem>>)
      %dma_wait3A_120 = arith.constant 2 : i32
      %dma_wait3A_121 = arith.constant 0 : i32
      %dma_wait3A_122 = tpu.memref_slice %arg8[%dma_wait3A_120, %dma_wait3A_121] : memref<8x128xi32, #tpu.memory_space<vmem>> -> memref<1x128xi32, #tpu.memory_space<vmem>>
      %dma_wait3A_123 = tpu.memref_squeeze %dma_wait3A_122 : memref<1x128xi32, #tpu.memory_space<vmem>> -> memref<128xi32, #tpu.memory_space<vmem>>
      %dma_wait3A_124 = arith.constant 0 : i32
      %dma_wait3A_125 = arith.constant 0 : i32
      %dma_wait3A_126 = tpu.memref_slice %arg13[%dma_wait3A_124, %dma_wait3A_125] : memref<51200x32xf32, #tpu.memory_space<vmem_shared>> -> memref<51200x32xf32, #tpu.memory_space<vmem_shared>>
      tpu.wait_indirect_dma semaphore(%arg20 : memref<!tpu.dma_semaphore, #tpu.memory_space<semaphore_mem>>) src(%arg11 : memref<128x32xf32, #tpu.memory_space<vmem>>) dst(%dma_wait3A_126 : memref<51200x32xf32, #tpu.memory_space<vmem_shared>>)
      %dma_start3A_127 = arith.constant 3 : i32
      %dma_start3A_128 = arith.constant 0 : i32
      %dma_start3A_129 = tpu.memref_slice %arg8[%dma_start3A_127, %dma_start3A_128] : memref<8x128xi32, #tpu.memory_space<vmem>> -> memref<1x128xi32, #tpu.memory_space<vmem>>
      %dma_start3A_130 = tpu.memref_squeeze %dma_start3A_129 : memref<1x128xi32, #tpu.memory_space<vmem>> -> memref<128xi32, #tpu.memory_space<vmem>>
      %dma_start3A_131 = arith.constant 0 : i32
      %dma_start3A_132 = arith.constant 0 : i32
      %dma_start3A_133 = tpu.memref_slice %arg13[%dma_start3A_131, %dma_start3A_132] : memref<51200x32xf32, #tpu.memory_space<vmem_shared>> -> memref<51200x32xf32, #tpu.memory_space<vmem_shared>>
      tpu.enqueue_indirect_dma source(%arg12 : memref<128x32xf32, #tpu.memory_space<vmem>>) target(%dma_start3A_133 : memref<51200x32xf32, #tpu.memory_space<vmem_shared>>) offsets(%dma_start3A_130 : memref<128xi32, #tpu.memory_space<vmem>>) semaphore(%arg21 : memref<!tpu.dma_semaphore, #tpu.memory_space<semaphore_mem>>) {add = true}
      %dma_start3A_134 = arith.constant 6 : i32
      %dma_start3A_135 = arith.constant 0 : i32
      %dma_start3A_136 = tpu.memref_slice %arg7[%dma_start3A_134, %dma_start3A_135] : memref<8x128xi32, #tpu.memory_space<vmem>> -> memref<1x128xi32, #tpu.memory_space<vmem>>
      %dma_start3A_137 = tpu.memref_squeeze %dma_start3A_136 : memref<1x128xi32, #tpu.memory_space<vmem>> -> memref<128xi32, #tpu.memory_space<vmem>>
      %dma_start3A_138 = arith.constant 0 : i32
      %dma_start3A_139 = arith.constant 0 : i32
      %dma_start3A_140 = tpu.memref_slice %arg2[%dma_start3A_138, %dma_start3A_139] : memref<100000x32xf32, #tpu.memory_space<hbm>> -> memref<100000x32xf32, #tpu.memory_space<hbm>>
      tpu.enqueue_indirect_dma source(%dma_start3A_140 : memref<100000x32xf32, #tpu.memory_space<hbm>>) target(%arg11 : memref<128x32xf32, #tpu.memory_space<vmem>>) offsets(%dma_start3A_137 : memref<128xi32, #tpu.memory_space<vmem>>) semaphore(%arg16 : memref<!tpu.dma_semaphore, #tpu.memory_space<semaphore_mem>>)
      %dma_wait3A_141 = arith.constant 4 : i32
      %dma_wait3A_142 = arith.constant 0 : i32
      %dma_wait3A_143 = tpu.memref_slice %arg7[%dma_wait3A_141, %dma_wait3A_142] : memref<8x128xi32, #tpu.memory_space<vmem>> -> memref<1x128xi32, #tpu.memory_space<vmem>>
      %dma_wait3A_144 = tpu.memref_squeeze %dma_wait3A_143 : memref<1x128xi32, #tpu.memory_space<vmem>> -> memref<128xi32, #tpu.memory_space<vmem>>
      %dma_wait3A_145 = arith.constant 0 : i32
      %dma_wait3A_146 = arith.constant 0 : i32
      %dma_wait3A_147 = tpu.memref_slice %arg2[%dma_wait3A_145, %dma_wait3A_146] : memref<100000x32xf32, #tpu.memory_space<hbm>> -> memref<100000x32xf32, #tpu.memory_space<hbm>>
      tpu.wait_indirect_dma semaphore(%arg14 : memref<!tpu.dma_semaphore, #tpu.memory_space<semaphore_mem>>) src(%dma_wait3A_147 : memref<100000x32xf32, #tpu.memory_space<hbm>>) dst(%arg9 : memref<128x32xf32, #tpu.memory_space<vmem>>)
      %dma_wait3A_148 = arith.constant 3 : i32
      %dma_wait3A_149 = arith.constant 0 : i32
      %dma_wait3A_150 = tpu.memref_slice %arg8[%dma_wait3A_148, %dma_wait3A_149] : memref<8x128xi32, #tpu.memory_space<vmem>> -> memref<1x128xi32, #tpu.memory_space<vmem>>
      %dma_wait3A_151 = tpu.memref_squeeze %dma_wait3A_150 : memref<1x128xi32, #tpu.memory_space<vmem>> -> memref<128xi32, #tpu.memory_space<vmem>>
      %dma_wait3A_152 = arith.constant 0 : i32
      %dma_wait3A_153 = arith.constant 0 : i32
      %dma_wait3A_154 = tpu.memref_slice %arg13[%dma_wait3A_152, %dma_wait3A_153] : memref<51200x32xf32, #tpu.memory_space<vmem_shared>> -> memref<51200x32xf32, #tpu.memory_space<vmem_shared>>
      tpu.wait_indirect_dma semaphore(%arg21 : memref<!tpu.dma_semaphore, #tpu.memory_space<semaphore_mem>>) src(%arg12 : memref<128x32xf32, #tpu.memory_space<vmem>>) dst(%dma_wait3A_154 : memref<51200x32xf32, #tpu.memory_space<vmem_shared>>)
      %dma_start3A_155 = arith.constant 4 : i32
      %dma_start3A_156 = arith.constant 0 : i32
      %dma_start3A_157 = tpu.memref_slice %arg8[%dma_start3A_155, %dma_start3A_156] : memref<8x128xi32, #tpu.memory_space<vmem>> -> memref<1x128xi32, #tpu.memory_space<vmem>>
      %dma_start3A_158 = tpu.memref_squeeze %dma_start3A_157 : memref<1x128xi32, #tpu.memory_space<vmem>> -> memref<128xi32, #tpu.memory_space<vmem>>
      %dma_start3A_159 = arith.constant 0 : i32
      %dma_start3A_160 = arith.constant 0 : i32
      %dma_start3A_161 = tpu.memref_slice %arg13[%dma_start3A_159, %dma_start3A_160] : memref<51200x32xf32, #tpu.memory_space<vmem_shared>> -> memref<51200x32xf32, #tpu.memory_space<vmem_shared>>
      tpu.enqueue_indirect_dma source(%arg9 : memref<128x32xf32, #tpu.memory_space<vmem>>) target(%dma_start3A_161 : memref<51200x32xf32, #tpu.memory_space<vmem_shared>>) offsets(%dma_start3A_158 : memref<128xi32, #tpu.memory_space<vmem>>) semaphore(%arg18 : memref<!tpu.dma_semaphore, #tpu.memory_space<semaphore_mem>>) {add = true}
      %dma_start3A_162 = arith.constant 7 : i32
      %dma_start3A_163 = arith.constant 0 : i32
      %dma_start3A_164 = tpu.memref_slice %arg7[%dma_start3A_162, %dma_start3A_163] : memref<8x128xi32, #tpu.memory_space<vmem>> -> memref<1x128xi32, #tpu.memory_space<vmem>>
      %dma_start3A_165 = tpu.memref_squeeze %dma_start3A_164 : memref<1x128xi32, #tpu.memory_space<vmem>> -> memref<128xi32, #tpu.memory_space<vmem>>
      %dma_start3A_166 = arith.constant 0 : i32
      %dma_start3A_167 = arith.constant 0 : i32
      %dma_start3A_168 = tpu.memref_slice %arg2[%dma_start3A_166, %dma_start3A_167] : memref<100000x32xf32, #tpu.memory_space<hbm>> -> memref<100000x32xf32, #tpu.memory_space<hbm>>
      tpu.enqueue_indirect_dma source(%dma_start3A_168 : memref<100000x32xf32, #tpu.memory_space<hbm>>) target(%arg12 : memref<128x32xf32, #tpu.memory_space<vmem>>) offsets(%dma_start3A_165 : memref<128xi32, #tpu.memory_space<vmem>>) semaphore(%arg17 : memref<!tpu.dma_semaphore, #tpu.memory_space<semaphore_mem>>)
      %dma_wait3A_169 = arith.constant 5 : i32
      %dma_wait3A_170 = arith.constant 0 : i32
      %dma_wait3A_171 = tpu.memref_slice %arg7[%dma_wait3A_169, %dma_wait3A_170] : memref<8x128xi32, #tpu.memory_space<vmem>> -> memref<1x128xi32, #tpu.memory_space<vmem>>
      %dma_wait3A_172 = tpu.memref_squeeze %dma_wait3A_171 : memref<1x128xi32, #tpu.memory_space<vmem>> -> memref<128xi32, #tpu.memory_space<vmem>>
      %dma_wait3A_173 = arith.constant 0 : i32
      %dma_wait3A_174 = arith.constant 0 : i32
      %dma_wait3A_175 = tpu.memref_slice %arg2[%dma_wait3A_173, %dma_wait3A_174] : memref<100000x32xf32, #tpu.memory_space<hbm>> -> memref<100000x32xf32, #tpu.memory_space<hbm>>
      tpu.wait_indirect_dma semaphore(%arg15 : memref<!tpu.dma_semaphore, #tpu.memory_space<semaphore_mem>>) src(%dma_wait3A_175 : memref<100000x32xf32, #tpu.memory_space<hbm>>) dst(%arg10 : memref<128x32xf32, #tpu.memory_space<vmem>>)
      %dma_wait3A_176 = arith.constant 4 : i32
      %dma_wait3A_177 = arith.constant 0 : i32
      %dma_wait3A_178 = tpu.memref_slice %arg8[%dma_wait3A_176, %dma_wait3A_177] : memref<8x128xi32, #tpu.memory_space<vmem>> -> memref<1x128xi32, #tpu.memory_space<vmem>>
      %dma_wait3A_179 = tpu.memref_squeeze %dma_wait3A_178 : memref<1x128xi32, #tpu.memory_space<vmem>> -> memref<128xi32, #tpu.memory_space<vmem>>
      %dma_wait3A_180 = arith.constant 0 : i32
      %dma_wait3A_181 = arith.constant 0 : i32
      %dma_wait3A_182 = tpu.memref_slice %arg13[%dma_wait3A_180, %dma_wait3A_181] : memref<51200x32xf32, #tpu.memory_space<vmem_shared>> -> memref<51200x32xf32, #tpu.memory_space<vmem_shared>>
      tpu.wait_indirect_dma semaphore(%arg18 : memref<!tpu.dma_semaphore, #tpu.memory_space<semaphore_mem>>) src(%arg9 : memref<128x32xf32, #tpu.memory_space<vmem>>) dst(%dma_wait3A_182 : memref<51200x32xf32, #tpu.memory_space<vmem_shared>>)
      %dma_start3A_183 = arith.constant 5 : i32
      %dma_start3A_184 = arith.constant 0 : i32
      %dma_start3A_185 = tpu.memref_slice %arg8[%dma_start3A_183, %dma_start3A_184] : memref<8x128xi32, #tpu.memory_space<vmem>> -> memref<1x128xi32, #tpu.memory_space<vmem>>
      %dma_start3A_186 = tpu.memref_squeeze %dma_start3A_185 : memref<1x128xi32, #tpu.memory_space<vmem>> -> memref<128xi32, #tpu.memory_space<vmem>>
      %dma_start3A_187 = arith.constant 0 : i32
      %dma_start3A_188 = arith.constant 0 : i32
      %dma_start3A_189 = tpu.memref_slice %arg13[%dma_start3A_187, %dma_start3A_188] : memref<51200x32xf32, #tpu.memory_space<vmem_shared>> -> memref<51200x32xf32, #tpu.memory_space<vmem_shared>>
      tpu.enqueue_indirect_dma source(%arg10 : memref<128x32xf32, #tpu.memory_space<vmem>>) target(%dma_start3A_189 : memref<51200x32xf32, #tpu.memory_space<vmem_shared>>) offsets(%dma_start3A_186 : memref<128xi32, #tpu.memory_space<vmem>>) semaphore(%arg19 : memref<!tpu.dma_semaphore, #tpu.memory_space<semaphore_mem>>) {add = true}
      %dma_wait3A_190 = arith.constant 6 : i32
      %dma_wait3A_191 = arith.constant 0 : i32
      %dma_wait3A_192 = tpu.memref_slice %arg7[%dma_wait3A_190, %dma_wait3A_191] : memref<8x128xi32, #tpu.memory_space<vmem>> -> memref<1x128xi32, #tpu.memory_space<vmem>>
      %dma_wait3A_193 = tpu.memref_squeeze %dma_wait3A_192 : memref<1x128xi32, #tpu.memory_space<vmem>> -> memref<128xi32, #tpu.memory_space<vmem>>
      %dma_wait3A_194 = arith.constant 0 : i32
      %dma_wait3A_195 = arith.constant 0 : i32
      %dma_wait3A_196 = tpu.memref_slice %arg2[%dma_wait3A_194, %dma_wait3A_195] : memref<100000x32xf32, #tpu.memory_space<hbm>> -> memref<100000x32xf32, #tpu.memory_space<hbm>>
      tpu.wait_indirect_dma semaphore(%arg16 : memref<!tpu.dma_semaphore, #tpu.memory_space<semaphore_mem>>) src(%dma_wait3A_196 : memref<100000x32xf32, #tpu.memory_space<hbm>>) dst(%arg11 : memref<128x32xf32, #tpu.memory_space<vmem>>)
      %dma_wait3A_197 = arith.constant 5 : i32
      %dma_wait3A_198 = arith.constant 0 : i32
      %dma_wait3A_199 = tpu.memref_slice %arg8[%dma_wait3A_197, %dma_wait3A_198] : memref<8x128xi32, #tpu.memory_space<vmem>> -> memref<1x128xi32, #tpu.memory_space<vmem>>
      %dma_wait3A_200 = tpu.memref_squeeze %dma_wait3A_199 : memref<1x128xi32, #tpu.memory_space<vmem>> -> memref<128xi32, #tpu.memory_space<vmem>>
      %dma_wait3A_201 = arith.constant 0 : i32
      %dma_wait3A_202 = arith.constant 0 : i32
      %dma_wait3A_203 = tpu.memref_slice %arg13[%dma_wait3A_201, %dma_wait3A_202] : memref<51200x32xf32, #tpu.memory_space<vmem_shared>> -> memref<51200x32xf32, #tpu.memory_space<vmem_shared>>
      tpu.wait_indirect_dma semaphore(%arg19 : memref<!tpu.dma_semaphore, #tpu.memory_space<semaphore_mem>>) src(%arg10 : memref<128x32xf32, #tpu.memory_space<vmem>>) dst(%dma_wait3A_203 : memref<51200x32xf32, #tpu.memory_space<vmem_shared>>)
      %dma_start3A_204 = arith.constant 6 : i32
      %dma_start3A_205 = arith.constant 0 : i32
      %dma_start3A_206 = tpu.memref_slice %arg8[%dma_start3A_204, %dma_start3A_205] : memref<8x128xi32, #tpu.memory_space<vmem>> -> memref<1x128xi32, #tpu.memory_space<vmem>>
      %dma_start3A_207 = tpu.memref_squeeze %dma_start3A_206 : memref<1x128xi32, #tpu.memory_space<vmem>> -> memref<128xi32, #tpu.memory_space<vmem>>
      %dma_start3A_208 = arith.constant 0 : i32
      %dma_start3A_209 = arith.constant 0 : i32
      %dma_start3A_210 = tpu.memref_slice %arg13[%dma_start3A_208, %dma_start3A_209] : memref<51200x32xf32, #tpu.memory_space<vmem_shared>> -> memref<51200x32xf32, #tpu.memory_space<vmem_shared>>
      tpu.enqueue_indirect_dma source(%arg11 : memref<128x32xf32, #tpu.memory_space<vmem>>) target(%dma_start3A_210 : memref<51200x32xf32, #tpu.memory_space<vmem_shared>>) offsets(%dma_start3A_207 : memref<128xi32, #tpu.memory_space<vmem>>) semaphore(%arg20 : memref<!tpu.dma_semaphore, #tpu.memory_space<semaphore_mem>>) {add = true}
      %dma_wait3A_211 = arith.constant 7 : i32
      %dma_wait3A_212 = arith.constant 0 : i32
      %dma_wait3A_213 = tpu.memref_slice %arg7[%dma_wait3A_211, %dma_wait3A_212] : memref<8x128xi32, #tpu.memory_space<vmem>> -> memref<1x128xi32, #tpu.memory_space<vmem>>
      %dma_wait3A_214 = tpu.memref_squeeze %dma_wait3A_213 : memref<1x128xi32, #tpu.memory_space<vmem>> -> memref<128xi32, #tpu.memory_space<vmem>>
      %dma_wait3A_215 = arith.constant 0 : i32
      %dma_wait3A_216 = arith.constant 0 : i32
      %dma_wait3A_217 = tpu.memref_slice %arg2[%dma_wait3A_215, %dma_wait3A_216] : memref<100000x32xf32, #tpu.memory_space<hbm>> -> memref<100000x32xf32, #tpu.memory_space<hbm>>
      tpu.wait_indirect_dma semaphore(%arg17 : memref<!tpu.dma_semaphore, #tpu.memory_space<semaphore_mem>>) src(%dma_wait3A_217 : memref<100000x32xf32, #tpu.memory_space<hbm>>) dst(%arg12 : memref<128x32xf32, #tpu.memory_space<vmem>>)
      %dma_wait3A_218 = arith.constant 6 : i32
      %dma_wait3A_219 = arith.constant 0 : i32
      %dma_wait3A_220 = tpu.memref_slice %arg8[%dma_wait3A_218, %dma_wait3A_219] : memref<8x128xi32, #tpu.memory_space<vmem>> -> memref<1x128xi32, #tpu.memory_space<vmem>>
      %dma_wait3A_221 = tpu.memref_squeeze %dma_wait3A_220 : memref<1x128xi32, #tpu.memory_space<vmem>> -> memref<128xi32, #tpu.memory_space<vmem>>
      %dma_wait3A_222 = arith.constant 0 : i32
      %dma_wait3A_223 = arith.constant 0 : i32
      %dma_wait3A_224 = tpu.memref_slice %arg13[%dma_wait3A_222, %dma_wait3A_223] : memref<51200x32xf32, #tpu.memory_space<vmem_shared>> -> memref<51200x32xf32, #tpu.memory_space<vmem_shared>>
      tpu.wait_indirect_dma semaphore(%arg20 : memref<!tpu.dma_semaphore, #tpu.memory_space<semaphore_mem>>) src(%arg11 : memref<128x32xf32, #tpu.memory_space<vmem>>) dst(%dma_wait3A_224 : memref<51200x32xf32, #tpu.memory_space<vmem_shared>>)
      %dma_start3A_225 = arith.constant 7 : i32
      %dma_start3A_226 = arith.constant 0 : i32
      %dma_start3A_227 = tpu.memref_slice %arg8[%dma_start3A_225, %dma_start3A_226] : memref<8x128xi32, #tpu.memory_space<vmem>> -> memref<1x128xi32, #tpu.memory_space<vmem>>
      %dma_start3A_228 = tpu.memref_squeeze %dma_start3A_227 : memref<1x128xi32, #tpu.memory_space<vmem>> -> memref<128xi32, #tpu.memory_space<vmem>>
      %dma_start3A_229 = arith.constant 0 : i32
      %dma_start3A_230 = arith.constant 0 : i32
      %dma_start3A_231 = tpu.memref_slice %arg13[%dma_start3A_229, %dma_start3A_230] : memref<51200x32xf32, #tpu.memory_space<vmem_shared>> -> memref<51200x32xf32, #tpu.memory_space<vmem_shared>>
      tpu.enqueue_indirect_dma source(%arg12 : memref<128x32xf32, #tpu.memory_space<vmem>>) target(%dma_start3A_231 : memref<51200x32xf32, #tpu.memory_space<vmem_shared>>) offsets(%dma_start3A_228 : memref<128xi32, #tpu.memory_space<vmem>>) semaphore(%arg21 : memref<!tpu.dma_semaphore, #tpu.memory_space<semaphore_mem>>) {add = true}
      %dma_wait3A_232 = arith.constant 7 : i32
      %dma_wait3A_233 = arith.constant 0 : i32
      %dma_wait3A_234 = tpu.memref_slice %arg8[%dma_wait3A_232, %dma_wait3A_233] : memref<8x128xi32, #tpu.memory_space<vmem>> -> memref<1x128xi32, #tpu.memory_space<vmem>>
      %dma_wait3A_235 = tpu.memref_squeeze %dma_wait3A_234 : memref<1x128xi32, #tpu.memory_space<vmem>> -> memref<128xi32, #tpu.memory_space<vmem>>
      %dma_wait3A_236 = arith.constant 0 : i32
      %dma_wait3A_237 = arith.constant 0 : i32
      %dma_wait3A_238 = tpu.memref_slice %arg13[%dma_wait3A_236, %dma_wait3A_237] : memref<51200x32xf32, #tpu.memory_space<vmem_shared>> -> memref<51200x32xf32, #tpu.memory_space<vmem_shared>>
      tpu.wait_indirect_dma semaphore(%arg21 : memref<!tpu.dma_semaphore, #tpu.memory_space<semaphore_mem>>) src(%arg12 : memref<128x32xf32, #tpu.memory_space<vmem>>) dst(%dma_wait3A_238 : memref<51200x32xf32, #tpu.memory_space<vmem_shared>>)
    }
    %scan3A_5 = arith.constant 49 : i32
    %barrier3A_6 = arith.constant 0 : index
    tpu.barrier barrier_id(%barrier3A_6)
    %mul3A_7 = arith.constant 3128 : i32
    %mul3A_8 = arith.muli %arg1, %mul3A_7 : i32
    %min3A = arith.constant 46872 : i32
    %min3A_9 = arith.minsi %mul3A_8, %min3A : i32
    %mul3A_10 = arith.constant 50000 : i32
    %mul3A_11 = arith.muli %arg0, %mul3A_10 : i32
    %add3A = arith.addi %mul3A_11, %min3A_9 : i32
    "tpu.region"() ({
      %run_scoped3A = tpu.sem_alloc : memref<!tpu.dma_semaphore, #tpu.memory_space<semaphore_mem>>
      %dma_start3A = arith.constant 0 : i32
      %dma_start3A_12 = tpu.memref_slice %arg6[%add3A, %dma_start3A] : memref<100000x32xf32, #tpu.memory_space<hbm>> -> memref<3128x32xf32, #tpu.memory_space<hbm>>
      %dma_start3A_13 = arith.constant 0 : i32
      %dma_start3A_14 = tpu.memref_slice %arg13[%min3A_9, %dma_start3A_13] : memref<51200x32xf32, #tpu.memory_space<vmem_shared>> -> memref<3128x32xf32, #tpu.memory_space<vmem_shared>>
      tpu.enqueue_dma source(%dma_start3A_14 : memref<3128x32xf32, #tpu.memory_space<vmem_shared>>) target(%dma_start3A_12 : memref<3128x32xf32, #tpu.memory_space<hbm>>) target_semaphore(%run_scoped3A : memref<!tpu.dma_semaphore, #tpu.memory_space<semaphore_mem>>)
      %dma_wait3A = arith.constant 0 : i32
      %dma_wait3A_15 = tpu.memref_slice %arg6[%add3A, %dma_wait3A] : memref<100000x32xf32, #tpu.memory_space<hbm>> -> memref<3128x32xf32, #tpu.memory_space<hbm>>
      %dma_wait3A_16 = arith.constant 0 : i32
      %dma_wait3A_17 = tpu.memref_slice %arg13[%min3A_9, %dma_wait3A_16] : memref<51200x32xf32, #tpu.memory_space<vmem_shared>> -> memref<3128x32xf32, #tpu.memory_space<vmem_shared>>
      tpu.wait_dma2 semaphore(%run_scoped3A : memref<!tpu.dma_semaphore, #tpu.memory_space<semaphore_mem>>) src(%dma_wait3A_17 : memref<3128x32xf32, #tpu.memory_space<vmem_shared>>) dst(%dma_wait3A_15 : memref<3128x32xf32, #tpu.memory_space<hbm>>)
      tpu.yield
    }) : () -> ()
    return
  }
}

#map = affine_map<(d0, d1) -> (0, 0)>
#map1 = affine_map<(d0, d1) -> (0, 0, 0, 0)>
#map2 = affine_map<(d0, d1) -> (0, 0, 0)>
module attributes {stable_mosaic.version = 14 : i64} {
  func.func @_segsum_body(%arg0: i32, %arg1: i32, %arg2: memref<100000x32xf32, #tpu.memory_space<hbm>>, %arg3: memref<2x16x392x128xi32, #tpu.memory_space<hbm>>, %arg4: memref<16x392x128xi32, #tpu.memory_space<hbm>>, %arg5: memref<3200x32xf32, #tpu.memory_space<hbm>>, %arg6: memref<100000x32xf32, #tpu.memory_space<hbm>>, %arg7: memref<8x128xi32, #tpu.memory_space<vmem>>, %arg8: memref<8x128xi32, #tpu.memory_space<vmem>>, %arg9: memref<128x32xf32, #tpu.memory_space<vmem>>, %arg10: memref<128x32xf32, #tpu.memory_space<vmem>>, %arg11: memref<128x32xf32, #tpu.memory_space<vmem>>, %arg12: memref<128x32xf32, #tpu.memory_space<vmem>>, %arg13: memref<51200x32xf32, #tpu.memory_space<vmem_shared>>, %arg14: memref<!tpu.dma_semaphore, #tpu.memory_space<semaphore_mem>>, %arg15: memref<!tpu.dma_semaphore, #tpu.memory_space<semaphore_mem>>, %arg16: memref<!tpu.dma_semaphore, #tpu.memory_space<semaphore_mem>>, %arg17: memref<!tpu.dma_semaphore, #tpu.memory_space<semaphore_mem>>, %arg18: memref<!tpu.dma_semaphore, #tpu.memory_space<semaphore_mem>>, %arg19: memref<!tpu.dma_semaphore, #tpu.memory_space<semaphore_mem>>, %arg20: memref<!tpu.dma_semaphore, #tpu.memory_space<semaphore_mem>>, %arg21: memref<!tpu.dma_semaphore, #tpu.memory_space<semaphore_mem>>) attributes {dimension_semantics = [#tpu.dimension_semantics<core_parallel>, #tpu.dimension_semantics<subcore_parallel>], iteration_bounds = array<i64: 2, 16>, scalar_prefetch = 0 : i64, scratch_operands = 15 : i64, tpu.core_type = #tpu.core_type<sc_vector_subcore>, window_params = [{transform_indices = #map}, {transform_indices = #map1}, {transform_indices = #map2}, {transform_indices = #map}, {transform_indices = #map}]} {
    %mul3A = arith.constant 3200 : i32
    %mul3A_0 = arith.muli %arg1, %mul3A : i32
    "tpu.region"() ({
      %run_scoped3A = tpu.sem_alloc : memref<!tpu.dma_semaphore, #tpu.memory_space<semaphore_mem>>
      %dma_start3A = arith.constant 0 : i32
      %dma_start3A_12 = tpu.memref_slice %arg13[%mul3A_0, %dma_start3A] : memref<51200x32xf32, #tpu.memory_space<vmem_shared>> -> memref<3200x32xf32, #tpu.memory_space<vmem_shared>>
      tpu.enqueue_dma source(%arg5 : memref<3200x32xf32, #tpu.memory_space<hbm>>) target(%dma_start3A_12 : memref<3200x32xf32, #tpu.memory_space<vmem_shared>>) target_semaphore(%run_scoped3A : memref<!tpu.dma_semaphore, #tpu.memory_space<semaphore_mem>>)
      %dma_wait3A = arith.constant 0 : i32
      %dma_wait3A_13 = tpu.memref_slice %arg13[%mul3A_0, %dma_wait3A] : memref<51200x32xf32, #tpu.memory_space<vmem_shared>> -> memref<3200x32xf32, #tpu.memory_space<vmem_shared>>
      tpu.wait_dma2 semaphore(%run_scoped3A : memref<!tpu.dma_semaphore, #tpu.memory_space<semaphore_mem>>) src(%arg5 : memref<3200x32xf32, #tpu.memory_space<hbm>>) dst(%dma_wait3A_13 : memref<3200x32xf32, #tpu.memory_space<vmem_shared>>)
      tpu.yield
    }) : () -> ()
    %barrier3A = arith.constant 0 : index
    tpu.barrier barrier_id(%barrier3A)
    %scan3A = arith.constant 0 : i32
    %scan3A_1 = arith.constant 0 : i32
    %scan3A_2 = arith.constant 49 : i32
    %scan3A_3 = arith.addi %scan3A_1, %scan3A_2 : i32
    %scan3A_4 = arith.constant 1 : i32
    scf.for %scan3A_12 = %scan3A_1 to %scan3A_3 step %scan3A_4  : i32 {
      %mul3A_13 = arith.constant 8 : i32
      %mul3A_14 = arith.muli %scan3A_12, %mul3A_13 : i32
      "tpu.region"() ({
        %run_scoped3A = tpu.sem_alloc : memref<!tpu.dma_semaphore, #tpu.memory_space<semaphore_mem>>
        %dma_start3A_239 = arith.constant 0 : i32
        %dma_start3A_240 = tpu.memref_slice %arg3[%arg0, %arg1, %mul3A_14, %dma_start3A_239] : memref<2x16x392x128xi32, #tpu.memory_space<hbm>> -> memref<1x1x8x128xi32, #tpu.memory_space<hbm>>
        %dma_start3A_241 = tpu.memref_squeeze %dma_start3A_240 : memref<1x1x8x128xi32, #tpu.memory_space<hbm>> -> memref<8x128xi32, #tpu.memory_space<hbm>>
        %dma_start3A_242 = arith.constant 0 : i32
        %dma_start3A_243 = tpu.memref_slice %arg3[%arg0, %arg1, %mul3A_14, %dma_start3A_242] : memref<2x16x392x128xi32, #tpu.memory_space<hbm>> -> memref<1x1x8x128xi32, #tpu.memory_space<hbm>>
        %dma_start3A_244 = tpu.memref_squeeze %dma_start3A_243 : memref<1x1x8x128xi32, #tpu.memory_space<hbm>> -> memref<8x128xi32, #tpu.memory_space<hbm>>
        tpu.enqueue_dma source(%dma_start3A_244 : memref<8x128xi32, #tpu.memory_space<hbm>>) target(%arg7 : memref<8x128xi32, #tpu.memory_space<vmem>>) target_semaphore(%run_scoped3A : memref<!tpu.dma_semaphore, #tpu.memory_space<semaphore_mem>>)
        %dma_wait3A_245 = arith.constant 0 : i32
        %dma_wait3A_246 = tpu.memref_slice %arg3[%arg0, %arg1, %mul3A_14, %dma_wait3A_245] : memref<2x16x392x128xi32, #tpu.memory_space<hbm>> -> memref<1x1x8x128xi32, #tpu.memory_space<hbm>>
        %dma_wait3A_247 = tpu.memref_squeeze %dma_wait3A_246 : memref<1x1x8x128xi32, #tpu.memory_space<hbm>> -> memref<8x128xi32, #tpu.memory_space<hbm>>
        %dma_wait3A_248 = arith.constant 0 : i32
        %dma_wait3A_249 = tpu.memref_slice %arg3[%arg0, %arg1, %mul3A_14, %dma_wait3A_248] : memref<2x16x392x128xi32, #tpu.memory_space<hbm>> -> memref<1x1x8x128xi32, #tpu.memory_space<hbm>>
        %dma_wait3A_250 = tpu.memref_squeeze %dma_wait3A_249 : memref<1x1x8x128xi32, #tpu.memory_space<hbm>> -> memref<8x128xi32, #tpu.memory_space<hbm>>
        tpu.wait_dma2 semaphore(%run_scoped3A : memref<!tpu.dma_semaphore, #tpu.memory_space<semaphore_mem>>) src(%dma_wait3A_250 : memref<8x128xi32, #tpu.memory_space<hbm>>) dst(%arg7 : memref<8x128xi32, #tpu.memory_space<vmem>>)
        tpu.yield
      }) : () -> ()
      %mul3A_15 = arith.constant 8 : i32
      %mul3A_16 = arith.muli %scan3A_12, %mul3A_15 : i32
      "tpu.region"() ({
        %run_scoped3A = tpu.sem_alloc : memref<!tpu.dma_semaphore, #tpu.memory_space<semaphore_mem>>
        %dma_start3A_239 = arith.constant 0 : i32
        %dma_start3A_240 = tpu.memref_slice %arg4[%arg1, %mul3A_16, %dma_start3A_239] : memref<16x392x128xi32, #tpu.memory_space<hbm>> -> memref<1x8x128xi32, #tpu.memory_space<hbm>>
        %dma_start3A_241 = tpu.memref_squeeze %dma_start3A_240 : memref<1x8x128xi32, #tpu.memory_space<hbm>> -> memref<8x128xi32, #tpu.memory_space<hbm>>
        %dma_start3A_242 = arith.constant 0 : i32
        %dma_start3A_243 = tpu.memref_slice %arg4[%arg1, %mul3A_16, %dma_start3A_242] : memref<16x392x128xi32, #tpu.memory_space<hbm>> -> memref<1x8x128xi32, #tpu.memory_space<hbm>>
        %dma_start3A_244 = tpu.memref_squeeze %dma_start3A_243 : memref<1x8x128xi32, #tpu.memory_space<hbm>> -> memref<8x128xi32, #tpu.memory_space<hbm>>
        tpu.enqueue_dma source(%dma_start3A_244 : memref<8x128xi32, #tpu.memory_space<hbm>>) target(%arg8 : memref<8x128xi32, #tpu.memory_space<vmem>>) target_semaphore(%run_scoped3A : memref<!tpu.dma_semaphore, #tpu.memory_space<semaphore_mem>>)
        %dma_wait3A_245 = arith.constant 0 : i32
        %dma_wait3A_246 = tpu.memref_slice %arg4[%arg1, %mul3A_16, %dma_wait3A_245] : memref<16x392x128xi32, #tpu.memory_space<hbm>> -> memref<1x8x128xi32, #tpu.memory_space<hbm>>
        %dma_wait3A_247 = tpu.memref_squeeze %dma_wait3A_246 : memref<1x8x128xi32, #tpu.memory_space<hbm>> -> memref<8x128xi32, #tpu.memory_space<hbm>>
        %dma_wait3A_248 = arith.constant 0 : i32
        %dma_wait3A_249 = tpu.memref_slice %arg4[%arg1, %mul3A_16, %dma_wait3A_248] : memref<16x392x128xi32, #tpu.memory_space<hbm>> -> memref<1x8x128xi32, #tpu.memory_space<hbm>>
        %dma_wait3A_250 = tpu.memref_squeeze %dma_wait3A_249 : memref<1x8x128xi32, #tpu.memory_space<hbm>> -> memref<8x128xi32, #tpu.memory_space<hbm>>
        tpu.wait_dma2 semaphore(%run_scoped3A : memref<!tpu.dma_semaphore, #tpu.memory_space<semaphore_mem>>) src(%dma_wait3A_250 : memref<8x128xi32, #tpu.memory_space<hbm>>) dst(%arg8 : memref<8x128xi32, #tpu.memory_space<vmem>>)
        tpu.yield
      }) : () -> ()
      %dma_start3A = arith.constant 0 : i32
      %dma_start3A_17 = arith.constant 0 : i32
      %dma_start3A_18 = tpu.memref_slice %arg7[%dma_start3A, %dma_start3A_17] : memref<8x128xi32, #tpu.memory_space<vmem>> -> memref<1x128xi32, #tpu.memory_space<vmem>>
      %dma_start3A_19 = tpu.memref_squeeze %dma_start3A_18 : memref<1x128xi32, #tpu.memory_space<vmem>> -> memref<128xi32, #tpu.memory_space<vmem>>
      %dma_start3A_20 = arith.constant 0 : i32
      %dma_start3A_21 = arith.constant 0 : i32
      %dma_start3A_22 = tpu.memref_slice %arg2[%dma_start3A_20, %dma_start3A_21] : memref<100000x32xf32, #tpu.memory_space<hbm>> -> memref<100000x32xf32, #tpu.memory_space<hbm>>
      tpu.enqueue_indirect_dma source(%dma_start3A_22 : memref<100000x32xf32, #tpu.memory_space<hbm>>) target(%arg9 : memref<128x32xf32, #tpu.memory_space<vmem>>) offsets(%dma_start3A_19 : memref<128xi32, #tpu.memory_space<vmem>>) semaphore(%arg14 : memref<!tpu.dma_semaphore, #tpu.memory_space<semaphore_mem>>)
      %dma_start3A_23 = arith.constant 1 : i32
      %dma_start3A_24 = arith.constant 0 : i32
      %dma_start3A_25 = tpu.memref_slice %arg7[%dma_start3A_23, %dma_start3A_24] : memref<8x128xi32, #tpu.memory_space<vmem>> -> memref<1x128xi32, #tpu.memory_space<vmem>>
      %dma_start3A_26 = tpu.memref_squeeze %dma_start3A_25 : memref<1x128xi32, #tpu.memory_space<vmem>> -> memref<128xi32, #tpu.memory_space<vmem>>
      %dma_start3A_27 = arith.constant 0 : i32
      %dma_start3A_28 = arith.constant 0 : i32
      %dma_start3A_29 = tpu.memref_slice %arg2[%dma_start3A_27, %dma_start3A_28] : memref<100000x32xf32, #tpu.memory_space<hbm>> -> memref<100000x32xf32, #tpu.memory_space<hbm>>
      tpu.enqueue_indirect_dma source(%dma_start3A_29 : memref<100000x32xf32, #tpu.memory_space<hbm>>) target(%arg10 : memref<128x32xf32, #tpu.memory_space<vmem>>) offsets(%dma_start3A_26 : memref<128xi32, #tpu.memory_space<vmem>>) semaphore(%arg15 : memref<!tpu.dma_semaphore, #tpu.memory_space<semaphore_mem>>)
      %dma_start3A_30 = arith.constant 2 : i32
      %dma_start3A_31 = arith.constant 0 : i32
      %dma_start3A_32 = tpu.memref_slice %arg7[%dma_start3A_30, %dma_start3A_31] : memref<8x128xi32, #tpu.memory_space<vmem>> -> memref<1x128xi32, #tpu.memory_space<vmem>>
      %dma_start3A_33 = tpu.memref_squeeze %dma_start3A_32 : memref<1x128xi32, #tpu.memory_space<vmem>> -> memref<128xi32, #tpu.memory_space<vmem>>
      %dma_start3A_34 = arith.constant 0 : i32
      %dma_start3A_35 = arith.constant 0 : i32
      %dma_start3A_36 = tpu.memref_slice %arg2[%dma_start3A_34, %dma_start3A_35] : memref<100000x32xf32, #tpu.memory_space<hbm>> -> memref<100000x32xf32, #tpu.memory_space<hbm>>
      tpu.enqueue_indirect_dma source(%dma_start3A_36 : memref<100000x32xf32, #tpu.memory_space<hbm>>) target(%arg11 : memref<128x32xf32, #tpu.memory_space<vmem>>) offsets(%dma_start3A_33 : memref<128xi32, #tpu.memory_space<vmem>>) semaphore(%arg16 : memref<!tpu.dma_semaphore, #tpu.memory_space<semaphore_mem>>)
      %dma_wait3A = arith.constant 0 : i32
      %dma_wait3A_37 = arith.constant 0 : i32
      %dma_wait3A_38 = tpu.memref_slice %arg7[%dma_wait3A, %dma_wait3A_37] : memref<8x128xi32, #tpu.memory_space<vmem>> -> memref<1x128xi32, #tpu.memory_space<vmem>>
      %dma_wait3A_39 = tpu.memref_squeeze %dma_wait3A_38 : memref<1x128xi32, #tpu.memory_space<vmem>> -> memref<128xi32, #tpu.memory_space<vmem>>
      %dma_wait3A_40 = arith.constant 0 : i32
      %dma_wait3A_41 = arith.constant 0 : i32
      %dma_wait3A_42 = tpu.memref_slice %arg2[%dma_wait3A_40, %dma_wait3A_41] : memref<100000x32xf32, #tpu.memory_space<hbm>> -> memref<100000x32xf32, #tpu.memory_space<hbm>>
      tpu.wait_indirect_dma semaphore(%arg14 : memref<!tpu.dma_semaphore, #tpu.memory_space<semaphore_mem>>) src(%dma_wait3A_42 : memref<100000x32xf32, #tpu.memory_space<hbm>>) dst(%arg9 : memref<128x32xf32, #tpu.memory_space<vmem>>)
      %dma_start3A_43 = arith.constant 0 : i32
      %dma_start3A_44 = arith.constant 0 : i32
      %dma_start3A_45 = tpu.memref_slice %arg8[%dma_start3A_43, %dma_start3A_44] : memref<8x128xi32, #tpu.memory_space<vmem>> -> memref<1x128xi32, #tpu.memory_space<vmem>>
      %dma_start3A_46 = tpu.memref_squeeze %dma_start3A_45 : memref<1x128xi32, #tpu.memory_space<vmem>> -> memref<128xi32, #tpu.memory_space<vmem>>
      %dma_start3A_47 = arith.constant 0 : i32
      %dma_start3A_48 = arith.constant 0 : i32
      %dma_start3A_49 = tpu.memref_slice %arg13[%dma_start3A_47, %dma_start3A_48] : memref<51200x32xf32, #tpu.memory_space<vmem_shared>> -> memref<51200x32xf32, #tpu.memory_space<vmem_shared>>
      tpu.enqueue_indirect_dma source(%arg9 : memref<128x32xf32, #tpu.memory_space<vmem>>) target(%dma_start3A_49 : memref<51200x32xf32, #tpu.memory_space<vmem_shared>>) offsets(%dma_start3A_46 : memref<128xi32, #tpu.memory_space<vmem>>) semaphore(%arg18 : memref<!tpu.dma_semaphore, #tpu.memory_space<semaphore_mem>>) {add = true}
      %dma_start3A_50 = arith.constant 3 : i32
      %dma_start3A_51 = arith.constant 0 : i32
      %dma_start3A_52 = tpu.memref_slice %arg7[%dma_start3A_50, %dma_start3A_51] : memref<8x128xi32, #tpu.memory_space<vmem>> -> memref<1x128xi32, #tpu.memory_space<vmem>>
      %dma_start3A_53 = tpu.memref_squeeze %dma_start3A_52 : memref<1x128xi32, #tpu.memory_space<vmem>> -> memref<128xi32, #tpu.memory_space<vmem>>
      %dma_start3A_54 = arith.constant 0 : i32
      %dma_start3A_55 = arith.constant 0 : i32
      %dma_start3A_56 = tpu.memref_slice %arg2[%dma_start3A_54, %dma_start3A_55] : memref<100000x32xf32, #tpu.memory_space<hbm>> -> memref<100000x32xf32, #tpu.memory_space<hbm>>
      tpu.enqueue_indirect_dma source(%dma_start3A_56 : memref<100000x32xf32, #tpu.memory_space<hbm>>) target(%arg12 : memref<128x32xf32, #tpu.memory_space<vmem>>) offsets(%dma_start3A_53 : memref<128xi32, #tpu.memory_space<vmem>>) semaphore(%arg17 : memref<!tpu.dma_semaphore, #tpu.memory_space<semaphore_mem>>)
      %dma_wait3A_57 = arith.constant 1 : i32
      %dma_wait3A_58 = arith.constant 0 : i32
      %dma_wait3A_59 = tpu.memref_slice %arg7[%dma_wait3A_57, %dma_wait3A_58] : memref<8x128xi32, #tpu.memory_space<vmem>> -> memref<1x128xi32, #tpu.memory_space<vmem>>
      %dma_wait3A_60 = tpu.memref_squeeze %dma_wait3A_59 : memref<1x128xi32, #tpu.memory_space<vmem>> -> memref<128xi32, #tpu.memory_space<vmem>>
      %dma_wait3A_61 = arith.constant 0 : i32
      %dma_wait3A_62 = arith.constant 0 : i32
      %dma_wait3A_63 = tpu.memref_slice %arg2[%dma_wait3A_61, %dma_wait3A_62] : memref<100000x32xf32, #tpu.memory_space<hbm>> -> memref<100000x32xf32, #tpu.memory_space<hbm>>
      tpu.wait_indirect_dma semaphore(%arg15 : memref<!tpu.dma_semaphore, #tpu.memory_space<semaphore_mem>>) src(%dma_wait3A_63 : memref<100000x32xf32, #tpu.memory_space<hbm>>) dst(%arg10 : memref<128x32xf32, #tpu.memory_space<vmem>>)
      %dma_wait3A_64 = arith.constant 0 : i32
      %dma_wait3A_65 = arith.constant 0 : i32
      %dma_wait3A_66 = tpu.memref_slice %arg8[%dma_wait3A_64, %dma_wait3A_65] : memref<8x128xi32, #tpu.memory_space<vmem>> -> memref<1x128xi32, #tpu.memory_space<vmem>>
      %dma_wait3A_67 = tpu.memref_squeeze %dma_wait3A_66 : memref<1x128xi32, #tpu.memory_space<vmem>> -> memref<128xi32, #tpu.memory_space<vmem>>
      %dma_wait3A_68 = arith.constant 0 : i32
      %dma_wait3A_69 = arith.constant 0 : i32
      %dma_wait3A_70 = tpu.memref_slice %arg13[%dma_wait3A_68, %dma_wait3A_69] : memref<51200x32xf32, #tpu.memory_space<vmem_shared>> -> memref<51200x32xf32, #tpu.memory_space<vmem_shared>>
      tpu.wait_indirect_dma semaphore(%arg18 : memref<!tpu.dma_semaphore, #tpu.memory_space<semaphore_mem>>) src(%arg9 : memref<128x32xf32, #tpu.memory_space<vmem>>) dst(%dma_wait3A_70 : memref<51200x32xf32, #tpu.memory_space<vmem_shared>>)
      %dma_start3A_71 = arith.constant 1 : i32
      %dma_start3A_72 = arith.constant 0 : i32
      %dma_start3A_73 = tpu.memref_slice %arg8[%dma_start3A_71, %dma_start3A_72] : memref<8x128xi32, #tpu.memory_space<vmem>> -> memref<1x128xi32, #tpu.memory_space<vmem>>
      %dma_start3A_74 = tpu.memref_squeeze %dma_start3A_73 : memref<1x128xi32, #tpu.memory_space<vmem>> -> memref<128xi32, #tpu.memory_space<vmem>>
      %dma_start3A_75 = arith.constant 0 : i32
      %dma_start3A_76 = arith.constant 0 : i32
      %dma_start3A_77 = tpu.memref_slice %arg13[%dma_start3A_75, %dma_start3A_76] : memref<51200x32xf32, #tpu.memory_space<vmem_shared>> -> memref<51200x32xf32, #tpu.memory_space<vmem_shared>>
      tpu.enqueue_indirect_dma source(%arg10 : memref<128x32xf32, #tpu.memory_space<vmem>>) target(%dma_start3A_77 : memref<51200x32xf32, #tpu.memory_space<vmem_shared>>) offsets(%dma_start3A_74 : memref<128xi32, #tpu.memory_space<vmem>>) semaphore(%arg19 : memref<!tpu.dma_semaphore, #tpu.memory_space<semaphore_mem>>) {add = true}
      %dma_start3A_78 = arith.constant 4 : i32
      %dma_start3A_79 = arith.constant 0 : i32
      %dma_start3A_80 = tpu.memref_slice %arg7[%dma_start3A_78, %dma_start3A_79] : memref<8x128xi32, #tpu.memory_space<vmem>> -> memref<1x128xi32, #tpu.memory_space<vmem>>
      %dma_start3A_81 = tpu.memref_squeeze %dma_start3A_80 : memref<1x128xi32, #tpu.memory_space<vmem>> -> memref<128xi32, #tpu.memory_space<vmem>>
      %dma_start3A_82 = arith.constant 0 : i32
      %dma_start3A_83 = arith.constant 0 : i32
      %dma_start3A_84 = tpu.memref_slice %arg2[%dma_start3A_82, %dma_start3A_83] : memref<100000x32xf32, #tpu.memory_space<hbm>> -> memref<100000x32xf32, #tpu.memory_space<hbm>>
      tpu.enqueue_indirect_dma source(%dma_start3A_84 : memref<100000x32xf32, #tpu.memory_space<hbm>>) target(%arg9 : memref<128x32xf32, #tpu.memory_space<vmem>>) offsets(%dma_start3A_81 : memref<128xi32, #tpu.memory_space<vmem>>) semaphore(%arg14 : memref<!tpu.dma_semaphore, #tpu.memory_space<semaphore_mem>>)
      %dma_wait3A_85 = arith.constant 2 : i32
      %dma_wait3A_86 = arith.constant 0 : i32
      %dma_wait3A_87 = tpu.memref_slice %arg7[%dma_wait3A_85, %dma_wait3A_86] : memref<8x128xi32, #tpu.memory_space<vmem>> -> memref<1x128xi32, #tpu.memory_space<vmem>>
      %dma_wait3A_88 = tpu.memref_squeeze %dma_wait3A_87 : memref<1x128xi32, #tpu.memory_space<vmem>> -> memref<128xi32, #tpu.memory_space<vmem>>
      %dma_wait3A_89 = arith.constant 0 : i32
      %dma_wait3A_90 = arith.constant 0 : i32
      %dma_wait3A_91 = tpu.memref_slice %arg2[%dma_wait3A_89, %dma_wait3A_90] : memref<100000x32xf32, #tpu.memory_space<hbm>> -> memref<100000x32xf32, #tpu.memory_space<hbm>>
      tpu.wait_indirect_dma semaphore(%arg16 : memref<!tpu.dma_semaphore, #tpu.memory_space<semaphore_mem>>) src(%dma_wait3A_91 : memref<100000x32xf32, #tpu.memory_space<hbm>>) dst(%arg11 : memref<128x32xf32, #tpu.memory_space<vmem>>)
      %dma_wait3A_92 = arith.constant 1 : i32
      %dma_wait3A_93 = arith.constant 0 : i32
      %dma_wait3A_94 = tpu.memref_slice %arg8[%dma_wait3A_92, %dma_wait3A_93] : memref<8x128xi32, #tpu.memory_space<vmem>> -> memref<1x128xi32, #tpu.memory_space<vmem>>
      %dma_wait3A_95 = tpu.memref_squeeze %dma_wait3A_94 : memref<1x128xi32, #tpu.memory_space<vmem>> -> memref<128xi32, #tpu.memory_space<vmem>>
      %dma_wait3A_96 = arith.constant 0 : i32
      %dma_wait3A_97 = arith.constant 0 : i32
      %dma_wait3A_98 = tpu.memref_slice %arg13[%dma_wait3A_96, %dma_wait3A_97] : memref<51200x32xf32, #tpu.memory_space<vmem_shared>> -> memref<51200x32xf32, #tpu.memory_space<vmem_shared>>
      tpu.wait_indirect_dma semaphore(%arg19 : memref<!tpu.dma_semaphore, #tpu.memory_space<semaphore_mem>>) src(%arg10 : memref<128x32xf32, #tpu.memory_space<vmem>>) dst(%dma_wait3A_98 : memref<51200x32xf32, #tpu.memory_space<vmem_shared>>)
      %dma_start3A_99 = arith.constant 2 : i32
      %dma_start3A_100 = arith.constant 0 : i32
      %dma_start3A_101 = tpu.memref_slice %arg8[%dma_start3A_99, %dma_start3A_100] : memref<8x128xi32, #tpu.memory_space<vmem>> -> memref<1x128xi32, #tpu.memory_space<vmem>>
      %dma_start3A_102 = tpu.memref_squeeze %dma_start3A_101 : memref<1x128xi32, #tpu.memory_space<vmem>> -> memref<128xi32, #tpu.memory_space<vmem>>
      %dma_start3A_103 = arith.constant 0 : i32
      %dma_start3A_104 = arith.constant 0 : i32
      %dma_start3A_105 = tpu.memref_slice %arg13[%dma_start3A_103, %dma_start3A_104] : memref<51200x32xf32, #tpu.memory_space<vmem_shared>> -> memref<51200x32xf32, #tpu.memory_space<vmem_shared>>
      tpu.enqueue_indirect_dma source(%arg11 : memref<128x32xf32, #tpu.memory_space<vmem>>) target(%dma_start3A_105 : memref<51200x32xf32, #tpu.memory_space<vmem_shared>>) offsets(%dma_start3A_102 : memref<128xi32, #tpu.memory_space<vmem>>) semaphore(%arg20 : memref<!tpu.dma_semaphore, #tpu.memory_space<semaphore_mem>>) {add = true}
      %dma_start3A_106 = arith.constant 5 : i32
      %dma_start3A_107 = arith.constant 0 : i32
      %dma_start3A_108 = tpu.memref_slice %arg7[%dma_start3A_106, %dma_start3A_107] : memref<8x128xi32, #tpu.memory_space<vmem>> -> memref<1x128xi32, #tpu.memory_space<vmem>>
      %dma_start3A_109 = tpu.memref_squeeze %dma_start3A_108 : memref<1x128xi32, #tpu.memory_space<vmem>> -> memref<128xi32, #tpu.memory_space<vmem>>
      %dma_start3A_110 = arith.constant 0 : i32
      %dma_start3A_111 = arith.constant 0 : i32
      %dma_start3A_112 = tpu.memref_slice %arg2[%dma_start3A_110, %dma_start3A_111] : memref<100000x32xf32, #tpu.memory_space<hbm>> -> memref<100000x32xf32, #tpu.memory_space<hbm>>
      tpu.enqueue_indirect_dma source(%dma_start3A_112 : memref<100000x32xf32, #tpu.memory_space<hbm>>) target(%arg10 : memref<128x32xf32, #tpu.memory_space<vmem>>) offsets(%dma_start3A_109 : memref<128xi32, #tpu.memory_space<vmem>>) semaphore(%arg15 : memref<!tpu.dma_semaphore, #tpu.memory_space<semaphore_mem>>)
      %dma_wait3A_113 = arith.constant 3 : i32
      %dma_wait3A_114 = arith.constant 0 : i32
      %dma_wait3A_115 = tpu.memref_slice %arg7[%dma_wait3A_113, %dma_wait3A_114] : memref<8x128xi32, #tpu.memory_space<vmem>> -> memref<1x128xi32, #tpu.memory_space<vmem>>
      %dma_wait3A_116 = tpu.memref_squeeze %dma_wait3A_115 : memref<1x128xi32, #tpu.memory_space<vmem>> -> memref<128xi32, #tpu.memory_space<vmem>>
      %dma_wait3A_117 = arith.constant 0 : i32
      %dma_wait3A_118 = arith.constant 0 : i32
      %dma_wait3A_119 = tpu.memref_slice %arg2[%dma_wait3A_117, %dma_wait3A_118] : memref<100000x32xf32, #tpu.memory_space<hbm>> -> memref<100000x32xf32, #tpu.memory_space<hbm>>
      tpu.wait_indirect_dma semaphore(%arg17 : memref<!tpu.dma_semaphore, #tpu.memory_space<semaphore_mem>>) src(%dma_wait3A_119 : memref<100000x32xf32, #tpu.memory_space<hbm>>) dst(%arg12 : memref<128x32xf32, #tpu.memory_space<vmem>>)
      %dma_wait3A_120 = arith.constant 2 : i32
      %dma_wait3A_121 = arith.constant 0 : i32
      %dma_wait3A_122 = tpu.memref_slice %arg8[%dma_wait3A_120, %dma_wait3A_121] : memref<8x128xi32, #tpu.memory_space<vmem>> -> memref<1x128xi32, #tpu.memory_space<vmem>>
      %dma_wait3A_123 = tpu.memref_squeeze %dma_wait3A_122 : memref<1x128xi32, #tpu.memory_space<vmem>> -> memref<128xi32, #tpu.memory_space<vmem>>
      %dma_wait3A_124 = arith.constant 0 : i32
      %dma_wait3A_125 = arith.constant 0 : i32
      %dma_wait3A_126 = tpu.memref_slice %arg13[%dma_wait3A_124, %dma_wait3A_125] : memref<51200x32xf32, #tpu.memory_space<vmem_shared>> -> memref<51200x32xf32, #tpu.memory_space<vmem_shared>>
      tpu.wait_indirect_dma semaphore(%arg20 : memref<!tpu.dma_semaphore, #tpu.memory_space<semaphore_mem>>) src(%arg11 : memref<128x32xf32, #tpu.memory_space<vmem>>) dst(%dma_wait3A_126 : memref<51200x32xf32, #tpu.memory_space<vmem_shared>>)
      %dma_start3A_127 = arith.constant 3 : i32
      %dma_start3A_128 = arith.constant 0 : i32
      %dma_start3A_129 = tpu.memref_slice %arg8[%dma_start3A_127, %dma_start3A_128] : memref<8x128xi32, #tpu.memory_space<vmem>> -> memref<1x128xi32, #tpu.memory_space<vmem>>
      %dma_start3A_130 = tpu.memref_squeeze %dma_start3A_129 : memref<1x128xi32, #tpu.memory_space<vmem>> -> memref<128xi32, #tpu.memory_space<vmem>>
      %dma_start3A_131 = arith.constant 0 : i32
      %dma_start3A_132 = arith.constant 0 : i32
      %dma_start3A_133 = tpu.memref_slice %arg13[%dma_start3A_131, %dma_start3A_132] : memref<51200x32xf32, #tpu.memory_space<vmem_shared>> -> memref<51200x32xf32, #tpu.memory_space<vmem_shared>>
      tpu.enqueue_indirect_dma source(%arg12 : memref<128x32xf32, #tpu.memory_space<vmem>>) target(%dma_start3A_133 : memref<51200x32xf32, #tpu.memory_space<vmem_shared>>) offsets(%dma_start3A_130 : memref<128xi32, #tpu.memory_space<vmem>>) semaphore(%arg21 : memref<!tpu.dma_semaphore, #tpu.memory_space<semaphore_mem>>) {add = true}
      %dma_start3A_134 = arith.constant 6 : i32
      %dma_start3A_135 = arith.constant 0 : i32
      %dma_start3A_136 = tpu.memref_slice %arg7[%dma_start3A_134, %dma_start3A_135] : memref<8x128xi32, #tpu.memory_space<vmem>> -> memref<1x128xi32, #tpu.memory_space<vmem>>
      %dma_start3A_137 = tpu.memref_squeeze %dma_start3A_136 : memref<1x128xi32, #tpu.memory_space<vmem>> -> memref<128xi32, #tpu.memory_space<vmem>>
      %dma_start3A_138 = arith.constant 0 : i32
      %dma_start3A_139 = arith.constant 0 : i32
      %dma_start3A_140 = tpu.memref_slice %arg2[%dma_start3A_138, %dma_start3A_139] : memref<100000x32xf32, #tpu.memory_space<hbm>> -> memref<100000x32xf32, #tpu.memory_space<hbm>>
      tpu.enqueue_indirect_dma source(%dma_start3A_140 : memref<100000x32xf32, #tpu.memory_space<hbm>>) target(%arg11 : memref<128x32xf32, #tpu.memory_space<vmem>>) offsets(%dma_start3A_137 : memref<128xi32, #tpu.memory_space<vmem>>) semaphore(%arg16 : memref<!tpu.dma_semaphore, #tpu.memory_space<semaphore_mem>>)
      %dma_wait3A_141 = arith.constant 4 : i32
      %dma_wait3A_142 = arith.constant 0 : i32
      %dma_wait3A_143 = tpu.memref_slice %arg7[%dma_wait3A_141, %dma_wait3A_142] : memref<8x128xi32, #tpu.memory_space<vmem>> -> memref<1x128xi32, #tpu.memory_space<vmem>>
      %dma_wait3A_144 = tpu.memref_squeeze %dma_wait3A_143 : memref<1x128xi32, #tpu.memory_space<vmem>> -> memref<128xi32, #tpu.memory_space<vmem>>
      %dma_wait3A_145 = arith.constant 0 : i32
      %dma_wait3A_146 = arith.constant 0 : i32
      %dma_wait3A_147 = tpu.memref_slice %arg2[%dma_wait3A_145, %dma_wait3A_146] : memref<100000x32xf32, #tpu.memory_space<hbm>> -> memref<100000x32xf32, #tpu.memory_space<hbm>>
      tpu.wait_indirect_dma semaphore(%arg14 : memref<!tpu.dma_semaphore, #tpu.memory_space<semaphore_mem>>) src(%dma_wait3A_147 : memref<100000x32xf32, #tpu.memory_space<hbm>>) dst(%arg9 : memref<128x32xf32, #tpu.memory_space<vmem>>)
      %dma_wait3A_148 = arith.constant 3 : i32
      %dma_wait3A_149 = arith.constant 0 : i32
      %dma_wait3A_150 = tpu.memref_slice %arg8[%dma_wait3A_148, %dma_wait3A_149] : memref<8x128xi32, #tpu.memory_space<vmem>> -> memref<1x128xi32, #tpu.memory_space<vmem>>
      %dma_wait3A_151 = tpu.memref_squeeze %dma_wait3A_150 : memref<1x128xi32, #tpu.memory_space<vmem>> -> memref<128xi32, #tpu.memory_space<vmem>>
      %dma_wait3A_152 = arith.constant 0 : i32
      %dma_wait3A_153 = arith.constant 0 : i32
      %dma_wait3A_154 = tpu.memref_slice %arg13[%dma_wait3A_152, %dma_wait3A_153] : memref<51200x32xf32, #tpu.memory_space<vmem_shared>> -> memref<51200x32xf32, #tpu.memory_space<vmem_shared>>
      tpu.wait_indirect_dma semaphore(%arg21 : memref<!tpu.dma_semaphore, #tpu.memory_space<semaphore_mem>>) src(%arg12 : memref<128x32xf32, #tpu.memory_space<vmem>>) dst(%dma_wait3A_154 : memref<51200x32xf32, #tpu.memory_space<vmem_shared>>)
      %dma_start3A_155 = arith.constant 4 : i32
      %dma_start3A_156 = arith.constant 0 : i32
      %dma_start3A_157 = tpu.memref_slice %arg8[%dma_start3A_155, %dma_start3A_156] : memref<8x128xi32, #tpu.memory_space<vmem>> -> memref<1x128xi32, #tpu.memory_space<vmem>>
      %dma_start3A_158 = tpu.memref_squeeze %dma_start3A_157 : memref<1x128xi32, #tpu.memory_space<vmem>> -> memref<128xi32, #tpu.memory_space<vmem>>
      %dma_start3A_159 = arith.constant 0 : i32
      %dma_start3A_160 = arith.constant 0 : i32
      %dma_start3A_161 = tpu.memref_slice %arg13[%dma_start3A_159, %dma_start3A_160] : memref<51200x32xf32, #tpu.memory_space<vmem_shared>> -> memref<51200x32xf32, #tpu.memory_space<vmem_shared>>
      tpu.enqueue_indirect_dma source(%arg9 : memref<128x32xf32, #tpu.memory_space<vmem>>) target(%dma_start3A_161 : memref<51200x32xf32, #tpu.memory_space<vmem_shared>>) offsets(%dma_start3A_158 : memref<128xi32, #tpu.memory_space<vmem>>) semaphore(%arg18 : memref<!tpu.dma_semaphore, #tpu.memory_space<semaphore_mem>>) {add = true}
      %dma_start3A_162 = arith.constant 7 : i32
      %dma_start3A_163 = arith.constant 0 : i32
      %dma_start3A_164 = tpu.memref_slice %arg7[%dma_start3A_162, %dma_start3A_163] : memref<8x128xi32, #tpu.memory_space<vmem>> -> memref<1x128xi32, #tpu.memory_space<vmem>>
      %dma_start3A_165 = tpu.memref_squeeze %dma_start3A_164 : memref<1x128xi32, #tpu.memory_space<vmem>> -> memref<128xi32, #tpu.memory_space<vmem>>
      %dma_start3A_166 = arith.constant 0 : i32
      %dma_start3A_167 = arith.constant 0 : i32
      %dma_start3A_168 = tpu.memref_slice %arg2[%dma_start3A_166, %dma_start3A_167] : memref<100000x32xf32, #tpu.memory_space<hbm>> -> memref<100000x32xf32, #tpu.memory_space<hbm>>
      tpu.enqueue_indirect_dma source(%dma_start3A_168 : memref<100000x32xf32, #tpu.memory_space<hbm>>) target(%arg12 : memref<128x32xf32, #tpu.memory_space<vmem>>) offsets(%dma_start3A_165 : memref<128xi32, #tpu.memory_space<vmem>>) semaphore(%arg17 : memref<!tpu.dma_semaphore, #tpu.memory_space<semaphore_mem>>)
      %dma_wait3A_169 = arith.constant 5 : i32
      %dma_wait3A_170 = arith.constant 0 : i32
      %dma_wait3A_171 = tpu.memref_slice %arg7[%dma_wait3A_169, %dma_wait3A_170] : memref<8x128xi32, #tpu.memory_space<vmem>> -> memref<1x128xi32, #tpu.memory_space<vmem>>
      %dma_wait3A_172 = tpu.memref_squeeze %dma_wait3A_171 : memref<1x128xi32, #tpu.memory_space<vmem>> -> memref<128xi32, #tpu.memory_space<vmem>>
      %dma_wait3A_173 = arith.constant 0 : i32
      %dma_wait3A_174 = arith.constant 0 : i32
      %dma_wait3A_175 = tpu.memref_slice %arg2[%dma_wait3A_173, %dma_wait3A_174] : memref<100000x32xf32, #tpu.memory_space<hbm>> -> memref<100000x32xf32, #tpu.memory_space<hbm>>
      tpu.wait_indirect_dma semaphore(%arg15 : memref<!tpu.dma_semaphore, #tpu.memory_space<semaphore_mem>>) src(%dma_wait3A_175 : memref<100000x32xf32, #tpu.memory_space<hbm>>) dst(%arg10 : memref<128x32xf32, #tpu.memory_space<vmem>>)
      %dma_wait3A_176 = arith.constant 4 : i32
      %dma_wait3A_177 = arith.constant 0 : i32
      %dma_wait3A_178 = tpu.memref_slice %arg8[%dma_wait3A_176, %dma_wait3A_177] : memref<8x128xi32, #tpu.memory_space<vmem>> -> memref<1x128xi32, #tpu.memory_space<vmem>>
      %dma_wait3A_179 = tpu.memref_squeeze %dma_wait3A_178 : memref<1x128xi32, #tpu.memory_space<vmem>> -> memref<128xi32, #tpu.memory_space<vmem>>
      %dma_wait3A_180 = arith.constant 0 : i32
      %dma_wait3A_181 = arith.constant 0 : i32
      %dma_wait3A_182 = tpu.memref_slice %arg13[%dma_wait3A_180, %dma_wait3A_181] : memref<51200x32xf32, #tpu.memory_space<vmem_shared>> -> memref<51200x32xf32, #tpu.memory_space<vmem_shared>>
      tpu.wait_indirect_dma semaphore(%arg18 : memref<!tpu.dma_semaphore, #tpu.memory_space<semaphore_mem>>) src(%arg9 : memref<128x32xf32, #tpu.memory_space<vmem>>) dst(%dma_wait3A_182 : memref<51200x32xf32, #tpu.memory_space<vmem_shared>>)
      %dma_start3A_183 = arith.constant 5 : i32
      %dma_start3A_184 = arith.constant 0 : i32
      %dma_start3A_185 = tpu.memref_slice %arg8[%dma_start3A_183, %dma_start3A_184] : memref<8x128xi32, #tpu.memory_space<vmem>> -> memref<1x128xi32, #tpu.memory_space<vmem>>
      %dma_start3A_186 = tpu.memref_squeeze %dma_start3A_185 : memref<1x128xi32, #tpu.memory_space<vmem>> -> memref<128xi32, #tpu.memory_space<vmem>>
      %dma_start3A_187 = arith.constant 0 : i32
      %dma_start3A_188 = arith.constant 0 : i32
      %dma_start3A_189 = tpu.memref_slice %arg13[%dma_start3A_187, %dma_start3A_188] : memref<51200x32xf32, #tpu.memory_space<vmem_shared>> -> memref<51200x32xf32, #tpu.memory_space<vmem_shared>>
      tpu.enqueue_indirect_dma source(%arg10 : memref<128x32xf32, #tpu.memory_space<vmem>>) target(%dma_start3A_189 : memref<51200x32xf32, #tpu.memory_space<vmem_shared>>) offsets(%dma_start3A_186 : memref<128xi32, #tpu.memory_space<vmem>>) semaphore(%arg19 : memref<!tpu.dma_semaphore, #tpu.memory_space<semaphore_mem>>) {add = true}
      %dma_wait3A_190 = arith.constant 6 : i32
      %dma_wait3A_191 = arith.constant 0 : i32
      %dma_wait3A_192 = tpu.memref_slice %arg7[%dma_wait3A_190, %dma_wait3A_191] : memref<8x128xi32, #tpu.memory_space<vmem>> -> memref<1x128xi32, #tpu.memory_space<vmem>>
      %dma_wait3A_193 = tpu.memref_squeeze %dma_wait3A_192 : memref<1x128xi32, #tpu.memory_space<vmem>> -> memref<128xi32, #tpu.memory_space<vmem>>
      %dma_wait3A_194 = arith.constant 0 : i32
      %dma_wait3A_195 = arith.constant 0 : i32
      %dma_wait3A_196 = tpu.memref_slice %arg2[%dma_wait3A_194, %dma_wait3A_195] : memref<100000x32xf32, #tpu.memory_space<hbm>> -> memref<100000x32xf32, #tpu.memory_space<hbm>>
      tpu.wait_indirect_dma semaphore(%arg16 : memref<!tpu.dma_semaphore, #tpu.memory_space<semaphore_mem>>) src(%dma_wait3A_196 : memref<100000x32xf32, #tpu.memory_space<hbm>>) dst(%arg11 : memref<128x32xf32, #tpu.memory_space<vmem>>)
      %dma_wait3A_197 = arith.constant 5 : i32
      %dma_wait3A_198 = arith.constant 0 : i32
      %dma_wait3A_199 = tpu.memref_slice %arg8[%dma_wait3A_197, %dma_wait3A_198] : memref<8x128xi32, #tpu.memory_space<vmem>> -> memref<1x128xi32, #tpu.memory_space<vmem>>
      %dma_wait3A_200 = tpu.memref_squeeze %dma_wait3A_199 : memref<1x128xi32, #tpu.memory_space<vmem>> -> memref<128xi32, #tpu.memory_space<vmem>>
      %dma_wait3A_201 = arith.constant 0 : i32
      %dma_wait3A_202 = arith.constant 0 : i32
      %dma_wait3A_203 = tpu.memref_slice %arg13[%dma_wait3A_201, %dma_wait3A_202] : memref<51200x32xf32, #tpu.memory_space<vmem_shared>> -> memref<51200x32xf32, #tpu.memory_space<vmem_shared>>
      tpu.wait_indirect_dma semaphore(%arg19 : memref<!tpu.dma_semaphore, #tpu.memory_space<semaphore_mem>>) src(%arg10 : memref<128x32xf32, #tpu.memory_space<vmem>>) dst(%dma_wait3A_203 : memref<51200x32xf32, #tpu.memory_space<vmem_shared>>)
      %dma_start3A_204 = arith.constant 6 : i32
      %dma_start3A_205 = arith.constant 0 : i32
      %dma_start3A_206 = tpu.memref_slice %arg8[%dma_start3A_204, %dma_start3A_205] : memref<8x128xi32, #tpu.memory_space<vmem>> -> memref<1x128xi32, #tpu.memory_space<vmem>>
      %dma_start3A_207 = tpu.memref_squeeze %dma_start3A_206 : memref<1x128xi32, #tpu.memory_space<vmem>> -> memref<128xi32, #tpu.memory_space<vmem>>
      %dma_start3A_208 = arith.constant 0 : i32
      %dma_start3A_209 = arith.constant 0 : i32
      %dma_start3A_210 = tpu.memref_slice %arg13[%dma_start3A_208, %dma_start3A_209] : memref<51200x32xf32, #tpu.memory_space<vmem_shared>> -> memref<51200x32xf32, #tpu.memory_space<vmem_shared>>
      tpu.enqueue_indirect_dma source(%arg11 : memref<128x32xf32, #tpu.memory_space<vmem>>) target(%dma_start3A_210 : memref<51200x32xf32, #tpu.memory_space<vmem_shared>>) offsets(%dma_start3A_207 : memref<128xi32, #tpu.memory_space<vmem>>) semaphore(%arg20 : memref<!tpu.dma_semaphore, #tpu.memory_space<semaphore_mem>>) {add = true}
      %dma_wait3A_211 = arith.constant 7 : i32
      %dma_wait3A_212 = arith.constant 0 : i32
      %dma_wait3A_213 = tpu.memref_slice %arg7[%dma_wait3A_211, %dma_wait3A_212] : memref<8x128xi32, #tpu.memory_space<vmem>> -> memref<1x128xi32, #tpu.memory_space<vmem>>
      %dma_wait3A_214 = tpu.memref_squeeze %dma_wait3A_213 : memref<1x128xi32, #tpu.memory_space<vmem>> -> memref<128xi32, #tpu.memory_space<vmem>>
      %dma_wait3A_215 = arith.constant 0 : i32
      %dma_wait3A_216 = arith.constant 0 : i32
      %dma_wait3A_217 = tpu.memref_slice %arg2[%dma_wait3A_215, %dma_wait3A_216] : memref<100000x32xf32, #tpu.memory_space<hbm>> -> memref<100000x32xf32, #tpu.memory_space<hbm>>
      tpu.wait_indirect_dma semaphore(%arg17 : memref<!tpu.dma_semaphore, #tpu.memory_space<semaphore_mem>>) src(%dma_wait3A_217 : memref<100000x32xf32, #tpu.memory_space<hbm>>) dst(%arg12 : memref<128x32xf32, #tpu.memory_space<vmem>>)
      %dma_wait3A_218 = arith.constant 6 : i32
      %dma_wait3A_219 = arith.constant 0 : i32
      %dma_wait3A_220 = tpu.memref_slice %arg8[%dma_wait3A_218, %dma_wait3A_219] : memref<8x128xi32, #tpu.memory_space<vmem>> -> memref<1x128xi32, #tpu.memory_space<vmem>>
      %dma_wait3A_221 = tpu.memref_squeeze %dma_wait3A_220 : memref<1x128xi32, #tpu.memory_space<vmem>> -> memref<128xi32, #tpu.memory_space<vmem>>
      %dma_wait3A_222 = arith.constant 0 : i32
      %dma_wait3A_223 = arith.constant 0 : i32
      %dma_wait3A_224 = tpu.memref_slice %arg13[%dma_wait3A_222, %dma_wait3A_223] : memref<51200x32xf32, #tpu.memory_space<vmem_shared>> -> memref<51200x32xf32, #tpu.memory_space<vmem_shared>>
      tpu.wait_indirect_dma semaphore(%arg20 : memref<!tpu.dma_semaphore, #tpu.memory_space<semaphore_mem>>) src(%arg11 : memref<128x32xf32, #tpu.memory_space<vmem>>) dst(%dma_wait3A_224 : memref<51200x32xf32, #tpu.memory_space<vmem_shared>>)
      %dma_start3A_225 = arith.constant 7 : i32
      %dma_start3A_226 = arith.constant 0 : i32
      %dma_start3A_227 = tpu.memref_slice %arg8[%dma_start3A_225, %dma_start3A_226] : memref<8x128xi32, #tpu.memory_space<vmem>> -> memref<1x128xi32, #tpu.memory_space<vmem>>
      %dma_start3A_228 = tpu.memref_squeeze %dma_start3A_227 : memref<1x128xi32, #tpu.memory_space<vmem>> -> memref<128xi32, #tpu.memory_space<vmem>>
      %dma_start3A_229 = arith.constant 0 : i32
      %dma_start3A_230 = arith.constant 0 : i32
      %dma_start3A_231 = tpu.memref_slice %arg13[%dma_start3A_229, %dma_start3A_230] : memref<51200x32xf32, #tpu.memory_space<vmem_shared>> -> memref<51200x32xf32, #tpu.memory_space<vmem_shared>>
      tpu.enqueue_indirect_dma source(%arg12 : memref<128x32xf32, #tpu.memory_space<vmem>>) target(%dma_start3A_231 : memref<51200x32xf32, #tpu.memory_space<vmem_shared>>) offsets(%dma_start3A_228 : memref<128xi32, #tpu.memory_space<vmem>>) semaphore(%arg21 : memref<!tpu.dma_semaphore, #tpu.memory_space<semaphore_mem>>) {add = true}
      %dma_wait3A_232 = arith.constant 7 : i32
      %dma_wait3A_233 = arith.constant 0 : i32
      %dma_wait3A_234 = tpu.memref_slice %arg8[%dma_wait3A_232, %dma_wait3A_233] : memref<8x128xi32, #tpu.memory_space<vmem>> -> memref<1x128xi32, #tpu.memory_space<vmem>>
      %dma_wait3A_235 = tpu.memref_squeeze %dma_wait3A_234 : memref<1x128xi32, #tpu.memory_space<vmem>> -> memref<128xi32, #tpu.memory_space<vmem>>
      %dma_wait3A_236 = arith.constant 0 : i32
      %dma_wait3A_237 = arith.constant 0 : i32
      %dma_wait3A_238 = tpu.memref_slice %arg13[%dma_wait3A_236, %dma_wait3A_237] : memref<51200x32xf32, #tpu.memory_space<vmem_shared>> -> memref<51200x32xf32, #tpu.memory_space<vmem_shared>>
      tpu.wait_indirect_dma semaphore(%arg21 : memref<!tpu.dma_semaphore, #tpu.memory_space<semaphore_mem>>) src(%arg12 : memref<128x32xf32, #tpu.memory_space<vmem>>) dst(%dma_wait3A_238 : memref<51200x32xf32, #tpu.memory_space<vmem_shared>>)
    }
    %scan3A_5 = arith.constant 49 : i32
    %barrier3A_6 = arith.constant 0 : index
    tpu.barrier barrier_id(%barrier3A_6)
    %mul3A_7 = arith.constant 3128 : i32
    %mul3A_8 = arith.muli %arg1, %mul3A_7 : i32
    %min3A = arith.constant 46872 : i32
    %min3A_9 = arith.minsi %mul3A_8, %min3A : i32
    %mul3A_10 = arith.constant 50000 : i32
    %mul3A_11 = arith.muli %arg0, %mul3A_10 : i32
    %add3A = arith.addi %mul3A_11, %min3A_9 : i32
    "tpu.region"() ({
      %run_scoped3A = tpu.sem_alloc : memref<!tpu.dma_semaphore, #tpu.memory_space<semaphore_mem>>
      %dma_start3A = arith.constant 0 : i32
      %dma_start3A_12 = tpu.memref_slice %arg6[%add3A, %dma_start3A] : memref<100000x32xf32, #tpu.memory_space<hbm>> -> memref<3128x32xf32, #tpu.memory_space<hbm>>
      %dma_start3A_13 = arith.constant 0 : i32
      %dma_start3A_14 = tpu.memref_slice %arg13[%min3A_9, %dma_start3A_13] : memref<51200x32xf32, #tpu.memory_space<vmem_shared>> -> memref<3128x32xf32, #tpu.memory_space<vmem_shared>>
      tpu.enqueue_dma source(%dma_start3A_14 : memref<3128x32xf32, #tpu.memory_space<vmem_shared>>) target(%dma_start3A_12 : memref<3128x32xf32, #tpu.memory_space<hbm>>) target_semaphore(%run_scoped3A : memref<!tpu.dma_semaphore, #tpu.memory_space<semaphore_mem>>)
      %dma_wait3A = arith.constant 0 : i32
      %dma_wait3A_15 = tpu.memref_slice %arg6[%add3A, %dma_wait3A] : memref<100000x32xf32, #tpu.memory_space<hbm>> -> memref<3128x32xf32, #tpu.memory_space<hbm>>
      %dma_wait3A_16 = arith.constant 0 : i32
      %dma_wait3A_17 = tpu.memref_slice %arg13[%min3A_9, %dma_wait3A_16] : memref<51200x32xf32, #tpu.memory_space<vmem_shared>> -> memref<3128x32xf32, #tpu.memory_space<vmem_shared>>
      tpu.wait_dma2 semaphore(%run_scoped3A : memref<!tpu.dma_semaphore, #tpu.memory_space<semaphore_mem>>) src(%dma_wait3A_17 : memref<3128x32xf32, #tpu.memory_space<vmem_shared>>) dst(%dma_wait3A_15 : memref<3128x32xf32, #tpu.memory_space<hbm>>)
      tpu.yield
    }) : () -> ()
    return
  }
}

module attributes {stable_mosaic.version = 14 : i64} {
  func.func @_lin0_body(%arg0: i32, %arg1: i32, %arg2: memref<5000x3xf32, #tpu.memory_space<vmem>>, %arg3: memref<3x64xf32, #tpu.memory_space<vmem>>, %arg4: memref<1x64xf32, #tpu.memory_space<vmem>>, %arg5: memref<5000x32xf32, #tpu.memory_space<vmem>>) attributes {dimension_semantics = [#tpu.dimension_semantics<arbitrary>, #tpu.dimension_semantics<arbitrary>], iteration_bounds = array<i64: 10, 2>, scalar_prefetch = 0 : i64, scratch_operands = 0 : i64, tpu.core_type = #tpu.core_type<tc>, window_params = [{transform_indices = @transform_0, window_bounds = array<i64: 5000, 3>}, {pipeline_mode = #tpu.pipeline_mode<synchronous>, transform_indices = @transform_1, window_bounds = array<i64: 3, 64>}, {pipeline_mode = #tpu.pipeline_mode<synchronous>, transform_indices = @transform_2, window_bounds = array<i64: 1, 64>}, {transform_indices = @transform_3, window_bounds = array<i64: 5000, 32>}]} {
    %get3A = arith.constant 0 : index
    %get3A_0 = arith.constant 0 : index
    %get3A_1 = vector.load %arg2[%get3A, %get3A_0] : memref<5000x3xf32, #tpu.memory_space<vmem>>, vector<5000x3xf32>
    %get3A_2 = arith.constant 0 : index
    %get3A_3 = arith.constant 0 : index
    %get3A_4 = vector.load %arg3[%get3A_2, %get3A_3] : memref<3x64xf32, #tpu.memory_space<vmem>>, vector<3x64xf32>
    %dot_general3A = arith.constant dense<0.000000e+00> : vector<5000x64xf32>
    %dot_general3A_5 = tpu.matmul %get3A_1, %get3A_4, %dot_general3A {dimension_numbers = #tpu.dot_dimension_numbers<[1], [0], [0], [1], [0, 0, 1, 1], [], []>, transpose_lhs_hint = false} : vector<5000x3xf32>, vector<3x64xf32>, vector<5000x64xf32> -> vector<5000x64xf32>
    %get3A_6 = arith.constant 0 : index
    %get3A_7 = arith.constant 0 : index
    %get3A_8 = vector.load %arg4[%get3A_6, %get3A_7] : memref<1x64xf32, #tpu.memory_space<vmem>>, vector<1x64xf32>
    %add3A = vector.broadcast %get3A_8 : vector<1x64xf32> to vector<5000x64xf32>
    %add3A_9 = arith.addf %dot_general3A_5, %add3A : vector<5000x64xf32>
    %max3A = arith.constant 0.000000e+00 : f32
    %max3A_10 = vector.broadcast %max3A : f32 to vector<5000x64xf32>
    %max3A_11 = arith.maximumf %add3A_9, %max3A_10 : vector<5000x64xf32>
    %eq3A = arith.constant 0 : i32
    %eq3A_12 = arith.cmpi eq, %arg1, %eq3A : i32
    %slice3A = vector.extract_strided_slice %max3A_11 {offsets = [0, 0], sizes = [5000, 32], strides = [1, 1]} : vector<5000x64xf32> to vector<5000x32xf32>
    %slice3A_13 = vector.extract_strided_slice %max3A_11 {offsets = [0, 32], sizes = [5000, 32], strides = [1, 1]} : vector<5000x64xf32> to vector<5000x32xf32>
    %select_n3A = arith.select %eq3A_12, %slice3A, %slice3A_13 : vector<5000x32xf32>
    %swap3A = arith.constant 0 : index
    %swap3A_14 = arith.constant 0 : index
    %swap3A_15 = vector.load %arg5[%swap3A, %swap3A_14] : memref<5000x32xf32, #tpu.memory_space<vmem>>, vector<5000x32xf32>
    tpu.vector_store %arg5[%swap3A, %swap3A_14], %select_n3A {strides = array<i32>} : memref<5000x32xf32, #tpu.memory_space<vmem>>, vector<5000x32xf32>,
    return
  }
  func.func @transform_0(%arg0: i32, %arg1: i32) -> (i32, i32) {
    %c0_i32 = arith.constant 0 : i32
    %c0_i32_0 = arith.constant 0 : i32
    return %arg0, %c0_i32 : i32, i32
  }
  func.func @transform_1(%arg0: i32, %arg1: i32) -> (i32, i32) {
    %c0_i32 = arith.constant 0 : i32
    %c0_i32_0 = arith.constant 0 : i32
    %c0_i32_1 = arith.constant 0 : i32
    return %c0_i32, %c0_i32_0 : i32, i32
  }
  func.func @transform_2(%arg0: i32, %arg1: i32) -> (i32, i32) {
    %c0_i32 = arith.constant 0 : i32
    %c0_i32_0 = arith.constant 0 : i32
    %c0_i32_1 = arith.constant 0 : i32
    return %c0_i32, %c0_i32_0 : i32, i32
  }
  func.func @transform_3(%arg0: i32, %arg1: i32) -> (i32, i32) {
    %mul3A = arith.constant 10 : i32
    %mul3A_0 = arith.muli %arg1, %mul3A : i32
    %add3A = arith.addi %mul3A_0, %arg0 : i32
    %c0_i32 = arith.constant 0 : i32
    %c0_i32_1 = arith.constant 0 : i32
    return %add3A, %c0_i32 : i32, i32
  }
}

module attributes {stable_mosaic.version = 14 : i64} {
  func.func @_dense_body(%arg0: i32, %arg1: i32, %arg2: memref<5000x32xf32, #tpu.memory_space<vmem>>, %arg3: memref<5000x32xf32, #tpu.memory_space<vmem>>, %arg4: memref<5000x32xf32, #tpu.memory_space<vmem>>, %arg5: memref<5000x32xf32, #tpu.memory_space<vmem>>, %arg6: memref<64x64xf32, #tpu.memory_space<vmem>>, %arg7: memref<5000x32xf32, #tpu.memory_space<vmem>>) attributes {dimension_semantics = [#tpu.dimension_semantics<arbitrary>, #tpu.dimension_semantics<arbitrary>], iteration_bounds = array<i64: 10, 2>, scalar_prefetch = 0 : i64, scratch_operands = 0 : i64, tpu.core_type = #tpu.core_type<tc>, window_params = [{transform_indices = @transform_0, window_bounds = array<i64: 5000, 32>}, {transform_indices = @transform_1, window_bounds = array<i64: 5000, 32>}, {transform_indices = @transform_2, window_bounds = array<i64: 5000, 32>}, {transform_indices = @transform_3, window_bounds = array<i64: 5000, 32>}, {pipeline_mode = #tpu.pipeline_mode<synchronous>, transform_indices = @transform_4, window_bounds = array<i64: 64, 64>}, {transform_indices = @transform_5, window_bounds = array<i64: 5000, 32>}]} {
    %get3A = arith.constant 0 : index
    %get3A_0 = arith.constant 0 : index
    %get3A_1 = vector.load %arg2[%get3A, %get3A_0] : memref<5000x32xf32, #tpu.memory_space<vmem>>, vector<5000x32xf32>
    %mul3A = arith.constant 0.899999976 : f32
    %mul3A_2 = vector.broadcast %mul3A : f32 to vector<5000x32xf32>
    %mul3A_3 = arith.mulf %mul3A_2, %get3A_1 : vector<5000x32xf32>
    %get3A_4 = arith.constant 0 : index
    %get3A_5 = arith.constant 0 : index
    %get3A_6 = vector.load %arg4[%get3A_4, %get3A_5] : memref<5000x32xf32, #tpu.memory_space<vmem>>, vector<5000x32xf32>
    %mul3A_7 = arith.constant 1.000000e-01 : f32
    %mul3A_8 = vector.broadcast %mul3A_7 : f32 to vector<5000x32xf32>
    %mul3A_9 = arith.mulf %mul3A_8, %get3A_6 : vector<5000x32xf32>
    %add3A = arith.addf %mul3A_3, %mul3A_9 : vector<5000x32xf32>
    %get3A_10 = arith.constant 0 : index
    %get3A_11 = arith.constant 0 : index
    %get3A_12 = vector.load %arg3[%get3A_10, %get3A_11] : memref<5000x32xf32, #tpu.memory_space<vmem>>, vector<5000x32xf32>
    %mul3A_13 = arith.constant 0.899999976 : f32
    %mul3A_14 = vector.broadcast %mul3A_13 : f32 to vector<5000x32xf32>
    %mul3A_15 = arith.mulf %mul3A_14, %get3A_12 : vector<5000x32xf32>
    %get3A_16 = arith.constant 0 : index
    %get3A_17 = arith.constant 0 : index
    %get3A_18 = vector.load %arg5[%get3A_16, %get3A_17] : memref<5000x32xf32, #tpu.memory_space<vmem>>, vector<5000x32xf32>
    %mul3A_19 = arith.constant 1.000000e-01 : f32
    %mul3A_20 = vector.broadcast %mul3A_19 : f32 to vector<5000x32xf32>
    %mul3A_21 = arith.mulf %mul3A_20, %get3A_18 : vector<5000x32xf32>
    %add3A_22 = arith.addf %mul3A_15, %mul3A_21 : vector<5000x32xf32>
    %concatenate3A = tpu.concatenate %add3A, %add3A_22 in 1 : vector<5000x32xf32>, vector<5000x32xf32> -> vector<5000x64xf32>
    %get3A_23 = arith.constant 0 : index
    %get3A_24 = arith.constant 0 : index
    %get3A_25 = vector.load %arg6[%get3A_23, %get3A_24] : memref<64x64xf32, #tpu.memory_space<vmem>>, vector<64x64xf32>
    %eq3A = arith.constant 0 : i32
    %eq3A_26 = arith.cmpi eq, %arg1, %eq3A : i32
    %slice3A = vector.extract_strided_slice %get3A_25 {offsets = [0, 0], sizes = [64, 32], strides = [1, 1]} : vector<64x64xf32> to vector<64x32xf32>
    %slice3A_27 = vector.extract_strided_slice %get3A_25 {offsets = [0, 32], sizes = [64, 32], strides = [1, 1]} : vector<64x64xf32> to vector<64x32xf32>
    %select_n3A = arith.select %eq3A_26, %slice3A, %slice3A_27 : vector<64x32xf32>
    %eq3A_28 = arith.constant 0 : i32
    %eq3A_29 = arith.cmpi eq, %arg1, %eq3A_28 : i32
    %select_n3A_30 = arith.select %eq3A_29, %add3A, %add3A_22 : vector<5000x32xf32>
    %mul3A_31 = arith.constant 0.594534874 : f32
    %mul3A_32 = vector.broadcast %mul3A_31 : f32 to vector<5000x32xf32>
    %mul3A_33 = arith.mulf %mul3A_32, %select_n3A_30 : vector<5000x32xf32>
    %dot_general3A = arith.constant dense<0.000000e+00> : vector<5000x32xf32>
    %dot_general3A_34 = tpu.matmul %concatenate3A, %select_n3A, %dot_general3A {dimension_numbers = #tpu.dot_dimension_numbers<[1], [0], [0], [1], [0, 0, 1, 1], [], []>, transpose_lhs_hint = false} : vector<5000x64xf32>, vector<64x32xf32>, vector<5000x32xf32> -> vector<5000x32xf32>
    %mul3A_35 = arith.constant 0.405465096 : f32
    %mul3A_36 = vector.broadcast %mul3A_35 : f32 to vector<5000x32xf32>
    %mul3A_37 = arith.mulf %mul3A_36, %dot_general3A_34 : vector<5000x32xf32>
    %add3A_38 = arith.addf %mul3A_33, %mul3A_37 : vector<5000x32xf32>
    %max3A = arith.constant 0.000000e+00 : f32
    %max3A_39 = vector.broadcast %max3A : f32 to vector<5000x32xf32>
    %max3A_40 = arith.maximumf %add3A_38, %max3A_39 : vector<5000x32xf32>
    %swap3A = arith.constant 0 : index
    %swap3A_41 = arith.constant 0 : index
    %swap3A_42 = vector.load %arg7[%swap3A, %swap3A_41] : memref<5000x32xf32, #tpu.memory_space<vmem>>, vector<5000x32xf32>
    tpu.vector_store %arg7[%swap3A, %swap3A_41], %max3A_40 {strides = array<i32>} : memref<5000x32xf32, #tpu.memory_space<vmem>>, vector<5000x32xf32>,
    return
  }
  func.func @transform_0(%arg0: i32, %arg1: i32) -> (i32, i32) {
    %c0_i32 = arith.constant 0 : i32
    %c0_i32_0 = arith.constant 0 : i32
    return %arg0, %c0_i32 : i32, i32
  }
  func.func @transform_1(%arg0: i32, %arg1: i32) -> (i32, i32) {
    %add3A = arith.constant 10 : i32
    %add3A_0 = arith.addi %add3A, %arg0 : i32
    %c0_i32 = arith.constant 0 : i32
    %c0_i32_1 = arith.constant 0 : i32
    return %add3A_0, %c0_i32 : i32, i32
  }
  func.func @transform_2(%arg0: i32, %arg1: i32) -> (i32, i32) {
    %c0_i32 = arith.constant 0 : i32
    %c0_i32_0 = arith.constant 0 : i32
    return %arg0, %c0_i32 : i32, i32
  }
  func.func @transform_3(%arg0: i32, %arg1: i32) -> (i32, i32) {
    %add3A = arith.constant 10 : i32
    %add3A_0 = arith.addi %add3A, %arg0 : i32
    %c0_i32 = arith.constant 0 : i32
    %c0_i32_1 = arith.constant 0 : i32
    return %add3A_0, %c0_i32 : i32, i32
  }
  func.func @transform_4(%arg0: i32, %arg1: i32) -> (i32, i32) {
    %c0_i32 = arith.constant 0 : i32
    %c0_i32_0 = arith.constant 0 : i32
    %c0_i32_1 = arith.constant 0 : i32
    return %c0_i32, %c0_i32_0 : i32, i32
  }
  func.func @transform_5(%arg0: i32, %arg1: i32) -> (i32, i32) {
    %mul3A = arith.constant 10 : i32
    %mul3A_0 = arith.muli %arg1, %mul3A : i32
    %add3A = arith.addi %mul3A_0, %arg0 : i32
    %c0_i32 = arith.constant 0 : i32
    %c0_i32_1 = arith.constant 0 : i32
    return %add3A, %c0_i32 : i32, i32
  }
}

module attributes {stable_mosaic.version = 14 : i64} {
  func.func @_dense_body(%arg0: i32, %arg1: i32, %arg2: memref<5000x32xf32, #tpu.memory_space<vmem>>, %arg3: memref<5000x32xf32, #tpu.memory_space<vmem>>, %arg4: memref<5000x32xf32, #tpu.memory_space<vmem>>, %arg5: memref<5000x32xf32, #tpu.memory_space<vmem>>, %arg6: memref<64x64xf32, #tpu.memory_space<vmem>>, %arg7: memref<5000x32xf32, #tpu.memory_space<vmem>>) attributes {dimension_semantics = [#tpu.dimension_semantics<arbitrary>, #tpu.dimension_semantics<arbitrary>], iteration_bounds = array<i64: 10, 2>, scalar_prefetch = 0 : i64, scratch_operands = 0 : i64, tpu.core_type = #tpu.core_type<tc>, window_params = [{transform_indices = @transform_0, window_bounds = array<i64: 5000, 32>}, {transform_indices = @transform_1, window_bounds = array<i64: 5000, 32>}, {transform_indices = @transform_2, window_bounds = array<i64: 5000, 32>}, {transform_indices = @transform_3, window_bounds = array<i64: 5000, 32>}, {pipeline_mode = #tpu.pipeline_mode<synchronous>, transform_indices = @transform_4, window_bounds = array<i64: 64, 64>}, {transform_indices = @transform_5, window_bounds = array<i64: 5000, 32>}]} {
    %get3A = arith.constant 0 : index
    %get3A_0 = arith.constant 0 : index
    %get3A_1 = vector.load %arg2[%get3A, %get3A_0] : memref<5000x32xf32, #tpu.memory_space<vmem>>, vector<5000x32xf32>
    %mul3A = arith.constant 0.899999976 : f32
    %mul3A_2 = vector.broadcast %mul3A : f32 to vector<5000x32xf32>
    %mul3A_3 = arith.mulf %mul3A_2, %get3A_1 : vector<5000x32xf32>
    %get3A_4 = arith.constant 0 : index
    %get3A_5 = arith.constant 0 : index
    %get3A_6 = vector.load %arg4[%get3A_4, %get3A_5] : memref<5000x32xf32, #tpu.memory_space<vmem>>, vector<5000x32xf32>
    %mul3A_7 = arith.constant 1.000000e-01 : f32
    %mul3A_8 = vector.broadcast %mul3A_7 : f32 to vector<5000x32xf32>
    %mul3A_9 = arith.mulf %mul3A_8, %get3A_6 : vector<5000x32xf32>
    %add3A = arith.addf %mul3A_3, %mul3A_9 : vector<5000x32xf32>
    %get3A_10 = arith.constant 0 : index
    %get3A_11 = arith.constant 0 : index
    %get3A_12 = vector.load %arg3[%get3A_10, %get3A_11] : memref<5000x32xf32, #tpu.memory_space<vmem>>, vector<5000x32xf32>
    %mul3A_13 = arith.constant 0.899999976 : f32
    %mul3A_14 = vector.broadcast %mul3A_13 : f32 to vector<5000x32xf32>
    %mul3A_15 = arith.mulf %mul3A_14, %get3A_12 : vector<5000x32xf32>
    %get3A_16 = arith.constant 0 : index
    %get3A_17 = arith.constant 0 : index
    %get3A_18 = vector.load %arg5[%get3A_16, %get3A_17] : memref<5000x32xf32, #tpu.memory_space<vmem>>, vector<5000x32xf32>
    %mul3A_19 = arith.constant 1.000000e-01 : f32
    %mul3A_20 = vector.broadcast %mul3A_19 : f32 to vector<5000x32xf32>
    %mul3A_21 = arith.mulf %mul3A_20, %get3A_18 : vector<5000x32xf32>
    %add3A_22 = arith.addf %mul3A_15, %mul3A_21 : vector<5000x32xf32>
    %concatenate3A = tpu.concatenate %add3A, %add3A_22 in 1 : vector<5000x32xf32>, vector<5000x32xf32> -> vector<5000x64xf32>
    %get3A_23 = arith.constant 0 : index
    %get3A_24 = arith.constant 0 : index
    %get3A_25 = vector.load %arg6[%get3A_23, %get3A_24] : memref<64x64xf32, #tpu.memory_space<vmem>>, vector<64x64xf32>
    %eq3A = arith.constant 0 : i32
    %eq3A_26 = arith.cmpi eq, %arg1, %eq3A : i32
    %slice3A = vector.extract_strided_slice %get3A_25 {offsets = [0, 0], sizes = [64, 32], strides = [1, 1]} : vector<64x64xf32> to vector<64x32xf32>
    %slice3A_27 = vector.extract_strided_slice %get3A_25 {offsets = [0, 32], sizes = [64, 32], strides = [1, 1]} : vector<64x64xf32> to vector<64x32xf32>
    %select_n3A = arith.select %eq3A_26, %slice3A, %slice3A_27 : vector<64x32xf32>
    %eq3A_28 = arith.constant 0 : i32
    %eq3A_29 = arith.cmpi eq, %arg1, %eq3A_28 : i32
    %select_n3A_30 = arith.select %eq3A_29, %add3A, %add3A_22 : vector<5000x32xf32>
    %mul3A_31 = arith.constant 0.776856422 : f32
    %mul3A_32 = vector.broadcast %mul3A_31 : f32 to vector<5000x32xf32>
    %mul3A_33 = arith.mulf %mul3A_32, %select_n3A_30 : vector<5000x32xf32>
    %dot_general3A = arith.constant dense<0.000000e+00> : vector<5000x32xf32>
    %dot_general3A_34 = tpu.matmul %concatenate3A, %select_n3A, %dot_general3A {dimension_numbers = #tpu.dot_dimension_numbers<[1], [0], [0], [1], [0, 0, 1, 1], [], []>, transpose_lhs_hint = false} : vector<5000x64xf32>, vector<64x32xf32>, vector<5000x32xf32> -> vector<5000x32xf32>
    %mul3A_35 = arith.constant 0.223143548 : f32
    %mul3A_36 = vector.broadcast %mul3A_35 : f32 to vector<5000x32xf32>
    %mul3A_37 = arith.mulf %mul3A_36, %dot_general3A_34 : vector<5000x32xf32>
    %add3A_38 = arith.addf %mul3A_33, %mul3A_37 : vector<5000x32xf32>
    %max3A = arith.constant 0.000000e+00 : f32
    %max3A_39 = vector.broadcast %max3A : f32 to vector<5000x32xf32>
    %max3A_40 = arith.maximumf %add3A_38, %max3A_39 : vector<5000x32xf32>
    %swap3A = arith.constant 0 : index
    %swap3A_41 = arith.constant 0 : index
    %swap3A_42 = vector.load %arg7[%swap3A, %swap3A_41] : memref<5000x32xf32, #tpu.memory_space<vmem>>, vector<5000x32xf32>
    tpu.vector_store %arg7[%swap3A, %swap3A_41], %max3A_40 {strides = array<i32>} : memref<5000x32xf32, #tpu.memory_space<vmem>>, vector<5000x32xf32>,
    return
  }
  func.func @transform_0(%arg0: i32, %arg1: i32) -> (i32, i32) {
    %c0_i32 = arith.constant 0 : i32
    %c0_i32_0 = arith.constant 0 : i32
    return %arg0, %c0_i32 : i32, i32
  }
  func.func @transform_1(%arg0: i32, %arg1: i32) -> (i32, i32) {
    %add3A = arith.constant 10 : i32
    %add3A_0 = arith.addi %add3A, %arg0 : i32
    %c0_i32 = arith.constant 0 : i32
    %c0_i32_1 = arith.constant 0 : i32
    return %add3A_0, %c0_i32 : i32, i32
  }
  func.func @transform_2(%arg0: i32, %arg1: i32) -> (i32, i32) {
    %c0_i32 = arith.constant 0 : i32
    %c0_i32_0 = arith.constant 0 : i32
    return %arg0, %c0_i32 : i32, i32
  }
  func.func @transform_3(%arg0: i32, %arg1: i32) -> (i32, i32) {
    %add3A = arith.constant 10 : i32
    %add3A_0 = arith.addi %add3A, %arg0 : i32
    %c0_i32 = arith.constant 0 : i32
    %c0_i32_1 = arith.constant 0 : i32
    return %add3A_0, %c0_i32 : i32, i32
  }
  func.func @transform_4(%arg0: i32, %arg1: i32) -> (i32, i32) {
    %c0_i32 = arith.constant 0 : i32
    %c0_i32_0 = arith.constant 0 : i32
    %c0_i32_1 = arith.constant 0 : i32
    return %c0_i32, %c0_i32_0 : i32, i32
  }
  func.func @transform_5(%arg0: i32, %arg1: i32) -> (i32, i32) {
    %mul3A = arith.constant 10 : i32
    %mul3A_0 = arith.muli %arg1, %mul3A : i32
    %add3A = arith.addi %mul3A_0, %arg0 : i32
    %c0_i32 = arith.constant 0 : i32
    %c0_i32_1 = arith.constant 0 : i32
    return %add3A, %c0_i32 : i32, i32
  }
}

module attributes {stable_mosaic.version = 14 : i64} {
  func.func @_dense_body(%arg0: i32, %arg1: i32, %arg2: memref<5000x32xf32, #tpu.memory_space<vmem>>, %arg3: memref<5000x32xf32, #tpu.memory_space<vmem>>, %arg4: memref<5000x32xf32, #tpu.memory_space<vmem>>, %arg5: memref<5000x32xf32, #tpu.memory_space<vmem>>, %arg6: memref<64x64xf32, #tpu.memory_space<vmem>>, %arg7: memref<5000x32xf32, #tpu.memory_space<vmem>>) attributes {dimension_semantics = [#tpu.dimension_semantics<arbitrary>, #tpu.dimension_semantics<arbitrary>], iteration_bounds = array<i64: 10, 2>, scalar_prefetch = 0 : i64, scratch_operands = 0 : i64, tpu.core_type = #tpu.core_type<tc>, window_params = [{transform_indices = @transform_0, window_bounds = array<i64: 5000, 32>}, {transform_indices = @transform_1, window_bounds = array<i64: 5000, 32>}, {transform_indices = @transform_2, window_bounds = array<i64: 5000, 32>}, {transform_indices = @transform_3, window_bounds = array<i64: 5000, 32>}, {pipeline_mode = #tpu.pipeline_mode<synchronous>, transform_indices = @transform_4, window_bounds = array<i64: 64, 64>}, {transform_indices = @transform_5, window_bounds = array<i64: 5000, 32>}]} {
    %get3A = arith.constant 0 : index
    %get3A_0 = arith.constant 0 : index
    %get3A_1 = vector.load %arg2[%get3A, %get3A_0] : memref<5000x32xf32, #tpu.memory_space<vmem>>, vector<5000x32xf32>
    %mul3A = arith.constant 0.899999976 : f32
    %mul3A_2 = vector.broadcast %mul3A : f32 to vector<5000x32xf32>
    %mul3A_3 = arith.mulf %mul3A_2, %get3A_1 : vector<5000x32xf32>
    %get3A_4 = arith.constant 0 : index
    %get3A_5 = arith.constant 0 : index
    %get3A_6 = vector.load %arg4[%get3A_4, %get3A_5] : memref<5000x32xf32, #tpu.memory_space<vmem>>, vector<5000x32xf32>
    %mul3A_7 = arith.constant 1.000000e-01 : f32
    %mul3A_8 = vector.broadcast %mul3A_7 : f32 to vector<5000x32xf32>
    %mul3A_9 = arith.mulf %mul3A_8, %get3A_6 : vector<5000x32xf32>
    %add3A = arith.addf %mul3A_3, %mul3A_9 : vector<5000x32xf32>
    %get3A_10 = arith.constant 0 : index
    %get3A_11 = arith.constant 0 : index
    %get3A_12 = vector.load %arg3[%get3A_10, %get3A_11] : memref<5000x32xf32, #tpu.memory_space<vmem>>, vector<5000x32xf32>
    %mul3A_13 = arith.constant 0.899999976 : f32
    %mul3A_14 = vector.broadcast %mul3A_13 : f32 to vector<5000x32xf32>
    %mul3A_15 = arith.mulf %mul3A_14, %get3A_12 : vector<5000x32xf32>
    %get3A_16 = arith.constant 0 : index
    %get3A_17 = arith.constant 0 : index
    %get3A_18 = vector.load %arg5[%get3A_16, %get3A_17] : memref<5000x32xf32, #tpu.memory_space<vmem>>, vector<5000x32xf32>
    %mul3A_19 = arith.constant 1.000000e-01 : f32
    %mul3A_20 = vector.broadcast %mul3A_19 : f32 to vector<5000x32xf32>
    %mul3A_21 = arith.mulf %mul3A_20, %get3A_18 : vector<5000x32xf32>
    %add3A_22 = arith.addf %mul3A_15, %mul3A_21 : vector<5000x32xf32>
    %concatenate3A = tpu.concatenate %add3A, %add3A_22 in 1 : vector<5000x32xf32>, vector<5000x32xf32> -> vector<5000x64xf32>
    %get3A_23 = arith.constant 0 : index
    %get3A_24 = arith.constant 0 : index
    %get3A_25 = vector.load %arg6[%get3A_23, %get3A_24] : memref<64x64xf32, #tpu.memory_space<vmem>>, vector<64x64xf32>
    %eq3A = arith.constant 0 : i32
    %eq3A_26 = arith.cmpi eq, %arg1, %eq3A : i32
    %slice3A = vector.extract_strided_slice %get3A_25 {offsets = [0, 0], sizes = [64, 32], strides = [1, 1]} : vector<64x64xf32> to vector<64x32xf32>
    %slice3A_27 = vector.extract_strided_slice %get3A_25 {offsets = [0, 32], sizes = [64, 32], strides = [1, 1]} : vector<64x64xf32> to vector<64x32xf32>
    %select_n3A = arith.select %eq3A_26, %slice3A, %slice3A_27 : vector<64x32xf32>
    %eq3A_28 = arith.constant 0 : i32
    %eq3A_29 = arith.cmpi eq, %arg1, %eq3A_28 : i32
    %select_n3A_30 = arith.select %eq3A_29, %add3A, %add3A_22 : vector<5000x32xf32>
    %mul3A_31 = arith.constant 0.845849335 : f32
    %mul3A_32 = vector.broadcast %mul3A_31 : f32 to vector<5000x32xf32>
    %mul3A_33 = arith.mulf %mul3A_32, %select_n3A_30 : vector<5000x32xf32>
    %dot_general3A = arith.constant dense<0.000000e+00> : vector<5000x32xf32>
    %dot_general3A_34 = tpu.matmul %concatenate3A, %select_n3A, %dot_general3A {dimension_numbers = #tpu.dot_dimension_numbers<[1], [0], [0], [1], [0, 0, 1, 1], [], []>, transpose_lhs_hint = false} : vector<5000x64xf32>, vector<64x32xf32>, vector<5000x32xf32> -> vector<5000x32xf32>
    %mul3A_35 = arith.constant 0.15415068 : f32
    %mul3A_36 = vector.broadcast %mul3A_35 : f32 to vector<5000x32xf32>
    %mul3A_37 = arith.mulf %mul3A_36, %dot_general3A_34 : vector<5000x32xf32>
    %add3A_38 = arith.addf %mul3A_33, %mul3A_37 : vector<5000x32xf32>
    %max3A = arith.constant 0.000000e+00 : f32
    %max3A_39 = vector.broadcast %max3A : f32 to vector<5000x32xf32>
    %max3A_40 = arith.maximumf %add3A_38, %max3A_39 : vector<5000x32xf32>
    %swap3A = arith.constant 0 : index
    %swap3A_41 = arith.constant 0 : index
    %swap3A_42 = vector.load %arg7[%swap3A, %swap3A_41] : memref<5000x32xf32, #tpu.memory_space<vmem>>, vector<5000x32xf32>
    tpu.vector_store %arg7[%swap3A, %swap3A_41], %max3A_40 {strides = array<i32>} : memref<5000x32xf32, #tpu.memory_space<vmem>>, vector<5000x32xf32>,
    return
  }
  func.func @transform_0(%arg0: i32, %arg1: i32) -> (i32, i32) {
    %c0_i32 = arith.constant 0 : i32
    %c0_i32_0 = arith.constant 0 : i32
    return %arg0, %c0_i32 : i32, i32
  }
  func.func @transform_1(%arg0: i32, %arg1: i32) -> (i32, i32) {
    %add3A = arith.constant 10 : i32
    %add3A_0 = arith.addi %add3A, %arg0 : i32
    %c0_i32 = arith.constant 0 : i32
    %c0_i32_1 = arith.constant 0 : i32
    return %add3A_0, %c0_i32 : i32, i32
  }
  func.func @transform_2(%arg0: i32, %arg1: i32) -> (i32, i32) {
    %c0_i32 = arith.constant 0 : i32
    %c0_i32_0 = arith.constant 0 : i32
    return %arg0, %c0_i32 : i32, i32
  }
  func.func @transform_3(%arg0: i32, %arg1: i32) -> (i32, i32) {
    %add3A = arith.constant 10 : i32
    %add3A_0 = arith.addi %add3A, %arg0 : i32
    %c0_i32 = arith.constant 0 : i32
    %c0_i32_1 = arith.constant 0 : i32
    return %add3A_0, %c0_i32 : i32, i32
  }
  func.func @transform_4(%arg0: i32, %arg1: i32) -> (i32, i32) {
    %c0_i32 = arith.constant 0 : i32
    %c0_i32_0 = arith.constant 0 : i32
    %c0_i32_1 = arith.constant 0 : i32
    return %c0_i32, %c0_i32_0 : i32, i32
  }
  func.func @transform_5(%arg0: i32, %arg1: i32) -> (i32, i32) {
    %mul3A = arith.constant 10 : i32
    %mul3A_0 = arith.muli %arg1, %mul3A : i32
    %add3A = arith.addi %mul3A_0, %arg0 : i32
    %c0_i32 = arith.constant 0 : i32
    %c0_i32_1 = arith.constant 0 : i32
    return %add3A, %c0_i32 : i32, i32
  }
}

module attributes {stable_mosaic.version = 14 : i64} {
  func.func @_dense_body(%arg0: i32, %arg1: i32, %arg2: memref<5000x32xf32, #tpu.memory_space<vmem>>, %arg3: memref<5000x32xf32, #tpu.memory_space<vmem>>, %arg4: memref<5000x32xf32, #tpu.memory_space<vmem>>, %arg5: memref<5000x32xf32, #tpu.memory_space<vmem>>, %arg6: memref<64x64xf32, #tpu.memory_space<vmem>>, %arg7: memref<5000x32xf32, #tpu.memory_space<vmem>>) attributes {dimension_semantics = [#tpu.dimension_semantics<arbitrary>, #tpu.dimension_semantics<arbitrary>], iteration_bounds = array<i64: 10, 2>, scalar_prefetch = 0 : i64, scratch_operands = 0 : i64, tpu.core_type = #tpu.core_type<tc>, window_params = [{transform_indices = @transform_0, window_bounds = array<i64: 5000, 32>}, {transform_indices = @transform_1, window_bounds = array<i64: 5000, 32>}, {transform_indices = @transform_2, window_bounds = array<i64: 5000, 32>}, {transform_indices = @transform_3, window_bounds = array<i64: 5000, 32>}, {pipeline_mode = #tpu.pipeline_mode<synchronous>, transform_indices = @transform_4, window_bounds = array<i64: 64, 64>}, {transform_indices = @transform_5, window_bounds = array<i64: 5000, 32>}]} {
    %get3A = arith.constant 0 : index
    %get3A_0 = arith.constant 0 : index
    %get3A_1 = vector.load %arg2[%get3A, %get3A_0] : memref<5000x32xf32, #tpu.memory_space<vmem>>, vector<5000x32xf32>
    %mul3A = arith.constant 0.899999976 : f32
    %mul3A_2 = vector.broadcast %mul3A : f32 to vector<5000x32xf32>
    %mul3A_3 = arith.mulf %mul3A_2, %get3A_1 : vector<5000x32xf32>
    %get3A_4 = arith.constant 0 : index
    %get3A_5 = arith.constant 0 : index
    %get3A_6 = vector.load %arg4[%get3A_4, %get3A_5] : memref<5000x32xf32, #tpu.memory_space<vmem>>, vector<5000x32xf32>
    %mul3A_7 = arith.constant 1.000000e-01 : f32
    %mul3A_8 = vector.broadcast %mul3A_7 : f32 to vector<5000x32xf32>
    %mul3A_9 = arith.mulf %mul3A_8, %get3A_6 : vector<5000x32xf32>
    %add3A = arith.addf %mul3A_3, %mul3A_9 : vector<5000x32xf32>
    %get3A_10 = arith.constant 0 : index
    %get3A_11 = arith.constant 0 : index
    %get3A_12 = vector.load %arg3[%get3A_10, %get3A_11] : memref<5000x32xf32, #tpu.memory_space<vmem>>, vector<5000x32xf32>
    %mul3A_13 = arith.constant 0.899999976 : f32
    %mul3A_14 = vector.broadcast %mul3A_13 : f32 to vector<5000x32xf32>
    %mul3A_15 = arith.mulf %mul3A_14, %get3A_12 : vector<5000x32xf32>
    %get3A_16 = arith.constant 0 : index
    %get3A_17 = arith.constant 0 : index
    %get3A_18 = vector.load %arg5[%get3A_16, %get3A_17] : memref<5000x32xf32, #tpu.memory_space<vmem>>, vector<5000x32xf32>
    %mul3A_19 = arith.constant 1.000000e-01 : f32
    %mul3A_20 = vector.broadcast %mul3A_19 : f32 to vector<5000x32xf32>
    %mul3A_21 = arith.mulf %mul3A_20, %get3A_18 : vector<5000x32xf32>
    %add3A_22 = arith.addf %mul3A_15, %mul3A_21 : vector<5000x32xf32>
    %concatenate3A = tpu.concatenate %add3A, %add3A_22 in 1 : vector<5000x32xf32>, vector<5000x32xf32> -> vector<5000x64xf32>
    %get3A_23 = arith.constant 0 : index
    %get3A_24 = arith.constant 0 : index
    %get3A_25 = vector.load %arg6[%get3A_23, %get3A_24] : memref<64x64xf32, #tpu.memory_space<vmem>>, vector<64x64xf32>
    %eq3A = arith.constant 0 : i32
    %eq3A_26 = arith.cmpi eq, %arg1, %eq3A : i32
    %slice3A = vector.extract_strided_slice %get3A_25 {offsets = [0, 0], sizes = [64, 32], strides = [1, 1]} : vector<64x64xf32> to vector<64x32xf32>
    %slice3A_27 = vector.extract_strided_slice %get3A_25 {offsets = [0, 32], sizes = [64, 32], strides = [1, 1]} : vector<64x64xf32> to vector<64x32xf32>
    %select_n3A = arith.select %eq3A_26, %slice3A, %slice3A_27 : vector<64x32xf32>
    %eq3A_28 = arith.constant 0 : i32
    %eq3A_29 = arith.cmpi eq, %arg1, %eq3A_28 : i32
    %select_n3A_30 = arith.select %eq3A_29, %add3A, %add3A_22 : vector<5000x32xf32>
    %mul3A_31 = arith.constant 0.882216989 : f32
    %mul3A_32 = vector.broadcast %mul3A_31 : f32 to vector<5000x32xf32>
    %mul3A_33 = arith.mulf %mul3A_32, %select_n3A_30 : vector<5000x32xf32>
    %dot_general3A = arith.constant dense<0.000000e+00> : vector<5000x32xf32>
    %dot_general3A_34 = tpu.matmul %concatenate3A, %select_n3A, %dot_general3A {dimension_numbers = #tpu.dot_dimension_numbers<[1], [0], [0], [1], [0, 0, 1, 1], [], []>, transpose_lhs_hint = false} : vector<5000x64xf32>, vector<64x32xf32>, vector<5000x32xf32> -> vector<5000x32xf32>
    %mul3A_35 = arith.constant 0.117783032 : f32
    %mul3A_36 = vector.broadcast %mul3A_35 : f32 to vector<5000x32xf32>
    %mul3A_37 = arith.mulf %mul3A_36, %dot_general3A_34 : vector<5000x32xf32>
    %add3A_38 = arith.addf %mul3A_33, %mul3A_37 : vector<5000x32xf32>
    %max3A = arith.constant 0.000000e+00 : f32
    %max3A_39 = vector.broadcast %max3A : f32 to vector<5000x32xf32>
    %max3A_40 = arith.maximumf %add3A_38, %max3A_39 : vector<5000x32xf32>
    %swap3A = arith.constant 0 : index
    %swap3A_41 = arith.constant 0 : index
    %swap3A_42 = vector.load %arg7[%swap3A, %swap3A_41] : memref<5000x32xf32, #tpu.memory_space<vmem>>, vector<5000x32xf32>
    tpu.vector_store %arg7[%swap3A, %swap3A_41], %max3A_40 {strides = array<i32>} : memref<5000x32xf32, #tpu.memory_space<vmem>>, vector<5000x32xf32>,
    return
  }
  func.func @transform_0(%arg0: i32, %arg1: i32) -> (i32, i32) {
    %c0_i32 = arith.constant 0 : i32
    %c0_i32_0 = arith.constant 0 : i32
    return %arg0, %c0_i32 : i32, i32
  }
  func.func @transform_1(%arg0: i32, %arg1: i32) -> (i32, i32) {
    %add3A = arith.constant 10 : i32
    %add3A_0 = arith.addi %add3A, %arg0 : i32
    %c0_i32 = arith.constant 0 : i32
    %c0_i32_1 = arith.constant 0 : i32
    return %add3A_0, %c0_i32 : i32, i32
  }
  func.func @transform_2(%arg0: i32, %arg1: i32) -> (i32, i32) {
    %c0_i32 = arith.constant 0 : i32
    %c0_i32_0 = arith.constant 0 : i32
    return %arg0, %c0_i32 : i32, i32
  }
  func.func @transform_3(%arg0: i32, %arg1: i32) -> (i32, i32) {
    %add3A = arith.constant 10 : i32
    %add3A_0 = arith.addi %add3A, %arg0 : i32
    %c0_i32 = arith.constant 0 : i32
    %c0_i32_1 = arith.constant 0 : i32
    return %add3A_0, %c0_i32 : i32, i32
  }
  func.func @transform_4(%arg0: i32, %arg1: i32) -> (i32, i32) {
    %c0_i32 = arith.constant 0 : i32
    %c0_i32_0 = arith.constant 0 : i32
    %c0_i32_1 = arith.constant 0 : i32
    return %c0_i32, %c0_i32_0 : i32, i32
  }
  func.func @transform_5(%arg0: i32, %arg1: i32) -> (i32, i32) {
    %mul3A = arith.constant 10 : i32
    %mul3A_0 = arith.muli %arg1, %mul3A : i32
    %add3A = arith.addi %mul3A_0, %arg0 : i32
    %c0_i32 = arith.constant 0 : i32
    %c0_i32_1 = arith.constant 0 : i32
    return %add3A, %c0_i32 : i32, i32
  }
}

module attributes {stable_mosaic.version = 14 : i64} {
  func.func @_final_body(%arg0: i32, %arg1: memref<5000x32xf32, #tpu.memory_space<vmem>>, %arg2: memref<5000x32xf32, #tpu.memory_space<vmem>>, %arg3: memref<64x64xf32, #tpu.memory_space<vmem>>, %arg4: memref<1x64xf32, #tpu.memory_space<vmem>>, %arg5: memref<1x5000x1xi32, #tpu.memory_space<vmem>>, %arg6: memref<1x1x2xi32, #tpu.memory_space<vmem>>, %arg7: memref<64x64xf32, #tpu.memory_space<vmem>>, %arg8: memref<1x64xf32, #tpu.memory_space<vmem>>, %arg9: memref<1x64xf32, #tpu.memory_space<vmem>>, %arg10: memref<1x64xf32, #tpu.memory_space<vmem>>, %arg11: memref<64x64xf32, #tpu.memory_space<vmem>>, %arg12: memref<1x64xf32, #tpu.memory_space<vmem>>, %arg13: memref<1x64xf32, #tpu.memory_space<vmem>>, %arg14: memref<1x64xf32, #tpu.memory_space<vmem>>, %arg15: memref<64x10xf32, #tpu.memory_space<vmem>>, %arg16: memref<1x10xf32, #tpu.memory_space<vmem>>, %arg17: memref<32x10xf32, #tpu.memory_space<vmem>>, %arg18: memref<32x64xf32, #tpu.memory_space<vmem>>) attributes {dimension_semantics = [#tpu.dimension_semantics<arbitrary>], iteration_bounds = array<i64: 10>, scalar_prefetch = 0 : i64, scratch_operands = 1 : i64, tpu.core_type = #tpu.core_type<tc>, window_params = [{transform_indices = @transform_0, window_bounds = array<i64: 5000, 32>}, {transform_indices = @transform_1, window_bounds = array<i64: 5000, 32>}, {pipeline_mode = #tpu.pipeline_mode<synchronous>, transform_indices = @transform_2, window_bounds = array<i64: 64, 64>}, {pipeline_mode = #tpu.pipeline_mode<synchronous>, transform_indices = @transform_3, window_bounds = array<i64: 1, 64>}, {transform_indices = @transform_4, window_bounds = array<i64: 1, 5000, 1>}, {transform_indices = @transform_5, window_bounds = array<i64: 1, 1, 2>}, {pipeline_mode = #tpu.pipeline_mode<synchronous>, transform_indices = @transform_6, window_bounds = array<i64: 64, 64>}, {pipeline_mode = #tpu.pipeline_mode<synchronous>, transform_indices = @transform_7, window_bounds = array<i64: 1, 64>}, {pipeline_mode = #tpu.pipeline_mode<synchronous>, transform_indices = @transform_8, window_bounds = array<i64: 1, 64>}, {pipeline_mode = #tpu.pipeline_mode<synchronous>, transform_indices = @transform_9, window_bounds = array<i64: 1, 64>}, {pipeline_mode = #tpu.pipeline_mode<synchronous>, transform_indices = @transform_10, window_bounds = array<i64: 64, 64>}, {pipeline_mode = #tpu.pipeline_mode<synchronous>, transform_indices = @transform_11, window_bounds = array<i64: 1, 64>}, {pipeline_mode = #tpu.pipeline_mode<synchronous>, transform_indices = @transform_12, window_bounds = array<i64: 1, 64>}, {pipeline_mode = #tpu.pipeline_mode<synchronous>, transform_indices = @transform_13, window_bounds = array<i64: 1, 64>}, {pipeline_mode = #tpu.pipeline_mode<synchronous>, transform_indices = @transform_14, window_bounds = array<i64: 64, 10>}, {pipeline_mode = #tpu.pipeline_mode<synchronous>, transform_indices = @transform_15, window_bounds = array<i64: 1, 10>}, {pipeline_mode = #tpu.pipeline_mode<synchronous>, transform_indices = @transform_16, window_bounds = array<i64: 32, 10>}]} {
    %get3A = arith.constant 0 : index
    %get3A_0 = arith.constant 0 : index
    %get3A_1 = vector.load %arg1[%get3A, %get3A_0] : memref<5000x32xf32, #tpu.memory_space<vmem>>, vector<5000x32xf32>
    %get3A_2 = arith.constant 0 : index
    %get3A_3 = arith.constant 0 : index
    %get3A_4 = vector.load %arg2[%get3A_2, %get3A_3] : memref<5000x32xf32, #tpu.memory_space<vmem>>, vector<5000x32xf32>
    %concatenate3A = tpu.concatenate %get3A_1, %get3A_4 in 1 : vector<5000x32xf32>, vector<5000x32xf32> -> vector<5000x64xf32>
    %get3A_5 = arith.constant 0 : index
    %get3A_6 = arith.constant 0 : index
    %get3A_7 = vector.load %arg3[%get3A_5, %get3A_6] : memref<64x64xf32, #tpu.memory_space<vmem>>, vector<64x64xf32>
    %dot_general3A = arith.constant dense<0.000000e+00> : vector<5000x64xf32>
    %dot_general3A_8 = tpu.matmul %concatenate3A, %get3A_7, %dot_general3A {dimension_numbers = #tpu.dot_dimension_numbers<[1], [0], [0], [1], [0, 0, 1, 1], [], []>, transpose_lhs_hint = false} : vector<5000x64xf32>, vector<64x64xf32>, vector<5000x64xf32> -> vector<5000x64xf32>
    %get3A_9 = arith.constant 0 : index
    %get3A_10 = arith.constant 0 : index
    %get3A_11 = vector.load %arg4[%get3A_9, %get3A_10] : memref<1x64xf32, #tpu.memory_space<vmem>>, vector<1x64xf32>
    %add3A = vector.broadcast %get3A_11 : vector<1x64xf32> to vector<5000x64xf32>
    %add3A_12 = arith.addf %dot_general3A_8, %add3A : vector<5000x64xf32>
    %get3A_13 = arith.constant 0 : index
    %get3A_14 = arith.constant 0 : index
    %get3A_15 = arith.constant 0 : index
    %get3A_16 = vector.load %arg5[%get3A_13, %get3A_14, %get3A_15] : memref<1x5000x1xi32, #tpu.memory_space<vmem>>, vector<1x5000x1xi32>
    %get3A_17 = vector.shape_cast %get3A_16 : vector<1x5000x1xi32> to vector<5000x1xi32>
    %iota3A = tpu.iota {dimensions = array<i32: 1>} : vector<1x32xi32>
    %eq3A = vector.broadcast %get3A_17 : vector<5000x1xi32> to vector<5000x32xi32>
    %eq3A_18 = vector.broadcast %iota3A : vector<1x32xi32> to vector<5000x32xi32>
    %eq3A_19 = arith.cmpi eq, %eq3A, %eq3A_18 : vector<5000x32xi32>
    %eq3A_20 = arith.constant 0 : i32
    %eq3A_21 = arith.cmpi eq, %arg0, %eq3A_20 : i32
    %convert_element_type3A = arith.extui %eq3A_21 : i1 to i32
    %cond3A = arith.constant 0xFF800000 : f32
    %cond3A_22 = arith.constant 0 : i32
    %cond3A_23 = arith.cmpi ne, %convert_element_type3A, %cond3A_22 : i32
    scf.if %cond3A_23 {
      %broadcast_in_dim3A = vector.broadcast %cond3A : f32 to vector<32x64xf32>
      %swap3A = arith.constant 0 : index
      %swap3A_329 = arith.constant 0 : index
      %swap3A_330 = vector.load %arg18[%swap3A, %swap3A_329] : memref<32x64xf32, #tpu.memory_space<vmem>>, vector<32x64xf32>
      tpu.vector_store %arg18[%swap3A, %swap3A_329], %broadcast_in_dim3A {strides = array<i32>} : memref<32x64xf32, #tpu.memory_space<vmem>>, vector<32x64xf32>,
    } else {
    }
    %get3A_24 = arith.constant 0 : index
    %get3A_25 = arith.constant 0 : index
    %get3A_26 = arith.constant 0 : index
    %get3A_27 = vector.load %arg6[%get3A_24, %get3A_25, %get3A_26] : memref<1x1x2xi32, #tpu.memory_space<vmem>>, vector<1x1x1xi32>
    %get3A_28 = vector.extract %get3A_27[0, 0, 0] : i32 from vector<1x1x1xi32>
    %get3A_29 = arith.constant 0 : index
    %get3A_30 = arith.constant 0 : index
    %get3A_31 = arith.constant 1 : index
    %get3A_32 = vector.load %arg6[%get3A_29, %get3A_30, %get3A_31] : memref<1x1x2xi32, #tpu.memory_space<vmem>>, vector<1x1x1xi32>
    %get3A_33 = vector.extract %get3A_32[0, 0, 0] : i32 from vector<1x1x1xi32>
    %le3A = arith.constant 0 : i32
    %le3A_34 = arith.cmpi sle, %get3A_28, %le3A : i32
    %ge3A = arith.constant 0 : i32
    %ge3A_35 = arith.cmpi sge, %get3A_33, %ge3A : i32
    %and3A = arith.andi %le3A_34, %ge3A_35 : i1
    %convert_element_type3A_36 = arith.extui %and3A : i1 to i32
    %cond3A_37 = arith.constant 0xFF800000 : f32
    %cond3A_38 = arith.constant 0 : i32
    %cond3A_39 = arith.cmpi ne, %convert_element_type3A_36, %cond3A_38 : i32
    scf.if %cond3A_39 {
      %slice3A = vector.extract_strided_slice %eq3A_19 {offsets = [0, 0], sizes = [5000, 1], strides = [1, 1]} : vector<5000x32xi1> to vector<5000x1xi1>
      %broadcast_in_dim3A = vector.shape_cast %slice3A : vector<5000x1xi1> to vector<5000x1xi1>
      %broadcast_in_dim3A_329 = vector.broadcast %broadcast_in_dim3A : vector<5000x1xi1> to vector<5000x64xi1>
      %broadcast_in_dim3A_330 = vector.broadcast %cond3A_37 : f32 to vector<5000x64xf32>
      %select_n3A = arith.select %broadcast_in_dim3A_329, %add3A_12, %broadcast_in_dim3A_330 : vector<5000x64xi1>, vector<5000x64xf32>
      %reduce_max3A = arith.constant dense<0xFF800000> : vector<64xf32>
      %reduce_max3A_331 = vector.multi_reduction <maximumf>, %select_n3A, %reduce_max3A [0] : vector<5000x64xf32> to vector<64xf32>
      %broadcast_in_dim3A_332 = vector.shape_cast %reduce_max3A_331 : vector<64xf32> to vector<1x64xf32>
      %get3A_333 = arith.constant 0 : index
      %get3A_334 = arith.constant 0 : index
      %get3A_335 = vector.load %arg18[%get3A_333, %get3A_334] : memref<32x64xf32, #tpu.memory_space<vmem>>, vector<1x64xf32>
      %max3A = arith.maximumf %get3A_335, %broadcast_in_dim3A_332 : vector<1x64xf32>
      %swap3A = arith.constant 0 : index
      %swap3A_336 = arith.constant 0 : index
      %swap3A_337 = vector.load %arg18[%swap3A, %swap3A_336] : memref<32x64xf32, #tpu.memory_space<vmem>>, vector<1x64xf32>
      tpu.vector_store %arg18[%swap3A, %swap3A_336], %max3A {strides = array<i32>} : memref<32x64xf32, #tpu.memory_space<vmem>>, vector<1x64xf32>,
    } else {
    }
    %le3A_40 = arith.constant 1 : i32
    %le3A_41 = arith.cmpi sle, %get3A_28, %le3A_40 : i32
    %ge3A_42 = arith.constant 1 : i32
    %ge3A_43 = arith.cmpi sge, %get3A_33, %ge3A_42 : i32
    %and3A_44 = arith.andi %le3A_41, %ge3A_43 : i1
    %convert_element_type3A_45 = arith.extui %and3A_44 : i1 to i32
    %cond3A_46 = arith.constant 0xFF800000 : f32
    %cond3A_47 = arith.constant 0 : i32
    %cond3A_48 = arith.cmpi ne, %convert_element_type3A_45, %cond3A_47 : i32
    scf.if %cond3A_48 {
      %slice3A = vector.extract_strided_slice %eq3A_19 {offsets = [0, 1], sizes = [5000, 1], strides = [1, 1]} : vector<5000x32xi1> to vector<5000x1xi1>
      %broadcast_in_dim3A = vector.shape_cast %slice3A : vector<5000x1xi1> to vector<5000x1xi1>
      %broadcast_in_dim3A_329 = vector.broadcast %broadcast_in_dim3A : vector<5000x1xi1> to vector<5000x64xi1>
      %broadcast_in_dim3A_330 = vector.broadcast %cond3A_46 : f32 to vector<5000x64xf32>
      %select_n3A = arith.select %broadcast_in_dim3A_329, %add3A_12, %broadcast_in_dim3A_330 : vector<5000x64xi1>, vector<5000x64xf32>
      %reduce_max3A = arith.constant dense<0xFF800000> : vector<64xf32>
      %reduce_max3A_331 = vector.multi_reduction <maximumf>, %select_n3A, %reduce_max3A [0] : vector<5000x64xf32> to vector<64xf32>
      %broadcast_in_dim3A_332 = vector.shape_cast %reduce_max3A_331 : vector<64xf32> to vector<1x64xf32>
      %get3A_333 = arith.constant 1 : index
      %get3A_334 = arith.constant 0 : index
      %get3A_335 = vector.load %arg18[%get3A_333, %get3A_334] : memref<32x64xf32, #tpu.memory_space<vmem>>, vector<1x64xf32>
      %max3A = arith.maximumf %get3A_335, %broadcast_in_dim3A_332 : vector<1x64xf32>
      %swap3A = arith.constant 1 : index
      %swap3A_336 = arith.constant 0 : index
      %swap3A_337 = vector.load %arg18[%swap3A, %swap3A_336] : memref<32x64xf32, #tpu.memory_space<vmem>>, vector<1x64xf32>
      tpu.vector_store %arg18[%swap3A, %swap3A_336], %max3A {strides = array<i32>} : memref<32x64xf32, #tpu.memory_space<vmem>>, vector<1x64xf32>,
    } else {
    }
    %le3A_49 = arith.constant 2 : i32
    %le3A_50 = arith.cmpi sle, %get3A_28, %le3A_49 : i32
    %ge3A_51 = arith.constant 2 : i32
    %ge3A_52 = arith.cmpi sge, %get3A_33, %ge3A_51 : i32
    %and3A_53 = arith.andi %le3A_50, %ge3A_52 : i1
    %convert_element_type3A_54 = arith.extui %and3A_53 : i1 to i32
    %cond3A_55 = arith.constant 0xFF800000 : f32
    %cond3A_56 = arith.constant 0 : i32
    %cond3A_57 = arith.cmpi ne, %convert_element_type3A_54, %cond3A_56 : i32
    scf.if %cond3A_57 {
      %slice3A = vector.extract_strided_slice %eq3A_19 {offsets = [0, 2], sizes = [5000, 1], strides = [1, 1]} : vector<5000x32xi1> to vector<5000x1xi1>
      %broadcast_in_dim3A = vector.shape_cast %slice3A : vector<5000x1xi1> to vector<5000x1xi1>
      %broadcast_in_dim3A_329 = vector.broadcast %broadcast_in_dim3A : vector<5000x1xi1> to vector<5000x64xi1>
      %broadcast_in_dim3A_330 = vector.broadcast %cond3A_55 : f32 to vector<5000x64xf32>
      %select_n3A = arith.select %broadcast_in_dim3A_329, %add3A_12, %broadcast_in_dim3A_330 : vector<5000x64xi1>, vector<5000x64xf32>
      %reduce_max3A = arith.constant dense<0xFF800000> : vector<64xf32>
      %reduce_max3A_331 = vector.multi_reduction <maximumf>, %select_n3A, %reduce_max3A [0] : vector<5000x64xf32> to vector<64xf32>
      %broadcast_in_dim3A_332 = vector.shape_cast %reduce_max3A_331 : vector<64xf32> to vector<1x64xf32>
      %get3A_333 = arith.constant 2 : index
      %get3A_334 = arith.constant 0 : index
      %get3A_335 = vector.load %arg18[%get3A_333, %get3A_334] : memref<32x64xf32, #tpu.memory_space<vmem>>, vector<1x64xf32>
      %max3A = arith.maximumf %get3A_335, %broadcast_in_dim3A_332 : vector<1x64xf32>
      %swap3A = arith.constant 2 : index
      %swap3A_336 = arith.constant 0 : index
      %swap3A_337 = vector.load %arg18[%swap3A, %swap3A_336] : memref<32x64xf32, #tpu.memory_space<vmem>>, vector<1x64xf32>
      tpu.vector_store %arg18[%swap3A, %swap3A_336], %max3A {strides = array<i32>} : memref<32x64xf32, #tpu.memory_space<vmem>>, vector<1x64xf32>,
    } else {
    }
    %le3A_58 = arith.constant 3 : i32
    %le3A_59 = arith.cmpi sle, %get3A_28, %le3A_58 : i32
    %ge3A_60 = arith.constant 3 : i32
    %ge3A_61 = arith.cmpi sge, %get3A_33, %ge3A_60 : i32
    %and3A_62 = arith.andi %le3A_59, %ge3A_61 : i1
    %convert_element_type3A_63 = arith.extui %and3A_62 : i1 to i32
    %cond3A_64 = arith.constant 0xFF800000 : f32
    %cond3A_65 = arith.constant 0 : i32
    %cond3A_66 = arith.cmpi ne, %convert_element_type3A_63, %cond3A_65 : i32
    scf.if %cond3A_66 {
      %slice3A = vector.extract_strided_slice %eq3A_19 {offsets = [0, 3], sizes = [5000, 1], strides = [1, 1]} : vector<5000x32xi1> to vector<5000x1xi1>
      %broadcast_in_dim3A = vector.shape_cast %slice3A : vector<5000x1xi1> to vector<5000x1xi1>
      %broadcast_in_dim3A_329 = vector.broadcast %broadcast_in_dim3A : vector<5000x1xi1> to vector<5000x64xi1>
      %broadcast_in_dim3A_330 = vector.broadcast %cond3A_64 : f32 to vector<5000x64xf32>
      %select_n3A = arith.select %broadcast_in_dim3A_329, %add3A_12, %broadcast_in_dim3A_330 : vector<5000x64xi1>, vector<5000x64xf32>
      %reduce_max3A = arith.constant dense<0xFF800000> : vector<64xf32>
      %reduce_max3A_331 = vector.multi_reduction <maximumf>, %select_n3A, %reduce_max3A [0] : vector<5000x64xf32> to vector<64xf32>
      %broadcast_in_dim3A_332 = vector.shape_cast %reduce_max3A_331 : vector<64xf32> to vector<1x64xf32>
      %get3A_333 = arith.constant 3 : index
      %get3A_334 = arith.constant 0 : index
      %get3A_335 = vector.load %arg18[%get3A_333, %get3A_334] : memref<32x64xf32, #tpu.memory_space<vmem>>, vector<1x64xf32>
      %max3A = arith.maximumf %get3A_335, %broadcast_in_dim3A_332 : vector<1x64xf32>
      %swap3A = arith.constant 3 : index
      %swap3A_336 = arith.constant 0 : index
      %swap3A_337 = vector.load %arg18[%swap3A, %swap3A_336] : memref<32x64xf32, #tpu.memory_space<vmem>>, vector<1x64xf32>
      tpu.vector_store %arg18[%swap3A, %swap3A_336], %max3A {strides = array<i32>} : memref<32x64xf32, #tpu.memory_space<vmem>>, vector<1x64xf32>,
    } else {
    }
    %le3A_67 = arith.constant 4 : i32
    %le3A_68 = arith.cmpi sle, %get3A_28, %le3A_67 : i32
    %ge3A_69 = arith.constant 4 : i32
    %ge3A_70 = arith.cmpi sge, %get3A_33, %ge3A_69 : i32
    %and3A_71 = arith.andi %le3A_68, %ge3A_70 : i1
    %convert_element_type3A_72 = arith.extui %and3A_71 : i1 to i32
    %cond3A_73 = arith.constant 0xFF800000 : f32
    %cond3A_74 = arith.constant 0 : i32
    %cond3A_75 = arith.cmpi ne, %convert_element_type3A_72, %cond3A_74 : i32
    scf.if %cond3A_75 {
      %slice3A = vector.extract_strided_slice %eq3A_19 {offsets = [0, 4], sizes = [5000, 1], strides = [1, 1]} : vector<5000x32xi1> to vector<5000x1xi1>
      %broadcast_in_dim3A = vector.shape_cast %slice3A : vector<5000x1xi1> to vector<5000x1xi1>
      %broadcast_in_dim3A_329 = vector.broadcast %broadcast_in_dim3A : vector<5000x1xi1> to vector<5000x64xi1>
      %broadcast_in_dim3A_330 = vector.broadcast %cond3A_73 : f32 to vector<5000x64xf32>
      %select_n3A = arith.select %broadcast_in_dim3A_329, %add3A_12, %broadcast_in_dim3A_330 : vector<5000x64xi1>, vector<5000x64xf32>
      %reduce_max3A = arith.constant dense<0xFF800000> : vector<64xf32>
      %reduce_max3A_331 = vector.multi_reduction <maximumf>, %select_n3A, %reduce_max3A [0] : vector<5000x64xf32> to vector<64xf32>
      %broadcast_in_dim3A_332 = vector.shape_cast %reduce_max3A_331 : vector<64xf32> to vector<1x64xf32>
      %get3A_333 = arith.constant 4 : index
      %get3A_334 = arith.constant 0 : index
      %get3A_335 = vector.load %arg18[%get3A_333, %get3A_334] : memref<32x64xf32, #tpu.memory_space<vmem>>, vector<1x64xf32>
      %max3A = arith.maximumf %get3A_335, %broadcast_in_dim3A_332 : vector<1x64xf32>
      %swap3A = arith.constant 4 : index
      %swap3A_336 = arith.constant 0 : index
      %swap3A_337 = vector.load %arg18[%swap3A, %swap3A_336] : memref<32x64xf32, #tpu.memory_space<vmem>>, vector<1x64xf32>
      tpu.vector_store %arg18[%swap3A, %swap3A_336], %max3A {strides = array<i32>} : memref<32x64xf32, #tpu.memory_space<vmem>>, vector<1x64xf32>,
    } else {
    }
    %le3A_76 = arith.constant 5 : i32
    %le3A_77 = arith.cmpi sle, %get3A_28, %le3A_76 : i32
    %ge3A_78 = arith.constant 5 : i32
    %ge3A_79 = arith.cmpi sge, %get3A_33, %ge3A_78 : i32
    %and3A_80 = arith.andi %le3A_77, %ge3A_79 : i1
    %convert_element_type3A_81 = arith.extui %and3A_80 : i1 to i32
    %cond3A_82 = arith.constant 0xFF800000 : f32
    %cond3A_83 = arith.constant 0 : i32
    %cond3A_84 = arith.cmpi ne, %convert_element_type3A_81, %cond3A_83 : i32
    scf.if %cond3A_84 {
      %slice3A = vector.extract_strided_slice %eq3A_19 {offsets = [0, 5], sizes = [5000, 1], strides = [1, 1]} : vector<5000x32xi1> to vector<5000x1xi1>
      %broadcast_in_dim3A = vector.shape_cast %slice3A : vector<5000x1xi1> to vector<5000x1xi1>
      %broadcast_in_dim3A_329 = vector.broadcast %broadcast_in_dim3A : vector<5000x1xi1> to vector<5000x64xi1>
      %broadcast_in_dim3A_330 = vector.broadcast %cond3A_82 : f32 to vector<5000x64xf32>
      %select_n3A = arith.select %broadcast_in_dim3A_329, %add3A_12, %broadcast_in_dim3A_330 : vector<5000x64xi1>, vector<5000x64xf32>
      %reduce_max3A = arith.constant dense<0xFF800000> : vector<64xf32>
      %reduce_max3A_331 = vector.multi_reduction <maximumf>, %select_n3A, %reduce_max3A [0] : vector<5000x64xf32> to vector<64xf32>
      %broadcast_in_dim3A_332 = vector.shape_cast %reduce_max3A_331 : vector<64xf32> to vector<1x64xf32>
      %get3A_333 = arith.constant 5 : index
      %get3A_334 = arith.constant 0 : index
      %get3A_335 = vector.load %arg18[%get3A_333, %get3A_334] : memref<32x64xf32, #tpu.memory_space<vmem>>, vector<1x64xf32>
      %max3A = arith.maximumf %get3A_335, %broadcast_in_dim3A_332 : vector<1x64xf32>
      %swap3A = arith.constant 5 : index
      %swap3A_336 = arith.constant 0 : index
      %swap3A_337 = vector.load %arg18[%swap3A, %swap3A_336] : memref<32x64xf32, #tpu.memory_space<vmem>>, vector<1x64xf32>
      tpu.vector_store %arg18[%swap3A, %swap3A_336], %max3A {strides = array<i32>} : memref<32x64xf32, #tpu.memory_space<vmem>>, vector<1x64xf32>,
    } else {
    }
    %le3A_85 = arith.constant 6 : i32
    %le3A_86 = arith.cmpi sle, %get3A_28, %le3A_85 : i32
    %ge3A_87 = arith.constant 6 : i32
    %ge3A_88 = arith.cmpi sge, %get3A_33, %ge3A_87 : i32
    %and3A_89 = arith.andi %le3A_86, %ge3A_88 : i1
    %convert_element_type3A_90 = arith.extui %and3A_89 : i1 to i32
    %cond3A_91 = arith.constant 0xFF800000 : f32
    %cond3A_92 = arith.constant 0 : i32
    %cond3A_93 = arith.cmpi ne, %convert_element_type3A_90, %cond3A_92 : i32
    scf.if %cond3A_93 {
      %slice3A = vector.extract_strided_slice %eq3A_19 {offsets = [0, 6], sizes = [5000, 1], strides = [1, 1]} : vector<5000x32xi1> to vector<5000x1xi1>
      %broadcast_in_dim3A = vector.shape_cast %slice3A : vector<5000x1xi1> to vector<5000x1xi1>
      %broadcast_in_dim3A_329 = vector.broadcast %broadcast_in_dim3A : vector<5000x1xi1> to vector<5000x64xi1>
      %broadcast_in_dim3A_330 = vector.broadcast %cond3A_91 : f32 to vector<5000x64xf32>
      %select_n3A = arith.select %broadcast_in_dim3A_329, %add3A_12, %broadcast_in_dim3A_330 : vector<5000x64xi1>, vector<5000x64xf32>
      %reduce_max3A = arith.constant dense<0xFF800000> : vector<64xf32>
      %reduce_max3A_331 = vector.multi_reduction <maximumf>, %select_n3A, %reduce_max3A [0] : vector<5000x64xf32> to vector<64xf32>
      %broadcast_in_dim3A_332 = vector.shape_cast %reduce_max3A_331 : vector<64xf32> to vector<1x64xf32>
      %get3A_333 = arith.constant 6 : index
      %get3A_334 = arith.constant 0 : index
      %get3A_335 = vector.load %arg18[%get3A_333, %get3A_334] : memref<32x64xf32, #tpu.memory_space<vmem>>, vector<1x64xf32>
      %max3A = arith.maximumf %get3A_335, %broadcast_in_dim3A_332 : vector<1x64xf32>
      %swap3A = arith.constant 6 : index
      %swap3A_336 = arith.constant 0 : index
      %swap3A_337 = vector.load %arg18[%swap3A, %swap3A_336] : memref<32x64xf32, #tpu.memory_space<vmem>>, vector<1x64xf32>
      tpu.vector_store %arg18[%swap3A, %swap3A_336], %max3A {strides = array<i32>} : memref<32x64xf32, #tpu.memory_space<vmem>>, vector<1x64xf32>,
    } else {
    }
    %le3A_94 = arith.constant 7 : i32
    %le3A_95 = arith.cmpi sle, %get3A_28, %le3A_94 : i32
    %ge3A_96 = arith.constant 7 : i32
    %ge3A_97 = arith.cmpi sge, %get3A_33, %ge3A_96 : i32
    %and3A_98 = arith.andi %le3A_95, %ge3A_97 : i1
    %convert_element_type3A_99 = arith.extui %and3A_98 : i1 to i32
    %cond3A_100 = arith.constant 0xFF800000 : f32
    %cond3A_101 = arith.constant 0 : i32
    %cond3A_102 = arith.cmpi ne, %convert_element_type3A_99, %cond3A_101 : i32
    scf.if %cond3A_102 {
      %slice3A = vector.extract_strided_slice %eq3A_19 {offsets = [0, 7], sizes = [5000, 1], strides = [1, 1]} : vector<5000x32xi1> to vector<5000x1xi1>
      %broadcast_in_dim3A = vector.shape_cast %slice3A : vector<5000x1xi1> to vector<5000x1xi1>
      %broadcast_in_dim3A_329 = vector.broadcast %broadcast_in_dim3A : vector<5000x1xi1> to vector<5000x64xi1>
      %broadcast_in_dim3A_330 = vector.broadcast %cond3A_100 : f32 to vector<5000x64xf32>
      %select_n3A = arith.select %broadcast_in_dim3A_329, %add3A_12, %broadcast_in_dim3A_330 : vector<5000x64xi1>, vector<5000x64xf32>
      %reduce_max3A = arith.constant dense<0xFF800000> : vector<64xf32>
      %reduce_max3A_331 = vector.multi_reduction <maximumf>, %select_n3A, %reduce_max3A [0] : vector<5000x64xf32> to vector<64xf32>
      %broadcast_in_dim3A_332 = vector.shape_cast %reduce_max3A_331 : vector<64xf32> to vector<1x64xf32>
      %get3A_333 = arith.constant 7 : index
      %get3A_334 = arith.constant 0 : index
      %get3A_335 = vector.load %arg18[%get3A_333, %get3A_334] : memref<32x64xf32, #tpu.memory_space<vmem>>, vector<1x64xf32>
      %max3A = arith.maximumf %get3A_335, %broadcast_in_dim3A_332 : vector<1x64xf32>
      %swap3A = arith.constant 7 : index
      %swap3A_336 = arith.constant 0 : index
      %swap3A_337 = vector.load %arg18[%swap3A, %swap3A_336] : memref<32x64xf32, #tpu.memory_space<vmem>>, vector<1x64xf32>
      tpu.vector_store %arg18[%swap3A, %swap3A_336], %max3A {strides = array<i32>} : memref<32x64xf32, #tpu.memory_space<vmem>>, vector<1x64xf32>,
    } else {
    }
    %le3A_103 = arith.constant 8 : i32
    %le3A_104 = arith.cmpi sle, %get3A_28, %le3A_103 : i32
    %ge3A_105 = arith.constant 8 : i32
    %ge3A_106 = arith.cmpi sge, %get3A_33, %ge3A_105 : i32
    %and3A_107 = arith.andi %le3A_104, %ge3A_106 : i1
    %convert_element_type3A_108 = arith.extui %and3A_107 : i1 to i32
    %cond3A_109 = arith.constant 0xFF800000 : f32
    %cond3A_110 = arith.constant 0 : i32
    %cond3A_111 = arith.cmpi ne, %convert_element_type3A_108, %cond3A_110 : i32
    scf.if %cond3A_111 {
      %slice3A = vector.extract_strided_slice %eq3A_19 {offsets = [0, 8], sizes = [5000, 1], strides = [1, 1]} : vector<5000x32xi1> to vector<5000x1xi1>
      %broadcast_in_dim3A = vector.shape_cast %slice3A : vector<5000x1xi1> to vector<5000x1xi1>
      %broadcast_in_dim3A_329 = vector.broadcast %broadcast_in_dim3A : vector<5000x1xi1> to vector<5000x64xi1>
      %broadcast_in_dim3A_330 = vector.broadcast %cond3A_109 : f32 to vector<5000x64xf32>
      %select_n3A = arith.select %broadcast_in_dim3A_329, %add3A_12, %broadcast_in_dim3A_330 : vector<5000x64xi1>, vector<5000x64xf32>
      %reduce_max3A = arith.constant dense<0xFF800000> : vector<64xf32>
      %reduce_max3A_331 = vector.multi_reduction <maximumf>, %select_n3A, %reduce_max3A [0] : vector<5000x64xf32> to vector<64xf32>
      %broadcast_in_dim3A_332 = vector.shape_cast %reduce_max3A_331 : vector<64xf32> to vector<1x64xf32>
      %get3A_333 = arith.constant 8 : index
      %get3A_334 = arith.constant 0 : index
      %get3A_335 = vector.load %arg18[%get3A_333, %get3A_334] : memref<32x64xf32, #tpu.memory_space<vmem>>, vector<1x64xf32>
      %max3A = arith.maximumf %get3A_335, %broadcast_in_dim3A_332 : vector<1x64xf32>
      %swap3A = arith.constant 8 : index
      %swap3A_336 = arith.constant 0 : index
      %swap3A_337 = vector.load %arg18[%swap3A, %swap3A_336] : memref<32x64xf32, #tpu.memory_space<vmem>>, vector<1x64xf32>
      tpu.vector_store %arg18[%swap3A, %swap3A_336], %max3A {strides = array<i32>} : memref<32x64xf32, #tpu.memory_space<vmem>>, vector<1x64xf32>,
    } else {
    }
    %le3A_112 = arith.constant 9 : i32
    %le3A_113 = arith.cmpi sle, %get3A_28, %le3A_112 : i32
    %ge3A_114 = arith.constant 9 : i32
    %ge3A_115 = arith.cmpi sge, %get3A_33, %ge3A_114 : i32
    %and3A_116 = arith.andi %le3A_113, %ge3A_115 : i1
    %convert_element_type3A_117 = arith.extui %and3A_116 : i1 to i32
    %cond3A_118 = arith.constant 0xFF800000 : f32
    %cond3A_119 = arith.constant 0 : i32
    %cond3A_120 = arith.cmpi ne, %convert_element_type3A_117, %cond3A_119 : i32
    scf.if %cond3A_120 {
      %slice3A = vector.extract_strided_slice %eq3A_19 {offsets = [0, 9], sizes = [5000, 1], strides = [1, 1]} : vector<5000x32xi1> to vector<5000x1xi1>
      %broadcast_in_dim3A = vector.shape_cast %slice3A : vector<5000x1xi1> to vector<5000x1xi1>
      %broadcast_in_dim3A_329 = vector.broadcast %broadcast_in_dim3A : vector<5000x1xi1> to vector<5000x64xi1>
      %broadcast_in_dim3A_330 = vector.broadcast %cond3A_118 : f32 to vector<5000x64xf32>
      %select_n3A = arith.select %broadcast_in_dim3A_329, %add3A_12, %broadcast_in_dim3A_330 : vector<5000x64xi1>, vector<5000x64xf32>
      %reduce_max3A = arith.constant dense<0xFF800000> : vector<64xf32>
      %reduce_max3A_331 = vector.multi_reduction <maximumf>, %select_n3A, %reduce_max3A [0] : vector<5000x64xf32> to vector<64xf32>
      %broadcast_in_dim3A_332 = vector.shape_cast %reduce_max3A_331 : vector<64xf32> to vector<1x64xf32>
      %get3A_333 = arith.constant 9 : index
      %get3A_334 = arith.constant 0 : index
      %get3A_335 = vector.load %arg18[%get3A_333, %get3A_334] : memref<32x64xf32, #tpu.memory_space<vmem>>, vector<1x64xf32>
      %max3A = arith.maximumf %get3A_335, %broadcast_in_dim3A_332 : vector<1x64xf32>
      %swap3A = arith.constant 9 : index
      %swap3A_336 = arith.constant 0 : index
      %swap3A_337 = vector.load %arg18[%swap3A, %swap3A_336] : memref<32x64xf32, #tpu.memory_space<vmem>>, vector<1x64xf32>
      tpu.vector_store %arg18[%swap3A, %swap3A_336], %max3A {strides = array<i32>} : memref<32x64xf32, #tpu.memory_space<vmem>>, vector<1x64xf32>,
    } else {
    }
    %le3A_121 = arith.constant 10 : i32
    %le3A_122 = arith.cmpi sle, %get3A_28, %le3A_121 : i32
    %ge3A_123 = arith.constant 10 : i32
    %ge3A_124 = arith.cmpi sge, %get3A_33, %ge3A_123 : i32
    %and3A_125 = arith.andi %le3A_122, %ge3A_124 : i1
    %convert_element_type3A_126 = arith.extui %and3A_125 : i1 to i32
    %cond3A_127 = arith.constant 0xFF800000 : f32
    %cond3A_128 = arith.constant 0 : i32
    %cond3A_129 = arith.cmpi ne, %convert_element_type3A_126, %cond3A_128 : i32
    scf.if %cond3A_129 {
      %slice3A = vector.extract_strided_slice %eq3A_19 {offsets = [0, 10], sizes = [5000, 1], strides = [1, 1]} : vector<5000x32xi1> to vector<5000x1xi1>
      %broadcast_in_dim3A = vector.shape_cast %slice3A : vector<5000x1xi1> to vector<5000x1xi1>
      %broadcast_in_dim3A_329 = vector.broadcast %broadcast_in_dim3A : vector<5000x1xi1> to vector<5000x64xi1>
      %broadcast_in_dim3A_330 = vector.broadcast %cond3A_127 : f32 to vector<5000x64xf32>
      %select_n3A = arith.select %broadcast_in_dim3A_329, %add3A_12, %broadcast_in_dim3A_330 : vector<5000x64xi1>, vector<5000x64xf32>
      %reduce_max3A = arith.constant dense<0xFF800000> : vector<64xf32>
      %reduce_max3A_331 = vector.multi_reduction <maximumf>, %select_n3A, %reduce_max3A [0] : vector<5000x64xf32> to vector<64xf32>
      %broadcast_in_dim3A_332 = vector.shape_cast %reduce_max3A_331 : vector<64xf32> to vector<1x64xf32>
      %get3A_333 = arith.constant 10 : index
      %get3A_334 = arith.constant 0 : index
      %get3A_335 = vector.load %arg18[%get3A_333, %get3A_334] : memref<32x64xf32, #tpu.memory_space<vmem>>, vector<1x64xf32>
      %max3A = arith.maximumf %get3A_335, %broadcast_in_dim3A_332 : vector<1x64xf32>
      %swap3A = arith.constant 10 : index
      %swap3A_336 = arith.constant 0 : index
      %swap3A_337 = vector.load %arg18[%swap3A, %swap3A_336] : memref<32x64xf32, #tpu.memory_space<vmem>>, vector<1x64xf32>
      tpu.vector_store %arg18[%swap3A, %swap3A_336], %max3A {strides = array<i32>} : memref<32x64xf32, #tpu.memory_space<vmem>>, vector<1x64xf32>,
    } else {
    }
    %le3A_130 = arith.constant 11 : i32
    %le3A_131 = arith.cmpi sle, %get3A_28, %le3A_130 : i32
    %ge3A_132 = arith.constant 11 : i32
    %ge3A_133 = arith.cmpi sge, %get3A_33, %ge3A_132 : i32
    %and3A_134 = arith.andi %le3A_131, %ge3A_133 : i1
    %convert_element_type3A_135 = arith.extui %and3A_134 : i1 to i32
    %cond3A_136 = arith.constant 0xFF800000 : f32
    %cond3A_137 = arith.constant 0 : i32
    %cond3A_138 = arith.cmpi ne, %convert_element_type3A_135, %cond3A_137 : i32
    scf.if %cond3A_138 {
      %slice3A = vector.extract_strided_slice %eq3A_19 {offsets = [0, 11], sizes = [5000, 1], strides = [1, 1]} : vector<5000x32xi1> to vector<5000x1xi1>
      %broadcast_in_dim3A = vector.shape_cast %slice3A : vector<5000x1xi1> to vector<5000x1xi1>
      %broadcast_in_dim3A_329 = vector.broadcast %broadcast_in_dim3A : vector<5000x1xi1> to vector<5000x64xi1>
      %broadcast_in_dim3A_330 = vector.broadcast %cond3A_136 : f32 to vector<5000x64xf32>
      %select_n3A = arith.select %broadcast_in_dim3A_329, %add3A_12, %broadcast_in_dim3A_330 : vector<5000x64xi1>, vector<5000x64xf32>
      %reduce_max3A = arith.constant dense<0xFF800000> : vector<64xf32>
      %reduce_max3A_331 = vector.multi_reduction <maximumf>, %select_n3A, %reduce_max3A [0] : vector<5000x64xf32> to vector<64xf32>
      %broadcast_in_dim3A_332 = vector.shape_cast %reduce_max3A_331 : vector<64xf32> to vector<1x64xf32>
      %get3A_333 = arith.constant 11 : index
      %get3A_334 = arith.constant 0 : index
      %get3A_335 = vector.load %arg18[%get3A_333, %get3A_334] : memref<32x64xf32, #tpu.memory_space<vmem>>, vector<1x64xf32>
      %max3A = arith.maximumf %get3A_335, %broadcast_in_dim3A_332 : vector<1x64xf32>
      %swap3A = arith.constant 11 : index
      %swap3A_336 = arith.constant 0 : index
      %swap3A_337 = vector.load %arg18[%swap3A, %swap3A_336] : memref<32x64xf32, #tpu.memory_space<vmem>>, vector<1x64xf32>
      tpu.vector_store %arg18[%swap3A, %swap3A_336], %max3A {strides = array<i32>} : memref<32x64xf32, #tpu.memory_space<vmem>>, vector<1x64xf32>,
    } else {
    }
    %le3A_139 = arith.constant 12 : i32
    %le3A_140 = arith.cmpi sle, %get3A_28, %le3A_139 : i32
    %ge3A_141 = arith.constant 12 : i32
    %ge3A_142 = arith.cmpi sge, %get3A_33, %ge3A_141 : i32
    %and3A_143 = arith.andi %le3A_140, %ge3A_142 : i1
    %convert_element_type3A_144 = arith.extui %and3A_143 : i1 to i32
    %cond3A_145 = arith.constant 0xFF800000 : f32
    %cond3A_146 = arith.constant 0 : i32
    %cond3A_147 = arith.cmpi ne, %convert_element_type3A_144, %cond3A_146 : i32
    scf.if %cond3A_147 {
      %slice3A = vector.extract_strided_slice %eq3A_19 {offsets = [0, 12], sizes = [5000, 1], strides = [1, 1]} : vector<5000x32xi1> to vector<5000x1xi1>
      %broadcast_in_dim3A = vector.shape_cast %slice3A : vector<5000x1xi1> to vector<5000x1xi1>
      %broadcast_in_dim3A_329 = vector.broadcast %broadcast_in_dim3A : vector<5000x1xi1> to vector<5000x64xi1>
      %broadcast_in_dim3A_330 = vector.broadcast %cond3A_145 : f32 to vector<5000x64xf32>
      %select_n3A = arith.select %broadcast_in_dim3A_329, %add3A_12, %broadcast_in_dim3A_330 : vector<5000x64xi1>, vector<5000x64xf32>
      %reduce_max3A = arith.constant dense<0xFF800000> : vector<64xf32>
      %reduce_max3A_331 = vector.multi_reduction <maximumf>, %select_n3A, %reduce_max3A [0] : vector<5000x64xf32> to vector<64xf32>
      %broadcast_in_dim3A_332 = vector.shape_cast %reduce_max3A_331 : vector<64xf32> to vector<1x64xf32>
      %get3A_333 = arith.constant 12 : index
      %get3A_334 = arith.constant 0 : index
      %get3A_335 = vector.load %arg18[%get3A_333, %get3A_334] : memref<32x64xf32, #tpu.memory_space<vmem>>, vector<1x64xf32>
      %max3A = arith.maximumf %get3A_335, %broadcast_in_dim3A_332 : vector<1x64xf32>
      %swap3A = arith.constant 12 : index
      %swap3A_336 = arith.constant 0 : index
      %swap3A_337 = vector.load %arg18[%swap3A, %swap3A_336] : memref<32x64xf32, #tpu.memory_space<vmem>>, vector<1x64xf32>
      tpu.vector_store %arg18[%swap3A, %swap3A_336], %max3A {strides = array<i32>} : memref<32x64xf32, #tpu.memory_space<vmem>>, vector<1x64xf32>,
    } else {
    }
    %le3A_148 = arith.constant 13 : i32
    %le3A_149 = arith.cmpi sle, %get3A_28, %le3A_148 : i32
    %ge3A_150 = arith.constant 13 : i32
    %ge3A_151 = arith.cmpi sge, %get3A_33, %ge3A_150 : i32
    %and3A_152 = arith.andi %le3A_149, %ge3A_151 : i1
    %convert_element_type3A_153 = arith.extui %and3A_152 : i1 to i32
    %cond3A_154 = arith.constant 0xFF800000 : f32
    %cond3A_155 = arith.constant 0 : i32
    %cond3A_156 = arith.cmpi ne, %convert_element_type3A_153, %cond3A_155 : i32
    scf.if %cond3A_156 {
      %slice3A = vector.extract_strided_slice %eq3A_19 {offsets = [0, 13], sizes = [5000, 1], strides = [1, 1]} : vector<5000x32xi1> to vector<5000x1xi1>
      %broadcast_in_dim3A = vector.shape_cast %slice3A : vector<5000x1xi1> to vector<5000x1xi1>
      %broadcast_in_dim3A_329 = vector.broadcast %broadcast_in_dim3A : vector<5000x1xi1> to vector<5000x64xi1>
      %broadcast_in_dim3A_330 = vector.broadcast %cond3A_154 : f32 to vector<5000x64xf32>
      %select_n3A = arith.select %broadcast_in_dim3A_329, %add3A_12, %broadcast_in_dim3A_330 : vector<5000x64xi1>, vector<5000x64xf32>
      %reduce_max3A = arith.constant dense<0xFF800000> : vector<64xf32>
      %reduce_max3A_331 = vector.multi_reduction <maximumf>, %select_n3A, %reduce_max3A [0] : vector<5000x64xf32> to vector<64xf32>
      %broadcast_in_dim3A_332 = vector.shape_cast %reduce_max3A_331 : vector<64xf32> to vector<1x64xf32>
      %get3A_333 = arith.constant 13 : index
      %get3A_334 = arith.constant 0 : index
      %get3A_335 = vector.load %arg18[%get3A_333, %get3A_334] : memref<32x64xf32, #tpu.memory_space<vmem>>, vector<1x64xf32>
      %max3A = arith.maximumf %get3A_335, %broadcast_in_dim3A_332 : vector<1x64xf32>
      %swap3A = arith.constant 13 : index
      %swap3A_336 = arith.constant 0 : index
      %swap3A_337 = vector.load %arg18[%swap3A, %swap3A_336] : memref<32x64xf32, #tpu.memory_space<vmem>>, vector<1x64xf32>
      tpu.vector_store %arg18[%swap3A, %swap3A_336], %max3A {strides = array<i32>} : memref<32x64xf32, #tpu.memory_space<vmem>>, vector<1x64xf32>,
    } else {
    }
    %le3A_157 = arith.constant 14 : i32
    %le3A_158 = arith.cmpi sle, %get3A_28, %le3A_157 : i32
    %ge3A_159 = arith.constant 14 : i32
    %ge3A_160 = arith.cmpi sge, %get3A_33, %ge3A_159 : i32
    %and3A_161 = arith.andi %le3A_158, %ge3A_160 : i1
    %convert_element_type3A_162 = arith.extui %and3A_161 : i1 to i32
    %cond3A_163 = arith.constant 0xFF800000 : f32
    %cond3A_164 = arith.constant 0 : i32
    %cond3A_165 = arith.cmpi ne, %convert_element_type3A_162, %cond3A_164 : i32
    scf.if %cond3A_165 {
      %slice3A = vector.extract_strided_slice %eq3A_19 {offsets = [0, 14], sizes = [5000, 1], strides = [1, 1]} : vector<5000x32xi1> to vector<5000x1xi1>
      %broadcast_in_dim3A = vector.shape_cast %slice3A : vector<5000x1xi1> to vector<5000x1xi1>
      %broadcast_in_dim3A_329 = vector.broadcast %broadcast_in_dim3A : vector<5000x1xi1> to vector<5000x64xi1>
      %broadcast_in_dim3A_330 = vector.broadcast %cond3A_163 : f32 to vector<5000x64xf32>
      %select_n3A = arith.select %broadcast_in_dim3A_329, %add3A_12, %broadcast_in_dim3A_330 : vector<5000x64xi1>, vector<5000x64xf32>
      %reduce_max3A = arith.constant dense<0xFF800000> : vector<64xf32>
      %reduce_max3A_331 = vector.multi_reduction <maximumf>, %select_n3A, %reduce_max3A [0] : vector<5000x64xf32> to vector<64xf32>
      %broadcast_in_dim3A_332 = vector.shape_cast %reduce_max3A_331 : vector<64xf32> to vector<1x64xf32>
      %get3A_333 = arith.constant 14 : index
      %get3A_334 = arith.constant 0 : index
      %get3A_335 = vector.load %arg18[%get3A_333, %get3A_334] : memref<32x64xf32, #tpu.memory_space<vmem>>, vector<1x64xf32>
      %max3A = arith.maximumf %get3A_335, %broadcast_in_dim3A_332 : vector<1x64xf32>
      %swap3A = arith.constant 14 : index
      %swap3A_336 = arith.constant 0 : index
      %swap3A_337 = vector.load %arg18[%swap3A, %swap3A_336] : memref<32x64xf32, #tpu.memory_space<vmem>>, vector<1x64xf32>
      tpu.vector_store %arg18[%swap3A, %swap3A_336], %max3A {strides = array<i32>} : memref<32x64xf32, #tpu.memory_space<vmem>>, vector<1x64xf32>,
    } else {
    }
    %le3A_166 = arith.constant 15 : i32
    %le3A_167 = arith.cmpi sle, %get3A_28, %le3A_166 : i32
    %ge3A_168 = arith.constant 15 : i32
    %ge3A_169 = arith.cmpi sge, %get3A_33, %ge3A_168 : i32
    %and3A_170 = arith.andi %le3A_167, %ge3A_169 : i1
    %convert_element_type3A_171 = arith.extui %and3A_170 : i1 to i32
    %cond3A_172 = arith.constant 0xFF800000 : f32
    %cond3A_173 = arith.constant 0 : i32
    %cond3A_174 = arith.cmpi ne, %convert_element_type3A_171, %cond3A_173 : i32
    scf.if %cond3A_174 {
      %slice3A = vector.extract_strided_slice %eq3A_19 {offsets = [0, 15], sizes = [5000, 1], strides = [1, 1]} : vector<5000x32xi1> to vector<5000x1xi1>
      %broadcast_in_dim3A = vector.shape_cast %slice3A : vector<5000x1xi1> to vector<5000x1xi1>
      %broadcast_in_dim3A_329 = vector.broadcast %broadcast_in_dim3A : vector<5000x1xi1> to vector<5000x64xi1>
      %broadcast_in_dim3A_330 = vector.broadcast %cond3A_172 : f32 to vector<5000x64xf32>
      %select_n3A = arith.select %broadcast_in_dim3A_329, %add3A_12, %broadcast_in_dim3A_330 : vector<5000x64xi1>, vector<5000x64xf32>
      %reduce_max3A = arith.constant dense<0xFF800000> : vector<64xf32>
      %reduce_max3A_331 = vector.multi_reduction <maximumf>, %select_n3A, %reduce_max3A [0] : vector<5000x64xf32> to vector<64xf32>
      %broadcast_in_dim3A_332 = vector.shape_cast %reduce_max3A_331 : vector<64xf32> to vector<1x64xf32>
      %get3A_333 = arith.constant 15 : index
      %get3A_334 = arith.constant 0 : index
      %get3A_335 = vector.load %arg18[%get3A_333, %get3A_334] : memref<32x64xf32, #tpu.memory_space<vmem>>, vector<1x64xf32>
      %max3A = arith.maximumf %get3A_335, %broadcast_in_dim3A_332 : vector<1x64xf32>
      %swap3A = arith.constant 15 : index
      %swap3A_336 = arith.constant 0 : index
      %swap3A_337 = vector.load %arg18[%swap3A, %swap3A_336] : memref<32x64xf32, #tpu.memory_space<vmem>>, vector<1x64xf32>
      tpu.vector_store %arg18[%swap3A, %swap3A_336], %max3A {strides = array<i32>} : memref<32x64xf32, #tpu.memory_space<vmem>>, vector<1x64xf32>,
    } else {
    }
    %le3A_175 = arith.constant 16 : i32
    %le3A_176 = arith.cmpi sle, %get3A_28, %le3A_175 : i32
    %ge3A_177 = arith.constant 16 : i32
    %ge3A_178 = arith.cmpi sge, %get3A_33, %ge3A_177 : i32
    %and3A_179 = arith.andi %le3A_176, %ge3A_178 : i1
    %convert_element_type3A_180 = arith.extui %and3A_179 : i1 to i32
    %cond3A_181 = arith.constant 0xFF800000 : f32
    %cond3A_182 = arith.constant 0 : i32
    %cond3A_183 = arith.cmpi ne, %convert_element_type3A_180, %cond3A_182 : i32
    scf.if %cond3A_183 {
      %slice3A = vector.extract_strided_slice %eq3A_19 {offsets = [0, 16], sizes = [5000, 1], strides = [1, 1]} : vector<5000x32xi1> to vector<5000x1xi1>
      %broadcast_in_dim3A = vector.shape_cast %slice3A : vector<5000x1xi1> to vector<5000x1xi1>
      %broadcast_in_dim3A_329 = vector.broadcast %broadcast_in_dim3A : vector<5000x1xi1> to vector<5000x64xi1>
      %broadcast_in_dim3A_330 = vector.broadcast %cond3A_181 : f32 to vector<5000x64xf32>
      %select_n3A = arith.select %broadcast_in_dim3A_329, %add3A_12, %broadcast_in_dim3A_330 : vector<5000x64xi1>, vector<5000x64xf32>
      %reduce_max3A = arith.constant dense<0xFF800000> : vector<64xf32>
      %reduce_max3A_331 = vector.multi_reduction <maximumf>, %select_n3A, %reduce_max3A [0] : vector<5000x64xf32> to vector<64xf32>
      %broadcast_in_dim3A_332 = vector.shape_cast %reduce_max3A_331 : vector<64xf32> to vector<1x64xf32>
      %get3A_333 = arith.constant 16 : index
      %get3A_334 = arith.constant 0 : index
      %get3A_335 = vector.load %arg18[%get3A_333, %get3A_334] : memref<32x64xf32, #tpu.memory_space<vmem>>, vector<1x64xf32>
      %max3A = arith.maximumf %get3A_335, %broadcast_in_dim3A_332 : vector<1x64xf32>
      %swap3A = arith.constant 16 : index
      %swap3A_336 = arith.constant 0 : index
      %swap3A_337 = vector.load %arg18[%swap3A, %swap3A_336] : memref<32x64xf32, #tpu.memory_space<vmem>>, vector<1x64xf32>
      tpu.vector_store %arg18[%swap3A, %swap3A_336], %max3A {strides = array<i32>} : memref<32x64xf32, #tpu.memory_space<vmem>>, vector<1x64xf32>,
    } else {
    }
    %le3A_184 = arith.constant 17 : i32
    %le3A_185 = arith.cmpi sle, %get3A_28, %le3A_184 : i32
    %ge3A_186 = arith.constant 17 : i32
    %ge3A_187 = arith.cmpi sge, %get3A_33, %ge3A_186 : i32
    %and3A_188 = arith.andi %le3A_185, %ge3A_187 : i1
    %convert_element_type3A_189 = arith.extui %and3A_188 : i1 to i32
    %cond3A_190 = arith.constant 0xFF800000 : f32
    %cond3A_191 = arith.constant 0 : i32
    %cond3A_192 = arith.cmpi ne, %convert_element_type3A_189, %cond3A_191 : i32
    scf.if %cond3A_192 {
      %slice3A = vector.extract_strided_slice %eq3A_19 {offsets = [0, 17], sizes = [5000, 1], strides = [1, 1]} : vector<5000x32xi1> to vector<5000x1xi1>
      %broadcast_in_dim3A = vector.shape_cast %slice3A : vector<5000x1xi1> to vector<5000x1xi1>
      %broadcast_in_dim3A_329 = vector.broadcast %broadcast_in_dim3A : vector<5000x1xi1> to vector<5000x64xi1>
      %broadcast_in_dim3A_330 = vector.broadcast %cond3A_190 : f32 to vector<5000x64xf32>
      %select_n3A = arith.select %broadcast_in_dim3A_329, %add3A_12, %broadcast_in_dim3A_330 : vector<5000x64xi1>, vector<5000x64xf32>
      %reduce_max3A = arith.constant dense<0xFF800000> : vector<64xf32>
      %reduce_max3A_331 = vector.multi_reduction <maximumf>, %select_n3A, %reduce_max3A [0] : vector<5000x64xf32> to vector<64xf32>
      %broadcast_in_dim3A_332 = vector.shape_cast %reduce_max3A_331 : vector<64xf32> to vector<1x64xf32>
      %get3A_333 = arith.constant 17 : index
      %get3A_334 = arith.constant 0 : index
      %get3A_335 = vector.load %arg18[%get3A_333, %get3A_334] : memref<32x64xf32, #tpu.memory_space<vmem>>, vector<1x64xf32>
      %max3A = arith.maximumf %get3A_335, %broadcast_in_dim3A_332 : vector<1x64xf32>
      %swap3A = arith.constant 17 : index
      %swap3A_336 = arith.constant 0 : index
      %swap3A_337 = vector.load %arg18[%swap3A, %swap3A_336] : memref<32x64xf32, #tpu.memory_space<vmem>>, vector<1x64xf32>
      tpu.vector_store %arg18[%swap3A, %swap3A_336], %max3A {strides = array<i32>} : memref<32x64xf32, #tpu.memory_space<vmem>>, vector<1x64xf32>,
    } else {
    }
    %le3A_193 = arith.constant 18 : i32
    %le3A_194 = arith.cmpi sle, %get3A_28, %le3A_193 : i32
    %ge3A_195 = arith.constant 18 : i32
    %ge3A_196 = arith.cmpi sge, %get3A_33, %ge3A_195 : i32
    %and3A_197 = arith.andi %le3A_194, %ge3A_196 : i1
    %convert_element_type3A_198 = arith.extui %and3A_197 : i1 to i32
    %cond3A_199 = arith.constant 0xFF800000 : f32
    %cond3A_200 = arith.constant 0 : i32
    %cond3A_201 = arith.cmpi ne, %convert_element_type3A_198, %cond3A_200 : i32
    scf.if %cond3A_201 {
      %slice3A = vector.extract_strided_slice %eq3A_19 {offsets = [0, 18], sizes = [5000, 1], strides = [1, 1]} : vector<5000x32xi1> to vector<5000x1xi1>
      %broadcast_in_dim3A = vector.shape_cast %slice3A : vector<5000x1xi1> to vector<5000x1xi1>
      %broadcast_in_dim3A_329 = vector.broadcast %broadcast_in_dim3A : vector<5000x1xi1> to vector<5000x64xi1>
      %broadcast_in_dim3A_330 = vector.broadcast %cond3A_199 : f32 to vector<5000x64xf32>
      %select_n3A = arith.select %broadcast_in_dim3A_329, %add3A_12, %broadcast_in_dim3A_330 : vector<5000x64xi1>, vector<5000x64xf32>
      %reduce_max3A = arith.constant dense<0xFF800000> : vector<64xf32>
      %reduce_max3A_331 = vector.multi_reduction <maximumf>, %select_n3A, %reduce_max3A [0] : vector<5000x64xf32> to vector<64xf32>
      %broadcast_in_dim3A_332 = vector.shape_cast %reduce_max3A_331 : vector<64xf32> to vector<1x64xf32>
      %get3A_333 = arith.constant 18 : index
      %get3A_334 = arith.constant 0 : index
      %get3A_335 = vector.load %arg18[%get3A_333, %get3A_334] : memref<32x64xf32, #tpu.memory_space<vmem>>, vector<1x64xf32>
      %max3A = arith.maximumf %get3A_335, %broadcast_in_dim3A_332 : vector<1x64xf32>
      %swap3A = arith.constant 18 : index
      %swap3A_336 = arith.constant 0 : index
      %swap3A_337 = vector.load %arg18[%swap3A, %swap3A_336] : memref<32x64xf32, #tpu.memory_space<vmem>>, vector<1x64xf32>
      tpu.vector_store %arg18[%swap3A, %swap3A_336], %max3A {strides = array<i32>} : memref<32x64xf32, #tpu.memory_space<vmem>>, vector<1x64xf32>,
    } else {
    }
    %le3A_202 = arith.constant 19 : i32
    %le3A_203 = arith.cmpi sle, %get3A_28, %le3A_202 : i32
    %ge3A_204 = arith.constant 19 : i32
    %ge3A_205 = arith.cmpi sge, %get3A_33, %ge3A_204 : i32
    %and3A_206 = arith.andi %le3A_203, %ge3A_205 : i1
    %convert_element_type3A_207 = arith.extui %and3A_206 : i1 to i32
    %cond3A_208 = arith.constant 0xFF800000 : f32
    %cond3A_209 = arith.constant 0 : i32
    %cond3A_210 = arith.cmpi ne, %convert_element_type3A_207, %cond3A_209 : i32
    scf.if %cond3A_210 {
      %slice3A = vector.extract_strided_slice %eq3A_19 {offsets = [0, 19], sizes = [5000, 1], strides = [1, 1]} : vector<5000x32xi1> to vector<5000x1xi1>
      %broadcast_in_dim3A = vector.shape_cast %slice3A : vector<5000x1xi1> to vector<5000x1xi1>
      %broadcast_in_dim3A_329 = vector.broadcast %broadcast_in_dim3A : vector<5000x1xi1> to vector<5000x64xi1>
      %broadcast_in_dim3A_330 = vector.broadcast %cond3A_208 : f32 to vector<5000x64xf32>
      %select_n3A = arith.select %broadcast_in_dim3A_329, %add3A_12, %broadcast_in_dim3A_330 : vector<5000x64xi1>, vector<5000x64xf32>
      %reduce_max3A = arith.constant dense<0xFF800000> : vector<64xf32>
      %reduce_max3A_331 = vector.multi_reduction <maximumf>, %select_n3A, %reduce_max3A [0] : vector<5000x64xf32> to vector<64xf32>
      %broadcast_in_dim3A_332 = vector.shape_cast %reduce_max3A_331 : vector<64xf32> to vector<1x64xf32>
      %get3A_333 = arith.constant 19 : index
      %get3A_334 = arith.constant 0 : index
      %get3A_335 = vector.load %arg18[%get3A_333, %get3A_334] : memref<32x64xf32, #tpu.memory_space<vmem>>, vector<1x64xf32>
      %max3A = arith.maximumf %get3A_335, %broadcast_in_dim3A_332 : vector<1x64xf32>
      %swap3A = arith.constant 19 : index
      %swap3A_336 = arith.constant 0 : index
      %swap3A_337 = vector.load %arg18[%swap3A, %swap3A_336] : memref<32x64xf32, #tpu.memory_space<vmem>>, vector<1x64xf32>
      tpu.vector_store %arg18[%swap3A, %swap3A_336], %max3A {strides = array<i32>} : memref<32x64xf32, #tpu.memory_space<vmem>>, vector<1x64xf32>,
    } else {
    }
    %le3A_211 = arith.constant 20 : i32
    %le3A_212 = arith.cmpi sle, %get3A_28, %le3A_211 : i32
    %ge3A_213 = arith.constant 20 : i32
    %ge3A_214 = arith.cmpi sge, %get3A_33, %ge3A_213 : i32
    %and3A_215 = arith.andi %le3A_212, %ge3A_214 : i1
    %convert_element_type3A_216 = arith.extui %and3A_215 : i1 to i32
    %cond3A_217 = arith.constant 0xFF800000 : f32
    %cond3A_218 = arith.constant 0 : i32
    %cond3A_219 = arith.cmpi ne, %convert_element_type3A_216, %cond3A_218 : i32
    scf.if %cond3A_219 {
      %slice3A = vector.extract_strided_slice %eq3A_19 {offsets = [0, 20], sizes = [5000, 1], strides = [1, 1]} : vector<5000x32xi1> to vector<5000x1xi1>
      %broadcast_in_dim3A = vector.shape_cast %slice3A : vector<5000x1xi1> to vector<5000x1xi1>
      %broadcast_in_dim3A_329 = vector.broadcast %broadcast_in_dim3A : vector<5000x1xi1> to vector<5000x64xi1>
      %broadcast_in_dim3A_330 = vector.broadcast %cond3A_217 : f32 to vector<5000x64xf32>
      %select_n3A = arith.select %broadcast_in_dim3A_329, %add3A_12, %broadcast_in_dim3A_330 : vector<5000x64xi1>, vector<5000x64xf32>
      %reduce_max3A = arith.constant dense<0xFF800000> : vector<64xf32>
      %reduce_max3A_331 = vector.multi_reduction <maximumf>, %select_n3A, %reduce_max3A [0] : vector<5000x64xf32> to vector<64xf32>
      %broadcast_in_dim3A_332 = vector.shape_cast %reduce_max3A_331 : vector<64xf32> to vector<1x64xf32>
      %get3A_333 = arith.constant 20 : index
      %get3A_334 = arith.constant 0 : index
      %get3A_335 = vector.load %arg18[%get3A_333, %get3A_334] : memref<32x64xf32, #tpu.memory_space<vmem>>, vector<1x64xf32>
      %max3A = arith.maximumf %get3A_335, %broadcast_in_dim3A_332 : vector<1x64xf32>
      %swap3A = arith.constant 20 : index
      %swap3A_336 = arith.constant 0 : index
      %swap3A_337 = vector.load %arg18[%swap3A, %swap3A_336] : memref<32x64xf32, #tpu.memory_space<vmem>>, vector<1x64xf32>
      tpu.vector_store %arg18[%swap3A, %swap3A_336], %max3A {strides = array<i32>} : memref<32x64xf32, #tpu.memory_space<vmem>>, vector<1x64xf32>,
    } else {
    }
    %le3A_220 = arith.constant 21 : i32
    %le3A_221 = arith.cmpi sle, %get3A_28, %le3A_220 : i32
    %ge3A_222 = arith.constant 21 : i32
    %ge3A_223 = arith.cmpi sge, %get3A_33, %ge3A_222 : i32
    %and3A_224 = arith.andi %le3A_221, %ge3A_223 : i1
    %convert_element_type3A_225 = arith.extui %and3A_224 : i1 to i32
    %cond3A_226 = arith.constant 0xFF800000 : f32
    %cond3A_227 = arith.constant 0 : i32
    %cond3A_228 = arith.cmpi ne, %convert_element_type3A_225, %cond3A_227 : i32
    scf.if %cond3A_228 {
      %slice3A = vector.extract_strided_slice %eq3A_19 {offsets = [0, 21], sizes = [5000, 1], strides = [1, 1]} : vector<5000x32xi1> to vector<5000x1xi1>
      %broadcast_in_dim3A = vector.shape_cast %slice3A : vector<5000x1xi1> to vector<5000x1xi1>
      %broadcast_in_dim3A_329 = vector.broadcast %broadcast_in_dim3A : vector<5000x1xi1> to vector<5000x64xi1>
      %broadcast_in_dim3A_330 = vector.broadcast %cond3A_226 : f32 to vector<5000x64xf32>
      %select_n3A = arith.select %broadcast_in_dim3A_329, %add3A_12, %broadcast_in_dim3A_330 : vector<5000x64xi1>, vector<5000x64xf32>
      %reduce_max3A = arith.constant dense<0xFF800000> : vector<64xf32>
      %reduce_max3A_331 = vector.multi_reduction <maximumf>, %select_n3A, %reduce_max3A [0] : vector<5000x64xf32> to vector<64xf32>
      %broadcast_in_dim3A_332 = vector.shape_cast %reduce_max3A_331 : vector<64xf32> to vector<1x64xf32>
      %get3A_333 = arith.constant 21 : index
      %get3A_334 = arith.constant 0 : index
      %get3A_335 = vector.load %arg18[%get3A_333, %get3A_334] : memref<32x64xf32, #tpu.memory_space<vmem>>, vector<1x64xf32>
      %max3A = arith.maximumf %get3A_335, %broadcast_in_dim3A_332 : vector<1x64xf32>
      %swap3A = arith.constant 21 : index
      %swap3A_336 = arith.constant 0 : index
      %swap3A_337 = vector.load %arg18[%swap3A, %swap3A_336] : memref<32x64xf32, #tpu.memory_space<vmem>>, vector<1x64xf32>
      tpu.vector_store %arg18[%swap3A, %swap3A_336], %max3A {strides = array<i32>} : memref<32x64xf32, #tpu.memory_space<vmem>>, vector<1x64xf32>,
    } else {
    }
    %le3A_229 = arith.constant 22 : i32
    %le3A_230 = arith.cmpi sle, %get3A_28, %le3A_229 : i32
    %ge3A_231 = arith.constant 22 : i32
    %ge3A_232 = arith.cmpi sge, %get3A_33, %ge3A_231 : i32
    %and3A_233 = arith.andi %le3A_230, %ge3A_232 : i1
    %convert_element_type3A_234 = arith.extui %and3A_233 : i1 to i32
    %cond3A_235 = arith.constant 0xFF800000 : f32
    %cond3A_236 = arith.constant 0 : i32
    %cond3A_237 = arith.cmpi ne, %convert_element_type3A_234, %cond3A_236 : i32
    scf.if %cond3A_237 {
      %slice3A = vector.extract_strided_slice %eq3A_19 {offsets = [0, 22], sizes = [5000, 1], strides = [1, 1]} : vector<5000x32xi1> to vector<5000x1xi1>
      %broadcast_in_dim3A = vector.shape_cast %slice3A : vector<5000x1xi1> to vector<5000x1xi1>
      %broadcast_in_dim3A_329 = vector.broadcast %broadcast_in_dim3A : vector<5000x1xi1> to vector<5000x64xi1>
      %broadcast_in_dim3A_330 = vector.broadcast %cond3A_235 : f32 to vector<5000x64xf32>
      %select_n3A = arith.select %broadcast_in_dim3A_329, %add3A_12, %broadcast_in_dim3A_330 : vector<5000x64xi1>, vector<5000x64xf32>
      %reduce_max3A = arith.constant dense<0xFF800000> : vector<64xf32>
      %reduce_max3A_331 = vector.multi_reduction <maximumf>, %select_n3A, %reduce_max3A [0] : vector<5000x64xf32> to vector<64xf32>
      %broadcast_in_dim3A_332 = vector.shape_cast %reduce_max3A_331 : vector<64xf32> to vector<1x64xf32>
      %get3A_333 = arith.constant 22 : index
      %get3A_334 = arith.constant 0 : index
      %get3A_335 = vector.load %arg18[%get3A_333, %get3A_334] : memref<32x64xf32, #tpu.memory_space<vmem>>, vector<1x64xf32>
      %max3A = arith.maximumf %get3A_335, %broadcast_in_dim3A_332 : vector<1x64xf32>
      %swap3A = arith.constant 22 : index
      %swap3A_336 = arith.constant 0 : index
      %swap3A_337 = vector.load %arg18[%swap3A, %swap3A_336] : memref<32x64xf32, #tpu.memory_space<vmem>>, vector<1x64xf32>
      tpu.vector_store %arg18[%swap3A, %swap3A_336], %max3A {strides = array<i32>} : memref<32x64xf32, #tpu.memory_space<vmem>>, vector<1x64xf32>,
    } else {
    }
    %le3A_238 = arith.constant 23 : i32
    %le3A_239 = arith.cmpi sle, %get3A_28, %le3A_238 : i32
    %ge3A_240 = arith.constant 23 : i32
    %ge3A_241 = arith.cmpi sge, %get3A_33, %ge3A_240 : i32
    %and3A_242 = arith.andi %le3A_239, %ge3A_241 : i1
    %convert_element_type3A_243 = arith.extui %and3A_242 : i1 to i32
    %cond3A_244 = arith.constant 0xFF800000 : f32
    %cond3A_245 = arith.constant 0 : i32
    %cond3A_246 = arith.cmpi ne, %convert_element_type3A_243, %cond3A_245 : i32
    scf.if %cond3A_246 {
      %slice3A = vector.extract_strided_slice %eq3A_19 {offsets = [0, 23], sizes = [5000, 1], strides = [1, 1]} : vector<5000x32xi1> to vector<5000x1xi1>
      %broadcast_in_dim3A = vector.shape_cast %slice3A : vector<5000x1xi1> to vector<5000x1xi1>
      %broadcast_in_dim3A_329 = vector.broadcast %broadcast_in_dim3A : vector<5000x1xi1> to vector<5000x64xi1>
      %broadcast_in_dim3A_330 = vector.broadcast %cond3A_244 : f32 to vector<5000x64xf32>
      %select_n3A = arith.select %broadcast_in_dim3A_329, %add3A_12, %broadcast_in_dim3A_330 : vector<5000x64xi1>, vector<5000x64xf32>
      %reduce_max3A = arith.constant dense<0xFF800000> : vector<64xf32>
      %reduce_max3A_331 = vector.multi_reduction <maximumf>, %select_n3A, %reduce_max3A [0] : vector<5000x64xf32> to vector<64xf32>
      %broadcast_in_dim3A_332 = vector.shape_cast %reduce_max3A_331 : vector<64xf32> to vector<1x64xf32>
      %get3A_333 = arith.constant 23 : index
      %get3A_334 = arith.constant 0 : index
      %get3A_335 = vector.load %arg18[%get3A_333, %get3A_334] : memref<32x64xf32, #tpu.memory_space<vmem>>, vector<1x64xf32>
      %max3A = arith.maximumf %get3A_335, %broadcast_in_dim3A_332 : vector<1x64xf32>
      %swap3A = arith.constant 23 : index
      %swap3A_336 = arith.constant 0 : index
      %swap3A_337 = vector.load %arg18[%swap3A, %swap3A_336] : memref<32x64xf32, #tpu.memory_space<vmem>>, vector<1x64xf32>
      tpu.vector_store %arg18[%swap3A, %swap3A_336], %max3A {strides = array<i32>} : memref<32x64xf32, #tpu.memory_space<vmem>>, vector<1x64xf32>,
    } else {
    }
    %le3A_247 = arith.constant 24 : i32
    %le3A_248 = arith.cmpi sle, %get3A_28, %le3A_247 : i32
    %ge3A_249 = arith.constant 24 : i32
    %ge3A_250 = arith.cmpi sge, %get3A_33, %ge3A_249 : i32
    %and3A_251 = arith.andi %le3A_248, %ge3A_250 : i1
    %convert_element_type3A_252 = arith.extui %and3A_251 : i1 to i32
    %cond3A_253 = arith.constant 0xFF800000 : f32
    %cond3A_254 = arith.constant 0 : i32
    %cond3A_255 = arith.cmpi ne, %convert_element_type3A_252, %cond3A_254 : i32
    scf.if %cond3A_255 {
      %slice3A = vector.extract_strided_slice %eq3A_19 {offsets = [0, 24], sizes = [5000, 1], strides = [1, 1]} : vector<5000x32xi1> to vector<5000x1xi1>
      %broadcast_in_dim3A = vector.shape_cast %slice3A : vector<5000x1xi1> to vector<5000x1xi1>
      %broadcast_in_dim3A_329 = vector.broadcast %broadcast_in_dim3A : vector<5000x1xi1> to vector<5000x64xi1>
      %broadcast_in_dim3A_330 = vector.broadcast %cond3A_253 : f32 to vector<5000x64xf32>
      %select_n3A = arith.select %broadcast_in_dim3A_329, %add3A_12, %broadcast_in_dim3A_330 : vector<5000x64xi1>, vector<5000x64xf32>
      %reduce_max3A = arith.constant dense<0xFF800000> : vector<64xf32>
      %reduce_max3A_331 = vector.multi_reduction <maximumf>, %select_n3A, %reduce_max3A [0] : vector<5000x64xf32> to vector<64xf32>
      %broadcast_in_dim3A_332 = vector.shape_cast %reduce_max3A_331 : vector<64xf32> to vector<1x64xf32>
      %get3A_333 = arith.constant 24 : index
      %get3A_334 = arith.constant 0 : index
      %get3A_335 = vector.load %arg18[%get3A_333, %get3A_334] : memref<32x64xf32, #tpu.memory_space<vmem>>, vector<1x64xf32>
      %max3A = arith.maximumf %get3A_335, %broadcast_in_dim3A_332 : vector<1x64xf32>
      %swap3A = arith.constant 24 : index
      %swap3A_336 = arith.constant 0 : index
      %swap3A_337 = vector.load %arg18[%swap3A, %swap3A_336] : memref<32x64xf32, #tpu.memory_space<vmem>>, vector<1x64xf32>
      tpu.vector_store %arg18[%swap3A, %swap3A_336], %max3A {strides = array<i32>} : memref<32x64xf32, #tpu.memory_space<vmem>>, vector<1x64xf32>,
    } else {
    }
    %le3A_256 = arith.constant 25 : i32
    %le3A_257 = arith.cmpi sle, %get3A_28, %le3A_256 : i32
    %ge3A_258 = arith.constant 25 : i32
    %ge3A_259 = arith.cmpi sge, %get3A_33, %ge3A_258 : i32
    %and3A_260 = arith.andi %le3A_257, %ge3A_259 : i1
    %convert_element_type3A_261 = arith.extui %and3A_260 : i1 to i32
    %cond3A_262 = arith.constant 0xFF800000 : f32
    %cond3A_263 = arith.constant 0 : i32
    %cond3A_264 = arith.cmpi ne, %convert_element_type3A_261, %cond3A_263 : i32
    scf.if %cond3A_264 {
      %slice3A = vector.extract_strided_slice %eq3A_19 {offsets = [0, 25], sizes = [5000, 1], strides = [1, 1]} : vector<5000x32xi1> to vector<5000x1xi1>
      %broadcast_in_dim3A = vector.shape_cast %slice3A : vector<5000x1xi1> to vector<5000x1xi1>
      %broadcast_in_dim3A_329 = vector.broadcast %broadcast_in_dim3A : vector<5000x1xi1> to vector<5000x64xi1>
      %broadcast_in_dim3A_330 = vector.broadcast %cond3A_262 : f32 to vector<5000x64xf32>
      %select_n3A = arith.select %broadcast_in_dim3A_329, %add3A_12, %broadcast_in_dim3A_330 : vector<5000x64xi1>, vector<5000x64xf32>
      %reduce_max3A = arith.constant dense<0xFF800000> : vector<64xf32>
      %reduce_max3A_331 = vector.multi_reduction <maximumf>, %select_n3A, %reduce_max3A [0] : vector<5000x64xf32> to vector<64xf32>
      %broadcast_in_dim3A_332 = vector.shape_cast %reduce_max3A_331 : vector<64xf32> to vector<1x64xf32>
      %get3A_333 = arith.constant 25 : index
      %get3A_334 = arith.constant 0 : index
      %get3A_335 = vector.load %arg18[%get3A_333, %get3A_334] : memref<32x64xf32, #tpu.memory_space<vmem>>, vector<1x64xf32>
      %max3A = arith.maximumf %get3A_335, %broadcast_in_dim3A_332 : vector<1x64xf32>
      %swap3A = arith.constant 25 : index
      %swap3A_336 = arith.constant 0 : index
      %swap3A_337 = vector.load %arg18[%swap3A, %swap3A_336] : memref<32x64xf32, #tpu.memory_space<vmem>>, vector<1x64xf32>
      tpu.vector_store %arg18[%swap3A, %swap3A_336], %max3A {strides = array<i32>} : memref<32x64xf32, #tpu.memory_space<vmem>>, vector<1x64xf32>,
    } else {
    }
    %le3A_265 = arith.constant 26 : i32
    %le3A_266 = arith.cmpi sle, %get3A_28, %le3A_265 : i32
    %ge3A_267 = arith.constant 26 : i32
    %ge3A_268 = arith.cmpi sge, %get3A_33, %ge3A_267 : i32
    %and3A_269 = arith.andi %le3A_266, %ge3A_268 : i1
    %convert_element_type3A_270 = arith.extui %and3A_269 : i1 to i32
    %cond3A_271 = arith.constant 0xFF800000 : f32
    %cond3A_272 = arith.constant 0 : i32
    %cond3A_273 = arith.cmpi ne, %convert_element_type3A_270, %cond3A_272 : i32
    scf.if %cond3A_273 {
      %slice3A = vector.extract_strided_slice %eq3A_19 {offsets = [0, 26], sizes = [5000, 1], strides = [1, 1]} : vector<5000x32xi1> to vector<5000x1xi1>
      %broadcast_in_dim3A = vector.shape_cast %slice3A : vector<5000x1xi1> to vector<5000x1xi1>
      %broadcast_in_dim3A_329 = vector.broadcast %broadcast_in_dim3A : vector<5000x1xi1> to vector<5000x64xi1>
      %broadcast_in_dim3A_330 = vector.broadcast %cond3A_271 : f32 to vector<5000x64xf32>
      %select_n3A = arith.select %broadcast_in_dim3A_329, %add3A_12, %broadcast_in_dim3A_330 : vector<5000x64xi1>, vector<5000x64xf32>
      %reduce_max3A = arith.constant dense<0xFF800000> : vector<64xf32>
      %reduce_max3A_331 = vector.multi_reduction <maximumf>, %select_n3A, %reduce_max3A [0] : vector<5000x64xf32> to vector<64xf32>
      %broadcast_in_dim3A_332 = vector.shape_cast %reduce_max3A_331 : vector<64xf32> to vector<1x64xf32>
      %get3A_333 = arith.constant 26 : index
      %get3A_334 = arith.constant 0 : index
      %get3A_335 = vector.load %arg18[%get3A_333, %get3A_334] : memref<32x64xf32, #tpu.memory_space<vmem>>, vector<1x64xf32>
      %max3A = arith.maximumf %get3A_335, %broadcast_in_dim3A_332 : vector<1x64xf32>
      %swap3A = arith.constant 26 : index
      %swap3A_336 = arith.constant 0 : index
      %swap3A_337 = vector.load %arg18[%swap3A, %swap3A_336] : memref<32x64xf32, #tpu.memory_space<vmem>>, vector<1x64xf32>
      tpu.vector_store %arg18[%swap3A, %swap3A_336], %max3A {strides = array<i32>} : memref<32x64xf32, #tpu.memory_space<vmem>>, vector<1x64xf32>,
    } else {
    }
    %le3A_274 = arith.constant 27 : i32
    %le3A_275 = arith.cmpi sle, %get3A_28, %le3A_274 : i32
    %ge3A_276 = arith.constant 27 : i32
    %ge3A_277 = arith.cmpi sge, %get3A_33, %ge3A_276 : i32
    %and3A_278 = arith.andi %le3A_275, %ge3A_277 : i1
    %convert_element_type3A_279 = arith.extui %and3A_278 : i1 to i32
    %cond3A_280 = arith.constant 0xFF800000 : f32
    %cond3A_281 = arith.constant 0 : i32
    %cond3A_282 = arith.cmpi ne, %convert_element_type3A_279, %cond3A_281 : i32
    scf.if %cond3A_282 {
      %slice3A = vector.extract_strided_slice %eq3A_19 {offsets = [0, 27], sizes = [5000, 1], strides = [1, 1]} : vector<5000x32xi1> to vector<5000x1xi1>
      %broadcast_in_dim3A = vector.shape_cast %slice3A : vector<5000x1xi1> to vector<5000x1xi1>
      %broadcast_in_dim3A_329 = vector.broadcast %broadcast_in_dim3A : vector<5000x1xi1> to vector<5000x64xi1>
      %broadcast_in_dim3A_330 = vector.broadcast %cond3A_280 : f32 to vector<5000x64xf32>
      %select_n3A = arith.select %broadcast_in_dim3A_329, %add3A_12, %broadcast_in_dim3A_330 : vector<5000x64xi1>, vector<5000x64xf32>
      %reduce_max3A = arith.constant dense<0xFF800000> : vector<64xf32>
      %reduce_max3A_331 = vector.multi_reduction <maximumf>, %select_n3A, %reduce_max3A [0] : vector<5000x64xf32> to vector<64xf32>
      %broadcast_in_dim3A_332 = vector.shape_cast %reduce_max3A_331 : vector<64xf32> to vector<1x64xf32>
      %get3A_333 = arith.constant 27 : index
      %get3A_334 = arith.constant 0 : index
      %get3A_335 = vector.load %arg18[%get3A_333, %get3A_334] : memref<32x64xf32, #tpu.memory_space<vmem>>, vector<1x64xf32>
      %max3A = arith.maximumf %get3A_335, %broadcast_in_dim3A_332 : vector<1x64xf32>
      %swap3A = arith.constant 27 : index
      %swap3A_336 = arith.constant 0 : index
      %swap3A_337 = vector.load %arg18[%swap3A, %swap3A_336] : memref<32x64xf32, #tpu.memory_space<vmem>>, vector<1x64xf32>
      tpu.vector_store %arg18[%swap3A, %swap3A_336], %max3A {strides = array<i32>} : memref<32x64xf32, #tpu.memory_space<vmem>>, vector<1x64xf32>,
    } else {
    }
    %le3A_283 = arith.constant 28 : i32
    %le3A_284 = arith.cmpi sle, %get3A_28, %le3A_283 : i32
    %ge3A_285 = arith.constant 28 : i32
    %ge3A_286 = arith.cmpi sge, %get3A_33, %ge3A_285 : i32
    %and3A_287 = arith.andi %le3A_284, %ge3A_286 : i1
    %convert_element_type3A_288 = arith.extui %and3A_287 : i1 to i32
    %cond3A_289 = arith.constant 0xFF800000 : f32
    %cond3A_290 = arith.constant 0 : i32
    %cond3A_291 = arith.cmpi ne, %convert_element_type3A_288, %cond3A_290 : i32
    scf.if %cond3A_291 {
      %slice3A = vector.extract_strided_slice %eq3A_19 {offsets = [0, 28], sizes = [5000, 1], strides = [1, 1]} : vector<5000x32xi1> to vector<5000x1xi1>
      %broadcast_in_dim3A = vector.shape_cast %slice3A : vector<5000x1xi1> to vector<5000x1xi1>
      %broadcast_in_dim3A_329 = vector.broadcast %broadcast_in_dim3A : vector<5000x1xi1> to vector<5000x64xi1>
      %broadcast_in_dim3A_330 = vector.broadcast %cond3A_289 : f32 to vector<5000x64xf32>
      %select_n3A = arith.select %broadcast_in_dim3A_329, %add3A_12, %broadcast_in_dim3A_330 : vector<5000x64xi1>, vector<5000x64xf32>
      %reduce_max3A = arith.constant dense<0xFF800000> : vector<64xf32>
      %reduce_max3A_331 = vector.multi_reduction <maximumf>, %select_n3A, %reduce_max3A [0] : vector<5000x64xf32> to vector<64xf32>
      %broadcast_in_dim3A_332 = vector.shape_cast %reduce_max3A_331 : vector<64xf32> to vector<1x64xf32>
      %get3A_333 = arith.constant 28 : index
      %get3A_334 = arith.constant 0 : index
      %get3A_335 = vector.load %arg18[%get3A_333, %get3A_334] : memref<32x64xf32, #tpu.memory_space<vmem>>, vector<1x64xf32>
      %max3A = arith.maximumf %get3A_335, %broadcast_in_dim3A_332 : vector<1x64xf32>
      %swap3A = arith.constant 28 : index
      %swap3A_336 = arith.constant 0 : index
      %swap3A_337 = vector.load %arg18[%swap3A, %swap3A_336] : memref<32x64xf32, #tpu.memory_space<vmem>>, vector<1x64xf32>
      tpu.vector_store %arg18[%swap3A, %swap3A_336], %max3A {strides = array<i32>} : memref<32x64xf32, #tpu.memory_space<vmem>>, vector<1x64xf32>,
    } else {
    }
    %le3A_292 = arith.constant 29 : i32
    %le3A_293 = arith.cmpi sle, %get3A_28, %le3A_292 : i32
    %ge3A_294 = arith.constant 29 : i32
    %ge3A_295 = arith.cmpi sge, %get3A_33, %ge3A_294 : i32
    %and3A_296 = arith.andi %le3A_293, %ge3A_295 : i1
    %convert_element_type3A_297 = arith.extui %and3A_296 : i1 to i32
    %cond3A_298 = arith.constant 0xFF800000 : f32
    %cond3A_299 = arith.constant 0 : i32
    %cond3A_300 = arith.cmpi ne, %convert_element_type3A_297, %cond3A_299 : i32
    scf.if %cond3A_300 {
      %slice3A = vector.extract_strided_slice %eq3A_19 {offsets = [0, 29], sizes = [5000, 1], strides = [1, 1]} : vector<5000x32xi1> to vector<5000x1xi1>
      %broadcast_in_dim3A = vector.shape_cast %slice3A : vector<5000x1xi1> to vector<5000x1xi1>
      %broadcast_in_dim3A_329 = vector.broadcast %broadcast_in_dim3A : vector<5000x1xi1> to vector<5000x64xi1>
      %broadcast_in_dim3A_330 = vector.broadcast %cond3A_298 : f32 to vector<5000x64xf32>
      %select_n3A = arith.select %broadcast_in_dim3A_329, %add3A_12, %broadcast_in_dim3A_330 : vector<5000x64xi1>, vector<5000x64xf32>
      %reduce_max3A = arith.constant dense<0xFF800000> : vector<64xf32>
      %reduce_max3A_331 = vector.multi_reduction <maximumf>, %select_n3A, %reduce_max3A [0] : vector<5000x64xf32> to vector<64xf32>
      %broadcast_in_dim3A_332 = vector.shape_cast %reduce_max3A_331 : vector<64xf32> to vector<1x64xf32>
      %get3A_333 = arith.constant 29 : index
      %get3A_334 = arith.constant 0 : index
      %get3A_335 = vector.load %arg18[%get3A_333, %get3A_334] : memref<32x64xf32, #tpu.memory_space<vmem>>, vector<1x64xf32>
      %max3A = arith.maximumf %get3A_335, %broadcast_in_dim3A_332 : vector<1x64xf32>
      %swap3A = arith.constant 29 : index
      %swap3A_336 = arith.constant 0 : index
      %swap3A_337 = vector.load %arg18[%swap3A, %swap3A_336] : memref<32x64xf32, #tpu.memory_space<vmem>>, vector<1x64xf32>
      tpu.vector_store %arg18[%swap3A, %swap3A_336], %max3A {strides = array<i32>} : memref<32x64xf32, #tpu.memory_space<vmem>>, vector<1x64xf32>,
    } else {
    }
    %le3A_301 = arith.constant 30 : i32
    %le3A_302 = arith.cmpi sle, %get3A_28, %le3A_301 : i32
    %ge3A_303 = arith.constant 30 : i32
    %ge3A_304 = arith.cmpi sge, %get3A_33, %ge3A_303 : i32
    %and3A_305 = arith.andi %le3A_302, %ge3A_304 : i1
    %convert_element_type3A_306 = arith.extui %and3A_305 : i1 to i32
    %cond3A_307 = arith.constant 0xFF800000 : f32
    %cond3A_308 = arith.constant 0 : i32
    %cond3A_309 = arith.cmpi ne, %convert_element_type3A_306, %cond3A_308 : i32
    scf.if %cond3A_309 {
      %slice3A = vector.extract_strided_slice %eq3A_19 {offsets = [0, 30], sizes = [5000, 1], strides = [1, 1]} : vector<5000x32xi1> to vector<5000x1xi1>
      %broadcast_in_dim3A = vector.shape_cast %slice3A : vector<5000x1xi1> to vector<5000x1xi1>
      %broadcast_in_dim3A_329 = vector.broadcast %broadcast_in_dim3A : vector<5000x1xi1> to vector<5000x64xi1>
      %broadcast_in_dim3A_330 = vector.broadcast %cond3A_307 : f32 to vector<5000x64xf32>
      %select_n3A = arith.select %broadcast_in_dim3A_329, %add3A_12, %broadcast_in_dim3A_330 : vector<5000x64xi1>, vector<5000x64xf32>
      %reduce_max3A = arith.constant dense<0xFF800000> : vector<64xf32>
      %reduce_max3A_331 = vector.multi_reduction <maximumf>, %select_n3A, %reduce_max3A [0] : vector<5000x64xf32> to vector<64xf32>
      %broadcast_in_dim3A_332 = vector.shape_cast %reduce_max3A_331 : vector<64xf32> to vector<1x64xf32>
      %get3A_333 = arith.constant 30 : index
      %get3A_334 = arith.constant 0 : index
      %get3A_335 = vector.load %arg18[%get3A_333, %get3A_334] : memref<32x64xf32, #tpu.memory_space<vmem>>, vector<1x64xf32>
      %max3A = arith.maximumf %get3A_335, %broadcast_in_dim3A_332 : vector<1x64xf32>
      %swap3A = arith.constant 30 : index
      %swap3A_336 = arith.constant 0 : index
      %swap3A_337 = vector.load %arg18[%swap3A, %swap3A_336] : memref<32x64xf32, #tpu.memory_space<vmem>>, vector<1x64xf32>
      tpu.vector_store %arg18[%swap3A, %swap3A_336], %max3A {strides = array<i32>} : memref<32x64xf32, #tpu.memory_space<vmem>>, vector<1x64xf32>,
    } else {
    }
    %le3A_310 = arith.constant 31 : i32
    %le3A_311 = arith.cmpi sle, %get3A_28, %le3A_310 : i32
    %ge3A_312 = arith.constant 31 : i32
    %ge3A_313 = arith.cmpi sge, %get3A_33, %ge3A_312 : i32
    %and3A_314 = arith.andi %le3A_311, %ge3A_313 : i1
    %convert_element_type3A_315 = arith.extui %and3A_314 : i1 to i32
    %cond3A_316 = arith.constant 0xFF800000 : f32
    %cond3A_317 = arith.constant 0 : i32
    %cond3A_318 = arith.cmpi ne, %convert_element_type3A_315, %cond3A_317 : i32
    scf.if %cond3A_318 {
      %slice3A = vector.extract_strided_slice %eq3A_19 {offsets = [0, 31], sizes = [5000, 1], strides = [1, 1]} : vector<5000x32xi1> to vector<5000x1xi1>
      %broadcast_in_dim3A = vector.shape_cast %slice3A : vector<5000x1xi1> to vector<5000x1xi1>
      %broadcast_in_dim3A_329 = vector.broadcast %broadcast_in_dim3A : vector<5000x1xi1> to vector<5000x64xi1>
      %broadcast_in_dim3A_330 = vector.broadcast %cond3A_316 : f32 to vector<5000x64xf32>
      %select_n3A = arith.select %broadcast_in_dim3A_329, %add3A_12, %broadcast_in_dim3A_330 : vector<5000x64xi1>, vector<5000x64xf32>
      %reduce_max3A = arith.constant dense<0xFF800000> : vector<64xf32>
      %reduce_max3A_331 = vector.multi_reduction <maximumf>, %select_n3A, %reduce_max3A [0] : vector<5000x64xf32> to vector<64xf32>
      %broadcast_in_dim3A_332 = vector.shape_cast %reduce_max3A_331 : vector<64xf32> to vector<1x64xf32>
      %get3A_333 = arith.constant 31 : index
      %get3A_334 = arith.constant 0 : index
      %get3A_335 = vector.load %arg18[%get3A_333, %get3A_334] : memref<32x64xf32, #tpu.memory_space<vmem>>, vector<1x64xf32>
      %max3A = arith.maximumf %get3A_335, %broadcast_in_dim3A_332 : vector<1x64xf32>
      %swap3A = arith.constant 31 : index
      %swap3A_336 = arith.constant 0 : index
      %swap3A_337 = vector.load %arg18[%swap3A, %swap3A_336] : memref<32x64xf32, #tpu.memory_space<vmem>>, vector<1x64xf32>
      tpu.vector_store %arg18[%swap3A, %swap3A_336], %max3A {strides = array<i32>} : memref<32x64xf32, #tpu.memory_space<vmem>>, vector<1x64xf32>,
    } else {
    }
    %eq3A_319 = arith.constant 0 : i32
    %eq3A_320 = arith.cmpi eq, %arg0, %eq3A_319 : i32
    %convert_element_type3A_321 = arith.extui %eq3A_320 : i1 to i32
    %cond3A_322 = arith.constant 0 : i32
    %cond3A_323 = arith.cmpi ne, %convert_element_type3A_321, %cond3A_322 : i32
    scf.if %cond3A_323 {
      %broadcast_in_dim3A = arith.constant 0.000000e+00 : f32
      %broadcast_in_dim3A_329 = vector.broadcast %broadcast_in_dim3A : f32 to vector<32x10xf32>
      %swap3A = arith.constant 0 : index
      %swap3A_330 = arith.constant 0 : index
      %swap3A_331 = vector.load %arg17[%swap3A, %swap3A_330] : memref<32x10xf32, #tpu.memory_space<vmem>>, vector<32x10xf32>
      tpu.vector_store %arg17[%swap3A, %swap3A_330], %broadcast_in_dim3A_329 {strides = array<i32>} : memref<32x10xf32, #tpu.memory_space<vmem>>, vector<32x10xf32>,
    } else {
    }
    %eq3A_324 = arith.constant 9 : i32
    %eq3A_325 = arith.cmpi eq, %arg0, %eq3A_324 : i32
    %convert_element_type3A_326 = arith.extui %eq3A_325 : i1 to i32
    %cond3A_327 = arith.constant 0 : i32
    %cond3A_328 = arith.cmpi ne, %convert_element_type3A_326, %cond3A_327 : i32
    scf.if %cond3A_328 {
      %get3A_329 = arith.constant 0 : index
      %get3A_330 = arith.constant 0 : index
      %get3A_331 = vector.load %arg18[%get3A_329, %get3A_330] : memref<32x64xf32, #tpu.memory_space<vmem>>, vector<32x64xf32>
      %get3A_332 = arith.constant 0 : index
      %get3A_333 = arith.constant 0 : index
      %get3A_334 = vector.load %arg7[%get3A_332, %get3A_333] : memref<64x64xf32, #tpu.memory_space<vmem>>, vector<64x64xf32>
      %dot_general3A_335 = arith.constant dense<0.000000e+00> : vector<32x64xf32>
      %dot_general3A_336 = tpu.matmul %get3A_331, %get3A_334, %dot_general3A_335 {dimension_numbers = #tpu.dot_dimension_numbers<[1], [0], [0], [1], [0, 0, 1, 1], [], []>, transpose_lhs_hint = false} : vector<32x64xf32>, vector<64x64xf32>, vector<32x64xf32> -> vector<32x64xf32>
      %get3A_337 = arith.constant 0 : index
      %get3A_338 = arith.constant 0 : index
      %get3A_339 = vector.load %arg8[%get3A_337, %get3A_338] : memref<1x64xf32, #tpu.memory_space<vmem>>, vector<1x64xf32>
      %add3A_340 = vector.broadcast %get3A_339 : vector<1x64xf32> to vector<32x64xf32>
      %add3A_341 = arith.addf %dot_general3A_336, %add3A_340 : vector<32x64xf32>
      %reduce_sum3A = arith.constant dense<0.000000e+00> : vector<64xf32>
      %reduce_sum3A_342 = vector.multi_reduction <add>, %add3A_341, %reduce_sum3A [0] : vector<32x64xf32> to vector<64xf32>
      %broadcast_in_dim3A = vector.shape_cast %reduce_sum3A_342 : vector<64xf32> to vector<1x64xf32>
      %div3A = arith.constant 3.200000e+01 : f32
      %div3A_343 = vector.broadcast %div3A : f32 to vector<1x64xf32>
      %div3A_344 = arith.divf %broadcast_in_dim3A, %div3A_343 : vector<1x64xf32>
      %sub3A = vector.broadcast %div3A_344 : vector<1x64xf32> to vector<32x64xf32>
      %sub3A_345 = arith.subf %add3A_341, %sub3A : vector<32x64xf32>
      %integer_pow3A = arith.mulf %sub3A_345, %sub3A_345 : vector<32x64xf32>
      %reduce_sum3A_346 = arith.constant dense<0.000000e+00> : vector<64xf32>
      %reduce_sum3A_347 = vector.multi_reduction <add>, %integer_pow3A, %reduce_sum3A_346 [0] : vector<32x64xf32> to vector<64xf32>
      %broadcast_in_dim3A_348 = vector.shape_cast %reduce_sum3A_347 : vector<64xf32> to vector<1x64xf32>
      %div3A_349 = arith.constant 3.200000e+01 : f32
      %div3A_350 = vector.broadcast %div3A_349 : f32 to vector<1x64xf32>
      %div3A_351 = arith.divf %broadcast_in_dim3A_348, %div3A_350 : vector<1x64xf32>
      %sub3A_352 = vector.broadcast %div3A_344 : vector<1x64xf32> to vector<32x64xf32>
      %sub3A_353 = arith.subf %add3A_341, %sub3A_352 : vector<32x64xf32>
      %add3A_354 = arith.constant 9.99999974E-6 : f32
      %add3A_355 = vector.broadcast %add3A_354 : f32 to vector<1x64xf32>
      %add3A_356 = arith.addf %div3A_351, %add3A_355 : vector<1x64xf32>
      %sqrt3A = math.sqrt %add3A_356 : vector<1x64xf32>
      %div3A_357 = vector.broadcast %sqrt3A : vector<1x64xf32> to vector<32x64xf32>
      %div3A_358 = arith.divf %sub3A_353, %div3A_357 : vector<32x64xf32>
      %get3A_359 = arith.constant 0 : index
      %get3A_360 = arith.constant 0 : index
      %get3A_361 = vector.load %arg9[%get3A_359, %get3A_360] : memref<1x64xf32, #tpu.memory_space<vmem>>, vector<1x64xf32>
      %mul3A = vector.broadcast %get3A_361 : vector<1x64xf32> to vector<32x64xf32>
      %mul3A_362 = arith.mulf %div3A_358, %mul3A : vector<32x64xf32>
      %get3A_363 = arith.constant 0 : index
      %get3A_364 = arith.constant 0 : index
      %get3A_365 = vector.load %arg10[%get3A_363, %get3A_364] : memref<1x64xf32, #tpu.memory_space<vmem>>, vector<1x64xf32>
      %add3A_366 = vector.broadcast %get3A_365 : vector<1x64xf32> to vector<32x64xf32>
      %add3A_367 = arith.addf %mul3A_362, %add3A_366 : vector<32x64xf32>
      %max3A = arith.constant 0.000000e+00 : f32
      %max3A_368 = vector.broadcast %max3A : f32 to vector<32x64xf32>
      %max3A_369 = arith.maximumf %add3A_367, %max3A_368 : vector<32x64xf32>
      %get3A_370 = arith.constant 0 : index
      %get3A_371 = arith.constant 0 : index
      %get3A_372 = vector.load %arg11[%get3A_370, %get3A_371] : memref<64x64xf32, #tpu.memory_space<vmem>>, vector<64x64xf32>
      %dot_general3A_373 = arith.constant dense<0.000000e+00> : vector<32x64xf32>
      %dot_general3A_374 = tpu.matmul %max3A_369, %get3A_372, %dot_general3A_373 {dimension_numbers = #tpu.dot_dimension_numbers<[1], [0], [0], [1], [0, 0, 1, 1], [], []>, transpose_lhs_hint = false} : vector<32x64xf32>, vector<64x64xf32>, vector<32x64xf32> -> vector<32x64xf32>
      %get3A_375 = arith.constant 0 : index
      %get3A_376 = arith.constant 0 : index
      %get3A_377 = vector.load %arg12[%get3A_375, %get3A_376] : memref<1x64xf32, #tpu.memory_space<vmem>>, vector<1x64xf32>
      %add3A_378 = vector.broadcast %get3A_377 : vector<1x64xf32> to vector<32x64xf32>
      %add3A_379 = arith.addf %dot_general3A_374, %add3A_378 : vector<32x64xf32>
      %reduce_sum3A_380 = arith.constant dense<0.000000e+00> : vector<64xf32>
      %reduce_sum3A_381 = vector.multi_reduction <add>, %add3A_379, %reduce_sum3A_380 [0] : vector<32x64xf32> to vector<64xf32>
      %broadcast_in_dim3A_382 = vector.shape_cast %reduce_sum3A_381 : vector<64xf32> to vector<1x64xf32>
      %div3A_383 = arith.constant 3.200000e+01 : f32
      %div3A_384 = vector.broadcast %div3A_383 : f32 to vector<1x64xf32>
      %div3A_385 = arith.divf %broadcast_in_dim3A_382, %div3A_384 : vector<1x64xf32>
      %sub3A_386 = vector.broadcast %div3A_385 : vector<1x64xf32> to vector<32x64xf32>
      %sub3A_387 = arith.subf %add3A_379, %sub3A_386 : vector<32x64xf32>
      %integer_pow3A_388 = arith.mulf %sub3A_387, %sub3A_387 : vector<32x64xf32>
      %reduce_sum3A_389 = arith.constant dense<0.000000e+00> : vector<64xf32>
      %reduce_sum3A_390 = vector.multi_reduction <add>, %integer_pow3A_388, %reduce_sum3A_389 [0] : vector<32x64xf32> to vector<64xf32>
      %broadcast_in_dim3A_391 = vector.shape_cast %reduce_sum3A_390 : vector<64xf32> to vector<1x64xf32>
      %div3A_392 = arith.constant 3.200000e+01 : f32
      %div3A_393 = vector.broadcast %div3A_392 : f32 to vector<1x64xf32>
      %div3A_394 = arith.divf %broadcast_in_dim3A_391, %div3A_393 : vector<1x64xf32>
      %sub3A_395 = vector.broadcast %div3A_385 : vector<1x64xf32> to vector<32x64xf32>
      %sub3A_396 = arith.subf %add3A_379, %sub3A_395 : vector<32x64xf32>
      %add3A_397 = arith.constant 9.99999974E-6 : f32
      %add3A_398 = vector.broadcast %add3A_397 : f32 to vector<1x64xf32>
      %add3A_399 = arith.addf %div3A_394, %add3A_398 : vector<1x64xf32>
      %sqrt3A_400 = math.sqrt %add3A_399 : vector<1x64xf32>
      %div3A_401 = vector.broadcast %sqrt3A_400 : vector<1x64xf32> to vector<32x64xf32>
      %div3A_402 = arith.divf %sub3A_396, %div3A_401 : vector<32x64xf32>
      %get3A_403 = arith.constant 0 : index
      %get3A_404 = arith.constant 0 : index
      %get3A_405 = vector.load %arg13[%get3A_403, %get3A_404] : memref<1x64xf32, #tpu.memory_space<vmem>>, vector<1x64xf32>
      %mul3A_406 = vector.broadcast %get3A_405 : vector<1x64xf32> to vector<32x64xf32>
      %mul3A_407 = arith.mulf %div3A_402, %mul3A_406 : vector<32x64xf32>
      %get3A_408 = arith.constant 0 : index
      %get3A_409 = arith.constant 0 : index
      %get3A_410 = vector.load %arg14[%get3A_408, %get3A_409] : memref<1x64xf32, #tpu.memory_space<vmem>>, vector<1x64xf32>
      %add3A_411 = vector.broadcast %get3A_410 : vector<1x64xf32> to vector<32x64xf32>
      %add3A_412 = arith.addf %mul3A_407, %add3A_411 : vector<32x64xf32>
      %max3A_413 = arith.constant 0.000000e+00 : f32
      %max3A_414 = vector.broadcast %max3A_413 : f32 to vector<32x64xf32>
      %max3A_415 = arith.maximumf %add3A_412, %max3A_414 : vector<32x64xf32>
      %get3A_416 = arith.constant 0 : index
      %get3A_417 = arith.constant 0 : index
      %get3A_418 = vector.load %arg15[%get3A_416, %get3A_417] : memref<64x10xf32, #tpu.memory_space<vmem>>, vector<64x10xf32>
      %dot_general3A_419 = arith.constant dense<0.000000e+00> : vector<32x10xf32>
      %dot_general3A_420 = tpu.matmul %max3A_415, %get3A_418, %dot_general3A_419 {dimension_numbers = #tpu.dot_dimension_numbers<[1], [0], [0], [1], [0, 0, 1, 1], [], []>, transpose_lhs_hint = false} : vector<32x64xf32>, vector<64x10xf32>, vector<32x10xf32> -> vector<32x10xf32>
      %get3A_421 = arith.constant 0 : index
      %get3A_422 = arith.constant 0 : index
      %get3A_423 = vector.load %arg16[%get3A_421, %get3A_422] : memref<1x10xf32, #tpu.memory_space<vmem>>, vector<1x10xf32>
      %add3A_424 = vector.broadcast %get3A_423 : vector<1x10xf32> to vector<32x10xf32>
      %add3A_425 = arith.addf %dot_general3A_420, %add3A_424 : vector<32x10xf32>
      %reduce_max3A = arith.constant dense<0xFF800000> : vector<32xf32>
      %reduce_max3A_426 = vector.multi_reduction <maximumf>, %add3A_425, %reduce_max3A [1] : vector<32x10xf32> to vector<32xf32>
      %broadcast_in_dim3A_427 = vector.shape_cast %reduce_max3A_426 : vector<32xf32> to vector<32x1xf32>
      %sub3A_428 = vector.broadcast %broadcast_in_dim3A_427 : vector<32x1xf32> to vector<32x10xf32>
      %sub3A_429 = arith.subf %add3A_425, %sub3A_428 : vector<32x10xf32>
      %exp3A = math.exp %sub3A_429 : vector<32x10xf32>
      %reduce_sum3A_430 = arith.constant dense<0.000000e+00> : vector<32xf32>
      %reduce_sum3A_431 = vector.multi_reduction <add>, %exp3A, %reduce_sum3A_430 [1] : vector<32x10xf32> to vector<32xf32>
      %broadcast_in_dim3A_432 = vector.shape_cast %reduce_sum3A_431 : vector<32xf32> to vector<32x1xf32>
      %log3A = math.log %broadcast_in_dim3A_432 : vector<32x1xf32>
      %add3A_433 = arith.addf %log3A, %broadcast_in_dim3A_427 : vector<32x1xf32>
      %sub3A_434 = vector.broadcast %add3A_433 : vector<32x1xf32> to vector<32x10xf32>
      %sub3A_435 = arith.subf %add3A_425, %sub3A_434 : vector<32x10xf32>
      %swap3A = arith.constant 0 : index
      %swap3A_436 = arith.constant 0 : index
      %swap3A_437 = vector.load %arg17[%swap3A, %swap3A_436] : memref<32x10xf32, #tpu.memory_space<vmem>>, vector<32x10xf32>
      tpu.vector_store %arg17[%swap3A, %swap3A_436], %sub3A_435 {strides = array<i32>} : memref<32x10xf32, #tpu.memory_space<vmem>>, vector<32x10xf32>,
    } else {
    }
    return
  }
  func.func @transform_0(%arg0: i32) -> (i32, i32) {
    %c0_i32 = arith.constant 0 : i32
    %c0_i32_0 = arith.constant 0 : i32
    return %arg0, %c0_i32 : i32, i32
  }
  func.func @transform_1(%arg0: i32) -> (i32, i32) {
    %add3A = arith.constant 10 : i32
    %add3A_0 = arith.addi %add3A, %arg0 : i32
    %c0_i32 = arith.constant 0 : i32
    %c0_i32_1 = arith.constant 0 : i32
    return %add3A_0, %c0_i32 : i32, i32
  }
  func.func @transform_2(%arg0: i32) -> (i32, i32) {
    %c0_i32 = arith.constant 0 : i32
    %c0_i32_0 = arith.constant 0 : i32
    %c0_i32_1 = arith.constant 0 : i32
    return %c0_i32, %c0_i32_0 : i32, i32
  }
  func.func @transform_3(%arg0: i32) -> (i32, i32) {
    %c0_i32 = arith.constant 0 : i32
    %c0_i32_0 = arith.constant 0 : i32
    %c0_i32_1 = arith.constant 0 : i32
    return %c0_i32, %c0_i32_0 : i32, i32
  }
  func.func @transform_4(%arg0: i32) -> (i32, i32, i32) {
    %c0_i32 = arith.constant 0 : i32
    %c0_i32_0 = arith.constant 0 : i32
    %c0_i32_1 = arith.constant 0 : i32
    return %arg0, %c0_i32, %c0_i32_0 : i32, i32, i32
  }
  func.func @transform_5(%arg0: i32) -> (i32, i32, i32) {
    %c0_i32 = arith.constant 0 : i32
    %c0_i32_0 = arith.constant 0 : i32
    %c0_i32_1 = arith.constant 0 : i32
    return %arg0, %c0_i32, %c0_i32_0 : i32, i32, i32
  }
  func.func @transform_6(%arg0: i32) -> (i32, i32) {
    %c0_i32 = arith.constant 0 : i32
    %c0_i32_0 = arith.constant 0 : i32
    %c0_i32_1 = arith.constant 0 : i32
    return %c0_i32, %c0_i32_0 : i32, i32
  }
  func.func @transform_7(%arg0: i32) -> (i32, i32) {
    %c0_i32 = arith.constant 0 : i32
    %c0_i32_0 = arith.constant 0 : i32
    %c0_i32_1 = arith.constant 0 : i32
    return %c0_i32, %c0_i32_0 : i32, i32
  }
  func.func @transform_8(%arg0: i32) -> (i32, i32) {
    %c0_i32 = arith.constant 0 : i32
    %c0_i32_0 = arith.constant 0 : i32
    %c0_i32_1 = arith.constant 0 : i32
    return %c0_i32, %c0_i32_0 : i32, i32
  }
  func.func @transform_9(%arg0: i32) -> (i32, i32) {
    %c0_i32 = arith.constant 0 : i32
    %c0_i32_0 = arith.constant 0 : i32
    %c0_i32_1 = arith.constant 0 : i32
    return %c0_i32, %c0_i32_0 : i32, i32
  }
  func.func @transform_10(%arg0: i32) -> (i32, i32) {
    %c0_i32 = arith.constant 0 : i32
    %c0_i32_0 = arith.constant 0 : i32
    %c0_i32_1 = arith.constant 0 : i32
    return %c0_i32, %c0_i32_0 : i32, i32
  }
  func.func @transform_11(%arg0: i32) -> (i32, i32) {
    %c0_i32 = arith.constant 0 : i32
    %c0_i32_0 = arith.constant 0 : i32
    %c0_i32_1 = arith.constant 0 : i32
    return %c0_i32, %c0_i32_0 : i32, i32
  }
  func.func @transform_12(%arg0: i32) -> (i32, i32) {
    %c0_i32 = arith.constant 0 : i32
    %c0_i32_0 = arith.constant 0 : i32
    %c0_i32_1 = arith.constant 0 : i32
    return %c0_i32, %c0_i32_0 : i32, i32
  }
  func.func @transform_13(%arg0: i32) -> (i32, i32) {
    %c0_i32 = arith.constant 0 : i32
    %c0_i32_0 = arith.constant 0 : i32
    %c0_i32_1 = arith.constant 0 : i32
    return %c0_i32, %c0_i32_0 : i32, i32
  }
  func.func @transform_14(%arg0: i32) -> (i32, i32) {
    %c0_i32 = arith.constant 0 : i32
    %c0_i32_0 = arith.constant 0 : i32
    %c0_i32_1 = arith.constant 0 : i32
    return %c0_i32, %c0_i32_0 : i32, i32
  }
  func.func @transform_15(%arg0: i32) -> (i32, i32) {
    %c0_i32 = arith.constant 0 : i32
    %c0_i32_0 = arith.constant 0 : i32
    %c0_i32_1 = arith.constant 0 : i32
    return %c0_i32, %c0_i32_0 : i32, i32
  }
  func.func @transform_16(%arg0: i32) -> (i32, i32) {
    %c0_i32 = arith.constant 0 : i32
    %c0_i32_0 = arith.constant 0 : i32
    %c0_i32_1 = arith.constant 0 : i32
    return %c0_i32, %c0_i32_0 : i32, i32
  }
}

</mosaic_0001>

<sc_bundles>
// kernel: kernel.12.cloned.1.call-start
scs
__scs_entry_jumppad:
0x0: {  	(pc) =	sbr.rel $0x88, $3  }
0x1: {  	(tag) =	ssettag $0x0;
	lr =	simm.s32 $0x1  }
0x2: {  	[smem:$0x3F8F] =	sst lr;
	_ =	strace $0xD0000000  }
0x3: {  	_ = 	snop  }
0x4: {  	_ = 	snop  }
0x5: {  	_ = 	snop  }
0x6: {  	_ = 	snop  }
0x7: {  	_ = 	snop  }
__scs_overlays_trampoline_lowered:
0x8: {  	[smem:$0x3F9E] =	sst s0  }
0x9: {  	[smem:$0x3F9F] =	sst s1  }
0xa: {  	[smem:$0x3FA0] =	sst s2  }
0xb: {  	[smem:$0x3FA1] =	sst s3  }
0xc: {  	[smem:$0x3FA2] =	sst s4  }
0xd: {  	[smem:$0x3FA3] =	sst s5  }
0xe: {  	[smem:$0x3FA4] =	sst s6  }
0xf: {  	[smem:$0x3FA5] =	sst s7  }
0x10: {  	[smem:$0x3FA6] =	sst s8  }
0x11: {  	[smem:$0x3FA7] =	sst s9;
	s0 =	simm.s32 @!p0 $0x0  }
0x12: {  	s1 =	sld [smem:$0x3F8D];
	s0 =	simm.s32 @p0 $0x1  }
0x13: {  	[smem:$0x3FA8] =	sst s0;
	s0 =	simm.s32 @!p1 $0x0  }
0x14: {  	s2 =	sld [smem:$0x3F8C];
	s0 =	simm.s32 @p1 $0x1  }
0x15: {  	[smem:$0x3FA9] =	sst s0;
	s0 =	simm.s32 @!p2 $0x0  }
0x16: {  	s3 =	sld [smem:$0x3FDB];
	s0 =	simm.s32 @p2 $0x1  }
0x17: {  	s4 =	simm.s32 $0x1BF5;
	[smem:$0x3FAB] =	sst s0  }
0x18: {  	s0 =	sld [smem:$0x3F8E];
	_ =	swait.ge [sflag:s4], $0x0  }
0x19: {  	s7 =	sld [smem:$0x3F8F]  }
0x1a: {  	s8 =	sadd.s32 $0xFFFFE003, lr  }
0x1b: {  	s9 =	sadd.s32 $0xFFFFFEF7, lr;
	s5 =	simm.s32 $0xFFFFFFFF;
	p2 =	slt.u32 s8, $0xFFFFF086  }
0x1c: {  	p1 =	slt.u32 s9, $0xF7A;
	s5 =	simm.s32 @!p2 $0x0  }
0x1d: {  	s5 =	simm.s32 @p1 $0x1;
	p0 =	seq.s32 s7, s2  }
0x1e: {  	s7 =	smul.u32 @!p0 $0xF7A, s2;
	p2 =	seq.s32 @!p0 s5, $0x0  }
0x1f: {  	s9 =	smul.u32 $0xF7A, s1;
	s8 =	simm.s32 @!p0 $0x1BF5;
	p2 =	por !p2, p0  }
0x20: {  	[sflag:s8] =	ssyncset.s32 @!p0 $0xFFFFF086;
	s6 =	sadd.s32 @!p0 s3, s7;
	s7 =	simm.s32 @!p0 $0x108  }
0x21: {  	s3 =	sadd.s32 s3, s9;
	s6 =	sadd.s32 @!p0 $0x88, s6;
	s7 =	simm.s32 @p2 $0x1082  }
0x22: {  	[simem:s7], [sflag:s8] =	dma.local @!p0 [hbm:s6], $0xF7A  }
0x23: {  	s9 =	sor.u32 $0xD0000000, s2;
	s6 =	simm.s32 $0x108;
	_ =	swait.ge @!p0 [sflag:s8], $0x0  }
0x24: {  	s3 =	sadd.s32 $0x88, s3;
	s6 =	simm.s32 @!p1 $0x1082;
	[sflag:s4] =	ssyncset.s32 $0xFFFFF086  }
0x25: {  	[simem:s6], [sflag:s4] =	dma.local [hbm:s3], $0xF7A  }
0x26: {  	[smem:$0x3F8F] =	sst s1;
	(tag) =	ssettag s2;
	_ =	strace s9  }
0x27: {  	s1 =	sld [smem:$0x3F9F]  }
0x28: {  	s2 =	sld [smem:$0x3FA0]  }
0x29: {  	s4 =	sld [smem:$0x3FA2]  }
0x2a: {  	p0 =	seq.s32 s5, $0x0;
	s5 =	sld [smem:$0x3FA3]  }
0x2b: {  	s6 =	sld [smem:$0x3FA4]  }
0x2c: {  	s7 =	sld [smem:$0x3FA5]  }
0x2d: {  	s3 =	simm.s32 $0x108;
	s8 =	sld [smem:$0x3FA6]  }
0x2e: {  	s3 =	simm.s32 @!p0 $0x1082;
	s9 =	sld [smem:$0x3FA7]  }
0x2f: {  	lr =	sadd.s32 s0, s3;
	s0 =	sld [smem:$0x3F9E]  }
0x30: {  	s3 =	sld [smem:$0x3FA1]  }
0x31: {  	[smem:$0x3FAA] =	sst s10  }
0x32: {  	s10 =	sld [smem:$0x3FA8];
	_ =	sdelay $0x3  }
0x33: {  	p0 =	seq.s32 s10, $0x1;
	s10 =	sld [smem:$0x3FAA];
	_ =	sdelay $0x3  }
0x34: {  	[smem:$0x3FAA] =	sst s10  }
0x35: {  	s10 =	sld [smem:$0x3FA9];
	_ =	sdelay $0x3  }
0x36: {  	p1 =	seq.s32 s10, $0x1;
	s10 =	sld [smem:$0x3FAA];
	_ =	sdelay $0x3  }
0x37: {  	[smem:$0x3FAA] =	sst s10  }
0x38: {  	s10 =	sld [smem:$0x3FAB]  }
0x39: {  	_ = 	snop;
	(pc) =	sbr.ind lr, $3  }
0x3a: {  	_ = 	snop  }
0x3b: {  	_ = 	snop  }
0x3c: {  	p2 =	seq.s32 s10, $0x1;
	s10 =	sld [smem:$0x3FAA]  }
0x3d: {  	_ =	shalt  }
0x3e: {  	_ =	shalt  }
0x3f: {  	_ =	shalt  }
0x40: {  	_ =	shalt  }
0x41: {  	_ =	shalt  }
0x42: {  	_ =	shalt  }
0x43: {  	_ =	shalt  }
0x44: {  	_ =	shalt  }
0x45: {  	_ =	shalt  }
0x46: {  	_ =	shalt  }
0x47: {  	_ =	shalt  }
0x48: {  	_ =	shalt  }
0x49: {  	_ =	shalt  }
0x4a: {  	_ =	shalt  }
0x4b: {  	_ =	shalt  }
0x4c: {  	_ =	shalt  }
0x4d: {  	_ =	shalt  }
0x4e: {  	_ =	shalt  }
0x4f: {  	_ =	shalt  }
0x50: {  	_ =	shalt  }
0x51: {  	_ =	shalt  }
0x52: {  	_ =	shalt  }
0x53: {  	_ =	shalt  }
0x54: {  	_ =	shalt  }
0x55: {  	_ =	shalt  }
0x56: {  	_ =	shalt  }
0x57: {  	_ =	shalt  }
0x58: {  	_ =	shalt  }
0x59: {  	_ =	shalt  }
0x5a: {  	_ =	shalt  }
0x5b: {  	_ =	shalt  }
0x5c: {  	_ =	shalt  }
0x5d: {  	_ =	shalt  }
0x5e: {  	_ =	shalt  }
0x5f: {  	_ =	shalt  }
0x60: {  	_ =	shalt  }
0x61: {  	_ =	shalt  }
0x62: {  	_ =	shalt  }
0x63: {  	_ =	shalt  }
0x64: {  	_ =	shalt  }
0x65: {  	_ =	shalt  }
0x66: {  	_ =	shalt  }
0x67: {  	_ =	shalt  }
0x68: {  	_ =	shalt  }
0x69: {  	_ =	shalt  }
0x6a: {  	_ =	shalt  }
0x6b: {  	_ =	shalt  }
0x6c: {  	_ =	shalt  }
0x6d: {  	_ =	shalt  }
0x6e: {  	_ =	shalt  }
0x6f: {  	_ =	shalt  }
0x70: {  	_ =	shalt  }
0x71: {  	_ =	shalt  }
0x72: {  	_ =	shalt  }
0x73: {  	_ =	shalt  }
0x74: {  	_ =	shalt  }
0x75: {  	_ =	shalt  }
0x76: {  	_ =	shalt  }
0x77: {  	_ =	shalt  }
0x78: {  	_ =	shalt  }
0x79: {  	_ =	shalt  }
0x7a: {  	_ =	shalt  }
0x7b: {  	_ =	shalt  }
0x7c: {  	_ =	shalt  }
0x7d: {  	_ =	shalt  }
0x7e: {  	_ =	shalt  }
0x7f: {  	_ =	shalt  }
0x80: {  	_ =	shalt  }
0x81: {  	_ =	shalt  }
0x82: {  	_ =	shalt  }
0x83: {  	_ =	shalt  }
0x84: {  	_ =	shalt  }
0x85: {  	_ =	shalt  }
0x86: {  	_ =	shalt  }
0x87: {  	_ =	shalt  }
.Lfunc_end0:
.L_simem_size_0:
called_computation_lowered:
.L_overlay_start_0:
0x88: {  	s2 =	sld [smem:$0x3FD9]  }
0x89: {  	s3 =	sld [smem:$0x3FFE];
	_ =	sdelay $0x1  }
0x8a: {  	s1 =	srdreg.scid  }
0x8b: {  	s0 =	sand.u32 $0x1, s1  }
0x8c: {  	s16 =	sshll.u32 s0, $0xA;
	s2 =	sadd.s32 s3, s2  }
0x8d: {  	s2 =	sadd.s32 s2, s16  }
0x8e: {  	[smem:$0x3FB6] =	sst s2  }
0x8f: {  	_ = 	snop  }
0x90: {  	(tm) =	ssettm $0x1  }
0x91: {  	s17 =	sld [smem:$0x3FFB];
	_ =	sdelay $0x3  }
0x92: {  	_ =	strace s17  }
0x93: {  	s2 =	sld [smem:$0x3FFC];
	_ =	sdelay $0x3  }
0x94: {  	_ =	strace s2  }
0x95: {  	s2 =	sld [smem:$0x3FFD];
	_ =	sdelay $0x3  }
0x96: {  	_ =	strace s2  }
0x97: {  	_ =	strace $0x8FFFFFFF  }
0x98: {  	s18 =	sld [smem:$0x3FDB];
	_ =	sdelay $0x1  }
0x99: {  	s19 =	simm.s32 $_scs_section_size  }
0x9a: {  	s4 =	simm.s32 $_size__tile_overlayer_lowered;
	s5 =	simm.s32 $_tile_overlayer_lowered  }
0x9b: {  	s22 =	simm.s32 $0x1BFF;
	s21 =	sshll.u32 s5, $0x1;
	s2 =	sadd.s32 s19, s18  }
0x9c: {  	s6 =	simm.s32 $0x0;
	s20 =	sshll.u32 s4, $0x1;
	s4 =	sadd.s32 s21, s2  }
0x9d: {  	[timem:s6], [sflag:s22] =	dma.local [hbm:s4], s20  }
0x9e: {  	_ =	swait.ge [sflag:s22], s20  }
0x9f: {  	s3 =	ssub.s32 $0x0, s20;
	[sflag:s22] =	ssyncset.done $0x0  }
0xa0: {  	[sflag:s22] =	ssyncadd.s32 s3;
	_ =	sdelay $0x1  }
0xa1: {  	s23 =	simm.s32 $0x1B8B  }
0xa2: {  	_ =	swait.ge [sflag:s23], $0x1  }
0xa3: {  	[sflag:s23] =	ssyncset.done $0x0  }
0xa4: {  	s25 =	simm.s32 $0x1B8E;
	s24 =	sld [smem:$0x3FFE];
	[sflag:s23] =	ssyncadd.s32 $0xFFFFFFFF  }
0xa5: {  	s26 =	simm.s32 $execute0_lowered;
	[smem:$0x3FD2] =	sst s25  }
0xa6: {  	s4 =	sshll.u32 s26, $0x1;
	_ =	strace $0x80000046;
	[dreg:$0x1] =	wrdreg $0xFFFFFFFF  }
0xa7: {  	s28 =	simm.s32 $_size_execute0_lowered;
	s2 =	sadd.s32 s2, s4;
	[dreg:$0x0] =	wrdreg $0x0  }
0xa8: {  	s4 =	sshll.u32 s28, $0x1;
	[dreg:$0x2] =	wrdreg s2  }
0xa9: {  	[dreg:$0x3] =	wrdreg s4  }
0xaa: {  	[dreg:$0x4] =	wrdreg $0xC0  }
0xab: {  	_ =	task [dreg:s6], $0x5FFFF  }
0xac: {  	[dreg:$0x1] =	wrdreg $0xFFFFFFFF  }
0xad: {  	[dreg:$0x0] =	wrdreg $0x60  }
0xae: {  	[dreg:$0x2] =	wrdreg s24  }
0xaf: {  	[dreg:$0x3] =	wrdreg $0x48000  }
0xb0: {  	[dreg:$0x4] =	wrdreg $0x9  }
0xb1: {  	_ =	task.clear_ibuf [dreg:s6], $0x5FFFF;
	_ =	strace $0x90000046  }
0xb2: {  	s29 =	simm.s32 $0x9;
	_ =	strace $0x80000048  }
0xb3: {  	_ =	swait.ge [sflag:s29], $0x1  }
0xb4: {  	[sflag:s29] =	ssyncadd.s32 $0xFFFFFFFF  }
0xb5: {  	_ =	strace $0x90000048  }
0xb6: {  	_ =	sfence  }
0xb7: {  	s30 =	sld [smem:$0x0];
	_ =	sdelay $0x2  }
0xb8: {  	s31 =	sshll.u32 s1, $0xD;
	s1 =	sshrl.u32 s1, $0x2  }
0xb9: {  	s3 =	sand.u32 $0x4000, s31;
	s1 =	sadd.s32 s1, s30  }
0xba: {  	s0 =	sor.u32 s3, s0;
	s1 =	sshll.u32 s1, $0x11  }
0xbb: {  	s0 =	sor.u32 s1, s0  }
0xbc: {  	s0 =	sadd.s32 $0x8F2B, s0  }
0xbd: {  	[sflag:s0] =	ssyncadd.remote.s32 $0x1  }
0xbe: {  	_ =	sfence.sel $0xFFFF  }
0xbf: {  	[dreg:$0x0] =	wrdreg $0xFFFFFFFF;
	(pc) =	sbr.abs _section_cstart, $3  }
0xc0: {  	[dreg:$0x1] =	wrdreg $0xFFFFFFFF  }
0xc1: {  	_ =	task.clear_ibuf [dreg:s6], $0x2FFFF;
	_ =	strace $0x9FFFFFFF  }
0xc2: {  	(tm) =	ssettm $0x7FFFFFFF  }
0xc3: {  	_ =	shalt  }
tec
execute0_lowered:
.L_overlay_start_1:
0x0: {  	(tag) =	ssettag $0x1  }
0x1: {  	s0 =	srdreg.scid;
	s1 =	rddreg [dreg:$0x0]  }
0x2: {  	s10 =	stileid.u32;
	s2 =	rddreg [dreg:$0x1];
	s3 =	simm.s32 $0x0  }
0x3: {  	s12 =	simm.s32 $0x80;
	s22 =	simm.s32 $0x100;
	s13 =	simm.s32 $0x800  }
0x4: {  	s14 =	simm.s32 $0x1800;
	s15 =	simm.s32 $0x2800;
	s16 =	simm.s32 $0x1  }
0x5: {  	s23 =	simm.s32 $0x180;
	s17 =	simm.s32 $0x3800;
	s18 =	simm.s32 $0x2  }
0x6: {  	s19 =	simm.s32 $0x5;
	s28 =	simm.s32 $0x580;
	s5 =	smul.u32 $0xC400, s10  }
0x7: {  	s29 =	simm.s32 $0x300;
	s30 =	simm.s32 $0x8;
	s6 =	smul.u32 $0x1880, s10  }
0x8: {  	s31 =	simm.s32 $0x600;
	s0 =	sand.u32 $0x1, s0;
	s7 =	smul.u32 $0xC38, s10  }
0x9: {  	[smem:$0x7FF] =	sst s3;
	s9 =	smul.u32 $0x64000, s10;
	s11 =	sadd.s32 $0x1E00, s1  }
0xa: {  	s26 =	sshll.u32 s10, $0x6;
	s10 =	simm.s32 $0x9;
	s4 =	smul.u32 $0xC4000, s0  }
0xb: {  	_ =	strace $0x80000047;
	s8 =	smul.u32 $0xC350, s0;
	[dreg:$0x9] =	wrdreg s11  }
0xc: {  	s0 =	ssub.s32 $0x2, s0;
	s11 =	simm.s32 $0x400;
	[dreg:$0x5] =	wrdreg s22  }
0xd: {  	[dreg:$0x6] =	wrdreg s23;
	s22 =	simm.s32 $0x500;
	s23 =	simm.s32 $0x280  }
0xe: {  	s7 =	smin.u32 s7, $0xB718;
	s6 =	sadd.s32 s6, s1;
	s24 =	sshrl.u32 s0, $0x1  }
0xf: {  	s25 =	sshrl.u32 s9, $0x2;
	s9 =	sor.u32 $0x1C09, s26;
	s5 =	sadd.s32 s4, s5  }
0x10: {  	s4 =	sadd.s32 $0x32E00, s1;
	s8 =	sadd.s32 s8, s7;
	s0 =	ssub.s32 s0, s24  }
0x11: {  	s7 =	sshll.u32 s7, $0x5;
	s20 =	sadd.s32 $0x1A600, s6;
	s24 =	simm.s32 $0x480  }
0x12: {  	[dreg:$0xa] =	wrdreg s9;
	s5 =	sshrl.u32 s5, $0x3;
	s8 =	sshll.u32 s8, $0x2  }
0x13: {  	s7 =	sadd.s32 s7, s2;
	s0 =	smax.u32 s0, $0x1;
	[dreg:$0x4] =	wrdreg s20  }
0x14: {  	[dreg:$0x7] =	wrdreg s24;
	s5 =	sadd.s32 s5, s1;
	s1 =	sadd.s32 s8, s1  }
0x15: {  	s8 =	sadd.s32 s25, s2;
	[dreg:$0xc] =	wrdreg s0;
	s25 =	simm.s32 $0x200  }
0x16: {  	s20 =	simm.s32 $0x3;
	s26 =	sshrl.u32 s7, $0x3;
	[dreg:$0x8] =	wrdreg s25  }
0x17: {  	s24 =	simm.s32 $0x4;
	s1 =	sadd.s32 $0x27CE00, s1;
	[dreg:$0xe] =	wrdreg s26  }
0x18: {  	s0 =	simm.s32 $0x680;
	s5 =	sadd.s32 $0x94A00, s5;
	[dreg:$0xb] =	wrdreg s1  }
0x19: {  	s7 =	simm.s32 $0x780;
	s21 =	sshrl.u32 s8, $0x3;
	[dreg:$0x3] =	wrdreg s5  }
0x1a: {  	s26 =	simm.s32 $0x7;
	s8 =	simm.s32 $0x0;
	[dreg:$0xd] =	wrdreg s21  }
0x1b: {  	s21 =	simm.s32 $0x6;
	s1 =	simm.s32 $0x380;
	s5 =	simm.s32 $0x700  }
.LBB2_1:
0x1c: {  	[dreg:$0xf] =	wrdreg s8  }
0x1d: {  	s6 =	rddreg [dreg:$0x9]  }
0x1e: {  	s25 =	rddreg [dreg:$0xd]  }
0x1f: {  	[spmem:s25], [sflag:s9] =	dma.local [hbm:s6], $0x3200  }
0x20: {  	_ =	swait.ge [sflag:s10], $0x3200  }
0x21: {  	[sflag:s10] =	ssyncset.done $0x0  }
0x22: {  	[sflag:s10] =	ssyncadd.s32 $0xFFFFCE00  }
0x23: {  	[bflag:$0x0] =	sbarrier.arrive $0xFFFF  }
0x24: {  	s8 =	rddreg [dreg:$0x3]  }
0x25: {  	s6 =	sadd.s32 $0x0, s8  }
0x26: {  	[tilespmem:s3], [sflag:$0x9] =	stream.linear.gather [hbm4b:s6+s3], $0x400, $0x38;
	[tilespmem:$0x1D800] =	vst v63  }
0x27: {  	_ =	swait.ge [sflag:s10], $0x400  }
0x28: {  	s9 =	rddreg [dreg:$0x4];
	[sflag:s10] =	ssyncset.done $0x0  }
0x29: {  	[sflag:s10] =	ssyncadd.s32 $0xFFFFFC00;
	s6 =	sadd.s32 $0x0, s9  }
0x2a: {  	[tilespmem:s11], [sflag:$0x9] =	stream.linear.gather [hbm4b:s6+s3], $0x400, $0x38;
	[tilespmem:$0x1D800] =	vst v63  }
0x2b: {  	_ =	swait.ge [sflag:s10], $0x400  }
0x2c: {  	[sflag:s10] =	ssyncset.done $0x0  }
0x2d: {  	[sflag:s10] =	ssyncadd.s32 $0xFFFFFC00  }
0x2e: {  	[tilespmem:s13], [sflag:$0x1] =	stream.indirect.gather [hbm4b:s4+s12], $0x20, s3, s12, $0xb8;
	[tilespmem:$0x1D800] =	vst v63  }
0x2f: {  	_ = 	snop  }
0x30: {  	[tilespmem:s14], [sflag:$0x2] =	stream.indirect.gather [hbm4b:s4+s12], $0x20, s12, s12, $0xb8;
	[tilespmem:$0x1D800] =	vst v63  }
0x31: {  	s25 =	rddreg [dreg:$0x5]  }
0x32: {  	[tilespmem:s15], [sflag:$0x3] =	stream.indirect.gather [hbm4b:s4+s12], $0x20, s25, s12, $0xb8;
	[tilespmem:$0x1D800] =	vst v63  }
0x33: {  	_ =	swait.ge [sflag:s16], $0x1000  }
0x34: {  	[sflag:s16] =	ssyncset.done $0x0  }
0x35: {  	[sflag:s16] =	ssyncadd.s32 $0xFFFFF000  }
0x36: {  	[spmem:s2] =	stream.indirect.scatter.add.f32 [tilespmem:s13], [sflag:$0x5], $0x20, s11, s12, $0xb8;
	[tilespmem:$0x1D800] =	vst v63  }
0x37: {  	s8 =	rddreg [dreg:$0x6]  }
0x38: {  	[tilespmem:s17], [sflag:$0x4] =	stream.indirect.gather [hbm4b:s4+s12], $0x20, s8, s12, $0xb8;
	[tilespmem:$0x1D800] =	vst v63  }
0x39: {  	_ =	swait.ge [sflag:s18], $0x1000  }
0x3a: {  	[sflag:s18] =	ssyncset.done $0x0  }
0x3b: {  	[sflag:s18] =	ssyncadd.s32 $0xFFFFF000  }
0x3c: {  	_ =	swait.ge [sflag:s19], $0x1000  }
0x3d: {  	[sflag:s19] =	ssyncset.done $0x0  }
0x3e: {  	s9 =	rddreg [dreg:$0x7];
	[sflag:s19] =	ssyncadd.s32 $0xFFFFF000  }
0x3f: {  	[spmem:s2] =	stream.indirect.scatter.add.f32 [tilespmem:s14], [sflag:$0x6], $0x20, s9, s12, $0xb8;
	[tilespmem:$0x1D800] =	vst v63  }
0x40: {  	s25 =	rddreg [dreg:$0x8]  }
0x41: {  	[tilespmem:s13], [sflag:$0x1] =	stream.indirect.gather [hbm4b:s4+s12], $0x20, s25, s12, $0xb8;
	[tilespmem:$0x1D800] =	vst v63  }
0x42: {  	_ =	swait.ge [sflag:s20], $0x1000  }
0x43: {  	[sflag:s20] =	ssyncset.done $0x0  }
0x44: {  	[sflag:s20] =	ssyncadd.s32 $0xFFFFF000  }
0x45: {  	_ =	swait.ge [sflag:s21], $0x1000  }
0x46: {  	[sflag:s21] =	ssyncset.done $0x0  }
0x47: {  	[sflag:s21] =	ssyncadd.s32 $0xFFFFF000  }
0x48: {  	[spmem:s2] =	stream.indirect.scatter.add.f32 [tilespmem:s15], [sflag:$0x7], $0x20, s22, s12, $0xb8;
	[tilespmem:$0x1D800] =	vst v63  }
0x49: {  	_ = 	snop  }
0x4a: {  	[tilespmem:s14], [sflag:$0x2] =	stream.indirect.gather [hbm4b:s4+s12], $0x20, s23, s12, $0xb8;
	[tilespmem:$0x1D800] =	vst v63  }
0x4b: {  	_ =	swait.ge [sflag:s24], $0x1000  }
0x4c: {  	[sflag:s24] =	ssyncset.done $0x0  }
0x4d: {  	[sflag:s24] =	ssyncadd.s32 $0xFFFFF000  }
0x4e: {  	_ =	swait.ge [sflag:s26], $0x1000  }
0x4f: {  	[sflag:s26] =	ssyncset.done $0x0  }
0x50: {  	[sflag:s26] =	ssyncadd.s32 $0xFFFFF000  }
0x51: {  	[spmem:s2] =	stream.indirect.scatter.add.f32 [tilespmem:s17], [sflag:$0x8], $0x20, s28, s12, $0xb8;
	[tilespmem:$0x1D800] =	vst v63  }
0x52: {  	_ = 	snop  }
0x53: {  	[tilespmem:s15], [sflag:$0x3] =	stream.indirect.gather [hbm4b:s4+s12], $0x20, s29, s12, $0xb8;
	[tilespmem:$0x1D800] =	vst v63  }
0x54: {  	_ =	swait.ge [sflag:s16], $0x1000  }
0x55: {  	[sflag:s16] =	ssyncset.done $0x0  }
0x56: {  	[sflag:s16] =	ssyncadd.s32 $0xFFFFF000  }
0x57: {  	_ =	swait.ge [sflag:s30], $0x1000  }
0x58: {  	[sflag:s30] =	ssyncset.done $0x0  }
0x59: {  	[sflag:s30] =	ssyncadd.s32 $0xFFFFF000  }
0x5a: {  	[spmem:s2] =	stream.indirect.scatter.add.f32 [tilespmem:s13], [sflag:$0x5], $0x20, s31, s12, $0xb8;
	[tilespmem:$0x1D800] =	vst v63  }
0x5b: {  	_ = 	snop  }
0x5c: {  	[tilespmem:s17], [sflag:$0x4] =	stream.indirect.gather [hbm4b:s4+s12], $0x20, s1, s12, $0xb8;
	[tilespmem:$0x1D800] =	vst v63  }
0x5d: {  	_ =	swait.ge [sflag:s18], $0x1000  }
0x5e: {  	[sflag:s18] =	ssyncset.done $0x0  }
0x5f: {  	[sflag:s18] =	ssyncadd.s32 $0xFFFFF000  }
0x60: {  	_ =	swait.ge [sflag:s19], $0x1000  }
0x61: {  	[sflag:s19] =	ssyncset.done $0x0  }
0x62: {  	[sflag:s19] =	ssyncadd.s32 $0xFFFFF000  }
0x63: {  	[spmem:s2] =	stream.indirect.scatter.add.f32 [tilespmem:s14], [sflag:$0x6], $0x20, s0, s12, $0xb8;
	[tilespmem:$0x1D800] =	vst v63  }
0x64: {  	_ =	swait.ge [sflag:s20], $0x1000  }
0x65: {  	[sflag:s20] =	ssyncset.done $0x0  }
0x66: {  	[sflag:s20] =	ssyncadd.s32 $0xFFFFF000  }
0x67: {  	_ =	swait.ge [sflag:s21], $0x1000  }
0x68: {  	[sflag:s21] =	ssyncset.done $0x0  }
0x69: {  	[sflag:s21] =	ssyncadd.s32 $0xFFFFF000  }
0x6a: {  	[spmem:s2] =	stream.indirect.scatter.add.f32 [tilespmem:s15], [sflag:$0x7], $0x20, s5, s12, $0xb8;
	[tilespmem:$0x1D800] =	vst v63  }
0x6b: {  	_ =	swait.ge [sflag:s24], $0x1000  }
0x6c: {  	[sflag:s24] =	ssyncset.done $0x0  }
0x6d: {  	[sflag:s24] =	ssyncadd.s32 $0xFFFFF000  }
0x6e: {  	_ =	swait.ge [sflag:s26], $0x1000  }
0x6f: {  	[sflag:s26] =	ssyncset.done $0x0  }
0x70: {  	[sflag:s26] =	ssyncadd.s32 $0xFFFFF000  }
0x71: {  	[spmem:s2] =	stream.indirect.scatter.add.f32 [tilespmem:s17], [sflag:$0x8], $0x20, s7, s12, $0xb8;
	[tilespmem:$0x1D800] =	vst v63  }
0x72: {  	s9 =	simm.s32 $0x80;
	_ =	swait.ge [sflag:s30], $0x1000  }
0x73: {  	s25 =	simm.s32 $0x100;
	s6 =	rddreg [dreg:$0x3];
	[sflag:s30] =	ssyncset.done $0x0  }
.LBB2_2:
0x74: {  	[sflag:s30] =	ssyncadd.s32 $0xFFFFF000;
	s6 =	sadd.s32 s9, s6  }
0x75: {  	[tilespmem:s3], [sflag:$0x9] =	stream.linear.gather [hbm4b:s6+s3], $0x400, $0x38;
	[tilespmem:$0x1D800] =	vst v63  }
0x76: {  	_ =	swait.ge [sflag:s10], $0x400  }
0x77: {  	s6 =	rddreg [dreg:$0x4];
	[sflag:s10] =	ssyncset.done $0x0  }
0x78: {  	[sflag:s10] =	ssyncadd.s32 $0xFFFFFC00;
	s6 =	sadd.s32 s9, s6  }
0x79: {  	[tilespmem:s11], [sflag:$0x9] =	stream.linear.gather [hbm4b:s6+s3], $0x400, $0x38;
	[tilespmem:$0x1D800] =	vst v63  }
0x7a: {  	_ =	swait.ge [sflag:s10], $0x400  }
0x7b: {  	[sflag:s10] =	ssyncset.done $0x0  }
0x7c: {  	[sflag:s10] =	ssyncadd.s32 $0xFFFFFC00  }
0x7d: {  	[tilespmem:s13], [sflag:$0x1] =	stream.indirect.gather [hbm4b:s4+s12], $0x20, s3, s12, $0xb8;
	[tilespmem:$0x1D800] =	vst v63  }
0x7e: {  	s8 =	smov.u32 s25  }
0x7f: {  	[tilespmem:s14], [sflag:$0x2] =	stream.indirect.gather [hbm4b:s4+s12], $0x20, s12, s12, $0xb8;
	[tilespmem:$0x1D800] =	vst v63  }
0x80: {  	s9 =	smov.u32 s8;
	s8 =	rddreg [dreg:$0x5]  }
0x81: {  	[tilespmem:s15], [sflag:$0x3] =	stream.indirect.gather [hbm4b:s4+s12], $0x20, s8, s12, $0xb8;
	[tilespmem:$0x1D800] =	vst v63  }
0x82: {  	_ =	swait.ge [sflag:s16], $0x1000  }
0x83: {  	[sflag:s16] =	ssyncset.done $0x0  }
0x84: {  	[sflag:s16] =	ssyncadd.s32 $0xFFFFF000  }
0x85: {  	[spmem:s2] =	stream.indirect.scatter.add.f32 [tilespmem:s13], [sflag:$0x5], $0x20, s11, s12, $0xb8;
	[tilespmem:$0x1D800] =	vst v63  }
0x86: {  	s8 =	rddreg [dreg:$0x6]  }
0x87: {  	[tilespmem:s17], [sflag:$0x4] =	stream.indirect.gather [hbm4b:s4+s12], $0x20, s8, s12, $0xb8;
	[tilespmem:$0x1D800] =	vst v63  }
0x88: {  	_ =	swait.ge [sflag:s18], $0x1000  }
0x89: {  	[sflag:s18] =	ssyncset.done $0x0  }
0x8a: {  	[sflag:s18] =	ssyncadd.s32 $0xFFFFF000  }
0x8b: {  	_ =	swait.ge [sflag:s19], $0x1000  }
0x8c: {  	[sflag:s19] =	ssyncset.done $0x0  }
0x8d: {  	s6 =	rddreg [dreg:$0x7];
	[sflag:s19] =	ssyncadd.s32 $0xFFFFF000  }
0x8e: {  	[spmem:s2] =	stream.indirect.scatter.add.f32 [tilespmem:s14], [sflag:$0x6], $0x20, s6, s12, $0xb8;
	[tilespmem:$0x1D800] =	vst v63  }
0x8f: {  	s8 =	rddreg [dreg:$0x8]  }
0x90: {  	[tilespmem:s13], [sflag:$0x1] =	stream.indirect.gather [hbm4b:s4+s12], $0x20, s8, s12, $0xb8;
	[tilespmem:$0x1D800] =	vst v63  }
0x91: {  	_ =	swait.ge [sflag:s20], $0x1000  }
0x92: {  	[sflag:s20] =	ssyncset.done $0x0  }
0x93: {  	[sflag:s20] =	ssyncadd.s32 $0xFFFFF000  }
0x94: {  	_ =	swait.ge [sflag:s21], $0x1000  }
0x95: {  	[sflag:s21] =	ssyncset.done $0x0  }
0x96: {  	[sflag:s21] =	ssyncadd.s32 $0xFFFFF000  }
0x97: {  	[spmem:s2] =	stream.indirect.scatter.add.f32 [tilespmem:s15], [sflag:$0x7], $0x20, s22, s12, $0xb8;
	[tilespmem:$0x1D800] =	vst v63  }
0x98: {  	_ = 	snop  }
0x99: {  	[tilespmem:s14], [sflag:$0x2] =	stream.indirect.gather [hbm4b:s4+s12], $0x20, s23, s12, $0xb8;
	[tilespmem:$0x1D800] =	vst v63  }
0x9a: {  	_ =	swait.ge [sflag:s24], $0x1000  }
0x9b: {  	[sflag:s24] =	ssyncset.done $0x0  }
0x9c: {  	[sflag:s24] =	ssyncadd.s32 $0xFFFFF000  }
0x9d: {  	_ =	swait.ge [sflag:s26], $0x1000  }
0x9e: {  	[sflag:s26] =	ssyncset.done $0x0  }
0x9f: {  	[sflag:s26] =	ssyncadd.s32 $0xFFFFF000  }
0xa0: {  	[spmem:s2] =	stream.indirect.scatter.add.f32 [tilespmem:s17], [sflag:$0x8], $0x20, s28, s12, $0xb8;
	[tilespmem:$0x1D800] =	vst v63  }
0xa1: {  	_ = 	snop  }
0xa2: {  	[tilespmem:s15], [sflag:$0x3] =	stream.indirect.gather [hbm4b:s4+s12], $0x20, s29, s12, $0xb8;
	[tilespmem:$0x1D800] =	vst v63  }
0xa3: {  	_ =	swait.ge [sflag:s16], $0x1000  }
0xa4: {  	[sflag:s16] =	ssyncset.done $0x0  }
0xa5: {  	[sflag:s16] =	ssyncadd.s32 $0xFFFFF000  }
0xa6: {  	_ =	swait.ge [sflag:s30], $0x1000  }
0xa7: {  	[sflag:s30] =	ssyncset.done $0x0  }
0xa8: {  	[sflag:s30] =	ssyncadd.s32 $0xFFFFF000  }
0xa9: {  	[spmem:s2] =	stream.indirect.scatter.add.f32 [tilespmem:s13], [sflag:$0x5], $0x20, s31, s12, $0xb8;
	[tilespmem:$0x1D800] =	vst v63  }
0xaa: {  	_ = 	snop  }
0xab: {  	[tilespmem:s17], [sflag:$0x4] =	stream.indirect.gather [hbm4b:s4+s12], $0x20, s1, s12, $0xb8;
	[tilespmem:$0x1D800] =	vst v63  }
0xac: {  	_ =	swait.ge [sflag:s18], $0x1000  }
0xad: {  	[sflag:s18] =	ssyncset.done $0x0  }
0xae: {  	[sflag:s18] =	ssyncadd.s32 $0xFFFFF000  }
0xaf: {  	_ =	swait.ge [sflag:s19], $0x1000  }
0xb0: {  	[sflag:s19] =	ssyncset.done $0x0  }
0xb1: {  	[sflag:s19] =	ssyncadd.s32 $0xFFFFF000  }
0xb2: {  	[spmem:s2] =	stream.indirect.scatter.add.f32 [tilespmem:s14], [sflag:$0x6], $0x20, s0, s12, $0xb8;
	[tilespmem:$0x1D800] =	vst v63  }
0xb3: {  	_ =	swait.ge [sflag:s20], $0x1000  }
0xb4: {  	[sflag:s20] =	ssyncset.done $0x0  }
0xb5: {  	[sflag:s20] =	ssyncadd.s32 $0xFFFFF000  }
0xb6: {  	_ =	swait.ge [sflag:s21], $0x1000  }
0xb7: {  	[sflag:s21] =	ssyncset.done $0x0  }
0xb8: {  	[sflag:s21] =	ssyncadd.s32 $0xFFFFF000  }
0xb9: {  	[spmem:s2] =	stream.indirect.scatter.add.f32 [tilespmem:s15], [sflag:$0x7], $0x20, s5, s12, $0xb8;
	[tilespmem:$0x1D800] =	vst v63  }
0xba: {  	_ =	swait.ge [sflag:s24], $0x1000  }
0xbb: {  	[sflag:s24] =	ssyncset.done $0x0  }
0xbc: {  	[sflag:s24] =	ssyncadd.s32 $0xFFFFF000  }
0xbd: {  	p0 =	sne.s32 s25, $0x1800;
	_ =	swait.ge [sflag:s26], $0x1000  }
.Ltmp0:
0xbe: {  	[sflag:s26] =	ssyncset.done $0x0;
	(pc) =	sbr.rel @p0 .LBB2_2-.Ltmp0, $4  }
0xbf: {  	[sflag:s26] =	ssyncadd.s32 $0xFFFFF000  }
0xc0: {  	[spmem:s2] =	stream.indirect.scatter.add.f32 [tilespmem:s17], [sflag:$0x8], $0x20, s7, s12, $0xb8;
	[tilespmem:$0x1D800] =	vst v63  }
0xc1: {  	_ =	swait.ge [sflag:s30], $0x1000  }
0xc2: {  	s25 =	sadd.s32 $0x80, s25;
	s6 =	rddreg [dreg:$0x3];
	[sflag:s30] =	ssyncset.done $0x0  }
0xc3: {  	[sflag:s30] =	ssyncadd.s32 $0xFFFFF000;
	s6 =	sadd.s32 s9, s6  }
0xc4: {  	[tilespmem:s3], [sflag:$0x9] =	stream.linear.gather [hbm4b:s6+s3], $0x400, $0x38;
	[tilespmem:$0x1D800] =	vst v63  }
0xc5: {  	_ =	swait.ge [sflag:s10], $0x400  }
0xc6: {  	s25 =	rddreg [dreg:$0x4];
	[sflag:s10] =	ssyncset.done $0x0  }
0xc7: {  	[sflag:s10] =	ssyncadd.s32 $0xFFFFFC00;
	s6 =	sadd.s32 s9, s25  }
0xc8: {  	[tilespmem:s11], [sflag:$0x9] =	stream.linear.gather [hbm4b:s6+s3], $0x400, $0x38;
	[tilespmem:$0x1D800] =	vst v63  }
0xc9: {  	_ =	swait.ge [sflag:s10], $0x400  }
0xca: {  	[sflag:s10] =	ssyncset.done $0x0  }
0xcb: {  	[sflag:s10] =	ssyncadd.s32 $0xFFFFFC00  }
0xcc: {  	[tilespmem:s13], [sflag:$0x1] =	stream.indirect.gather [hbm4b:s4+s12], $0x20, s3, s12, $0xb8;
	[tilespmem:$0x1D800] =	vst v63  }
0xcd: {  	_ = 	snop  }
0xce: {  	[tilespmem:s14], [sflag:$0x2] =	stream.indirect.gather [hbm4b:s4+s12], $0x20, s12, s12, $0xb8;
	[tilespmem:$0x1D800] =	vst v63  }
0xcf: {  	s8 =	rddreg [dreg:$0x5]  }
0xd0: {  	[tilespmem:s15], [sflag:$0x3] =	stream.indirect.gather [hbm4b:s4+s12], $0x20, s8, s12, $0xb8;
	[tilespmem:$0x1D800] =	vst v63  }
0xd1: {  	_ =	swait.ge [sflag:s16], $0x1000  }
0xd2: {  	[sflag:s16] =	ssyncset.done $0x0  }
0xd3: {  	[sflag:s16] =	ssyncadd.s32 $0xFFFFF000  }
0xd4: {  	[spmem:s2] =	stream.indirect.scatter.add.f32 [tilespmem:s13], [sflag:$0x5], $0x20, s11, s12, $0xb8;
	[tilespmem:$0x1D800] =	vst v63  }
0xd5: {  	s9 =	rddreg [dreg:$0x6]  }
0xd6: {  	[tilespmem:s17], [sflag:$0x4] =	stream.indirect.gather [hbm4b:s4+s12], $0x20, s9, s12, $0xb8;
	[tilespmem:$0x1D800] =	vst v63  }
0xd7: {  	_ =	swait.ge [sflag:s18], $0x1000  }
0xd8: {  	[sflag:s18] =	ssyncset.done $0x0  }
0xd9: {  	[sflag:s18] =	ssyncadd.s32 $0xFFFFF000  }
0xda: {  	_ =	swait.ge [sflag:s19], $0x1000  }
0xdb: {  	[sflag:s19] =	ssyncset.done $0x0  }
0xdc: {  	s25 =	rddreg [dreg:$0x7];
	[sflag:s19] =	ssyncadd.s32 $0xFFFFF000  }
0xdd: {  	[spmem:s2] =	stream.indirect.scatter.add.f32 [tilespmem:s14], [sflag:$0x6], $0x20, s25, s12, $0xb8;
	[tilespmem:$0x1D800] =	vst v63  }
0xde: {  	s8 =	rddreg [dreg:$0x8]  }
0xdf: {  	[tilespmem:s13], [sflag:$0x1] =	stream.indirect.gather [hbm4b:s4+s12], $0x20, s8, s12, $0xb8;
	[tilespmem:$0x1D800] =	vst v63  }
0xe0: {  	_ =	swait.ge [sflag:s20], $0x1000  }
0xe1: {  	[sflag:s20] =	ssyncset.done $0x0  }
0xe2: {  	[sflag:s20] =	ssyncadd.s32 $0xFFFFF000  }
0xe3: {  	_ =	swait.ge [sflag:s21], $0x1000  }
0xe4: {  	[sflag:s21] =	ssyncset.done $0x0  }
0xe5: {  	[sflag:s21] =	ssyncadd.s32 $0xFFFFF000  }
0xe6: {  	[spmem:s2] =	stream.indirect.scatter.add.f32 [tilespmem:s15], [sflag:$0x7], $0x20, s22, s12, $0xb8;
	[tilespmem:$0x1D800] =	vst v63  }
0xe7: {  	_ = 	snop  }
0xe8: {  	[tilespmem:s14], [sflag:$0x2] =	stream.indirect.gather [hbm4b:s4+s12], $0x20, s23, s12, $0xb8;
	[tilespmem:$0x1D800] =	vst v63  }
0xe9: {  	_ =	swait.ge [sflag:s24], $0x1000  }
0xea: {  	[sflag:s24] =	ssyncset.done $0x0  }
0xeb: {  	[sflag:s24] =	ssyncadd.s32 $0xFFFFF000  }
0xec: {  	_ =	swait.ge [sflag:s26], $0x1000  }
0xed: {  	[sflag:s26] =	ssyncset.done $0x0  }
0xee: {  	[sflag:s26] =	ssyncadd.s32 $0xFFFFF000  }
0xef: {  	[spmem:s2] =	stream.indirect.scatter.add.f32 [tilespmem:s17], [sflag:$0x8], $0x20, s28, s12, $0xb8;
	[tilespmem:$0x1D800] =	vst v63  }
0xf0: {  	_ = 	snop  }
0xf1: {  	[tilespmem:s15], [sflag:$0x3] =	stream.indirect.gather [hbm4b:s4+s12], $0x20, s29, s12, $0xb8;
	[tilespmem:$0x1D800] =	vst v63  }
0xf2: {  	_ =	swait.ge [sflag:s16], $0x1000  }
0xf3: {  	[sflag:s16] =	ssyncset.done $0x0  }
0xf4: {  	[sflag:s16] =	ssyncadd.s32 $0xFFFFF000  }
0xf5: {  	_ =	swait.ge [sflag:s30], $0x1000  }
0xf6: {  	[sflag:s30] =	ssyncset.done $0x0  }
0xf7: {  	[sflag:s30] =	ssyncadd.s32 $0xFFFFF000  }
0xf8: {  	[spmem:s2] =	stream.indirect.scatter.add.f32 [tilespmem:s13], [sflag:$0x5], $0x20, s31, s12, $0xb8;
	[tilespmem:$0x1D800] =	vst v63  }
0xf9: {  	_ = 	snop  }
0xfa: {  	[tilespmem:s17], [sflag:$0x4] =	stream.indirect.gather [hbm4b:s4+s12], $0x20, s1, s12, $0xb8;
	[tilespmem:$0x1D800] =	vst v63  }
0xfb: {  	_ =	swait.ge [sflag:s18], $0x1000  }
0xfc: {  	[sflag:s18] =	ssyncset.done $0x0  }
0xfd: {  	[sflag:s18] =	ssyncadd.s32 $0xFFFFF000  }
0xfe: {  	_ =	swait.ge [sflag:s19], $0x1000  }
0xff: {  	[sflag:s19] =	ssyncset.done $0x0  }
0x100: {  	[sflag:s19] =	ssyncadd.s32 $0xFFFFF000  }
0x101: {  	[spmem:s2] =	stream.indirect.scatter.add.f32 [tilespmem:s14], [sflag:$0x6], $0x20, s0, s12, $0xb8;
	[tilespmem:$0x1D800] =	vst v63  }
0x102: {  	_ =	swait.ge [sflag:s20], $0x1000  }
0x103: {  	[sflag:s20] =	ssyncset.done $0x0  }
0x104: {  	[sflag:s20] =	ssyncadd.s32 $0xFFFFF000  }
0x105: {  	_ =	swait.ge [sflag:s21], $0x1000  }
0x106: {  	[sflag:s21] =	ssyncset.done $0x0  }
0x107: {  	[sflag:s21] =	ssyncadd.s32 $0xFFFFF000  }
0x108: {  	[spmem:s2] =	stream.indirect.scatter.add.f32 [tilespmem:s15], [sflag:$0x7], $0x20, s5, s12, $0xb8;
	[tilespmem:$0x1D800] =	vst v63  }
0x109: {  	_ =	swait.ge [sflag:s24], $0x1000  }
0x10a: {  	[sflag:s24] =	ssyncset.done $0x0  }
0x10b: {  	[sflag:s24] =	ssyncadd.s32 $0xFFFFF000  }
0x10c: {  	_ =	swait.ge [sflag:s26], $0x1000  }
0x10d: {  	[sflag:s26] =	ssyncset.done $0x0  }
0x10e: {  	[sflag:s26] =	ssyncadd.s32 $0xFFFFF000  }
0x10f: {  	[spmem:s2] =	stream.indirect.scatter.add.f32 [tilespmem:s17], [sflag:$0x8], $0x20, s7, s12, $0xb8;
	[tilespmem:$0x1D800] =	vst v63  }
0x110: {  	_ =	swait.ge [sflag:s30], $0x1000  }
0x111: {  	[sflag:s30] =	ssyncset.done $0x0  }
0x112: {  	[sflag:s30] =	ssyncadd.s32 $0xFFFFF000  }
0x113: {  	[bflag:$0x0] =	sbarrier.arrive $0xFFFF  }
0x114: {  	s9 =	rddreg [dreg:$0xa]  }
0x115: {  	s8 =	rddreg [dreg:$0xb]  }
0x116: {  	s25 =	rddreg [dreg:$0xe]  }
0x117: {  	[hbm:s8], [sflag:s9] =	dma.local [spmem:s25], $0x30E0  }
0x118: {  	_ =	swait.ge [sflag:s10], $0x30E0  }
0x119: {  	s6 =	rddreg [dreg:$0xf]  }
0x11a: {  	s25 =	rddreg [dreg:$0xc];
	s8 =	sadd.s32 $0x1, s6  }
0x11b: {  	p0 =	sne.s32 s8, s25  }
.Ltmp1:
0x11c: {  	_ = 	snop;
	(pc) =	sbr.rel @p0 .LBB2_1-.Ltmp1, $3  }
0x11d: {  	_ =	sdelay $0x1  }
0x11e: {  	[sflag:s10] =	ssyncset.done $0x0  }
0x11f: {  	[sflag:s10] =	ssyncadd.s32 $0xFFFFCF20  }
0x120: {  	_ =	sfence.sel $0x180000  }
0x121: {  	[bflag:$0x0] =	sbarrier.arrive $0xFFFF  }
0x122: {  	_ =	strace $0x90000047  }
0x123: {  	s0 =	stileid.u32;
	[bflag:$0x2] =	sbarrier.arrive $0xFFFF  }
0x124: {  	p0 =	sne.s32 s0, $0x0;
	s0 =	rddreg [dreg:$0x2]  }
0x125: {  	s0 =	sadd.s32 @!p0 $0x100000, s0  }
0x126: {  	[sflag:s0] =	ssyncadd.tile.s32 @!p0 $0x1;
	_ =	shalt  }
.Lfunc_end2:
_tile_overlayer_lowered:
.L_overlay_start_2:
0x127: {  	(tag) =	ssettag $0x2  }
0x128: {  	s0 =	rddreg [dreg:$0x0];
	s2 =	stileid.u32  }
0x129: {  	s1 =	rddreg [dreg:$0x1];
	p0 =	sne.s32 s2, $0x0  }
0x12a: {  	s3 =	rddreg [dreg:$0x2];
	[bflag:$0x3] =	sbarrier.arrive $0xFFFF;
	s2 =	simm.s32 @!p0 $0x1C09  }
0x12b: {  	[timem:s3], [sflag:s2] =	dma.local @!p0 [hbm:s0], s1  }
0x12c: {  	s0 =	simm.s32 @!p0 $0x9  }
0x12d: {  	_ =	swait.ge @!p0 [sflag:s0], s1  }
0x12e: {  	s1 =	ssub.s32 @!p0 $0x0, s1;
	[sflag:s0] =	ssyncset.done @!p0 $0x0  }
0x12f: {  	[sflag:s0] =	ssyncadd.s32 @!p0 s1  }
0x130: {  	[bflag:$0x3] =	sbarrier.arrive $0xFFFF  }
0x131: {  	_ =	shalt  }

// kernel: kernel.15.cloned.1.call-start
scs
__scs_entry_jumppad:
0x0: {  	(pc) =	sbr.rel $0x88, $3  }
0x1: {  	(tag) =	ssettag $0x0;
	lr =	simm.s32 $0x1  }
0x2: {  	[smem:$0x3F8F] =	sst lr;
	_ =	strace $0xD0000000  }
0x3: {  	_ = 	snop  }
0x4: {  	_ = 	snop  }
0x5: {  	_ = 	snop  }
0x6: {  	_ = 	snop  }
0x7: {  	_ = 	snop  }
__scs_overlays_trampoline_lowered:
0x8: {  	[smem:$0x3F9E] =	sst s0  }
0x9: {  	[smem:$0x3F9F] =	sst s1  }
0xa: {  	[smem:$0x3FA0] =	sst s2  }
0xb: {  	[smem:$0x3FA1] =	sst s3  }
0xc: {  	[smem:$0x3FA2] =	sst s4  }
0xd: {  	[smem:$0x3FA3] =	sst s5  }
0xe: {  	[smem:$0x3FA4] =	sst s6  }
0xf: {  	[smem:$0x3FA5] =	sst s7  }
0x10: {  	[smem:$0x3FA6] =	sst s8  }
0x11: {  	[smem:$0x3FA7] =	sst s9;
	s0 =	simm.s32 @!p0 $0x0  }
0x12: {  	s1 =	sld [smem:$0x3F8D];
	s0 =	simm.s32 @p0 $0x1  }
0x13: {  	[smem:$0x3FA8] =	sst s0;
	s0 =	simm.s32 @!p1 $0x0  }
0x14: {  	s2 =	sld [smem:$0x3F8C];
	s0 =	simm.s32 @p1 $0x1  }
0x15: {  	[smem:$0x3FA9] =	sst s0;
	s0 =	simm.s32 @!p2 $0x0  }
0x16: {  	s3 =	sld [smem:$0x3FDB];
	s0 =	simm.s32 @p2 $0x1  }
0x17: {  	s4 =	simm.s32 $0x1BF5;
	[smem:$0x3FAB] =	sst s0  }
0x18: {  	s0 =	sld [smem:$0x3F8E];
	_ =	swait.ge [sflag:s4], $0x0  }
0x19: {  	s7 =	sld [smem:$0x3F8F]  }
0x1a: {  	s8 =	sadd.s32 $0xFFFFE003, lr  }
0x1b: {  	s9 =	sadd.s32 $0xFFFFFEF7, lr;
	s5 =	simm.s32 $0xFFFFFFFF;
	p2 =	slt.u32 s8, $0xFFFFF086  }
0x1c: {  	p1 =	slt.u32 s9, $0xF7A;
	s5 =	simm.s32 @!p2 $0x0  }
0x1d: {  	s5 =	simm.s32 @p1 $0x1;
	p0 =	seq.s32 s7, s2  }
0x1e: {  	s7 =	smul.u32 @!p0 $0xF7A, s2;
	p2 =	seq.s32 @!p0 s5, $0x0  }
0x1f: {  	s9 =	smul.u32 $0xF7A, s1;
	s8 =	simm.s32 @!p0 $0x1BF5;
	p2 =	por !p2, p0  }
0x20: {  	[sflag:s8] =	ssyncset.s32 @!p0 $0xFFFFF086;
	s6 =	sadd.s32 @!p0 s3, s7;
	s7 =	simm.s32 @!p0 $0x108  }
0x21: {  	s3 =	sadd.s32 s3, s9;
	s6 =	sadd.s32 @!p0 $0x88, s6;
	s7 =	simm.s32 @p2 $0x1082  }
0x22: {  	[simem:s7], [sflag:s8] =	dma.local @!p0 [hbm:s6], $0xF7A  }
0x23: {  	s9 =	sor.u32 $0xD0000000, s2;
	s6 =	simm.s32 $0x108;
	_ =	swait.ge @!p0 [sflag:s8], $0x0  }
0x24: {  	s3 =	sadd.s32 $0x88, s3;
	s6 =	simm.s32 @!p1 $0x1082;
	[sflag:s4] =	ssyncset.s32 $0xFFFFF086  }
0x25: {  	[simem:s6], [sflag:s4] =	dma.local [hbm:s3], $0xF7A  }
0x26: {  	[smem:$0x3F8F] =	sst s1;
	(tag) =	ssettag s2;
	_ =	strace s9  }
0x27: {  	s1 =	sld [smem:$0x3F9F]  }
0x28: {  	s2 =	sld [smem:$0x3FA0]  }
0x29: {  	s4 =	sld [smem:$0x3FA2]  }
0x2a: {  	p0 =	seq.s32 s5, $0x0;
	s5 =	sld [smem:$0x3FA3]  }
0x2b: {  	s6 =	sld [smem:$0x3FA4]  }
0x2c: {  	s7 =	sld [smem:$0x3FA5]  }
0x2d: {  	s3 =	simm.s32 $0x108;
	s8 =	sld [smem:$0x3FA6]  }
0x2e: {  	s3 =	simm.s32 @!p0 $0x1082;
	s9 =	sld [smem:$0x3FA7]  }
0x2f: {  	lr =	sadd.s32 s0, s3;
	s0 =	sld [smem:$0x3F9E]  }
0x30: {  	s3 =	sld [smem:$0x3FA1]  }
0x31: {  	[smem:$0x3FAA] =	sst s10  }
0x32: {  	s10 =	sld [smem:$0x3FA8];
	_ =	sdelay $0x3  }
0x33: {  	p0 =	seq.s32 s10, $0x1;
	s10 =	sld [smem:$0x3FAA];
	_ =	sdelay $0x3  }
0x34: {  	[smem:$0x3FAA] =	sst s10  }
0x35: {  	s10 =	sld [smem:$0x3FA9];
	_ =	sdelay $0x3  }
0x36: {  	p1 =	seq.s32 s10, $0x1;
	s10 =	sld [smem:$0x3FAA];
	_ =	sdelay $0x3  }
0x37: {  	[smem:$0x3FAA] =	sst s10  }
0x38: {  	s10 =	sld [smem:$0x3FAB]  }
0x39: {  	_ = 	snop;
	(pc) =	sbr.ind lr, $3  }
0x3a: {  	_ = 	snop  }
0x3b: {  	_ = 	snop  }
0x3c: {  	p2 =	seq.s32 s10, $0x1;
	s10 =	sld [smem:$0x3FAA]  }
0x3d: {  	_ =	shalt  }
0x3e: {  	_ =	shalt  }
0x3f: {  	_ =	shalt  }
0x40: {  	_ =	shalt  }
0x41: {  	_ =	shalt  }
0x42: {  	_ =	shalt  }
0x43: {  	_ =	shalt  }
0x44: {  	_ =	shalt  }
0x45: {  	_ =	shalt  }
0x46: {  	_ =	shalt  }
0x47: {  	_ =	shalt  }
0x48: {  	_ =	shalt  }
0x49: {  	_ =	shalt  }
0x4a: {  	_ =	shalt  }
0x4b: {  	_ =	shalt  }
0x4c: {  	_ =	shalt  }
0x4d: {  	_ =	shalt  }
0x4e: {  	_ =	shalt  }
0x4f: {  	_ =	shalt  }
0x50: {  	_ =	shalt  }
0x51: {  	_ =	shalt  }
0x52: {  	_ =	shalt  }
0x53: {  	_ =	shalt  }
0x54: {  	_ =	shalt  }
0x55: {  	_ =	shalt  }
0x56: {  	_ =	shalt  }
0x57: {  	_ =	shalt  }
0x58: {  	_ =	shalt  }
0x59: {  	_ =	shalt  }
0x5a: {  	_ =	shalt  }
0x5b: {  	_ =	shalt  }
0x5c: {  	_ =	shalt  }
0x5d: {  	_ =	shalt  }
0x5e: {  	_ =	shalt  }
0x5f: {  	_ =	shalt  }
0x60: {  	_ =	shalt  }
0x61: {  	_ =	shalt  }
0x62: {  	_ =	shalt  }
0x63: {  	_ =	shalt  }
0x64: {  	_ =	shalt  }
0x65: {  	_ =	shalt  }
0x66: {  	_ =	shalt  }
0x67: {  	_ =	shalt  }
0x68: {  	_ =	shalt  }
0x69: {  	_ =	shalt  }
0x6a: {  	_ =	shalt  }
0x6b: {  	_ =	shalt  }
0x6c: {  	_ =	shalt  }
0x6d: {  	_ =	shalt  }
0x6e: {  	_ =	shalt  }
0x6f: {  	_ =	shalt  }
0x70: {  	_ =	shalt  }
0x71: {  	_ =	shalt  }
0x72: {  	_ =	shalt  }
0x73: {  	_ =	shalt  }
0x74: {  	_ =	shalt  }
0x75: {  	_ =	shalt  }
0x76: {  	_ =	shalt  }
0x77: {  	_ =	shalt  }
0x78: {  	_ =	shalt  }
0x79: {  	_ =	shalt  }
0x7a: {  	_ =	shalt  }
0x7b: {  	_ =	shalt  }
0x7c: {  	_ =	shalt  }
0x7d: {  	_ =	shalt  }
0x7e: {  	_ =	shalt  }
0x7f: {  	_ =	shalt  }
0x80: {  	_ =	shalt  }
0x81: {  	_ =	shalt  }
0x82: {  	_ =	shalt  }
0x83: {  	_ =	shalt  }
0x84: {  	_ =	shalt  }
0x85: {  	_ =	shalt  }
0x86: {  	_ =	shalt  }
0x87: {  	_ =	shalt  }
.Lfunc_end0:
.L_simem_size_0:
called_computation.1_lowered:
.L_overlay_start_0:
0x88: {  	s2 =	sld [smem:$0x3FD9]  }
0x89: {  	s3 =	sld [smem:$0x3FFE];
	_ =	sdelay $0x1  }
0x8a: {  	s1 =	srdreg.scid  }
0x8b: {  	s0 =	sand.u32 $0x1, s1  }
0x8c: {  	s16 =	sshll.u32 s0, $0xA;
	s2 =	sadd.s32 s3, s2  }
0x8d: {  	s2 =	sadd.s32 s2, s16  }
0x8e: {  	[smem:$0x3FB6] =	sst s2  }
0x8f: {  	_ = 	snop  }
0x90: {  	(tm) =	ssettm $0x1  }
0x91: {  	s17 =	sld [smem:$0x3FFB];
	_ =	sdelay $0x3  }
0x92: {  	_ =	strace s17  }
0x93: {  	s2 =	sld [smem:$0x3FFC];
	_ =	sdelay $0x3  }
0x94: {  	_ =	strace s2  }
0x95: {  	s2 =	sld [smem:$0x3FFD];
	_ =	sdelay $0x3  }
0x96: {  	_ =	strace s2  }
0x97: {  	_ =	strace $0x8FFFFFFF  }
0x98: {  	s18 =	sld [smem:$0x3FDB];
	_ =	sdelay $0x1  }
0x99: {  	s19 =	simm.s32 $_scs_section_size  }
0x9a: {  	s4 =	simm.s32 $_size__tile_overlayer_lowered;
	s5 =	simm.s32 $_tile_overlayer_lowered  }
0x9b: {  	s22 =	simm.s32 $0x1BFF;
	s21 =	sshll.u32 s5, $0x1;
	s2 =	sadd.s32 s19, s18  }
0x9c: {  	s6 =	simm.s32 $0x0;
	s20 =	sshll.u32 s4, $0x1;
	s4 =	sadd.s32 s21, s2  }
0x9d: {  	[timem:s6], [sflag:s22] =	dma.local [hbm:s4], s20  }
0x9e: {  	_ =	swait.ge [sflag:s22], s20  }
0x9f: {  	s3 =	ssub.s32 $0x0, s20;
	[sflag:s22] =	ssyncset.done $0x0  }
0xa0: {  	[sflag:s22] =	ssyncadd.s32 s3;
	_ =	sdelay $0x1  }
0xa1: {  	s23 =	simm.s32 $0x1B8B  }
0xa2: {  	_ =	swait.ge [sflag:s23], $0x1  }
0xa3: {  	[sflag:s23] =	ssyncset.done $0x0  }
0xa4: {  	s25 =	simm.s32 $0x1B8E;
	s24 =	sld [smem:$0x3FFE];
	[sflag:s23] =	ssyncadd.s32 $0xFFFFFFFF  }
0xa5: {  	s26 =	simm.s32 $execute0_lowered;
	[smem:$0x3FD2] =	sst s25  }
0xa6: {  	s4 =	sshll.u32 s26, $0x1;
	_ =	strace $0x80000049;
	[dreg:$0x1] =	wrdreg $0xFFFFFFFF  }
0xa7: {  	s28 =	simm.s32 $_size_execute0_lowered;
	s2 =	sadd.s32 s2, s4;
	[dreg:$0x0] =	wrdreg $0x0  }
0xa8: {  	s4 =	sshll.u32 s28, $0x1;
	[dreg:$0x2] =	wrdreg s2  }
0xa9: {  	[dreg:$0x3] =	wrdreg s4  }
0xaa: {  	[dreg:$0x4] =	wrdreg $0xC0  }
0xab: {  	_ =	task [dreg:s6], $0x5FFFF  }
0xac: {  	[dreg:$0x1] =	wrdreg $0xFFFFFFFF  }
0xad: {  	[dreg:$0x0] =	wrdreg $0x60  }
0xae: {  	[dreg:$0x2] =	wrdreg s24  }
0xaf: {  	[dreg:$0x3] =	wrdreg $0x48000  }
0xb0: {  	[dreg:$0x4] =	wrdreg $0x9  }
0xb1: {  	_ =	task.clear_ibuf [dreg:s6], $0x5FFFF;
	_ =	strace $0x90000049  }
0xb2: {  	s29 =	simm.s32 $0x9;
	_ =	strace $0x8000004B  }
0xb3: {  	_ =	swait.ge [sflag:s29], $0x1  }
0xb4: {  	[sflag:s29] =	ssyncadd.s32 $0xFFFFFFFF  }
0xb5: {  	_ =	strace $0x9000004B  }
0xb6: {  	_ =	sfence  }
0xb7: {  	s30 =	sld [smem:$0x0];
	_ =	sdelay $0x2  }
0xb8: {  	s31 =	sshll.u32 s1, $0xD;
	s1 =	sshrl.u32 s1, $0x2  }
0xb9: {  	s3 =	sand.u32 $0x4000, s31;
	s1 =	sadd.s32 s1, s30  }
0xba: {  	s0 =	sor.u32 s3, s0;
	s1 =	sshll.u32 s1, $0x11  }
0xbb: {  	s0 =	sor.u32 s1, s0  }
0xbc: {  	s0 =	sadd.s32 $0x8F2B, s0  }
0xbd: {  	[sflag:s0] =	ssyncadd.remote.s32 $0x1  }
0xbe: {  	_ =	sfence.sel $0xFFFF  }
0xbf: {  	[dreg:$0x0] =	wrdreg $0xFFFFFFFF;
	(pc) =	sbr.abs _section_cstart, $3  }
0xc0: {  	[dreg:$0x1] =	wrdreg $0xFFFFFFFF  }
0xc1: {  	_ =	task.clear_ibuf [dreg:s6], $0x2FFFF;
	_ =	strace $0x9FFFFFFF  }
0xc2: {  	(tm) =	ssettm $0x7FFFFFFF  }
0xc3: {  	_ =	shalt  }
tec
execute0_lowered:
.L_overlay_start_1:
0x0: {  	(tag) =	ssettag $0x1  }
0x1: {  	s0 =	srdreg.scid;
	s1 =	rddreg [dreg:$0x0]  }
0x2: {  	s10 =	stileid.u32;
	s2 =	rddreg [dreg:$0x1];
	s3 =	simm.s32 $0x0  }
0x3: {  	s12 =	simm.s32 $0x80;
	s22 =	simm.s32 $0x100;
	s13 =	simm.s32 $0x800  }
0x4: {  	s14 =	simm.s32 $0x1800;
	s15 =	simm.s32 $0x2800;
	s16 =	simm.s32 $0x1  }
0x5: {  	s23 =	simm.s32 $0x180;
	s17 =	simm.s32 $0x3800;
	s18 =	simm.s32 $0x2  }
0x6: {  	s19 =	simm.s32 $0x5;
	s28 =	simm.s32 $0x580;
	s5 =	smul.u32 $0xC400, s10  }
0x7: {  	s29 =	simm.s32 $0x300;
	s30 =	simm.s32 $0x8;
	s6 =	smul.u32 $0x1880, s10  }
0x8: {  	s31 =	simm.s32 $0x600;
	s0 =	sand.u32 $0x1, s0;
	s7 =	smul.u32 $0xC38, s10  }
0x9: {  	[smem:$0x7FF] =	sst s3;
	s9 =	smul.u32 $0x64000, s10;
	s11 =	sadd.s32 $0x1E00, s1  }
0xa: {  	s26 =	sshll.u32 s10, $0x6;
	s10 =	simm.s32 $0x9;
	s4 =	smul.u32 $0xC4000, s0  }
0xb: {  	_ =	strace $0x8000004A;
	s8 =	smul.u32 $0xC350, s0;
	[dreg:$0x9] =	wrdreg s11  }
0xc: {  	s0 =	ssub.s32 $0x2, s0;
	s11 =	simm.s32 $0x400;
	[dreg:$0x5] =	wrdreg s22  }
0xd: {  	[dreg:$0x6] =	wrdreg s23;
	s22 =	simm.s32 $0x500;
	s23 =	simm.s32 $0x280  }
0xe: {  	s7 =	smin.u32 s7, $0xB718;
	s6 =	sadd.s32 s6, s1;
	s24 =	sshrl.u32 s0, $0x1  }
0xf: {  	s25 =	sshrl.u32 s9, $0x2;
	s9 =	sor.u32 $0x1C09, s26;
	s5 =	sadd.s32 s4, s5  }
0x10: {  	s4 =	sadd.s32 $0x32E00, s1;
	s8 =	sadd.s32 s8, s7;
	s0 =	ssub.s32 s0, s24  }
0x11: {  	s7 =	sshll.u32 s7, $0x5;
	s20 =	sadd.s32 $0x1A600, s6;
	s24 =	simm.s32 $0x480  }
0x12: {  	[dreg:$0xa] =	wrdreg s9;
	s5 =	sshrl.u32 s5, $0x3;
	s8 =	sshll.u32 s8, $0x2  }
0x13: {  	s7 =	sadd.s32 s7, s2;
	s0 =	smax.u32 s0, $0x1;
	[dreg:$0x4] =	wrdreg s20  }
0x14: {  	[dreg:$0x7] =	wrdreg s24;
	s5 =	sadd.s32 s5, s1;
	s1 =	sadd.s32 s8, s1  }
0x15: {  	s8 =	sadd.s32 s25, s2;
	[dreg:$0xc] =	wrdreg s0;
	s25 =	simm.s32 $0x200  }
0x16: {  	s20 =	simm.s32 $0x3;
	s26 =	sshrl.u32 s7, $0x3;
	[dreg:$0x8] =	wrdreg s25  }
0x17: {  	s24 =	simm.s32 $0x4;
	s1 =	sadd.s32 $0x27CE00, s1;
	[dreg:$0xe] =	wrdreg s26  }
0x18: {  	s0 =	simm.s32 $0x680;
	s5 =	sadd.s32 $0x94A00, s5;
	[dreg:$0xb] =	wrdreg s1  }
0x19: {  	s7 =	simm.s32 $0x780;
	s21 =	sshrl.u32 s8, $0x3;
	[dreg:$0x3] =	wrdreg s5  }
0x1a: {  	s26 =	simm.s32 $0x7;
	s8 =	simm.s32 $0x0;
	[dreg:$0xd] =	wrdreg s21  }
0x1b: {  	s21 =	simm.s32 $0x6;
	s1 =	simm.s32 $0x380;
	s5 =	simm.s32 $0x700  }
.LBB2_1:
0x1c: {  	[dreg:$0xf] =	wrdreg s8  }
0x1d: {  	s6 =	rddreg [dreg:$0x9]  }
0x1e: {  	s25 =	rddreg [dreg:$0xd]  }
0x1f: {  	[spmem:s25], [sflag:s9] =	dma.local [hbm:s6], $0x3200  }
0x20: {  	_ =	swait.ge [sflag:s10], $0x3200  }
0x21: {  	[sflag:s10] =	ssyncset.done $0x0  }
0x22: {  	[sflag:s10] =	ssyncadd.s32 $0xFFFFCE00  }
0x23: {  	[bflag:$0x0] =	sbarrier.arrive $0xFFFF  }
0x24: {  	s8 =	rddreg [dreg:$0x3]  }
0x25: {  	s6 =	sadd.s32 $0x0, s8  }
0x26: {  	[tilespmem:s3], [sflag:$0x9] =	stream.linear.gather [hbm4b:s6+s3], $0x400, $0x38;
	[tilespmem:$0x1D800] =	vst v63  }
0x27: {  	_ =	swait.ge [sflag:s10], $0x400  }
0x28: {  	s9 =	rddreg [dreg:$0x4];
	[sflag:s10] =	ssyncset.done $0x0  }
0x29: {  	[sflag:s10] =	ssyncadd.s32 $0xFFFFFC00;
	s6 =	sadd.s32 $0x0, s9  }
0x2a: {  	[tilespmem:s11], [sflag:$0x9] =	stream.linear.gather [hbm4b:s6+s3], $0x400, $0x38;
	[tilespmem:$0x1D800] =	vst v63  }
0x2b: {  	_ =	swait.ge [sflag:s10], $0x400  }
0x2c: {  	[sflag:s10] =	ssyncset.done $0x0  }
0x2d: {  	[sflag:s10] =	ssyncadd.s32 $0xFFFFFC00  }
0x2e: {  	[tilespmem:s13], [sflag:$0x1] =	stream.indirect.gather [hbm4b:s4+s12], $0x20, s3, s12, $0xb8;
	[tilespmem:$0x1D800] =	vst v63  }
0x2f: {  	_ = 	snop  }
0x30: {  	[tilespmem:s14], [sflag:$0x2] =	stream.indirect.gather [hbm4b:s4+s12], $0x20, s12, s12, $0xb8;
	[tilespmem:$0x1D800] =	vst v63  }
0x31: {  	s25 =	rddreg [dreg:$0x5]  }
0x32: {  	[tilespmem:s15], [sflag:$0x3] =	stream.indirect.gather [hbm4b:s4+s12], $0x20, s25, s12, $0xb8;
	[tilespmem:$0x1D800] =	vst v63  }
0x33: {  	_ =	swait.ge [sflag:s16], $0x1000  }
0x34: {  	[sflag:s16] =	ssyncset.done $0x0  }
0x35: {  	[sflag:s16] =	ssyncadd.s32 $0xFFFFF000  }
0x36: {  	[spmem:s2] =	stream.indirect.scatter.add.f32 [tilespmem:s13], [sflag:$0x5], $0x20, s11, s12, $0xb8;
	[tilespmem:$0x1D800] =	vst v63  }
0x37: {  	s8 =	rddreg [dreg:$0x6]  }
0x38: {  	[tilespmem:s17], [sflag:$0x4] =	stream.indirect.gather [hbm4b:s4+s12], $0x20, s8, s12, $0xb8;
	[tilespmem:$0x1D800] =	vst v63  }
0x39: {  	_ =	swait.ge [sflag:s18], $0x1000  }
0x3a: {  	[sflag:s18] =	ssyncset.done $0x0  }
0x3b: {  	[sflag:s18] =	ssyncadd.s32 $0xFFFFF000  }
0x3c: {  	_ =	swait.ge [sflag:s19], $0x1000  }
0x3d: {  	[sflag:s19] =	ssyncset.done $0x0  }
0x3e: {  	s9 =	rddreg [dreg:$0x7];
	[sflag:s19] =	ssyncadd.s32 $0xFFFFF000  }
0x3f: {  	[spmem:s2] =	stream.indirect.scatter.add.f32 [tilespmem:s14], [sflag:$0x6], $0x20, s9, s12, $0xb8;
	[tilespmem:$0x1D800] =	vst v63  }
0x40: {  	s25 =	rddreg [dreg:$0x8]  }
0x41: {  	[tilespmem:s13], [sflag:$0x1] =	stream.indirect.gather [hbm4b:s4+s12], $0x20, s25, s12, $0xb8;
	[tilespmem:$0x1D800] =	vst v63  }
0x42: {  	_ =	swait.ge [sflag:s20], $0x1000  }
0x43: {  	[sflag:s20] =	ssyncset.done $0x0  }
0x44: {  	[sflag:s20] =	ssyncadd.s32 $0xFFFFF000  }
0x45: {  	_ =	swait.ge [sflag:s21], $0x1000  }
0x46: {  	[sflag:s21] =	ssyncset.done $0x0  }
0x47: {  	[sflag:s21] =	ssyncadd.s32 $0xFFFFF000  }
0x48: {  	[spmem:s2] =	stream.indirect.scatter.add.f32 [tilespmem:s15], [sflag:$0x7], $0x20, s22, s12, $0xb8;
	[tilespmem:$0x1D800] =	vst v63  }
0x49: {  	_ = 	snop  }
0x4a: {  	[tilespmem:s14], [sflag:$0x2] =	stream.indirect.gather [hbm4b:s4+s12], $0x20, s23, s12, $0xb8;
	[tilespmem:$0x1D800] =	vst v63  }
0x4b: {  	_ =	swait.ge [sflag:s24], $0x1000  }
0x4c: {  	[sflag:s24] =	ssyncset.done $0x0  }
0x4d: {  	[sflag:s24] =	ssyncadd.s32 $0xFFFFF000  }
0x4e: {  	_ =	swait.ge [sflag:s26], $0x1000  }
0x4f: {  	[sflag:s26] =	ssyncset.done $0x0  }
0x50: {  	[sflag:s26] =	ssyncadd.s32 $0xFFFFF000  }
0x51: {  	[spmem:s2] =	stream.indirect.scatter.add.f32 [tilespmem:s17], [sflag:$0x8], $0x20, s28, s12, $0xb8;
	[tilespmem:$0x1D800] =	vst v63  }
0x52: {  	_ = 	snop  }
0x53: {  	[tilespmem:s15], [sflag:$0x3] =	stream.indirect.gather [hbm4b:s4+s12], $0x20, s29, s12, $0xb8;
	[tilespmem:$0x1D800] =	vst v63  }
0x54: {  	_ =	swait.ge [sflag:s16], $0x1000  }
0x55: {  	[sflag:s16] =	ssyncset.done $0x0  }
0x56: {  	[sflag:s16] =	ssyncadd.s32 $0xFFFFF000  }
0x57: {  	_ =	swait.ge [sflag:s30], $0x1000  }
0x58: {  	[sflag:s30] =	ssyncset.done $0x0  }
0x59: {  	[sflag:s30] =	ssyncadd.s32 $0xFFFFF000  }
0x5a: {  	[spmem:s2] =	stream.indirect.scatter.add.f32 [tilespmem:s13], [sflag:$0x5], $0x20, s31, s12, $0xb8;
	[tilespmem:$0x1D800] =	vst v63  }
0x5b: {  	_ = 	snop  }
0x5c: {  	[tilespmem:s17], [sflag:$0x4] =	stream.indirect.gather [hbm4b:s4+s12], $0x20, s1, s12, $0xb8;
	[tilespmem:$0x1D800] =	vst v63  }
0x5d: {  	_ =	swait.ge [sflag:s18], $0x1000  }
0x5e: {  	[sflag:s18] =	ssyncset.done $0x0  }
0x5f: {  	[sflag:s18] =	ssyncadd.s32 $0xFFFFF000  }
0x60: {  	_ =	swait.ge [sflag:s19], $0x1000  }
0x61: {  	[sflag:s19] =	ssyncset.done $0x0  }
0x62: {  	[sflag:s19] =	ssyncadd.s32 $0xFFFFF000  }
0x63: {  	[spmem:s2] =	stream.indirect.scatter.add.f32 [tilespmem:s14], [sflag:$0x6], $0x20, s0, s12, $0xb8;
	[tilespmem:$0x1D800] =	vst v63  }
0x64: {  	_ =	swait.ge [sflag:s20], $0x1000  }
0x65: {  	[sflag:s20] =	ssyncset.done $0x0  }
0x66: {  	[sflag:s20] =	ssyncadd.s32 $0xFFFFF000  }
0x67: {  	_ =	swait.ge [sflag:s21], $0x1000  }
0x68: {  	[sflag:s21] =	ssyncset.done $0x0  }
0x69: {  	[sflag:s21] =	ssyncadd.s32 $0xFFFFF000  }
0x6a: {  	[spmem:s2] =	stream.indirect.scatter.add.f32 [tilespmem:s15], [sflag:$0x7], $0x20, s5, s12, $0xb8;
	[tilespmem:$0x1D800] =	vst v63  }
0x6b: {  	_ =	swait.ge [sflag:s24], $0x1000  }
0x6c: {  	[sflag:s24] =	ssyncset.done $0x0  }
0x6d: {  	[sflag:s24] =	ssyncadd.s32 $0xFFFFF000  }
0x6e: {  	_ =	swait.ge [sflag:s26], $0x1000  }
0x6f: {  	[sflag:s26] =	ssyncset.done $0x0  }
0x70: {  	[sflag:s26] =	ssyncadd.s32 $0xFFFFF000  }
0x71: {  	[spmem:s2] =	stream.indirect.scatter.add.f32 [tilespmem:s17], [sflag:$0x8], $0x20, s7, s12, $0xb8;
	[tilespmem:$0x1D800] =	vst v63  }
0x72: {  	s9 =	simm.s32 $0x80;
	_ =	swait.ge [sflag:s30], $0x1000  }
0x73: {  	s25 =	simm.s32 $0x100;
	s6 =	rddreg [dreg:$0x3];
	[sflag:s30] =	ssyncset.done $0x0  }
.LBB2_2:
0x74: {  	[sflag:s30] =	ssyncadd.s32 $0xFFFFF000;
	s6 =	sadd.s32 s9, s6  }
0x75: {  	[tilespmem:s3], [sflag:$0x9] =	stream.linear.gather [hbm4b:s6+s3], $0x400, $0x38;
	[tilespmem:$0x1D800] =	vst v63  }
0x76: {  	_ =	swait.ge [sflag:s10], $0x400  }
0x77: {  	s6 =	rddreg [dreg:$0x4];
	[sflag:s10] =	ssyncset.done $0x0  }
0x78: {  	[sflag:s10] =	ssyncadd.s32 $0xFFFFFC00;
	s6 =	sadd.s32 s9, s6  }
0x79: {  	[tilespmem:s11], [sflag:$0x9] =	stream.linear.gather [hbm4b:s6+s3], $0x400, $0x38;
	[tilespmem:$0x1D800] =	vst v63  }
0x7a: {  	_ =	swait.ge [sflag:s10], $0x400  }
0x7b: {  	[sflag:s10] =	ssyncset.done $0x0  }
0x7c: {  	[sflag:s10] =	ssyncadd.s32 $0xFFFFFC00  }
0x7d: {  	[tilespmem:s13], [sflag:$0x1] =	stream.indirect.gather [hbm4b:s4+s12], $0x20, s3, s12, $0xb8;
	[tilespmem:$0x1D800] =	vst v63  }
0x7e: {  	s8 =	smov.u32 s25  }
0x7f: {  	[tilespmem:s14], [sflag:$0x2] =	stream.indirect.gather [hbm4b:s4+s12], $0x20, s12, s12, $0xb8;
	[tilespmem:$0x1D800] =	vst v63  }
0x80: {  	s9 =	smov.u32 s8;
	s8 =	rddreg [dreg:$0x5]  }
0x81: {  	[tilespmem:s15], [sflag:$0x3] =	stream.indirect.gather [hbm4b:s4+s12], $0x20, s8, s12, $0xb8;
	[tilespmem:$0x1D800] =	vst v63  }
0x82: {  	_ =	swait.ge [sflag:s16], $0x1000  }
0x83: {  	[sflag:s16] =	ssyncset.done $0x0  }
0x84: {  	[sflag:s16] =	ssyncadd.s32 $0xFFFFF000  }
0x85: {  	[spmem:s2] =	stream.indirect.scatter.add.f32 [tilespmem:s13], [sflag:$0x5], $0x20, s11, s12, $0xb8;
	[tilespmem:$0x1D800] =	vst v63  }
0x86: {  	s8 =	rddreg [dreg:$0x6]  }
0x87: {  	[tilespmem:s17], [sflag:$0x4] =	stream.indirect.gather [hbm4b:s4+s12], $0x20, s8, s12, $0xb8;
	[tilespmem:$0x1D800] =	vst v63  }
0x88: {  	_ =	swait.ge [sflag:s18], $0x1000  }
0x89: {  	[sflag:s18] =	ssyncset.done $0x0  }
0x8a: {  	[sflag:s18] =	ssyncadd.s32 $0xFFFFF000  }
0x8b: {  	_ =	swait.ge [sflag:s19], $0x1000  }
0x8c: {  	[sflag:s19] =	ssyncset.done $0x0  }
0x8d: {  	s6 =	rddreg [dreg:$0x7];
	[sflag:s19] =	ssyncadd.s32 $0xFFFFF000  }
0x8e: {  	[spmem:s2] =	stream.indirect.scatter.add.f32 [tilespmem:s14], [sflag:$0x6], $0x20, s6, s12, $0xb8;
	[tilespmem:$0x1D800] =	vst v63  }
0x8f: {  	s8 =	rddreg [dreg:$0x8]  }
0x90: {  	[tilespmem:s13], [sflag:$0x1] =	stream.indirect.gather [hbm4b:s4+s12], $0x20, s8, s12, $0xb8;
	[tilespmem:$0x1D800] =	vst v63  }
0x91: {  	_ =	swait.ge [sflag:s20], $0x1000  }
0x92: {  	[sflag:s20] =	ssyncset.done $0x0  }
0x93: {  	[sflag:s20] =	ssyncadd.s32 $0xFFFFF000  }
0x94: {  	_ =	swait.ge [sflag:s21], $0x1000  }
0x95: {  	[sflag:s21] =	ssyncset.done $0x0  }
0x96: {  	[sflag:s21] =	ssyncadd.s32 $0xFFFFF000  }
0x97: {  	[spmem:s2] =	stream.indirect.scatter.add.f32 [tilespmem:s15], [sflag:$0x7], $0x20, s22, s12, $0xb8;
	[tilespmem:$0x1D800] =	vst v63  }
0x98: {  	_ = 	snop  }
0x99: {  	[tilespmem:s14], [sflag:$0x2] =	stream.indirect.gather [hbm4b:s4+s12], $0x20, s23, s12, $0xb8;
	[tilespmem:$0x1D800] =	vst v63  }
0x9a: {  	_ =	swait.ge [sflag:s24], $0x1000  }
0x9b: {  	[sflag:s24] =	ssyncset.done $0x0  }
0x9c: {  	[sflag:s24] =	ssyncadd.s32 $0xFFFFF000  }
0x9d: {  	_ =	swait.ge [sflag:s26], $0x1000  }
0x9e: {  	[sflag:s26] =	ssyncset.done $0x0  }
0x9f: {  	[sflag:s26] =	ssyncadd.s32 $0xFFFFF000  }
0xa0: {  	[spmem:s2] =	stream.indirect.scatter.add.f32 [tilespmem:s17], [sflag:$0x8], $0x20, s28, s12, $0xb8;
	[tilespmem:$0x1D800] =	vst v63  }
0xa1: {  	_ = 	snop  }
0xa2: {  	[tilespmem:s15], [sflag:$0x3] =	stream.indirect.gather [hbm4b:s4+s12], $0x20, s29, s12, $0xb8;
	[tilespmem:$0x1D800] =	vst v63  }
0xa3: {  	_ =	swait.ge [sflag:s16], $0x1000  }
0xa4: {  	[sflag:s16] =	ssyncset.done $0x0  }
0xa5: {  	[sflag:s16] =	ssyncadd.s32 $0xFFFFF000  }
0xa6: {  	_ =	swait.ge [sflag:s30], $0x1000  }
0xa7: {  	[sflag:s30] =	ssyncset.done $0x0  }
0xa8: {  	[sflag:s30] =	ssyncadd.s32 $0xFFFFF000  }
0xa9: {  	[spmem:s2] =	stream.indirect.scatter.add.f32 [tilespmem:s13], [sflag:$0x5], $0x20, s31, s12, $0xb8;
	[tilespmem:$0x1D800] =	vst v63  }
0xaa: {  	_ = 	snop  }
0xab: {  	[tilespmem:s17], [sflag:$0x4] =	stream.indirect.gather [hbm4b:s4+s12], $0x20, s1, s12, $0xb8;
	[tilespmem:$0x1D800] =	vst v63  }
0xac: {  	_ =	swait.ge [sflag:s18], $0x1000  }
0xad: {  	[sflag:s18] =	ssyncset.done $0x0  }
0xae: {  	[sflag:s18] =	ssyncadd.s32 $0xFFFFF000  }
0xaf: {  	_ =	swait.ge [sflag:s19], $0x1000  }
0xb0: {  	[sflag:s19] =	ssyncset.done $0x0  }
0xb1: {  	[sflag:s19] =	ssyncadd.s32 $0xFFFFF000  }
0xb2: {  	[spmem:s2] =	stream.indirect.scatter.add.f32 [tilespmem:s14], [sflag:$0x6], $0x20, s0, s12, $0xb8;
	[tilespmem:$0x1D800] =	vst v63  }
0xb3: {  	_ =	swait.ge [sflag:s20], $0x1000  }
0xb4: {  	[sflag:s20] =	ssyncset.done $0x0  }
0xb5: {  	[sflag:s20] =	ssyncadd.s32 $0xFFFFF000  }
0xb6: {  	_ =	swait.ge [sflag:s21], $0x1000  }
0xb7: {  	[sflag:s21] =	ssyncset.done $0x0  }
0xb8: {  	[sflag:s21] =	ssyncadd.s32 $0xFFFFF000  }
0xb9: {  	[spmem:s2] =	stream.indirect.scatter.add.f32 [tilespmem:s15], [sflag:$0x7], $0x20, s5, s12, $0xb8;
	[tilespmem:$0x1D800] =	vst v63  }
0xba: {  	_ =	swait.ge [sflag:s24], $0x1000  }
0xbb: {  	[sflag:s24] =	ssyncset.done $0x0  }
0xbc: {  	[sflag:s24] =	ssyncadd.s32 $0xFFFFF000  }
0xbd: {  	p0 =	sne.s32 s25, $0x1800;
	_ =	swait.ge [sflag:s26], $0x1000  }
.Ltmp0:
0xbe: {  	[sflag:s26] =	ssyncset.done $0x0;
	(pc) =	sbr.rel @p0 .LBB2_2-.Ltmp0, $4  }
0xbf: {  	[sflag:s26] =	ssyncadd.s32 $0xFFFFF000  }
0xc0: {  	[spmem:s2] =	stream.indirect.scatter.add.f32 [tilespmem:s17], [sflag:$0x8], $0x20, s7, s12, $0xb8;
	[tilespmem:$0x1D800] =	vst v63  }
0xc1: {  	_ =	swait.ge [sflag:s30], $0x1000  }
0xc2: {  	s25 =	sadd.s32 $0x80, s25;
	s6 =	rddreg [dreg:$0x3];
	[sflag:s30] =	ssyncset.done $0x0  }
0xc3: {  	[sflag:s30] =	ssyncadd.s32 $0xFFFFF000;
	s6 =	sadd.s32 s9, s6  }
0xc4: {  	[tilespmem:s3], [sflag:$0x9] =	stream.linear.gather [hbm4b:s6+s3], $0x400, $0x38;
	[tilespmem:$0x1D800] =	vst v63  }
0xc5: {  	_ =	swait.ge [sflag:s10], $0x400  }
0xc6: {  	s25 =	rddreg [dreg:$0x4];
	[sflag:s10] =	ssyncset.done $0x0  }
0xc7: {  	[sflag:s10] =	ssyncadd.s32 $0xFFFFFC00;
	s6 =	sadd.s32 s9, s25  }
0xc8: {  	[tilespmem:s11], [sflag:$0x9] =	stream.linear.gather [hbm4b:s6+s3], $0x400, $0x38;
	[tilespmem:$0x1D800] =	vst v63  }
0xc9: {  	_ =	swait.ge [sflag:s10], $0x400  }
0xca: {  	[sflag:s10] =	ssyncset.done $0x0  }
0xcb: {  	[sflag:s10] =	ssyncadd.s32 $0xFFFFFC00  }
0xcc: {  	[tilespmem:s13], [sflag:$0x1] =	stream.indirect.gather [hbm4b:s4+s12], $0x20, s3, s12, $0xb8;
	[tilespmem:$0x1D800] =	vst v63  }
0xcd: {  	_ = 	snop  }
0xce: {  	[tilespmem:s14], [sflag:$0x2] =	stream.indirect.gather [hbm4b:s4+s12], $0x20, s12, s12, $0xb8;
	[tilespmem:$0x1D800] =	vst v63  }
0xcf: {  	s8 =	rddreg [dreg:$0x5]  }
0xd0: {  	[tilespmem:s15], [sflag:$0x3] =	stream.indirect.gather [hbm4b:s4+s12], $0x20, s8, s12, $0xb8;
	[tilespmem:$0x1D800] =	vst v63  }
0xd1: {  	_ =	swait.ge [sflag:s16], $0x1000  }
0xd2: {  	[sflag:s16] =	ssyncset.done $0x0  }
0xd3: {  	[sflag:s16] =	ssyncadd.s32 $0xFFFFF000  }
0xd4: {  	[spmem:s2] =	stream.indirect.scatter.add.f32 [tilespmem:s13], [sflag:$0x5], $0x20, s11, s12, $0xb8;
	[tilespmem:$0x1D800] =	vst v63  }
0xd5: {  	s9 =	rddreg [dreg:$0x6]  }
0xd6: {  	[tilespmem:s17], [sflag:$0x4] =	stream.indirect.gather [hbm4b:s4+s12], $0x20, s9, s12, $0xb8;
	[tilespmem:$0x1D800] =	vst v63  }
0xd7: {  	_ =	swait.ge [sflag:s18], $0x1000  }
0xd8: {  	[sflag:s18] =	ssyncset.done $0x0  }
0xd9: {  	[sflag:s18] =	ssyncadd.s32 $0xFFFFF000  }
0xda: {  	_ =	swait.ge [sflag:s19], $0x1000  }
0xdb: {  	[sflag:s19] =	ssyncset.done $0x0  }
0xdc: {  	s25 =	rddreg [dreg:$0x7];
	[sflag:s19] =	ssyncadd.s32 $0xFFFFF000  }
0xdd: {  	[spmem:s2] =	stream.indirect.scatter.add.f32 [tilespmem:s14], [sflag:$0x6], $0x20, s25, s12, $0xb8;
	[tilespmem:$0x1D800] =	vst v63  }
0xde: {  	s8 =	rddreg [dreg:$0x8]  }
0xdf: {  	[tilespmem:s13], [sflag:$0x1] =	stream.indirect.gather [hbm4b:s4+s12], $0x20, s8, s12, $0xb8;
	[tilespmem:$0x1D800] =	vst v63  }
0xe0: {  	_ =	swait.ge [sflag:s20], $0x1000  }
0xe1: {  	[sflag:s20] =	ssyncset.done $0x0  }
0xe2: {  	[sflag:s20] =	ssyncadd.s32 $0xFFFFF000  }
0xe3: {  	_ =	swait.ge [sflag:s21], $0x1000  }
0xe4: {  	[sflag:s21] =	ssyncset.done $0x0  }
0xe5: {  	[sflag:s21] =	ssyncadd.s32 $0xFFFFF000  }
0xe6: {  	[spmem:s2] =	stream.indirect.scatter.add.f32 [tilespmem:s15], [sflag:$0x7], $0x20, s22, s12, $0xb8;
	[tilespmem:$0x1D800] =	vst v63  }
0xe7: {  	_ = 	snop  }
0xe8: {  	[tilespmem:s14], [sflag:$0x2] =	stream.indirect.gather [hbm4b:s4+s12], $0x20, s23, s12, $0xb8;
	[tilespmem:$0x1D800] =	vst v63  }
0xe9: {  	_ =	swait.ge [sflag:s24], $0x1000  }
0xea: {  	[sflag:s24] =	ssyncset.done $0x0  }
0xeb: {  	[sflag:s24] =	ssyncadd.s32 $0xFFFFF000  }
0xec: {  	_ =	swait.ge [sflag:s26], $0x1000  }
0xed: {  	[sflag:s26] =	ssyncset.done $0x0  }
0xee: {  	[sflag:s26] =	ssyncadd.s32 $0xFFFFF000  }
0xef: {  	[spmem:s2] =	stream.indirect.scatter.add.f32 [tilespmem:s17], [sflag:$0x8], $0x20, s28, s12, $0xb8;
	[tilespmem:$0x1D800] =	vst v63  }
0xf0: {  	_ = 	snop  }
0xf1: {  	[tilespmem:s15], [sflag:$0x3] =	stream.indirect.gather [hbm4b:s4+s12], $0x20, s29, s12, $0xb8;
	[tilespmem:$0x1D800] =	vst v63  }
0xf2: {  	_ =	swait.ge [sflag:s16], $0x1000  }
0xf3: {  	[sflag:s16] =	ssyncset.done $0x0  }
0xf4: {  	[sflag:s16] =	ssyncadd.s32 $0xFFFFF000  }
0xf5: {  	_ =	swait.ge [sflag:s30], $0x1000  }
0xf6: {  	[sflag:s30] =	ssyncset.done $0x0  }
0xf7: {  	[sflag:s30] =	ssyncadd.s32 $0xFFFFF000  }
0xf8: {  	[spmem:s2] =	stream.indirect.scatter.add.f32 [tilespmem:s13], [sflag:$0x5], $0x20, s31, s12, $0xb8;
	[tilespmem:$0x1D800] =	vst v63  }
0xf9: {  	_ = 	snop  }
0xfa: {  	[tilespmem:s17], [sflag:$0x4] =	stream.indirect.gather [hbm4b:s4+s12], $0x20, s1, s12, $0xb8;
	[tilespmem:$0x1D800] =	vst v63  }
0xfb: {  	_ =	swait.ge [sflag:s18], $0x1000  }
0xfc: {  	[sflag:s18] =	ssyncset.done $0x0  }
0xfd: {  	[sflag:s18] =	ssyncadd.s32 $0xFFFFF000  }
0xfe: {  	_ =	swait.ge [sflag:s19], $0x1000  }
0xff: {  	[sflag:s19] =	ssyncset.done $0x0  }
0x100: {  	[sflag:s19] =	ssyncadd.s32 $0xFFFFF000  }
0x101: {  	[spmem:s2] =	stream.indirect.scatter.add.f32 [tilespmem:s14], [sflag:$0x6], $0x20, s0, s12, $0xb8;
	[tilespmem:$0x1D800] =	vst v63  }
0x102: {  	_ =	swait.ge [sflag:s20], $0x1000  }
0x103: {  	[sflag:s20] =	ssyncset.done $0x0  }
0x104: {  	[sflag:s20] =	ssyncadd.s32 $0xFFFFF000  }
0x105: {  	_ =	swait.ge [sflag:s21], $0x1000  }
0x106: {  	[sflag:s21] =	ssyncset.done $0x0  }
0x107: {  	[sflag:s21] =	ssyncadd.s32 $0xFFFFF000  }
0x108: {  	[spmem:s2] =	stream.indirect.scatter.add.f32 [tilespmem:s15], [sflag:$0x7], $0x20, s5, s12, $0xb8;
	[tilespmem:$0x1D800] =	vst v63  }
0x109: {  	_ =	swait.ge [sflag:s24], $0x1000  }
0x10a: {  	[sflag:s24] =	ssyncset.done $0x0  }
0x10b: {  	[sflag:s24] =	ssyncadd.s32 $0xFFFFF000  }
0x10c: {  	_ =	swait.ge [sflag:s26], $0x1000  }
0x10d: {  	[sflag:s26] =	ssyncset.done $0x0  }
0x10e: {  	[sflag:s26] =	ssyncadd.s32 $0xFFFFF000  }
0x10f: {  	[spmem:s2] =	stream.indirect.scatter.add.f32 [tilespmem:s17], [sflag:$0x8], $0x20, s7, s12, $0xb8;
	[tilespmem:$0x1D800] =	vst v63  }
0x110: {  	_ =	swait.ge [sflag:s30], $0x1000  }
0x111: {  	[sflag:s30] =	ssyncset.done $0x0  }
0x112: {  	[sflag:s30] =	ssyncadd.s32 $0xFFFFF000  }
0x113: {  	[bflag:$0x0] =	sbarrier.arrive $0xFFFF  }
0x114: {  	s9 =	rddreg [dreg:$0xa]  }
0x115: {  	s8 =	rddreg [dreg:$0xb]  }
0x116: {  	s25 =	rddreg [dreg:$0xe]  }
0x117: {  	[hbm:s8], [sflag:s9] =	dma.local [spmem:s25], $0x30E0  }
0x118: {  	_ =	swait.ge [sflag:s10], $0x30E0  }
0x119: {  	s6 =	rddreg [dreg:$0xf]  }
0x11a: {  	s25 =	rddreg [dreg:$0xc];
	s8 =	sadd.s32 $0x1, s6  }
0x11b: {  	p0 =	sne.s32 s8, s25  }
.Ltmp1:
0x11c: {  	_ = 	snop;
	(pc) =	sbr.rel @p0 .LBB2_1-.Ltmp1, $3  }
0x11d: {  	_ =	sdelay $0x1  }
0x11e: {  	[sflag:s10] =	ssyncset.done $0x0  }
0x11f: {  	[sflag:s10] =	ssyncadd.s32 $0xFFFFCF20  }
0x120: {  	_ =	sfence.sel $0x180000  }
0x121: {  	[bflag:$0x0] =	sbarrier.arrive $0xFFFF  }
0x122: {  	_ =	strace $0x9000004A  }
0x123: {  	s0 =	stileid.u32;
	[bflag:$0x2] =	sbarrier.arrive $0xFFFF  }
0x124: {  	p0 =	sne.s32 s0, $0x0;
	s0 =	rddreg [dreg:$0x2]  }
0x125: {  	s0 =	sadd.s32 @!p0 $0x100000, s0  }
0x126: {  	[sflag:s0] =	ssyncadd.tile.s32 @!p0 $0x1;
	_ =	shalt  }
.Lfunc_end2:
_tile_overlayer_lowered:
.L_overlay_start_2:
0x127: {  	(tag) =	ssettag $0x2  }
0x128: {  	s0 =	rddreg [dreg:$0x0];
	s2 =	stileid.u32  }
0x129: {  	s1 =	rddreg [dreg:$0x1];
	p0 =	sne.s32 s2, $0x0  }
0x12a: {  	s3 =	rddreg [dreg:$0x2];
	[bflag:$0x3] =	sbarrier.arrive $0xFFFF;
	s2 =	simm.s32 @!p0 $0x1C09  }
0x12b: {  	[timem:s3], [sflag:s2] =	dma.local @!p0 [hbm:s0], s1  }
0x12c: {  	s0 =	simm.s32 @!p0 $0x9  }
0x12d: {  	_ =	swait.ge @!p0 [sflag:s0], s1  }
0x12e: {  	s1 =	ssub.s32 @!p0 $0x0, s1;
	[sflag:s0] =	ssyncset.done @!p0 $0x0  }
0x12f: {  	[sflag:s0] =	ssyncadd.s32 @!p0 s1  }
0x130: {  	[bflag:$0x3] =	sbarrier.arrive $0xFFFF  }
0x131: {  	_ =	shalt  }

// kernel: kernel.18.cloned.1.call-start
scs
__scs_entry_jumppad:
0x0: {  	(pc) =	sbr.rel $0x88, $3  }
0x1: {  	(tag) =	ssettag $0x0;
	lr =	simm.s32 $0x1  }
0x2: {  	[smem:$0x3F8F] =	sst lr;
	_ =	strace $0xD0000000  }
0x3: {  	_ = 	snop  }
0x4: {  	_ = 	snop  }
0x5: {  	_ = 	snop  }
0x6: {  	_ = 	snop  }
0x7: {  	_ = 	snop  }
__scs_overlays_trampoline_lowered:
0x8: {  	[smem:$0x3F9E] =	sst s0  }
0x9: {  	[smem:$0x3F9F] =	sst s1  }
0xa: {  	[smem:$0x3FA0] =	sst s2  }
0xb: {  	[smem:$0x3FA1] =	sst s3  }
0xc: {  	[smem:$0x3FA2] =	sst s4  }
0xd: {  	[smem:$0x3FA3] =	sst s5  }
0xe: {  	[smem:$0x3FA4] =	sst s6  }
0xf: {  	[smem:$0x3FA5] =	sst s7  }
0x10: {  	[smem:$0x3FA6] =	sst s8  }
0x11: {  	[smem:$0x3FA7] =	sst s9;
	s0 =	simm.s32 @!p0 $0x0  }
0x12: {  	s1 =	sld [smem:$0x3F8D];
	s0 =	simm.s32 @p0 $0x1  }
0x13: {  	[smem:$0x3FA8] =	sst s0;
	s0 =	simm.s32 @!p1 $0x0  }
0x14: {  	s2 =	sld [smem:$0x3F8C];
	s0 =	simm.s32 @p1 $0x1  }
0x15: {  	[smem:$0x3FA9] =	sst s0;
	s0 =	simm.s32 @!p2 $0x0  }
0x16: {  	s3 =	sld [smem:$0x3FDB];
	s0 =	simm.s32 @p2 $0x1  }
0x17: {  	s4 =	simm.s32 $0x1BF5;
	[smem:$0x3FAB] =	sst s0  }
0x18: {  	s0 =	sld [smem:$0x3F8E];
	_ =	swait.ge [sflag:s4], $0x0  }
0x19: {  	s7 =	sld [smem:$0x3F8F]  }
0x1a: {  	s8 =	sadd.s32 $0xFFFFE003, lr  }
0x1b: {  	s9 =	sadd.s32 $0xFFFFFEF7, lr;
	s5 =	simm.s32 $0xFFFFFFFF;
	p2 =	slt.u32 s8, $0xFFFFF086  }
0x1c: {  	p1 =	slt.u32 s9, $0xF7A;
	s5 =	simm.s32 @!p2 $0x0  }
0x1d: {  	s5 =	simm.s32 @p1 $0x1;
	p0 =	seq.s32 s7, s2  }
0x1e: {  	s7 =	smul.u32 @!p0 $0xF7A, s2;
	p2 =	seq.s32 @!p0 s5, $0x0  }
0x1f: {  	s9 =	smul.u32 $0xF7A, s1;
	s8 =	simm.s32 @!p0 $0x1BF5;
	p2 =	por !p2, p0  }
0x20: {  	[sflag:s8] =	ssyncset.s32 @!p0 $0xFFFFF086;
	s6 =	sadd.s32 @!p0 s3, s7;
	s7 =	simm.s32 @!p0 $0x108  }
0x21: {  	s3 =	sadd.s32 s3, s9;
	s6 =	sadd.s32 @!p0 $0x88, s6;
	s7 =	simm.s32 @p2 $0x1082  }
0x22: {  	[simem:s7], [sflag:s8] =	dma.local @!p0 [hbm:s6], $0xF7A  }
0x23: {  	s9 =	sor.u32 $0xD0000000, s2;
	s6 =	simm.s32 $0x108;
	_ =	swait.ge @!p0 [sflag:s8], $0x0  }
0x24: {  	s3 =	sadd.s32 $0x88, s3;
	s6 =	simm.s32 @!p1 $0x1082;
	[sflag:s4] =	ssyncset.s32 $0xFFFFF086  }
0x25: {  	[simem:s6], [sflag:s4] =	dma.local [hbm:s3], $0xF7A  }
0x26: {  	[smem:$0x3F8F] =	sst s1;
	(tag) =	ssettag s2;
	_ =	strace s9  }
0x27: {  	s1 =	sld [smem:$0x3F9F]  }
0x28: {  	s2 =	sld [smem:$0x3FA0]  }
0x29: {  	s4 =	sld [smem:$0x3FA2]  }
0x2a: {  	p0 =	seq.s32 s5, $0x0;
	s5 =	sld [smem:$0x3FA3]  }
0x2b: {  	s6 =	sld [smem:$0x3FA4]  }
0x2c: {  	s7 =	sld [smem:$0x3FA5]  }
0x2d: {  	s3 =	simm.s32 $0x108;
	s8 =	sld [smem:$0x3FA6]  }
0x2e: {  	s3 =	simm.s32 @!p0 $0x1082;
	s9 =	sld [smem:$0x3FA7]  }
0x2f: {  	lr =	sadd.s32 s0, s3;
	s0 =	sld [smem:$0x3F9E]  }
0x30: {  	s3 =	sld [smem:$0x3FA1]  }
0x31: {  	[smem:$0x3FAA] =	sst s10  }
0x32: {  	s10 =	sld [smem:$0x3FA8];
	_ =	sdelay $0x3  }
0x33: {  	p0 =	seq.s32 s10, $0x1;
	s10 =	sld [smem:$0x3FAA];
	_ =	sdelay $0x3  }
0x34: {  	[smem:$0x3FAA] =	sst s10  }
0x35: {  	s10 =	sld [smem:$0x3FA9];
	_ =	sdelay $0x3  }
0x36: {  	p1 =	seq.s32 s10, $0x1;
	s10 =	sld [smem:$0x3FAA];
	_ =	sdelay $0x3  }
0x37: {  	[smem:$0x3FAA] =	sst s10  }
0x38: {  	s10 =	sld [smem:$0x3FAB]  }
0x39: {  	_ = 	snop;
	(pc) =	sbr.ind lr, $3  }
0x3a: {  	_ = 	snop  }
0x3b: {  	_ = 	snop  }
0x3c: {  	p2 =	seq.s32 s10, $0x1;
	s10 =	sld [smem:$0x3FAA]  }
0x3d: {  	_ =	shalt  }
0x3e: {  	_ =	shalt  }
0x3f: {  	_ =	shalt  }
0x40: {  	_ =	shalt  }
0x41: {  	_ =	shalt  }
0x42: {  	_ =	shalt  }
0x43: {  	_ =	shalt  }
0x44: {  	_ =	shalt  }
0x45: {  	_ =	shalt  }
0x46: {  	_ =	shalt  }
0x47: {  	_ =	shalt  }
0x48: {  	_ =	shalt  }
0x49: {  	_ =	shalt  }
0x4a: {  	_ =	shalt  }
0x4b: {  	_ =	shalt  }
0x4c: {  	_ =	shalt  }
0x4d: {  	_ =	shalt  }
0x4e: {  	_ =	shalt  }
0x4f: {  	_ =	shalt  }
0x50: {  	_ =	shalt  }
0x51: {  	_ =	shalt  }
0x52: {  	_ =	shalt  }
0x53: {  	_ =	shalt  }
0x54: {  	_ =	shalt  }
0x55: {  	_ =	shalt  }
0x56: {  	_ =	shalt  }
0x57: {  	_ =	shalt  }
0x58: {  	_ =	shalt  }
0x59: {  	_ =	shalt  }
0x5a: {  	_ =	shalt  }
0x5b: {  	_ =	shalt  }
0x5c: {  	_ =	shalt  }
0x5d: {  	_ =	shalt  }
0x5e: {  	_ =	shalt  }
0x5f: {  	_ =	shalt  }
0x60: {  	_ =	shalt  }
0x61: {  	_ =	shalt  }
0x62: {  	_ =	shalt  }
0x63: {  	_ =	shalt  }
0x64: {  	_ =	shalt  }
0x65: {  	_ =	shalt  }
0x66: {  	_ =	shalt  }
0x67: {  	_ =	shalt  }
0x68: {  	_ =	shalt  }
0x69: {  	_ =	shalt  }
0x6a: {  	_ =	shalt  }
0x6b: {  	_ =	shalt  }
0x6c: {  	_ =	shalt  }
0x6d: {  	_ =	shalt  }
0x6e: {  	_ =	shalt  }
0x6f: {  	_ =	shalt  }
0x70: {  	_ =	shalt  }
0x71: {  	_ =	shalt  }
0x72: {  	_ =	shalt  }
0x73: {  	_ =	shalt  }
0x74: {  	_ =	shalt  }
0x75: {  	_ =	shalt  }
0x76: {  	_ =	shalt  }
0x77: {  	_ =	shalt  }
0x78: {  	_ =	shalt  }
0x79: {  	_ =	shalt  }
0x7a: {  	_ =	shalt  }
0x7b: {  	_ =	shalt  }
0x7c: {  	_ =	shalt  }
0x7d: {  	_ =	shalt  }
0x7e: {  	_ =	shalt  }
0x7f: {  	_ =	shalt  }
0x80: {  	_ =	shalt  }
0x81: {  	_ =	shalt  }
0x82: {  	_ =	shalt  }
0x83: {  	_ =	shalt  }
0x84: {  	_ =	shalt  }
0x85: {  	_ =	shalt  }
0x86: {  	_ =	shalt  }
0x87: {  	_ =	shalt  }
.Lfunc_end0:
.L_simem_size_0:
called_computation.2_lowered:
.L_overlay_start_0:
0x88: {  	s2 =	sld [smem:$0x3FD9]  }
0x89: {  	s3 =	sld [smem:$0x3FFE];
	_ =	sdelay $0x1  }
0x8a: {  	s1 =	srdreg.scid  }
0x8b: {  	s0 =	sand.u32 $0x1, s1  }
0x8c: {  	s16 =	sshll.u32 s0, $0xA;
	s2 =	sadd.s32 s3, s2  }
0x8d: {  	s2 =	sadd.s32 s2, s16  }
0x8e: {  	[smem:$0x3FB6] =	sst s2  }
0x8f: {  	_ = 	snop  }
0x90: {  	(tm) =	ssettm $0x1  }
0x91: {  	s17 =	sld [smem:$0x3FFB];
	_ =	sdelay $0x3  }
0x92: {  	_ =	strace s17  }
0x93: {  	s2 =	sld [smem:$0x3FFC];
	_ =	sdelay $0x3  }
0x94: {  	_ =	strace s2  }
0x95: {  	s2 =	sld [smem:$0x3FFD];
	_ =	sdelay $0x3  }
0x96: {  	_ =	strace s2  }
0x97: {  	_ =	strace $0x8FFFFFFF  }
0x98: {  	s18 =	sld [smem:$0x3FDB];
	_ =	sdelay $0x1  }
0x99: {  	s19 =	simm.s32 $_scs_section_size  }
0x9a: {  	s4 =	simm.s32 $_size__tile_overlayer_lowered;
	s5 =	simm.s32 $_tile_overlayer_lowered  }
0x9b: {  	s22 =	simm.s32 $0x1BFF;
	s21 =	sshll.u32 s5, $0x1;
	s2 =	sadd.s32 s19, s18  }
0x9c: {  	s6 =	simm.s32 $0x0;
	s20 =	sshll.u32 s4, $0x1;
	s4 =	sadd.s32 s21, s2  }
0x9d: {  	[timem:s6], [sflag:s22] =	dma.local [hbm:s4], s20  }
0x9e: {  	_ =	swait.ge [sflag:s22], s20  }
0x9f: {  	s3 =	ssub.s32 $0x0, s20;
	[sflag:s22] =	ssyncset.done $0x0  }
0xa0: {  	[sflag:s22] =	ssyncadd.s32 s3;
	_ =	sdelay $0x1  }
0xa1: {  	s23 =	simm.s32 $0x1B8B  }
0xa2: {  	_ =	swait.ge [sflag:s23], $0x1  }
0xa3: {  	[sflag:s23] =	ssyncset.done $0x0  }
0xa4: {  	s25 =	simm.s32 $0x1B8E;
	s24 =	sld [smem:$0x3FFE];
	[sflag:s23] =	ssyncadd.s32 $0xFFFFFFFF  }
0xa5: {  	s26 =	simm.s32 $execute0_lowered;
	[smem:$0x3FD2] =	sst s25  }
0xa6: {  	s4 =	sshll.u32 s26, $0x1;
	_ =	strace $0x8000004C;
	[dreg:$0x1] =	wrdreg $0xFFFFFFFF  }
0xa7: {  	s28 =	simm.s32 $_size_execute0_lowered;
	s2 =	sadd.s32 s2, s4;
	[dreg:$0x0] =	wrdreg $0x0  }
0xa8: {  	s4 =	sshll.u32 s28, $0x1;
	[dreg:$0x2] =	wrdreg s2  }
0xa9: {  	[dreg:$0x3] =	wrdreg s4  }
0xaa: {  	[dreg:$0x4] =	wrdreg $0xC0  }
0xab: {  	_ =	task [dreg:s6], $0x5FFFF  }
0xac: {  	[dreg:$0x1] =	wrdreg $0xFFFFFFFF  }
0xad: {  	[dreg:$0x0] =	wrdreg $0x60  }
0xae: {  	[dreg:$0x2] =	wrdreg s24  }
0xaf: {  	[dreg:$0x3] =	wrdreg $0x48000  }
0xb0: {  	[dreg:$0x4] =	wrdreg $0x9  }
0xb1: {  	_ =	task.clear_ibuf [dreg:s6], $0x5FFFF;
	_ =	strace $0x9000004C  }
0xb2: {  	s29 =	simm.s32 $0x9;
	_ =	strace $0x8000004E  }
0xb3: {  	_ =	swait.ge [sflag:s29], $0x1  }
0xb4: {  	[sflag:s29] =	ssyncadd.s32 $0xFFFFFFFF  }
0xb5: {  	_ =	strace $0x9000004E  }
0xb6: {  	_ =	sfence  }
0xb7: {  	s30 =	sld [smem:$0x0];
	_ =	sdelay $0x2  }
0xb8: {  	s31 =	sshll.u32 s1, $0xD;
	s1 =	sshrl.u32 s1, $0x2  }
0xb9: {  	s3 =	sand.u32 $0x4000, s31;
	s1 =	sadd.s32 s1, s30  }
0xba: {  	s0 =	sor.u32 s3, s0;
	s1 =	sshll.u32 s1, $0x11  }
0xbb: {  	s0 =	sor.u32 s1, s0  }
0xbc: {  	s0 =	sadd.s32 $0x8F2B, s0  }
0xbd: {  	[sflag:s0] =	ssyncadd.remote.s32 $0x1  }
0xbe: {  	_ =	sfence.sel $0xFFFF  }
0xbf: {  	[dreg:$0x0] =	wrdreg $0xFFFFFFFF;
	(pc) =	sbr.abs _section_cstart, $3  }
0xc0: {  	[dreg:$0x1] =	wrdreg $0xFFFFFFFF  }
0xc1: {  	_ =	task.clear_ibuf [dreg:s6], $0x2FFFF;
	_ =	strace $0x9FFFFFFF  }
0xc2: {  	(tm) =	ssettm $0x7FFFFFFF  }
0xc3: {  	_ =	shalt  }
tec
execute0_lowered:
.L_overlay_start_1:
0x0: {  	(tag) =	ssettag $0x1  }
0x1: {  	s0 =	srdreg.scid;
	s1 =	rddreg [dreg:$0x0]  }
0x2: {  	s10 =	stileid.u32;
	s2 =	rddreg [dreg:$0x1];
	s3 =	simm.s32 $0x0  }
0x3: {  	s12 =	simm.s32 $0x80;
	s22 =	simm.s32 $0x100;
	s13 =	simm.s32 $0x800  }
0x4: {  	s14 =	simm.s32 $0x1800;
	s15 =	simm.s32 $0x2800;
	s16 =	simm.s32 $0x1  }
0x5: {  	s23 =	simm.s32 $0x180;
	s17 =	simm.s32 $0x3800;
	s18 =	simm.s32 $0x2  }
0x6: {  	s19 =	simm.s32 $0x5;
	s28 =	simm.s32 $0x580;
	s5 =	smul.u32 $0xC400, s10  }
0x7: {  	s29 =	simm.s32 $0x300;
	s30 =	simm.s32 $0x8;
	s6 =	smul.u32 $0x1880, s10  }
0x8: {  	s31 =	simm.s32 $0x600;
	s0 =	sand.u32 $0x1, s0;
	s7 =	smul.u32 $0xC38, s10  }
0x9: {  	[smem:$0x7FF] =	sst s3;
	s9 =	smul.u32 $0x64000, s10;
	s11 =	sadd.s32 $0x1E00, s1  }
0xa: {  	s26 =	sshll.u32 s10, $0x6;
	s10 =	simm.s32 $0x9;
	s4 =	smul.u32 $0xC4000, s0  }
0xb: {  	_ =	strace $0x8000004D;
	s8 =	smul.u32 $0xC350, s0;
	[dreg:$0x9] =	wrdreg s11  }
0xc: {  	s0 =	ssub.s32 $0x2, s0;
	s11 =	simm.s32 $0x400;
	[dreg:$0x5] =	wrdreg s22  }
0xd: {  	[dreg:$0x6] =	wrdreg s23;
	s22 =	simm.s32 $0x500;
	s23 =	simm.s32 $0x280  }
0xe: {  	s7 =	smin.u32 s7, $0xB718;
	s6 =	sadd.s32 s6, s1;
	s24 =	sshrl.u32 s0, $0x1  }
0xf: {  	s25 =	sshrl.u32 s9, $0x2;
	s9 =	sor.u32 $0x1C09, s26;
	s5 =	sadd.s32 s4, s5  }
0x10: {  	s4 =	sadd.s32 $0x32E00, s1;
	s8 =	sadd.s32 s8, s7;
	s0 =	ssub.s32 s0, s24  }
0x11: {  	s7 =	sshll.u32 s7, $0x5;
	s20 =	sadd.s32 $0x1A600, s6;
	s24 =	simm.s32 $0x480  }
0x12: {  	[dreg:$0xa] =	wrdreg s9;
	s5 =	sshrl.u32 s5, $0x3;
	s8 =	sshll.u32 s8, $0x2  }
0x13: {  	s7 =	sadd.s32 s7, s2;
	s0 =	smax.u32 s0, $0x1;
	[dreg:$0x4] =	wrdreg s20  }
0x14: {  	[dreg:$0x7] =	wrdreg s24;
	s5 =	sadd.s32 s5, s1;
	s1 =	sadd.s32 s8, s1  }
0x15: {  	s8 =	sadd.s32 s25, s2;
	[dreg:$0xc] =	wrdreg s0;
	s25 =	simm.s32 $0x200  }
0x16: {  	s20 =	simm.s32 $0x3;
	s26 =	sshrl.u32 s7, $0x3;
	[dreg:$0x8] =	wrdreg s25  }
0x17: {  	s24 =	simm.s32 $0x4;
	s1 =	sadd.s32 $0x27CE00, s1;
	[dreg:$0xe] =	wrdreg s26  }
0x18: {  	s0 =	simm.s32 $0x680;
	s5 =	sadd.s32 $0x94A00, s5;
	[dreg:$0xb] =	wrdreg s1  }
0x19: {  	s7 =	simm.s32 $0x780;
	s21 =	sshrl.u32 s8, $0x3;
	[dreg:$0x3] =	wrdreg s5  }
0x1a: {  	s26 =	simm.s32 $0x7;
	s8 =	simm.s32 $0x0;
	[dreg:$0xd] =	wrdreg s21  }
0x1b: {  	s21 =	simm.s32 $0x6;
	s1 =	simm.s32 $0x380;
	s5 =	simm.s32 $0x700  }
.LBB2_1:
0x1c: {  	[dreg:$0xf] =	wrdreg s8  }
0x1d: {  	s6 =	rddreg [dreg:$0x9]  }
0x1e: {  	s25 =	rddreg [dreg:$0xd]  }
0x1f: {  	[spmem:s25], [sflag:s9] =	dma.local [hbm:s6], $0x3200  }
0x20: {  	_ =	swait.ge [sflag:s10], $0x3200  }
0x21: {  	[sflag:s10] =	ssyncset.done $0x0  }
0x22: {  	[sflag:s10] =	ssyncadd.s32 $0xFFFFCE00  }
0x23: {  	[bflag:$0x0] =	sbarrier.arrive $0xFFFF  }
0x24: {  	s8 =	rddreg [dreg:$0x3]  }
0x25: {  	s6 =	sadd.s32 $0x0, s8  }
0x26: {  	[tilespmem:s3], [sflag:$0x9] =	stream.linear.gather [hbm4b:s6+s3], $0x400, $0x38;
	[tilespmem:$0x1D800] =	vst v63  }
0x27: {  	_ =	swait.ge [sflag:s10], $0x400  }
0x28: {  	s9 =	rddreg [dreg:$0x4];
	[sflag:s10] =	ssyncset.done $0x0  }
0x29: {  	[sflag:s10] =	ssyncadd.s32 $0xFFFFFC00;
	s6 =	sadd.s32 $0x0, s9  }
0x2a: {  	[tilespmem:s11], [sflag:$0x9] =	stream.linear.gather [hbm4b:s6+s3], $0x400, $0x38;
	[tilespmem:$0x1D800] =	vst v63  }
0x2b: {  	_ =	swait.ge [sflag:s10], $0x400  }
0x2c: {  	[sflag:s10] =	ssyncset.done $0x0  }
0x2d: {  	[sflag:s10] =	ssyncadd.s32 $0xFFFFFC00  }
0x2e: {  	[tilespmem:s13], [sflag:$0x1] =	stream.indirect.gather [hbm4b:s4+s12], $0x20, s3, s12, $0xb8;
	[tilespmem:$0x1D800] =	vst v63  }
0x2f: {  	_ = 	snop  }
0x30: {  	[tilespmem:s14], [sflag:$0x2] =	stream.indirect.gather [hbm4b:s4+s12], $0x20, s12, s12, $0xb8;
	[tilespmem:$0x1D800] =	vst v63  }
0x31: {  	s25 =	rddreg [dreg:$0x5]  }
0x32: {  	[tilespmem:s15], [sflag:$0x3] =	stream.indirect.gather [hbm4b:s4+s12], $0x20, s25, s12, $0xb8;
	[tilespmem:$0x1D800] =	vst v63  }
0x33: {  	_ =	swait.ge [sflag:s16], $0x1000  }
0x34: {  	[sflag:s16] =	ssyncset.done $0x0  }
0x35: {  	[sflag:s16] =	ssyncadd.s32 $0xFFFFF000  }
0x36: {  	[spmem:s2] =	stream.indirect.scatter.add.f32 [tilespmem:s13], [sflag:$0x5], $0x20, s11, s12, $0xb8;
	[tilespmem:$0x1D800] =	vst v63  }
0x37: {  	s8 =	rddreg [dreg:$0x6]  }
0x38: {  	[tilespmem:s17], [sflag:$0x4] =	stream.indirect.gather [hbm4b:s4+s12], $0x20, s8, s12, $0xb8;
	[tilespmem:$0x1D800] =	vst v63  }
0x39: {  	_ =	swait.ge [sflag:s18], $0x1000  }
0x3a: {  	[sflag:s18] =	ssyncset.done $0x0  }
0x3b: {  	[sflag:s18] =	ssyncadd.s32 $0xFFFFF000  }
0x3c: {  	_ =	swait.ge [sflag:s19], $0x1000  }
0x3d: {  	[sflag:s19] =	ssyncset.done $0x0  }
0x3e: {  	s9 =	rddreg [dreg:$0x7];
	[sflag:s19] =	ssyncadd.s32 $0xFFFFF000  }
0x3f: {  	[spmem:s2] =	stream.indirect.scatter.add.f32 [tilespmem:s14], [sflag:$0x6], $0x20, s9, s12, $0xb8;
	[tilespmem:$0x1D800] =	vst v63  }
0x40: {  	s25 =	rddreg [dreg:$0x8]  }
0x41: {  	[tilespmem:s13], [sflag:$0x1] =	stream.indirect.gather [hbm4b:s4+s12], $0x20, s25, s12, $0xb8;
	[tilespmem:$0x1D800] =	vst v63  }
0x42: {  	_ =	swait.ge [sflag:s20], $0x1000  }
0x43: {  	[sflag:s20] =	ssyncset.done $0x0  }
0x44: {  	[sflag:s20] =	ssyncadd.s32 $0xFFFFF000  }
0x45: {  	_ =	swait.ge [sflag:s21], $0x1000  }
0x46: {  	[sflag:s21] =	ssyncset.done $0x0  }
0x47: {  	[sflag:s21] =	ssyncadd.s32 $0xFFFFF000  }
0x48: {  	[spmem:s2] =	stream.indirect.scatter.add.f32 [tilespmem:s15], [sflag:$0x7], $0x20, s22, s12, $0xb8;
	[tilespmem:$0x1D800] =	vst v63  }
0x49: {  	_ = 	snop  }
0x4a: {  	[tilespmem:s14], [sflag:$0x2] =	stream.indirect.gather [hbm4b:s4+s12], $0x20, s23, s12, $0xb8;
	[tilespmem:$0x1D800] =	vst v63  }
0x4b: {  	_ =	swait.ge [sflag:s24], $0x1000  }
0x4c: {  	[sflag:s24] =	ssyncset.done $0x0  }
0x4d: {  	[sflag:s24] =	ssyncadd.s32 $0xFFFFF000  }
0x4e: {  	_ =	swait.ge [sflag:s26], $0x1000  }
0x4f: {  	[sflag:s26] =	ssyncset.done $0x0  }
0x50: {  	[sflag:s26] =	ssyncadd.s32 $0xFFFFF000  }
0x51: {  	[spmem:s2] =	stream.indirect.scatter.add.f32 [tilespmem:s17], [sflag:$0x8], $0x20, s28, s12, $0xb8;
	[tilespmem:$0x1D800] =	vst v63  }
0x52: {  	_ = 	snop  }
0x53: {  	[tilespmem:s15], [sflag:$0x3] =	stream.indirect.gather [hbm4b:s4+s12], $0x20, s29, s12, $0xb8;
	[tilespmem:$0x1D800] =	vst v63  }
0x54: {  	_ =	swait.ge [sflag:s16], $0x1000  }
0x55: {  	[sflag:s16] =	ssyncset.done $0x0  }
0x56: {  	[sflag:s16] =	ssyncadd.s32 $0xFFFFF000  }
0x57: {  	_ =	swait.ge [sflag:s30], $0x1000  }
0x58: {  	[sflag:s30] =	ssyncset.done $0x0  }
0x59: {  	[sflag:s30] =	ssyncadd.s32 $0xFFFFF000  }
0x5a: {  	[spmem:s2] =	stream.indirect.scatter.add.f32 [tilespmem:s13], [sflag:$0x5], $0x20, s31, s12, $0xb8;
	[tilespmem:$0x1D800] =	vst v63  }
0x5b: {  	_ = 	snop  }
0x5c: {  	[tilespmem:s17], [sflag:$0x4] =	stream.indirect.gather [hbm4b:s4+s12], $0x20, s1, s12, $0xb8;
	[tilespmem:$0x1D800] =	vst v63  }
0x5d: {  	_ =	swait.ge [sflag:s18], $0x1000  }
0x5e: {  	[sflag:s18] =	ssyncset.done $0x0  }
0x5f: {  	[sflag:s18] =	ssyncadd.s32 $0xFFFFF000  }
0x60: {  	_ =	swait.ge [sflag:s19], $0x1000  }
0x61: {  	[sflag:s19] =	ssyncset.done $0x0  }
0x62: {  	[sflag:s19] =	ssyncadd.s32 $0xFFFFF000  }
0x63: {  	[spmem:s2] =	stream.indirect.scatter.add.f32 [tilespmem:s14], [sflag:$0x6], $0x20, s0, s12, $0xb8;
	[tilespmem:$0x1D800] =	vst v63  }
0x64: {  	_ =	swait.ge [sflag:s20], $0x1000  }
0x65: {  	[sflag:s20] =	ssyncset.done $0x0  }
0x66: {  	[sflag:s20] =	ssyncadd.s32 $0xFFFFF000  }
0x67: {  	_ =	swait.ge [sflag:s21], $0x1000  }
0x68: {  	[sflag:s21] =	ssyncset.done $0x0  }
0x69: {  	[sflag:s21] =	ssyncadd.s32 $0xFFFFF000  }
0x6a: {  	[spmem:s2] =	stream.indirect.scatter.add.f32 [tilespmem:s15], [sflag:$0x7], $0x20, s5, s12, $0xb8;
	[tilespmem:$0x1D800] =	vst v63  }
0x6b: {  	_ =	swait.ge [sflag:s24], $0x1000  }
0x6c: {  	[sflag:s24] =	ssyncset.done $0x0  }
0x6d: {  	[sflag:s24] =	ssyncadd.s32 $0xFFFFF000  }
0x6e: {  	_ =	swait.ge [sflag:s26], $0x1000  }
0x6f: {  	[sflag:s26] =	ssyncset.done $0x0  }
0x70: {  	[sflag:s26] =	ssyncadd.s32 $0xFFFFF000  }
0x71: {  	[spmem:s2] =	stream.indirect.scatter.add.f32 [tilespmem:s17], [sflag:$0x8], $0x20, s7, s12, $0xb8;
	[tilespmem:$0x1D800] =	vst v63  }
0x72: {  	s9 =	simm.s32 $0x80;
	_ =	swait.ge [sflag:s30], $0x1000  }
0x73: {  	s25 =	simm.s32 $0x100;
	s6 =	rddreg [dreg:$0x3];
	[sflag:s30] =	ssyncset.done $0x0  }
.LBB2_2:
0x74: {  	[sflag:s30] =	ssyncadd.s32 $0xFFFFF000;
	s6 =	sadd.s32 s9, s6  }
0x75: {  	[tilespmem:s3], [sflag:$0x9] =	stream.linear.gather [hbm4b:s6+s3], $0x400, $0x38;
	[tilespmem:$0x1D800] =	vst v63  }
0x76: {  	_ =	swait.ge [sflag:s10], $0x400  }
0x77: {  	s6 =	rddreg [dreg:$0x4];
	[sflag:s10] =	ssyncset.done $0x0  }
0x78: {  	[sflag:s10] =	ssyncadd.s32 $0xFFFFFC00;
	s6 =	sadd.s32 s9, s6  }
0x79: {  	[tilespmem:s11], [sflag:$0x9] =	stream.linear.gather [hbm4b:s6+s3], $0x400, $0x38;
	[tilespmem:$0x1D800] =	vst v63  }
0x7a: {  	_ =	swait.ge [sflag:s10], $0x400  }
0x7b: {  	[sflag:s10] =	ssyncset.done $0x0  }
0x7c: {  	[sflag:s10] =	ssyncadd.s32 $0xFFFFFC00  }
0x7d: {  	[tilespmem:s13], [sflag:$0x1] =	stream.indirect.gather [hbm4b:s4+s12], $0x20, s3, s12, $0xb8;
	[tilespmem:$0x1D800] =	vst v63  }
0x7e: {  	s8 =	smov.u32 s25  }
0x7f: {  	[tilespmem:s14], [sflag:$0x2] =	stream.indirect.gather [hbm4b:s4+s12], $0x20, s12, s12, $0xb8;
	[tilespmem:$0x1D800] =	vst v63  }
0x80: {  	s9 =	smov.u32 s8;
	s8 =	rddreg [dreg:$0x5]  }
0x81: {  	[tilespmem:s15], [sflag:$0x3] =	stream.indirect.gather [hbm4b:s4+s12], $0x20, s8, s12, $0xb8;
	[tilespmem:$0x1D800] =	vst v63  }
0x82: {  	_ =	swait.ge [sflag:s16], $0x1000  }
0x83: {  	[sflag:s16] =	ssyncset.done $0x0  }
0x84: {  	[sflag:s16] =	ssyncadd.s32 $0xFFFFF000  }
0x85: {  	[spmem:s2] =	stream.indirect.scatter.add.f32 [tilespmem:s13], [sflag:$0x5], $0x20, s11, s12, $0xb8;
	[tilespmem:$0x1D800] =	vst v63  }
0x86: {  	s8 =	rddreg [dreg:$0x6]  }
0x87: {  	[tilespmem:s17], [sflag:$0x4] =	stream.indirect.gather [hbm4b:s4+s12], $0x20, s8, s12, $0xb8;
	[tilespmem:$0x1D800] =	vst v63  }
0x88: {  	_ =	swait.ge [sflag:s18], $0x1000  }
0x89: {  	[sflag:s18] =	ssyncset.done $0x0  }
0x8a: {  	[sflag:s18] =	ssyncadd.s32 $0xFFFFF000  }
0x8b: {  	_ =	swait.ge [sflag:s19], $0x1000  }
0x8c: {  	[sflag:s19] =	ssyncset.done $0x0  }
0x8d: {  	s6 =	rddreg [dreg:$0x7];
	[sflag:s19] =	ssyncadd.s32 $0xFFFFF000  }
0x8e: {  	[spmem:s2] =	stream.indirect.scatter.add.f32 [tilespmem:s14], [sflag:$0x6], $0x20, s6, s12, $0xb8;
	[tilespmem:$0x1D800] =	vst v63  }
0x8f: {  	s8 =	rddreg [dreg:$0x8]  }
0x90: {  	[tilespmem:s13], [sflag:$0x1] =	stream.indirect.gather [hbm4b:s4+s12], $0x20, s8, s12, $0xb8;
	[tilespmem:$0x1D800] =	vst v63  }
0x91: {  	_ =	swait.ge [sflag:s20], $0x1000  }
0x92: {  	[sflag:s20] =	ssyncset.done $0x0  }
0x93: {  	[sflag:s20] =	ssyncadd.s32 $0xFFFFF000  }
0x94: {  	_ =	swait.ge [sflag:s21], $0x1000  }
0x95: {  	[sflag:s21] =	ssyncset.done $0x0  }
0x96: {  	[sflag:s21] =	ssyncadd.s32 $0xFFFFF000  }
0x97: {  	[spmem:s2] =	stream.indirect.scatter.add.f32 [tilespmem:s15], [sflag:$0x7], $0x20, s22, s12, $0xb8;
	[tilespmem:$0x1D800] =	vst v63  }
0x98: {  	_ = 	snop  }
0x99: {  	[tilespmem:s14], [sflag:$0x2] =	stream.indirect.gather [hbm4b:s4+s12], $0x20, s23, s12, $0xb8;
	[tilespmem:$0x1D800] =	vst v63  }
0x9a: {  	_ =	swait.ge [sflag:s24], $0x1000  }
0x9b: {  	[sflag:s24] =	ssyncset.done $0x0  }
0x9c: {  	[sflag:s24] =	ssyncadd.s32 $0xFFFFF000  }
0x9d: {  	_ =	swait.ge [sflag:s26], $0x1000  }
0x9e: {  	[sflag:s26] =	ssyncset.done $0x0  }
0x9f: {  	[sflag:s26] =	ssyncadd.s32 $0xFFFFF000  }
0xa0: {  	[spmem:s2] =	stream.indirect.scatter.add.f32 [tilespmem:s17], [sflag:$0x8], $0x20, s28, s12, $0xb8;
	[tilespmem:$0x1D800] =	vst v63  }
0xa1: {  	_ = 	snop  }
0xa2: {  	[tilespmem:s15], [sflag:$0x3] =	stream.indirect.gather [hbm4b:s4+s12], $0x20, s29, s12, $0xb8;
	[tilespmem:$0x1D800] =	vst v63  }
0xa3: {  	_ =	swait.ge [sflag:s16], $0x1000  }
0xa4: {  	[sflag:s16] =	ssyncset.done $0x0  }
0xa5: {  	[sflag:s16] =	ssyncadd.s32 $0xFFFFF000  }
0xa6: {  	_ =	swait.ge [sflag:s30], $0x1000  }
0xa7: {  	[sflag:s30] =	ssyncset.done $0x0  }
0xa8: {  	[sflag:s30] =	ssyncadd.s32 $0xFFFFF000  }
0xa9: {  	[spmem:s2] =	stream.indirect.scatter.add.f32 [tilespmem:s13], [sflag:$0x5], $0x20, s31, s12, $0xb8;
	[tilespmem:$0x1D800] =	vst v63  }
0xaa: {  	_ = 	snop  }
0xab: {  	[tilespmem:s17], [sflag:$0x4] =	stream.indirect.gather [hbm4b:s4+s12], $0x20, s1, s12, $0xb8;
	[tilespmem:$0x1D800] =	vst v63  }
0xac: {  	_ =	swait.ge [sflag:s18], $0x1000  }
0xad: {  	[sflag:s18] =	ssyncset.done $0x0  }
0xae: {  	[sflag:s18] =	ssyncadd.s32 $0xFFFFF000  }
0xaf: {  	_ =	swait.ge [sflag:s19], $0x1000  }
0xb0: {  	[sflag:s19] =	ssyncset.done $0x0  }
0xb1: {  	[sflag:s19] =	ssyncadd.s32 $0xFFFFF000  }
0xb2: {  	[spmem:s2] =	stream.indirect.scatter.add.f32 [tilespmem:s14], [sflag:$0x6], $0x20, s0, s12, $0xb8;
	[tilespmem:$0x1D800] =	vst v63  }
0xb3: {  	_ =	swait.ge [sflag:s20], $0x1000  }
0xb4: {  	[sflag:s20] =	ssyncset.done $0x0  }
0xb5: {  	[sflag:s20] =	ssyncadd.s32 $0xFFFFF000  }
0xb6: {  	_ =	swait.ge [sflag:s21], $0x1000  }
0xb7: {  	[sflag:s21] =	ssyncset.done $0x0  }
0xb8: {  	[sflag:s21] =	ssyncadd.s32 $0xFFFFF000  }
0xb9: {  	[spmem:s2] =	stream.indirect.scatter.add.f32 [tilespmem:s15], [sflag:$0x7], $0x20, s5, s12, $0xb8;
	[tilespmem:$0x1D800] =	vst v63  }
0xba: {  	_ =	swait.ge [sflag:s24], $0x1000  }
0xbb: {  	[sflag:s24] =	ssyncset.done $0x0  }
0xbc: {  	[sflag:s24] =	ssyncadd.s32 $0xFFFFF000  }
0xbd: {  	p0 =	sne.s32 s25, $0x1800;
	_ =	swait.ge [sflag:s26], $0x1000  }
.Ltmp0:
0xbe: {  	[sflag:s26] =	ssyncset.done $0x0;
	(pc) =	sbr.rel @p0 .LBB2_2-.Ltmp0, $4  }
0xbf: {  	[sflag:s26] =	ssyncadd.s32 $0xFFFFF000  }
0xc0: {  	[spmem:s2] =	stream.indirect.scatter.add.f32 [tilespmem:s17], [sflag:$0x8], $0x20, s7, s12, $0xb8;
	[tilespmem:$0x1D800] =	vst v63  }
0xc1: {  	_ =	swait.ge [sflag:s30], $0x1000  }
0xc2: {  	s25 =	sadd.s32 $0x80, s25;
	s6 =	rddreg [dreg:$0x3];
	[sflag:s30] =	ssyncset.done $0x0  }
0xc3: {  	[sflag:s30] =	ssyncadd.s32 $0xFFFFF000;
	s6 =	sadd.s32 s9, s6  }
0xc4: {  	[tilespmem:s3], [sflag:$0x9] =	stream.linear.gather [hbm4b:s6+s3], $0x400, $0x38;
	[tilespmem:$0x1D800] =	vst v63  }
0xc5: {  	_ =	swait.ge [sflag:s10], $0x400  }
0xc6: {  	s25 =	rddreg [dreg:$0x4];
	[sflag:s10] =	ssyncset.done $0x0  }
0xc7: {  	[sflag:s10] =	ssyncadd.s32 $0xFFFFFC00;
	s6 =	sadd.s32 s9, s25  }
0xc8: {  	[tilespmem:s11], [sflag:$0x9] =	stream.linear.gather [hbm4b:s6+s3], $0x400, $0x38;
	[tilespmem:$0x1D800] =	vst v63  }
0xc9: {  	_ =	swait.ge [sflag:s10], $0x400  }
0xca: {  	[sflag:s10] =	ssyncset.done $0x0  }
0xcb: {  	[sflag:s10] =	ssyncadd.s32 $0xFFFFFC00  }
0xcc: {  	[tilespmem:s13], [sflag:$0x1] =	stream.indirect.gather [hbm4b:s4+s12], $0x20, s3, s12, $0xb8;
	[tilespmem:$0x1D800] =	vst v63  }
0xcd: {  	_ = 	snop  }
0xce: {  	[tilespmem:s14], [sflag:$0x2] =	stream.indirect.gather [hbm4b:s4+s12], $0x20, s12, s12, $0xb8;
	[tilespmem:$0x1D800] =	vst v63  }
0xcf: {  	s8 =	rddreg [dreg:$0x5]  }
0xd0: {  	[tilespmem:s15], [sflag:$0x3] =	stream.indirect.gather [hbm4b:s4+s12], $0x20, s8, s12, $0xb8;
	[tilespmem:$0x1D800] =	vst v63  }
0xd1: {  	_ =	swait.ge [sflag:s16], $0x1000  }
0xd2: {  	[sflag:s16] =	ssyncset.done $0x0  }
0xd3: {  	[sflag:s16] =	ssyncadd.s32 $0xFFFFF000  }
0xd4: {  	[spmem:s2] =	stream.indirect.scatter.add.f32 [tilespmem:s13], [sflag:$0x5], $0x20, s11, s12, $0xb8;
	[tilespmem:$0x1D800] =	vst v63  }
0xd5: {  	s9 =	rddreg [dreg:$0x6]  }
0xd6: {  	[tilespmem:s17], [sflag:$0x4] =	stream.indirect.gather [hbm4b:s4+s12], $0x20, s9, s12, $0xb8;
	[tilespmem:$0x1D800] =	vst v63  }
0xd7: {  	_ =	swait.ge [sflag:s18], $0x1000  }
0xd8: {  	[sflag:s18] =	ssyncset.done $0x0  }
0xd9: {  	[sflag:s18] =	ssyncadd.s32 $0xFFFFF000  }
0xda: {  	_ =	swait.ge [sflag:s19], $0x1000  }
0xdb: {  	[sflag:s19] =	ssyncset.done $0x0  }
0xdc: {  	s25 =	rddreg [dreg:$0x7];
	[sflag:s19] =	ssyncadd.s32 $0xFFFFF000  }
0xdd: {  	[spmem:s2] =	stream.indirect.scatter.add.f32 [tilespmem:s14], [sflag:$0x6], $0x20, s25, s12, $0xb8;
	[tilespmem:$0x1D800] =	vst v63  }
0xde: {  	s8 =	rddreg [dreg:$0x8]  }
0xdf: {  	[tilespmem:s13], [sflag:$0x1] =	stream.indirect.gather [hbm4b:s4+s12], $0x20, s8, s12, $0xb8;
	[tilespmem:$0x1D800] =	vst v63  }
0xe0: {  	_ =	swait.ge [sflag:s20], $0x1000  }
0xe1: {  	[sflag:s20] =	ssyncset.done $0x0  }
0xe2: {  	[sflag:s20] =	ssyncadd.s32 $0xFFFFF000  }
0xe3: {  	_ =	swait.ge [sflag:s21], $0x1000  }
0xe4: {  	[sflag:s21] =	ssyncset.done $0x0  }
0xe5: {  	[sflag:s21] =	ssyncadd.s32 $0xFFFFF000  }
0xe6: {  	[spmem:s2] =	stream.indirect.scatter.add.f32 [tilespmem:s15], [sflag:$0x7], $0x20, s22, s12, $0xb8;
	[tilespmem:$0x1D800] =	vst v63  }
0xe7: {  	_ = 	snop  }
0xe8: {  	[tilespmem:s14], [sflag:$0x2] =	stream.indirect.gather [hbm4b:s4+s12], $0x20, s23, s12, $0xb8;
	[tilespmem:$0x1D800] =	vst v63  }
0xe9: {  	_ =	swait.ge [sflag:s24], $0x1000  }
0xea: {  	[sflag:s24] =	ssyncset.done $0x0  }
0xeb: {  	[sflag:s24] =	ssyncadd.s32 $0xFFFFF000  }
0xec: {  	_ =	swait.ge [sflag:s26], $0x1000  }
0xed: {  	[sflag:s26] =	ssyncset.done $0x0  }
0xee: {  	[sflag:s26] =	ssyncadd.s32 $0xFFFFF000  }
0xef: {  	[spmem:s2] =	stream.indirect.scatter.add.f32 [tilespmem:s17], [sflag:$0x8], $0x20, s28, s12, $0xb8;
	[tilespmem:$0x1D800] =	vst v63  }
0xf0: {  	_ = 	snop  }
0xf1: {  	[tilespmem:s15], [sflag:$0x3] =	stream.indirect.gather [hbm4b:s4+s12], $0x20, s29, s12, $0xb8;
	[tilespmem:$0x1D800] =	vst v63  }
0xf2: {  	_ =	swait.ge [sflag:s16], $0x1000  }
0xf3: {  	[sflag:s16] =	ssyncset.done $0x0  }
0xf4: {  	[sflag:s16] =	ssyncadd.s32 $0xFFFFF000  }
0xf5: {  	_ =	swait.ge [sflag:s30], $0x1000  }
0xf6: {  	[sflag:s30] =	ssyncset.done $0x0  }
0xf7: {  	[sflag:s30] =	ssyncadd.s32 $0xFFFFF000  }
0xf8: {  	[spmem:s2] =	stream.indirect.scatter.add.f32 [tilespmem:s13], [sflag:$0x5], $0x20, s31, s12, $0xb8;
	[tilespmem:$0x1D800] =	vst v63  }
0xf9: {  	_ = 	snop  }
0xfa: {  	[tilespmem:s17], [sflag:$0x4] =	stream.indirect.gather [hbm4b:s4+s12], $0x20, s1, s12, $0xb8;
	[tilespmem:$0x1D800] =	vst v63  }
0xfb: {  	_ =	swait.ge [sflag:s18], $0x1000  }
0xfc: {  	[sflag:s18] =	ssyncset.done $0x0  }
0xfd: {  	[sflag:s18] =	ssyncadd.s32 $0xFFFFF000  }
0xfe: {  	_ =	swait.ge [sflag:s19], $0x1000  }
0xff: {  	[sflag:s19] =	ssyncset.done $0x0  }
0x100: {  	[sflag:s19] =	ssyncadd.s32 $0xFFFFF000  }
0x101: {  	[spmem:s2] =	stream.indirect.scatter.add.f32 [tilespmem:s14], [sflag:$0x6], $0x20, s0, s12, $0xb8;
	[tilespmem:$0x1D800] =	vst v63  }
0x102: {  	_ =	swait.ge [sflag:s20], $0x1000  }
0x103: {  	[sflag:s20] =	ssyncset.done $0x0  }
0x104: {  	[sflag:s20] =	ssyncadd.s32 $0xFFFFF000  }
0x105: {  	_ =	swait.ge [sflag:s21], $0x1000  }
0x106: {  	[sflag:s21] =	ssyncset.done $0x0  }
0x107: {  	[sflag:s21] =	ssyncadd.s32 $0xFFFFF000  }
0x108: {  	[spmem:s2] =	stream.indirect.scatter.add.f32 [tilespmem:s15], [sflag:$0x7], $0x20, s5, s12, $0xb8;
	[tilespmem:$0x1D800] =	vst v63  }
0x109: {  	_ =	swait.ge [sflag:s24], $0x1000  }
0x10a: {  	[sflag:s24] =	ssyncset.done $0x0  }
0x10b: {  	[sflag:s24] =	ssyncadd.s32 $0xFFFFF000  }
0x10c: {  	_ =	swait.ge [sflag:s26], $0x1000  }
0x10d: {  	[sflag:s26] =	ssyncset.done $0x0  }
0x10e: {  	[sflag:s26] =	ssyncadd.s32 $0xFFFFF000  }
0x10f: {  	[spmem:s2] =	stream.indirect.scatter.add.f32 [tilespmem:s17], [sflag:$0x8], $0x20, s7, s12, $0xb8;
	[tilespmem:$0x1D800] =	vst v63  }
0x110: {  	_ =	swait.ge [sflag:s30], $0x1000  }
0x111: {  	[sflag:s30] =	ssyncset.done $0x0  }
0x112: {  	[sflag:s30] =	ssyncadd.s32 $0xFFFFF000  }
0x113: {  	[bflag:$0x0] =	sbarrier.arrive $0xFFFF  }
0x114: {  	s9 =	rddreg [dreg:$0xa]  }
0x115: {  	s8 =	rddreg [dreg:$0xb]  }
0x116: {  	s25 =	rddreg [dreg:$0xe]  }
0x117: {  	[hbm:s8], [sflag:s9] =	dma.local [spmem:s25], $0x30E0  }
0x118: {  	_ =	swait.ge [sflag:s10], $0x30E0  }
0x119: {  	s6 =	rddreg [dreg:$0xf]  }
0x11a: {  	s25 =	rddreg [dreg:$0xc];
	s8 =	sadd.s32 $0x1, s6  }
0x11b: {  	p0 =	sne.s32 s8, s25  }
.Ltmp1:
0x11c: {  	_ = 	snop;
	(pc) =	sbr.rel @p0 .LBB2_1-.Ltmp1, $3  }
0x11d: {  	_ =	sdelay $0x1  }
0x11e: {  	[sflag:s10] =	ssyncset.done $0x0  }
0x11f: {  	[sflag:s10] =	ssyncadd.s32 $0xFFFFCF20  }
0x120: {  	_ =	sfence.sel $0x180000  }
0x121: {  	[bflag:$0x0] =	sbarrier.arrive $0xFFFF  }
0x122: {  	_ =	strace $0x9000004D  }
0x123: {  	s0 =	stileid.u32;
	[bflag:$0x2] =	sbarrier.arrive $0xFFFF  }
0x124: {  	p0 =	sne.s32 s0, $0x0;
	s0 =	rddreg [dreg:$0x2]  }
0x125: {  	s0 =	sadd.s32 @!p0 $0x100000, s0  }
0x126: {  	[sflag:s0] =	ssyncadd.tile.s32 @!p0 $0x1;
	_ =	shalt  }
.Lfunc_end2:
_tile_overlayer_lowered:
.L_overlay_start_2:
0x127: {  	(tag) =	ssettag $0x2  }
0x128: {  	s0 =	rddreg [dreg:$0x0];
	s2 =	stileid.u32  }
0x129: {  	s1 =	rddreg [dreg:$0x1];
	p0 =	sne.s32 s2, $0x0  }
0x12a: {  	s3 =	rddreg [dreg:$0x2];
	[bflag:$0x3] =	sbarrier.arrive $0xFFFF;
	s2 =	simm.s32 @!p0 $0x1C09  }
0x12b: {  	[timem:s3], [sflag:s2] =	dma.local @!p0 [hbm:s0], s1  }
0x12c: {  	s0 =	simm.s32 @!p0 $0x9  }
0x12d: {  	_ =	swait.ge @!p0 [sflag:s0], s1  }
0x12e: {  	s1 =	ssub.s32 @!p0 $0x0, s1;
	[sflag:s0] =	ssyncset.done @!p0 $0x0  }
0x12f: {  	[sflag:s0] =	ssyncadd.s32 @!p0 s1  }
0x130: {  	[bflag:$0x3] =	sbarrier.arrive $0xFFFF  }
0x131: {  	_ =	shalt  }

// kernel: kernel.21.cloned.1.call-start
scs
__scs_entry_jumppad:
0x0: {  	(pc) =	sbr.rel $0x88, $3  }
0x1: {  	(tag) =	ssettag $0x0;
	lr =	simm.s32 $0x1  }
0x2: {  	[smem:$0x3F8F] =	sst lr;
	_ =	strace $0xD0000000  }
0x3: {  	_ = 	snop  }
0x4: {  	_ = 	snop  }
0x5: {  	_ = 	snop  }
0x6: {  	_ = 	snop  }
0x7: {  	_ = 	snop  }
__scs_overlays_trampoline_lowered:
0x8: {  	[smem:$0x3F9E] =	sst s0  }
0x9: {  	[smem:$0x3F9F] =	sst s1  }
0xa: {  	[smem:$0x3FA0] =	sst s2  }
0xb: {  	[smem:$0x3FA1] =	sst s3  }
0xc: {  	[smem:$0x3FA2] =	sst s4  }
0xd: {  	[smem:$0x3FA3] =	sst s5  }
0xe: {  	[smem:$0x3FA4] =	sst s6  }
0xf: {  	[smem:$0x3FA5] =	sst s7  }
0x10: {  	[smem:$0x3FA6] =	sst s8  }
0x11: {  	[smem:$0x3FA7] =	sst s9;
	s0 =	simm.s32 @!p0 $0x0  }
0x12: {  	s1 =	sld [smem:$0x3F8D];
	s0 =	simm.s32 @p0 $0x1  }
0x13: {  	[smem:$0x3FA8] =	sst s0;
	s0 =	simm.s32 @!p1 $0x0  }
0x14: {  	s2 =	sld [smem:$0x3F8C];
	s0 =	simm.s32 @p1 $0x1  }
0x15: {  	[smem:$0x3FA9] =	sst s0;
	s0 =	simm.s32 @!p2 $0x0  }
0x16: {  	s3 =	sld [smem:$0x3FDB];
	s0 =	simm.s32 @p2 $0x1  }
0x17: {  	s4 =	simm.s32 $0x1BF5;
	[smem:$0x3FAB] =	sst s0  }
0x18: {  	s0 =	sld [smem:$0x3F8E];
	_ =	swait.ge [sflag:s4], $0x0  }
0x19: {  	s7 =	sld [smem:$0x3F8F]  }
0x1a: {  	s8 =	sadd.s32 $0xFFFFE003, lr  }
0x1b: {  	s9 =	sadd.s32 $0xFFFFFEF7, lr;
	s5 =	simm.s32 $0xFFFFFFFF;
	p2 =	slt.u32 s8, $0xFFFFF086  }
0x1c: {  	p1 =	slt.u32 s9, $0xF7A;
	s5 =	simm.s32 @!p2 $0x0  }
0x1d: {  	s5 =	simm.s32 @p1 $0x1;
	p0 =	seq.s32 s7, s2  }
0x1e: {  	s7 =	smul.u32 @!p0 $0xF7A, s2;
	p2 =	seq.s32 @!p0 s5, $0x0  }
0x1f: {  	s9 =	smul.u32 $0xF7A, s1;
	s8 =	simm.s32 @!p0 $0x1BF5;
	p2 =	por !p2, p0  }
0x20: {  	[sflag:s8] =	ssyncset.s32 @!p0 $0xFFFFF086;
	s6 =	sadd.s32 @!p0 s3, s7;
	s7 =	simm.s32 @!p0 $0x108  }
0x21: {  	s3 =	sadd.s32 s3, s9;
	s6 =	sadd.s32 @!p0 $0x88, s6;
	s7 =	simm.s32 @p2 $0x1082  }
0x22: {  	[simem:s7], [sflag:s8] =	dma.local @!p0 [hbm:s6], $0xF7A  }
0x23: {  	s9 =	sor.u32 $0xD0000000, s2;
	s6 =	simm.s32 $0x108;
	_ =	swait.ge @!p0 [sflag:s8], $0x0  }
0x24: {  	s3 =	sadd.s32 $0x88, s3;
	s6 =	simm.s32 @!p1 $0x1082;
	[sflag:s4] =	ssyncset.s32 $0xFFFFF086  }
0x25: {  	[simem:s6], [sflag:s4] =	dma.local [hbm:s3], $0xF7A  }
0x26: {  	[smem:$0x3F8F] =	sst s1;
	(tag) =	ssettag s2;
	_ =	strace s9  }
0x27: {  	s1 =	sld [smem:$0x3F9F]  }
0x28: {  	s2 =	sld [smem:$0x3FA0]  }
0x29: {  	s4 =	sld [smem:$0x3FA2]  }
0x2a: {  	p0 =	seq.s32 s5, $0x0;
	s5 =	sld [smem:$0x3FA3]  }
0x2b: {  	s6 =	sld [smem:$0x3FA4]  }
0x2c: {  	s7 =	sld [smem:$0x3FA5]  }
0x2d: {  	s3 =	simm.s32 $0x108;
	s8 =	sld [smem:$0x3FA6]  }
0x2e: {  	s3 =	simm.s32 @!p0 $0x1082;
	s9 =	sld [smem:$0x3FA7]  }
0x2f: {  	lr =	sadd.s32 s0, s3;
	s0 =	sld [smem:$0x3F9E]  }
0x30: {  	s3 =	sld [smem:$0x3FA1]  }
0x31: {  	[smem:$0x3FAA] =	sst s10  }
0x32: {  	s10 =	sld [smem:$0x3FA8];
	_ =	sdelay $0x3  }
0x33: {  	p0 =	seq.s32 s10, $0x1;
	s10 =	sld [smem:$0x3FAA];
	_ =	sdelay $0x3  }
0x34: {  	[smem:$0x3FAA] =	sst s10  }
0x35: {  	s10 =	sld [smem:$0x3FA9];
	_ =	sdelay $0x3  }
0x36: {  	p1 =	seq.s32 s10, $0x1;
	s10 =	sld [smem:$0x3FAA];
	_ =	sdelay $0x3  }
0x37: {  	[smem:$0x3FAA] =	sst s10  }
0x38: {  	s10 =	sld [smem:$0x3FAB]  }
0x39: {  	_ = 	snop;
	(pc) =	sbr.ind lr, $3  }
0x3a: {  	_ = 	snop  }
0x3b: {  	_ = 	snop  }
0x3c: {  	p2 =	seq.s32 s10, $0x1;
	s10 =	sld [smem:$0x3FAA]  }
0x3d: {  	_ =	shalt  }
0x3e: {  	_ =	shalt  }
0x3f: {  	_ =	shalt  }
0x40: {  	_ =	shalt  }
0x41: {  	_ =	shalt  }
0x42: {  	_ =	shalt  }
0x43: {  	_ =	shalt  }
0x44: {  	_ =	shalt  }
0x45: {  	_ =	shalt  }
0x46: {  	_ =	shalt  }
0x47: {  	_ =	shalt  }
0x48: {  	_ =	shalt  }
0x49: {  	_ =	shalt  }
0x4a: {  	_ =	shalt  }
0x4b: {  	_ =	shalt  }
0x4c: {  	_ =	shalt  }
0x4d: {  	_ =	shalt  }
0x4e: {  	_ =	shalt  }
0x4f: {  	_ =	shalt  }
0x50: {  	_ =	shalt  }
0x51: {  	_ =	shalt  }
0x52: {  	_ =	shalt  }
0x53: {  	_ =	shalt  }
0x54: {  	_ =	shalt  }
0x55: {  	_ =	shalt  }
0x56: {  	_ =	shalt  }
0x57: {  	_ =	shalt  }
0x58: {  	_ =	shalt  }
0x59: {  	_ =	shalt  }
0x5a: {  	_ =	shalt  }
0x5b: {  	_ =	shalt  }
0x5c: {  	_ =	shalt  }
0x5d: {  	_ =	shalt  }
0x5e: {  	_ =	shalt  }
0x5f: {  	_ =	shalt  }
0x60: {  	_ =	shalt  }
0x61: {  	_ =	shalt  }
0x62: {  	_ =	shalt  }
0x63: {  	_ =	shalt  }
0x64: {  	_ =	shalt  }
0x65: {  	_ =	shalt  }
0x66: {  	_ =	shalt  }
0x67: {  	_ =	shalt  }
0x68: {  	_ =	shalt  }
0x69: {  	_ =	shalt  }
0x6a: {  	_ =	shalt  }
0x6b: {  	_ =	shalt  }
0x6c: {  	_ =	shalt  }
0x6d: {  	_ =	shalt  }
0x6e: {  	_ =	shalt  }
0x6f: {  	_ =	shalt  }
0x70: {  	_ =	shalt  }
0x71: {  	_ =	shalt  }
0x72: {  	_ =	shalt  }
0x73: {  	_ =	shalt  }
0x74: {  	_ =	shalt  }
0x75: {  	_ =	shalt  }
0x76: {  	_ =	shalt  }
0x77: {  	_ =	shalt  }
0x78: {  	_ =	shalt  }
0x79: {  	_ =	shalt  }
0x7a: {  	_ =	shalt  }
0x7b: {  	_ =	shalt  }
0x7c: {  	_ =	shalt  }
0x7d: {  	_ =	shalt  }
0x7e: {  	_ =	shalt  }
0x7f: {  	_ =	shalt  }
0x80: {  	_ =	shalt  }
0x81: {  	_ =	shalt  }
0x82: {  	_ =	shalt  }
0x83: {  	_ =	shalt  }
0x84: {  	_ =	shalt  }
0x85: {  	_ =	shalt  }
0x86: {  	_ =	shalt  }
0x87: {  	_ =	shalt  }
.Lfunc_end0:
.L_simem_size_0:
called_computation.3_lowered:
.L_overlay_start_0:
0x88: {  	s2 =	sld [smem:$0x3FD9]  }
0x89: {  	s3 =	sld [smem:$0x3FFE];
	_ =	sdelay $0x1  }
0x8a: {  	s1 =	srdreg.scid  }
0x8b: {  	s0 =	sand.u32 $0x1, s1  }
0x8c: {  	s16 =	sshll.u32 s0, $0xA;
	s2 =	sadd.s32 s3, s2  }
0x8d: {  	s2 =	sadd.s32 s2, s16  }
0x8e: {  	[smem:$0x3FB6] =	sst s2  }
0x8f: {  	_ = 	snop  }
0x90: {  	(tm) =	ssettm $0x1  }
0x91: {  	s17 =	sld [smem:$0x3FFB];
	_ =	sdelay $0x3  }
0x92: {  	_ =	strace s17  }
0x93: {  	s2 =	sld [smem:$0x3FFC];
	_ =	sdelay $0x3  }
0x94: {  	_ =	strace s2  }
0x95: {  	s2 =	sld [smem:$0x3FFD];
	_ =	sdelay $0x3  }
0x96: {  	_ =	strace s2  }
0x97: {  	_ =	strace $0x8FFFFFFF  }
0x98: {  	s18 =	sld [smem:$0x3FDB];
	_ =	sdelay $0x1  }
0x99: {  	s19 =	simm.s32 $_scs_section_size  }
0x9a: {  	s4 =	simm.s32 $_size__tile_overlayer_lowered;
	s5 =	simm.s32 $_tile_overlayer_lowered  }
0x9b: {  	s22 =	simm.s32 $0x1BFF;
	s21 =	sshll.u32 s5, $0x1;
	s2 =	sadd.s32 s19, s18  }
0x9c: {  	s6 =	simm.s32 $0x0;
	s20 =	sshll.u32 s4, $0x1;
	s4 =	sadd.s32 s21, s2  }
0x9d: {  	[timem:s6], [sflag:s22] =	dma.local [hbm:s4], s20  }
0x9e: {  	_ =	swait.ge [sflag:s22], s20  }
0x9f: {  	s3 =	ssub.s32 $0x0, s20;
	[sflag:s22] =	ssyncset.done $0x0  }
0xa0: {  	[sflag:s22] =	ssyncadd.s32 s3;
	_ =	sdelay $0x1  }
0xa1: {  	s23 =	simm.s32 $0x1B8B  }
0xa2: {  	_ =	swait.ge [sflag:s23], $0x1  }
0xa3: {  	[sflag:s23] =	ssyncset.done $0x0  }
0xa4: {  	s25 =	simm.s32 $0x1B8E;
	s24 =	sld [smem:$0x3FFE];
	[sflag:s23] =	ssyncadd.s32 $0xFFFFFFFF  }
0xa5: {  	s26 =	simm.s32 $execute0_lowered;
	[smem:$0x3FD2] =	sst s25  }
0xa6: {  	s4 =	sshll.u32 s26, $0x1;
	_ =	strace $0x8000004F;
	[dreg:$0x1] =	wrdreg $0xFFFFFFFF  }
0xa7: {  	s28 =	simm.s32 $_size_execute0_lowered;
	s2 =	sadd.s32 s2, s4;
	[dreg:$0x0] =	wrdreg $0x0  }
0xa8: {  	s4 =	sshll.u32 s28, $0x1;
	[dreg:$0x2] =	wrdreg s2  }
0xa9: {  	[dreg:$0x3] =	wrdreg s4  }
0xaa: {  	[dreg:$0x4] =	wrdreg $0xC0  }
0xab: {  	_ =	task [dreg:s6], $0x5FFFF  }
0xac: {  	[dreg:$0x1] =	wrdreg $0xFFFFFFFF  }
0xad: {  	[dreg:$0x0] =	wrdreg $0x60  }
0xae: {  	[dreg:$0x2] =	wrdreg s24  }
0xaf: {  	[dreg:$0x3] =	wrdreg $0x48000  }
0xb0: {  	[dreg:$0x4] =	wrdreg $0x9  }
0xb1: {  	_ =	task.clear_ibuf [dreg:s6], $0x5FFFF;
	_ =	strace $0x9000004F  }
0xb2: {  	s29 =	simm.s32 $0x9;
	_ =	strace $0x80000051  }
0xb3: {  	_ =	swait.ge [sflag:s29], $0x1  }
0xb4: {  	[sflag:s29] =	ssyncadd.s32 $0xFFFFFFFF  }
0xb5: {  	_ =	strace $0x90000051  }
0xb6: {  	_ =	sfence  }
0xb7: {  	s30 =	sld [smem:$0x0];
	_ =	sdelay $0x2  }
0xb8: {  	s31 =	sshll.u32 s1, $0xD;
	s1 =	sshrl.u32 s1, $0x2  }
0xb9: {  	s3 =	sand.u32 $0x4000, s31;
	s1 =	sadd.s32 s1, s30  }
0xba: {  	s0 =	sor.u32 s3, s0;
	s1 =	sshll.u32 s1, $0x11  }
0xbb: {  	s0 =	sor.u32 s1, s0  }
0xbc: {  	s0 =	sadd.s32 $0x8F2B, s0  }
0xbd: {  	[sflag:s0] =	ssyncadd.remote.s32 $0x1  }
0xbe: {  	_ =	sfence.sel $0xFFFF  }
0xbf: {  	[dreg:$0x0] =	wrdreg $0xFFFFFFFF;
	(pc) =	sbr.abs _section_cstart, $3  }
0xc0: {  	[dreg:$0x1] =	wrdreg $0xFFFFFFFF  }
0xc1: {  	_ =	task.clear_ibuf [dreg:s6], $0x2FFFF;
	_ =	strace $0x9FFFFFFF  }
0xc2: {  	(tm) =	ssettm $0x7FFFFFFF  }
0xc3: {  	_ =	shalt  }
tec
execute0_lowered:
.L_overlay_start_1:
0x0: {  	(tag) =	ssettag $0x1  }
0x1: {  	s0 =	srdreg.scid;
	s1 =	rddreg [dreg:$0x0]  }
0x2: {  	s10 =	stileid.u32;
	s2 =	rddreg [dreg:$0x1];
	s3 =	simm.s32 $0x0  }
0x3: {  	s12 =	simm.s32 $0x80;
	s22 =	simm.s32 $0x100;
	s13 =	simm.s32 $0x800  }
0x4: {  	s14 =	simm.s32 $0x1800;
	s15 =	simm.s32 $0x2800;
	s16 =	simm.s32 $0x1  }
0x5: {  	s23 =	simm.s32 $0x180;
	s17 =	simm.s32 $0x3800;
	s18 =	simm.s32 $0x2  }
0x6: {  	s19 =	simm.s32 $0x5;
	s28 =	simm.s32 $0x580;
	s5 =	smul.u32 $0xC400, s10  }
0x7: {  	s29 =	simm.s32 $0x300;
	s30 =	simm.s32 $0x8;
	s6 =	smul.u32 $0x1880, s10  }
0x8: {  	s31 =	simm.s32 $0x600;
	s0 =	sand.u32 $0x1, s0;
	s7 =	smul.u32 $0xC38, s10  }
0x9: {  	[smem:$0x7FF] =	sst s3;
	s9 =	smul.u32 $0x64000, s10;
	s11 =	sadd.s32 $0x1E00, s1  }
0xa: {  	s26 =	sshll.u32 s10, $0x6;
	s10 =	simm.s32 $0x9;
	s4 =	smul.u32 $0xC4000, s0  }
0xb: {  	_ =	strace $0x80000050;
	s8 =	smul.u32 $0xC350, s0;
	[dreg:$0x9] =	wrdreg s11  }
0xc: {  	s0 =	ssub.s32 $0x2, s0;
	s11 =	simm.s32 $0x400;
	[dreg:$0x5] =	wrdreg s22  }
0xd: {  	[dreg:$0x6] =	wrdreg s23;
	s22 =	simm.s32 $0x500;
	s23 =	simm.s32 $0x280  }
0xe: {  	s7 =	smin.u32 s7, $0xB718;
	s6 =	sadd.s32 s6, s1;
	s24 =	sshrl.u32 s0, $0x1  }
0xf: {  	s25 =	sshrl.u32 s9, $0x2;
	s9 =	sor.u32 $0x1C09, s26;
	s5 =	sadd.s32 s4, s5  }
0x10: {  	s4 =	sadd.s32 $0x32E00, s1;
	s8 =	sadd.s32 s8, s7;
	s0 =	ssub.s32 s0, s24  }
0x11: {  	s7 =	sshll.u32 s7, $0x5;
	s20 =	sadd.s32 $0x1A600, s6;
	s24 =	simm.s32 $0x480  }
0x12: {  	[dreg:$0xa] =	wrdreg s9;
	s5 =	sshrl.u32 s5, $0x3;
	s8 =	sshll.u32 s8, $0x2  }
0x13: {  	s7 =	sadd.s32 s7, s2;
	s0 =	smax.u32 s0, $0x1;
	[dreg:$0x4] =	wrdreg s20  }
0x14: {  	[dreg:$0x7] =	wrdreg s24;
	s5 =	sadd.s32 s5, s1;
	s1 =	sadd.s32 s8, s1  }
0x15: {  	s8 =	sadd.s32 s25, s2;
	[dreg:$0xc] =	wrdreg s0;
	s25 =	simm.s32 $0x200  }
0x16: {  	s20 =	simm.s32 $0x3;
	s26 =	sshrl.u32 s7, $0x3;
	[dreg:$0x8] =	wrdreg s25  }
0x17: {  	s24 =	simm.s32 $0x4;
	s1 =	sadd.s32 $0x27CE00, s1;
	[dreg:$0xe] =	wrdreg s26  }
0x18: {  	s0 =	simm.s32 $0x680;
	s5 =	sadd.s32 $0x94A00, s5;
	[dreg:$0xb] =	wrdreg s1  }
0x19: {  	s7 =	simm.s32 $0x780;
	s21 =	sshrl.u32 s8, $0x3;
	[dreg:$0x3] =	wrdreg s5  }
0x1a: {  	s26 =	simm.s32 $0x7;
	s8 =	simm.s32 $0x0;
	[dreg:$0xd] =	wrdreg s21  }
0x1b: {  	s21 =	simm.s32 $0x6;
	s1 =	simm.s32 $0x380;
	s5 =	simm.s32 $0x700  }
.LBB2_1:
0x1c: {  	[dreg:$0xf] =	wrdreg s8  }
0x1d: {  	s6 =	rddreg [dreg:$0x9]  }
0x1e: {  	s25 =	rddreg [dreg:$0xd]  }
0x1f: {  	[spmem:s25], [sflag:s9] =	dma.local [hbm:s6], $0x3200  }
0x20: {  	_ =	swait.ge [sflag:s10], $0x3200  }
0x21: {  	[sflag:s10] =	ssyncset.done $0x0  }
0x22: {  	[sflag:s10] =	ssyncadd.s32 $0xFFFFCE00  }
0x23: {  	[bflag:$0x0] =	sbarrier.arrive $0xFFFF  }
0x24: {  	s8 =	rddreg [dreg:$0x3]  }
0x25: {  	s6 =	sadd.s32 $0x0, s8  }
0x26: {  	[tilespmem:s3], [sflag:$0x9] =	stream.linear.gather [hbm4b:s6+s3], $0x400, $0x38;
	[tilespmem:$0x1D800] =	vst v63  }
0x27: {  	_ =	swait.ge [sflag:s10], $0x400  }
0x28: {  	s9 =	rddreg [dreg:$0x4];
	[sflag:s10] =	ssyncset.done $0x0  }
0x29: {  	[sflag:s10] =	ssyncadd.s32 $0xFFFFFC00;
	s6 =	sadd.s32 $0x0, s9  }
0x2a: {  	[tilespmem:s11], [sflag:$0x9] =	stream.linear.gather [hbm4b:s6+s3], $0x400, $0x38;
	[tilespmem:$0x1D800] =	vst v63  }
0x2b: {  	_ =	swait.ge [sflag:s10], $0x400  }
0x2c: {  	[sflag:s10] =	ssyncset.done $0x0  }
0x2d: {  	[sflag:s10] =	ssyncadd.s32 $0xFFFFFC00  }
0x2e: {  	[tilespmem:s13], [sflag:$0x1] =	stream.indirect.gather [hbm4b:s4+s12], $0x20, s3, s12, $0xb8;
	[tilespmem:$0x1D800] =	vst v63  }
0x2f: {  	_ = 	snop  }
0x30: {  	[tilespmem:s14], [sflag:$0x2] =	stream.indirect.gather [hbm4b:s4+s12], $0x20, s12, s12, $0xb8;
	[tilespmem:$0x1D800] =	vst v63  }
0x31: {  	s25 =	rddreg [dreg:$0x5]  }
0x32: {  	[tilespmem:s15], [sflag:$0x3] =	stream.indirect.gather [hbm4b:s4+s12], $0x20, s25, s12, $0xb8;
	[tilespmem:$0x1D800] =	vst v63  }
0x33: {  	_ =	swait.ge [sflag:s16], $0x1000  }
0x34: {  	[sflag:s16] =	ssyncset.done $0x0  }
0x35: {  	[sflag:s16] =	ssyncadd.s32 $0xFFFFF000  }
0x36: {  	[spmem:s2] =	stream.indirect.scatter.add.f32 [tilespmem:s13], [sflag:$0x5], $0x20, s11, s12, $0xb8;
	[tilespmem:$0x1D800] =	vst v63  }
0x37: {  	s8 =	rddreg [dreg:$0x6]  }
0x38: {  	[tilespmem:s17], [sflag:$0x4] =	stream.indirect.gather [hbm4b:s4+s12], $0x20, s8, s12, $0xb8;
	[tilespmem:$0x1D800] =	vst v63  }
0x39: {  	_ =	swait.ge [sflag:s18], $0x1000  }
0x3a: {  	[sflag:s18] =	ssyncset.done $0x0  }
0x3b: {  	[sflag:s18] =	ssyncadd.s32 $0xFFFFF000  }
0x3c: {  	_ =	swait.ge [sflag:s19], $0x1000  }
0x3d: {  	[sflag:s19] =	ssyncset.done $0x0  }
0x3e: {  	s9 =	rddreg [dreg:$0x7];
	[sflag:s19] =	ssyncadd.s32 $0xFFFFF000  }
0x3f: {  	[spmem:s2] =	stream.indirect.scatter.add.f32 [tilespmem:s14], [sflag:$0x6], $0x20, s9, s12, $0xb8;
	[tilespmem:$0x1D800] =	vst v63  }
0x40: {  	s25 =	rddreg [dreg:$0x8]  }
0x41: {  	[tilespmem:s13], [sflag:$0x1] =	stream.indirect.gather [hbm4b:s4+s12], $0x20, s25, s12, $0xb8;
	[tilespmem:$0x1D800] =	vst v63  }
0x42: {  	_ =	swait.ge [sflag:s20], $0x1000  }
0x43: {  	[sflag:s20] =	ssyncset.done $0x0  }
0x44: {  	[sflag:s20] =	ssyncadd.s32 $0xFFFFF000  }
0x45: {  	_ =	swait.ge [sflag:s21], $0x1000  }
0x46: {  	[sflag:s21] =	ssyncset.done $0x0  }
0x47: {  	[sflag:s21] =	ssyncadd.s32 $0xFFFFF000  }
0x48: {  	[spmem:s2] =	stream.indirect.scatter.add.f32 [tilespmem:s15], [sflag:$0x7], $0x20, s22, s12, $0xb8;
	[tilespmem:$0x1D800] =	vst v63  }
0x49: {  	_ = 	snop  }
0x4a: {  	[tilespmem:s14], [sflag:$0x2] =	stream.indirect.gather [hbm4b:s4+s12], $0x20, s23, s12, $0xb8;
	[tilespmem:$0x1D800] =	vst v63  }
0x4b: {  	_ =	swait.ge [sflag:s24], $0x1000  }
0x4c: {  	[sflag:s24] =	ssyncset.done $0x0  }
0x4d: {  	[sflag:s24] =	ssyncadd.s32 $0xFFFFF000  }
0x4e: {  	_ =	swait.ge [sflag:s26], $0x1000  }
0x4f: {  	[sflag:s26] =	ssyncset.done $0x0  }
0x50: {  	[sflag:s26] =	ssyncadd.s32 $0xFFFFF000  }
0x51: {  	[spmem:s2] =	stream.indirect.scatter.add.f32 [tilespmem:s17], [sflag:$0x8], $0x20, s28, s12, $0xb8;
	[tilespmem:$0x1D800] =	vst v63  }
0x52: {  	_ = 	snop  }
0x53: {  	[tilespmem:s15], [sflag:$0x3] =	stream.indirect.gather [hbm4b:s4+s12], $0x20, s29, s12, $0xb8;
	[tilespmem:$0x1D800] =	vst v63  }
0x54: {  	_ =	swait.ge [sflag:s16], $0x1000  }
0x55: {  	[sflag:s16] =	ssyncset.done $0x0  }
0x56: {  	[sflag:s16] =	ssyncadd.s32 $0xFFFFF000  }
0x57: {  	_ =	swait.ge [sflag:s30], $0x1000  }
0x58: {  	[sflag:s30] =	ssyncset.done $0x0  }
0x59: {  	[sflag:s30] =	ssyncadd.s32 $0xFFFFF000  }
0x5a: {  	[spmem:s2] =	stream.indirect.scatter.add.f32 [tilespmem:s13], [sflag:$0x5], $0x20, s31, s12, $0xb8;
	[tilespmem:$0x1D800] =	vst v63  }
0x5b: {  	_ = 	snop  }
0x5c: {  	[tilespmem:s17], [sflag:$0x4] =	stream.indirect.gather [hbm4b:s4+s12], $0x20, s1, s12, $0xb8;
	[tilespmem:$0x1D800] =	vst v63  }
0x5d: {  	_ =	swait.ge [sflag:s18], $0x1000  }
0x5e: {  	[sflag:s18] =	ssyncset.done $0x0  }
0x5f: {  	[sflag:s18] =	ssyncadd.s32 $0xFFFFF000  }
0x60: {  	_ =	swait.ge [sflag:s19], $0x1000  }
0x61: {  	[sflag:s19] =	ssyncset.done $0x0  }
0x62: {  	[sflag:s19] =	ssyncadd.s32 $0xFFFFF000  }
0x63: {  	[spmem:s2] =	stream.indirect.scatter.add.f32 [tilespmem:s14], [sflag:$0x6], $0x20, s0, s12, $0xb8;
	[tilespmem:$0x1D800] =	vst v63  }
0x64: {  	_ =	swait.ge [sflag:s20], $0x1000  }
0x65: {  	[sflag:s20] =	ssyncset.done $0x0  }
0x66: {  	[sflag:s20] =	ssyncadd.s32 $0xFFFFF000  }
0x67: {  	_ =	swait.ge [sflag:s21], $0x1000  }
0x68: {  	[sflag:s21] =	ssyncset.done $0x0  }
0x69: {  	[sflag:s21] =	ssyncadd.s32 $0xFFFFF000  }
0x6a: {  	[spmem:s2] =	stream.indirect.scatter.add.f32 [tilespmem:s15], [sflag:$0x7], $0x20, s5, s12, $0xb8;
	[tilespmem:$0x1D800] =	vst v63  }
0x6b: {  	_ =	swait.ge [sflag:s24], $0x1000  }
0x6c: {  	[sflag:s24] =	ssyncset.done $0x0  }
0x6d: {  	[sflag:s24] =	ssyncadd.s32 $0xFFFFF000  }
0x6e: {  	_ =	swait.ge [sflag:s26], $0x1000  }
0x6f: {  	[sflag:s26] =	ssyncset.done $0x0  }
0x70: {  	[sflag:s26] =	ssyncadd.s32 $0xFFFFF000  }
0x71: {  	[spmem:s2] =	stream.indirect.scatter.add.f32 [tilespmem:s17], [sflag:$0x8], $0x20, s7, s12, $0xb8;
	[tilespmem:$0x1D800] =	vst v63  }
0x72: {  	s9 =	simm.s32 $0x80;
	_ =	swait.ge [sflag:s30], $0x1000  }
0x73: {  	s25 =	simm.s32 $0x100;
	s6 =	rddreg [dreg:$0x3];
	[sflag:s30] =	ssyncset.done $0x0  }
.LBB2_2:
0x74: {  	[sflag:s30] =	ssyncadd.s32 $0xFFFFF000;
	s6 =	sadd.s32 s9, s6  }
0x75: {  	[tilespmem:s3], [sflag:$0x9] =	stream.linear.gather [hbm4b:s6+s3], $0x400, $0x38;
	[tilespmem:$0x1D800] =	vst v63  }
0x76: {  	_ =	swait.ge [sflag:s10], $0x400  }
0x77: {  	s6 =	rddreg [dreg:$0x4];
	[sflag:s10] =	ssyncset.done $0x0  }
0x78: {  	[sflag:s10] =	ssyncadd.s32 $0xFFFFFC00;
	s6 =	sadd.s32 s9, s6  }
0x79: {  	[tilespmem:s11], [sflag:$0x9] =	stream.linear.gather [hbm4b:s6+s3], $0x400, $0x38;
	[tilespmem:$0x1D800] =	vst v63  }
0x7a: {  	_ =	swait.ge [sflag:s10], $0x400  }
0x7b: {  	[sflag:s10] =	ssyncset.done $0x0  }
0x7c: {  	[sflag:s10] =	ssyncadd.s32 $0xFFFFFC00  }
0x7d: {  	[tilespmem:s13], [sflag:$0x1] =	stream.indirect.gather [hbm4b:s4+s12], $0x20, s3, s12, $0xb8;
	[tilespmem:$0x1D800] =	vst v63  }
0x7e: {  	s8 =	smov.u32 s25  }
0x7f: {  	[tilespmem:s14], [sflag:$0x2] =	stream.indirect.gather [hbm4b:s4+s12], $0x20, s12, s12, $0xb8;
	[tilespmem:$0x1D800] =	vst v63  }
0x80: {  	s9 =	smov.u32 s8;
	s8 =	rddreg [dreg:$0x5]  }
0x81: {  	[tilespmem:s15], [sflag:$0x3] =	stream.indirect.gather [hbm4b:s4+s12], $0x20, s8, s12, $0xb8;
	[tilespmem:$0x1D800] =	vst v63  }
0x82: {  	_ =	swait.ge [sflag:s16], $0x1000  }
0x83: {  	[sflag:s16] =	ssyncset.done $0x0  }
0x84: {  	[sflag:s16] =	ssyncadd.s32 $0xFFFFF000  }
0x85: {  	[spmem:s2] =	stream.indirect.scatter.add.f32 [tilespmem:s13], [sflag:$0x5], $0x20, s11, s12, $0xb8;
	[tilespmem:$0x1D800] =	vst v63  }
0x86: {  	s8 =	rddreg [dreg:$0x6]  }
0x87: {  	[tilespmem:s17], [sflag:$0x4] =	stream.indirect.gather [hbm4b:s4+s12], $0x20, s8, s12, $0xb8;
	[tilespmem:$0x1D800] =	vst v63  }
0x88: {  	_ =	swait.ge [sflag:s18], $0x1000  }
0x89: {  	[sflag:s18] =	ssyncset.done $0x0  }
0x8a: {  	[sflag:s18] =	ssyncadd.s32 $0xFFFFF000  }
0x8b: {  	_ =	swait.ge [sflag:s19], $0x1000  }
0x8c: {  	[sflag:s19] =	ssyncset.done $0x0  }
0x8d: {  	s6 =	rddreg [dreg:$0x7];
	[sflag:s19] =	ssyncadd.s32 $0xFFFFF000  }
0x8e: {  	[spmem:s2] =	stream.indirect.scatter.add.f32 [tilespmem:s14], [sflag:$0x6], $0x20, s6, s12, $0xb8;
	[tilespmem:$0x1D800] =	vst v63  }
0x8f: {  	s8 =	rddreg [dreg:$0x8]  }
0x90: {  	[tilespmem:s13], [sflag:$0x1] =	stream.indirect.gather [hbm4b:s4+s12], $0x20, s8, s12, $0xb8;
	[tilespmem:$0x1D800] =	vst v63  }
0x91: {  	_ =	swait.ge [sflag:s20], $0x1000  }
0x92: {  	[sflag:s20] =	ssyncset.done $0x0  }
0x93: {  	[sflag:s20] =	ssyncadd.s32 $0xFFFFF000  }
0x94: {  	_ =	swait.ge [sflag:s21], $0x1000  }
0x95: {  	[sflag:s21] =	ssyncset.done $0x0  }
0x96: {  	[sflag:s21] =	ssyncadd.s32 $0xFFFFF000  }
0x97: {  	[spmem:s2] =	stream.indirect.scatter.add.f32 [tilespmem:s15], [sflag:$0x7], $0x20, s22, s12, $0xb8;
	[tilespmem:$0x1D800] =	vst v63  }
0x98: {  	_ = 	snop  }
0x99: {  	[tilespmem:s14], [sflag:$0x2] =	stream.indirect.gather [hbm4b:s4+s12], $0x20, s23, s12, $0xb8;
	[tilespmem:$0x1D800] =	vst v63  }
0x9a: {  	_ =	swait.ge [sflag:s24], $0x1000  }
0x9b: {  	[sflag:s24] =	ssyncset.done $0x0  }
0x9c: {  	[sflag:s24] =	ssyncadd.s32 $0xFFFFF000  }
0x9d: {  	_ =	swait.ge [sflag:s26], $0x1000  }
0x9e: {  	[sflag:s26] =	ssyncset.done $0x0  }
0x9f: {  	[sflag:s26] =	ssyncadd.s32 $0xFFFFF000  }
0xa0: {  	[spmem:s2] =	stream.indirect.scatter.add.f32 [tilespmem:s17], [sflag:$0x8], $0x20, s28, s12, $0xb8;
	[tilespmem:$0x1D800] =	vst v63  }
0xa1: {  	_ = 	snop  }
0xa2: {  	[tilespmem:s15], [sflag:$0x3] =	stream.indirect.gather [hbm4b:s4+s12], $0x20, s29, s12, $0xb8;
	[tilespmem:$0x1D800] =	vst v63  }
0xa3: {  	_ =	swait.ge [sflag:s16], $0x1000  }
0xa4: {  	[sflag:s16] =	ssyncset.done $0x0  }
0xa5: {  	[sflag:s16] =	ssyncadd.s32 $0xFFFFF000  }
0xa6: {  	_ =	swait.ge [sflag:s30], $0x1000  }
0xa7: {  	[sflag:s30] =	ssyncset.done $0x0  }
0xa8: {  	[sflag:s30] =	ssyncadd.s32 $0xFFFFF000  }
0xa9: {  	[spmem:s2] =	stream.indirect.scatter.add.f32 [tilespmem:s13], [sflag:$0x5], $0x20, s31, s12, $0xb8;
	[tilespmem:$0x1D800] =	vst v63  }
0xaa: {  	_ = 	snop  }
0xab: {  	[tilespmem:s17], [sflag:$0x4] =	stream.indirect.gather [hbm4b:s4+s12], $0x20, s1, s12, $0xb8;
	[tilespmem:$0x1D800] =	vst v63  }
0xac: {  	_ =	swait.ge [sflag:s18], $0x1000  }
0xad: {  	[sflag:s18] =	ssyncset.done $0x0  }
0xae: {  	[sflag:s18] =	ssyncadd.s32 $0xFFFFF000  }
0xaf: {  	_ =	swait.ge [sflag:s19], $0x1000  }
0xb0: {  	[sflag:s19] =	ssyncset.done $0x0  }
0xb1: {  	[sflag:s19] =	ssyncadd.s32 $0xFFFFF000  }
0xb2: {  	[spmem:s2] =	stream.indirect.scatter.add.f32 [tilespmem:s14], [sflag:$0x6], $0x20, s0, s12, $0xb8;
	[tilespmem:$0x1D800] =	vst v63  }
0xb3: {  	_ =	swait.ge [sflag:s20], $0x1000  }
0xb4: {  	[sflag:s20] =	ssyncset.done $0x0  }
0xb5: {  	[sflag:s20] =	ssyncadd.s32 $0xFFFFF000  }
0xb6: {  	_ =	swait.ge [sflag:s21], $0x1000  }
0xb7: {  	[sflag:s21] =	ssyncset.done $0x0  }
0xb8: {  	[sflag:s21] =	ssyncadd.s32 $0xFFFFF000  }
0xb9: {  	[spmem:s2] =	stream.indirect.scatter.add.f32 [tilespmem:s15], [sflag:$0x7], $0x20, s5, s12, $0xb8;
	[tilespmem:$0x1D800] =	vst v63  }
0xba: {  	_ =	swait.ge [sflag:s24], $0x1000  }
0xbb: {  	[sflag:s24] =	ssyncset.done $0x0  }
0xbc: {  	[sflag:s24] =	ssyncadd.s32 $0xFFFFF000  }
0xbd: {  	p0 =	sne.s32 s25, $0x1800;
	_ =	swait.ge [sflag:s26], $0x1000  }
.Ltmp0:
0xbe: {  	[sflag:s26] =	ssyncset.done $0x0;
	(pc) =	sbr.rel @p0 .LBB2_2-.Ltmp0, $4  }
0xbf: {  	[sflag:s26] =	ssyncadd.s32 $0xFFFFF000  }
0xc0: {  	[spmem:s2] =	stream.indirect.scatter.add.f32 [tilespmem:s17], [sflag:$0x8], $0x20, s7, s12, $0xb8;
	[tilespmem:$0x1D800] =	vst v63  }
0xc1: {  	_ =	swait.ge [sflag:s30], $0x1000  }
0xc2: {  	s25 =	sadd.s32 $0x80, s25;
	s6 =	rddreg [dreg:$0x3];
	[sflag:s30] =	ssyncset.done $0x0  }
0xc3: {  	[sflag:s30] =	ssyncadd.s32 $0xFFFFF000;
	s6 =	sadd.s32 s9, s6  }
0xc4: {  	[tilespmem:s3], [sflag:$0x9] =	stream.linear.gather [hbm4b:s6+s3], $0x400, $0x38;
	[tilespmem:$0x1D800] =	vst v63  }
0xc5: {  	_ =	swait.ge [sflag:s10], $0x400  }
0xc6: {  	s25 =	rddreg [dreg:$0x4];
	[sflag:s10] =	ssyncset.done $0x0  }
0xc7: {  	[sflag:s10] =	ssyncadd.s32 $0xFFFFFC00;
	s6 =	sadd.s32 s9, s25  }
0xc8: {  	[tilespmem:s11], [sflag:$0x9] =	stream.linear.gather [hbm4b:s6+s3], $0x400, $0x38;
	[tilespmem:$0x1D800] =	vst v63  }
0xc9: {  	_ =	swait.ge [sflag:s10], $0x400  }
0xca: {  	[sflag:s10] =	ssyncset.done $0x0  }
0xcb: {  	[sflag:s10] =	ssyncadd.s32 $0xFFFFFC00  }
0xcc: {  	[tilespmem:s13], [sflag:$0x1] =	stream.indirect.gather [hbm4b:s4+s12], $0x20, s3, s12, $0xb8;
	[tilespmem:$0x1D800] =	vst v63  }
0xcd: {  	_ = 	snop  }
0xce: {  	[tilespmem:s14], [sflag:$0x2] =	stream.indirect.gather [hbm4b:s4+s12], $0x20, s12, s12, $0xb8;
	[tilespmem:$0x1D800] =	vst v63  }
0xcf: {  	s8 =	rddreg [dreg:$0x5]  }
0xd0: {  	[tilespmem:s15], [sflag:$0x3] =	stream.indirect.gather [hbm4b:s4+s12], $0x20, s8, s12, $0xb8;
	[tilespmem:$0x1D800] =	vst v63  }
0xd1: {  	_ =	swait.ge [sflag:s16], $0x1000  }
0xd2: {  	[sflag:s16] =	ssyncset.done $0x0  }
0xd3: {  	[sflag:s16] =	ssyncadd.s32 $0xFFFFF000  }
0xd4: {  	[spmem:s2] =	stream.indirect.scatter.add.f32 [tilespmem:s13], [sflag:$0x5], $0x20, s11, s12, $0xb8;
	[tilespmem:$0x1D800] =	vst v63  }
0xd5: {  	s9 =	rddreg [dreg:$0x6]  }
0xd6: {  	[tilespmem:s17], [sflag:$0x4] =	stream.indirect.gather [hbm4b:s4+s12], $0x20, s9, s12, $0xb8;
	[tilespmem:$0x1D800] =	vst v63  }
0xd7: {  	_ =	swait.ge [sflag:s18], $0x1000  }
0xd8: {  	[sflag:s18] =	ssyncset.done $0x0  }
0xd9: {  	[sflag:s18] =	ssyncadd.s32 $0xFFFFF000  }
0xda: {  	_ =	swait.ge [sflag:s19], $0x1000  }
0xdb: {  	[sflag:s19] =	ssyncset.done $0x0  }
0xdc: {  	s25 =	rddreg [dreg:$0x7];
	[sflag:s19] =	ssyncadd.s32 $0xFFFFF000  }
0xdd: {  	[spmem:s2] =	stream.indirect.scatter.add.f32 [tilespmem:s14], [sflag:$0x6], $0x20, s25, s12, $0xb8;
	[tilespmem:$0x1D800] =	vst v63  }
0xde: {  	s8 =	rddreg [dreg:$0x8]  }
0xdf: {  	[tilespmem:s13], [sflag:$0x1] =	stream.indirect.gather [hbm4b:s4+s12], $0x20, s8, s12, $0xb8;
	[tilespmem:$0x1D800] =	vst v63  }
0xe0: {  	_ =	swait.ge [sflag:s20], $0x1000  }
0xe1: {  	[sflag:s20] =	ssyncset.done $0x0  }
0xe2: {  	[sflag:s20] =	ssyncadd.s32 $0xFFFFF000  }
0xe3: {  	_ =	swait.ge [sflag:s21], $0x1000  }
0xe4: {  	[sflag:s21] =	ssyncset.done $0x0  }
0xe5: {  	[sflag:s21] =	ssyncadd.s32 $0xFFFFF000  }
0xe6: {  	[spmem:s2] =	stream.indirect.scatter.add.f32 [tilespmem:s15], [sflag:$0x7], $0x20, s22, s12, $0xb8;
	[tilespmem:$0x1D800] =	vst v63  }
0xe7: {  	_ = 	snop  }
0xe8: {  	[tilespmem:s14], [sflag:$0x2] =	stream.indirect.gather [hbm4b:s4+s12], $0x20, s23, s12, $0xb8;
	[tilespmem:$0x1D800] =	vst v63  }
0xe9: {  	_ =	swait.ge [sflag:s24], $0x1000  }
0xea: {  	[sflag:s24] =	ssyncset.done $0x0  }
0xeb: {  	[sflag:s24] =	ssyncadd.s32 $0xFFFFF000  }
0xec: {  	_ =	swait.ge [sflag:s26], $0x1000  }
0xed: {  	[sflag:s26] =	ssyncset.done $0x0  }
0xee: {  	[sflag:s26] =	ssyncadd.s32 $0xFFFFF000  }
0xef: {  	[spmem:s2] =	stream.indirect.scatter.add.f32 [tilespmem:s17], [sflag:$0x8], $0x20, s28, s12, $0xb8;
	[tilespmem:$0x1D800] =	vst v63  }
0xf0: {  	_ = 	snop  }
0xf1: {  	[tilespmem:s15], [sflag:$0x3] =	stream.indirect.gather [hbm4b:s4+s12], $0x20, s29, s12, $0xb8;
	[tilespmem:$0x1D800] =	vst v63  }
0xf2: {  	_ =	swait.ge [sflag:s16], $0x1000  }
0xf3: {  	[sflag:s16] =	ssyncset.done $0x0  }
0xf4: {  	[sflag:s16] =	ssyncadd.s32 $0xFFFFF000  }
0xf5: {  	_ =	swait.ge [sflag:s30], $0x1000  }
0xf6: {  	[sflag:s30] =	ssyncset.done $0x0  }
0xf7: {  	[sflag:s30] =	ssyncadd.s32 $0xFFFFF000  }
0xf8: {  	[spmem:s2] =	stream.indirect.scatter.add.f32 [tilespmem:s13], [sflag:$0x5], $0x20, s31, s12, $0xb8;
	[tilespmem:$0x1D800] =	vst v63  }
0xf9: {  	_ = 	snop  }
0xfa: {  	[tilespmem:s17], [sflag:$0x4] =	stream.indirect.gather [hbm4b:s4+s12], $0x20, s1, s12, $0xb8;
	[tilespmem:$0x1D800] =	vst v63  }
0xfb: {  	_ =	swait.ge [sflag:s18], $0x1000  }
0xfc: {  	[sflag:s18] =	ssyncset.done $0x0  }
0xfd: {  	[sflag:s18] =	ssyncadd.s32 $0xFFFFF000  }
0xfe: {  	_ =	swait.ge [sflag:s19], $0x1000  }
0xff: {  	[sflag:s19] =	ssyncset.done $0x0  }
0x100: {  	[sflag:s19] =	ssyncadd.s32 $0xFFFFF000  }
0x101: {  	[spmem:s2] =	stream.indirect.scatter.add.f32 [tilespmem:s14], [sflag:$0x6], $0x20, s0, s12, $0xb8;
	[tilespmem:$0x1D800] =	vst v63  }
0x102: {  	_ =	swait.ge [sflag:s20], $0x1000  }
0x103: {  	[sflag:s20] =	ssyncset.done $0x0  }
0x104: {  	[sflag:s20] =	ssyncadd.s32 $0xFFFFF000  }
0x105: {  	_ =	swait.ge [sflag:s21], $0x1000  }
0x106: {  	[sflag:s21] =	ssyncset.done $0x0  }
0x107: {  	[sflag:s21] =	ssyncadd.s32 $0xFFFFF000  }
0x108: {  	[spmem:s2] =	stream.indirect.scatter.add.f32 [tilespmem:s15], [sflag:$0x7], $0x20, s5, s12, $0xb8;
	[tilespmem:$0x1D800] =	vst v63  }
0x109: {  	_ =	swait.ge [sflag:s24], $0x1000  }
0x10a: {  	[sflag:s24] =	ssyncset.done $0x0  }
0x10b: {  	[sflag:s24] =	ssyncadd.s32 $0xFFFFF000  }
0x10c: {  	_ =	swait.ge [sflag:s26], $0x1000  }
0x10d: {  	[sflag:s26] =	ssyncset.done $0x0  }
0x10e: {  	[sflag:s26] =	ssyncadd.s32 $0xFFFFF000  }
0x10f: {  	[spmem:s2] =	stream.indirect.scatter.add.f32 [tilespmem:s17], [sflag:$0x8], $0x20, s7, s12, $0xb8;
	[tilespmem:$0x1D800] =	vst v63  }
0x110: {  	_ =	swait.ge [sflag:s30], $0x1000  }
0x111: {  	[sflag:s30] =	ssyncset.done $0x0  }
0x112: {  	[sflag:s30] =	ssyncadd.s32 $0xFFFFF000  }
0x113: {  	[bflag:$0x0] =	sbarrier.arrive $0xFFFF  }
0x114: {  	s9 =	rddreg [dreg:$0xa]  }
0x115: {  	s8 =	rddreg [dreg:$0xb]  }
0x116: {  	s25 =	rddreg [dreg:$0xe]  }
0x117: {  	[hbm:s8], [sflag:s9] =	dma.local [spmem:s25], $0x30E0  }
0x118: {  	_ =	swait.ge [sflag:s10], $0x30E0  }
0x119: {  	s6 =	rddreg [dreg:$0xf]  }
0x11a: {  	s25 =	rddreg [dreg:$0xc];
	s8 =	sadd.s32 $0x1, s6  }
0x11b: {  	p0 =	sne.s32 s8, s25  }
.Ltmp1:
0x11c: {  	_ = 	snop;
	(pc) =	sbr.rel @p0 .LBB2_1-.Ltmp1, $3  }
0x11d: {  	_ =	sdelay $0x1  }
0x11e: {  	[sflag:s10] =	ssyncset.done $0x0  }
0x11f: {  	[sflag:s10] =	ssyncadd.s32 $0xFFFFCF20  }
0x120: {  	_ =	sfence.sel $0x180000  }
0x121: {  	[bflag:$0x0] =	sbarrier.arrive $0xFFFF  }
0x122: {  	_ =	strace $0x90000050  }
0x123: {  	s0 =	stileid.u32;
	[bflag:$0x2] =	sbarrier.arrive $0xFFFF  }
0x124: {  	p0 =	sne.s32 s0, $0x0;
	s0 =	rddreg [dreg:$0x2]  }
0x125: {  	s0 =	sadd.s32 @!p0 $0x100000, s0  }
0x126: {  	[sflag:s0] =	ssyncadd.tile.s32 @!p0 $0x1;
	_ =	shalt  }
.Lfunc_end2:
_tile_overlayer_lowered:
.L_overlay_start_2:
0x127: {  	(tag) =	ssettag $0x2  }
0x128: {  	s0 =	rddreg [dreg:$0x0];
	s2 =	stileid.u32  }
0x129: {  	s1 =	rddreg [dreg:$0x1];
	p0 =	sne.s32 s2, $0x0  }
0x12a: {  	s3 =	rddreg [dreg:$0x2];
	[bflag:$0x3] =	sbarrier.arrive $0xFFFF;
	s2 =	simm.s32 @!p0 $0x1C09  }
0x12b: {  	[timem:s3], [sflag:s2] =	dma.local @!p0 [hbm:s0], s1  }
0x12c: {  	s0 =	simm.s32 @!p0 $0x9  }
0x12d: {  	_ =	swait.ge @!p0 [sflag:s0], s1  }
0x12e: {  	s1 =	ssub.s32 @!p0 $0x0, s1;
	[sflag:s0] =	ssyncset.done @!p0 $0x0  }
0x12f: {  	[sflag:s0] =	ssyncadd.s32 @!p0 s1  }
0x130: {  	[bflag:$0x3] =	sbarrier.arrive $0xFFFF  }
0x131: {  	_ =	shalt  }

</sc_bundles>
